<compile_context>
chip_gen: v7x
topology: tpu7x:2x2x1
jax: 0.10.2.dev20260603
libtpu: 0.0.44.dev20260713+nightly
codegen_flags: <defaults>
</compile_context>

<pallas_src>
import functools

import numpy as np
import jax
import jax.numpy as jnp
from jax import lax
from jax.experimental import pallas as pl
from jax.experimental.pallas import tpu as pltpu
from jax.experimental.pallas import tpu_sc as plsc

_NPERSEG = 128
_STEP = 64
_NSEG = 7
_NF = 65
_NREF = 64
_M1 = 128
_BLK = 512


def _dft_mats():
    n = _NPERSEG
    nn = np.arange(n, dtype=np.float64)
    win = 0.5 - 0.5 * np.cos(2.0 * np.pi * nn / n)
    f = np.arange(_NF, dtype=np.float64)
    ang = 2.0 * np.pi * np.outer(nn, f) / n
    cr = np.cos(ang)
    ci = -np.sin(ang)
    wc = np.zeros((n, n))
    wc[:, :_NF] = cr
    wc[:, _NF:] = ci[:, 1:_NF - 1]
    wsw = np.zeros((n, n))
    wsw[:, :_NF] = ci
    wsw[:, _NF:] = -cr[:, 1:_NF - 1]
    wc = win[:, None] * wc
    wsw = win[:, None] * wsw
    return (jnp.asarray(wc, jnp.float32), jnp.asarray(wsw, jnp.float32))


def _fold(a, mid):
    a = a * (1.0 / _NSEG)
    rolled = jnp.concatenate([a[:, _STEP:], a[:, :_STEP]], axis=1)
    return a + jnp.where(mid, rolled, 0.0)


_CHUNK = 128


def _stage1_kernel(t_ref, db_ref, wc_ref, wsw_ref, out_ref):
    wc = wc_ref[...]
    wsw = wsw_ref[...]
    dn = (((1,), (0,)), ((), ()))
    fidx = jax.lax.broadcasted_iota(jnp.int32, (1, 128), 1)
    mid = jnp.logical_and(fidx >= 1, fidx <= 63)

    xs_list = []
    pxx2 = jnp.zeros((1, 128), jnp.float32)
    for s in range(_NSEG):
        sl = slice(_STEP * s, _STEP * s + _NPERSEG)
        t = t_ref[0, :, sl].astype(jnp.bfloat16)
        x = jax.lax.dot_general(t, wc, dn,
                                preferred_element_type=jnp.float32)
        xw = jax.lax.dot_general(t, wsw, dn,
                                 preferred_element_type=jnp.float32)
        xs_list.append((x, xw))
        pxx2 = pxx2 + x * x
    pxx = _fold(pxx2, mid)

    for c in range(_BLK // _CHUNK):
        rows = slice(_CHUNK * c, _CHUNK * (c + 1))
        p2 = jnp.zeros((_CHUNK, 128), jnp.float32)
        m = jnp.zeros((_CHUNK, 128), jnp.float32)
        n2 = jnp.zeros((_CHUNK, 128), jnp.float32)
        for s in range(_NSEG):
            sl = slice(_STEP * s, _STEP * s + _NPERSEG)
            d = db_ref[rows, sl].astype(jnp.bfloat16)
            y = jax.lax.dot_general(d, wc, dn,
                                    preferred_element_type=jnp.float32)
            x, xw = xs_list[s]
            p2 = p2 + y * y
            m = m + x * y
            n2 = n2 + xw * y
        pyy = _fold(p2, mid)
        pr = _fold(m, mid)
        pi = _fold(n2, mid)
        cxy = (pr * pr + pi * pi) / (pxx * pyy + 1e-12)
        score = jnp.sum(jnp.where(fidx <= 64, cxy, 0.0), axis=1,
                        keepdims=True)
        out_ref[0, rows, :] = score


def _topk_kernel(s_ref, idx_ref):
    scores = s_ref[...]
    b, n = scores.shape
    iota = jax.lax.broadcasted_iota(jnp.int32, (b, n), 1)
    base = jax.lax.broadcasted_iota(jnp.int32, (b, 1), 0) * n
    bits = jax.lax.bitcast_convert_type(scores, jnp.int32)
    packed = jnp.bitwise_or(
        jnp.bitwise_and(bits, jnp.int32(~0xFFF)), (n - 1) - iota)
    cols = []
    for _ in range(_M1):
        mx = jnp.max(packed, axis=1, keepdims=True)
        cols.append(((n - 1) - jnp.bitwise_and(mx, jnp.int32(0xFFF))) + base)
        packed = jnp.where(packed == mx, jnp.int32(-2**31), packed)
    idx_ref[...] = jnp.concatenate(cols, axis=1)


def _rescore_kernel(t_ref, rows_ref, gidx_ref, wc_ref, wsw_ref, out_ref):
    wc = wc_ref[...]
    wsw = wsw_ref[...]
    hi = jax.lax.Precision.HIGHEST
    dn = (((1,), (0,)), ((), ()))
    nb = t_ref.shape[0]
    rows_n = nb * _M1
    p2 = jnp.zeros((rows_n, 128), jnp.float32)
    m = jnp.zeros((rows_n, 128), jnp.float32)
    n2 = jnp.zeros((rows_n, 128), jnp.float32)
    pxx2 = jnp.zeros((nb, 128), jnp.float32)

    def batch_rows(x):
        return jnp.reshape(
            jnp.broadcast_to(x[:, None, :], (nb, _M1, 128)), (rows_n, 128))

    for s in range(_NSEG):
        sl = slice(_STEP * s, _STEP * s + _NPERSEG)
        d = rows_ref[:, sl]
        y = jax.lax.dot_general(d, wc, dn, precision=hi,
                                preferred_element_type=jnp.float32)
        t = t_ref[:, 0, sl]
        x = jax.lax.dot_general(t, wc, dn, precision=hi,
                                preferred_element_type=jnp.float32)
        xs = jax.lax.dot_general(t, wsw, dn, precision=hi,
                                 preferred_element_type=jnp.float32)
        p2 = p2 + y * y
        m = m + batch_rows(x) * y
        n2 = n2 + batch_rows(xs) * y
        pxx2 = pxx2 + x * x
    fidx = jax.lax.broadcasted_iota(jnp.int32, (1, 128), 1)
    mid = jnp.logical_and(fidx >= 1, fidx <= 63)
    pyy = _fold(p2, mid)
    pr = _fold(m, mid)
    pi = _fold(n2, mid)
    pxx = batch_rows(_fold(pxx2, mid))
    cxy = (pr * pr + pi * pi) / (pxx * pyy + 1e-12)
    score = jnp.sum(jnp.where(fidx <= 64, cxy, 0.0), axis=1) * (1.0 / _NF)

    s2 = jnp.reshape(score, (nb, _M1))
    gidx = gidx_ref[...]
    cols = []
    for _ in range(_NREF):
        mx = jnp.max(s2, axis=1, keepdims=True)
        hit = s2 == mx
        g = jnp.min(jnp.where(hit, gidx, jnp.int32(2**30)), axis=1,
                    keepdims=True)
        cols.append(g)
        s2 = jnp.where(gidx == g, jnp.float32(-1.0), s2)
    out_ref[...] = jnp.concatenate(cols, axis=1)


def _sc_gather(db_flat, flat_idx, n_rows, L):
    info = plsc.get_sparse_core_info()
    nw = info.num_cores * info.num_subcores
    rows_per_w = n_rows // nw
    mesh = plsc.VectorSubcoreMesh(core_axis_name="c", subcore_axis_name="s")

    half = rows_per_w // 2

    @functools.partial(
        pl.kernel, mesh=mesh,
        out_type=jax.ShapeDtypeStruct((n_rows, L), jnp.float32),
        scratch_types=[
            pltpu.VMEM((half,), jnp.int32),
            pltpu.VMEM((half,), jnp.int32),
            pltpu.VMEM((half, L), jnp.float32),
            pltpu.VMEM((half, L), jnp.float32),
            pltpu.SemaphoreType.DMA,
            pltpu.SemaphoreType.DMA,
            pltpu.SemaphoreType.DMA,
            pltpu.SemaphoreType.DMA,
        ],
    )
    def gather(db_hbm, idx_hbm, out_hbm, idx_a, idx_b, rows_a, rows_b,
               sem_a, sem_b, sem_oa, sem_ob):
        wid = lax.axis_index("s") * info.num_cores + lax.axis_index("c")
        base = wid * rows_per_w
        pltpu.sync_copy(idx_hbm.at[pl.ds(base, half)], idx_a)
        cp_a = pltpu.async_copy(db_hbm.at[idx_a], rows_a, sem_a)
        pltpu.sync_copy(idx_hbm.at[pl.ds(base + half, half)], idx_b)
        cp_b = pltpu.async_copy(db_hbm.at[idx_b], rows_b, sem_b)
        cp_a.wait()
        o_a = pltpu.async_copy(rows_a, out_hbm.at[pl.ds(base, half)], sem_oa)
        cp_b.wait()
        o_b = pltpu.async_copy(rows_b, out_hbm.at[pl.ds(base + half, half)],
                               sem_ob)
        o_a.wait()
        o_b.wait()

    return gather(db_flat, flat_idx)


def kernel(target_series, TS_database):
    B, N, L = TS_database.shape
    nblk = (B * N) // _BLK
    wc, wsw = _dft_mats()
    wc_b, wsw_b = wc.astype(jnp.bfloat16), wsw.astype(jnp.bfloat16)
    db_flat = TS_database.reshape(B * N, L)
    blocks_per_batch = N // _BLK

    scores3 = pl.pallas_call(
        _stage1_kernel,
        grid=(nblk,),
        in_specs=[
            pl.BlockSpec((1, 1, L), lambda j: (j // blocks_per_batch, 0, 0)),
            pl.BlockSpec((_BLK, L), lambda j: (j, 0)),
            pl.BlockSpec((128, 128), lambda j: (0, 0)),
            pl.BlockSpec((128, 128), lambda j: (0, 0)),
        ],
        out_specs=pl.BlockSpec((1, _BLK, 1), lambda j: (j, 0, 0)),
        out_shape=jax.ShapeDtypeStruct((nblk, _BLK, 1), jnp.float32),
        compiler_params=pltpu.CompilerParams(
            dimension_semantics=("arbitrary",)),
    )(target_series, db_flat, wc_b, wsw_b)
    scores = scores3.reshape(B, N)

    cand_idx = pl.pallas_call(
        _topk_kernel,
        out_shape=jax.ShapeDtypeStruct((B, _M1), jnp.int32),
    )(scores)

    cand_rows = _sc_gather(db_flat, cand_idx.reshape(B * _M1), B * _M1, L)

    topk_idx = pl.pallas_call(
        _rescore_kernel,
        out_shape=jax.ShapeDtypeStruct((B, _NREF), jnp.int32),
    )(target_series, cand_rows, cand_idx, wc, wsw)

    gathered = _sc_gather(db_flat, topk_idx.reshape(B * _NREF), B * _NREF, L)
    return gathered.reshape(B, _NREF, L)

# --- scband reference (transcript-rebuilt; emitter-appended) ---
"""Pipeline reference for scband-ts-coher-analysis-32195074851199 (READ-ONLY COPY).

The authoritative reference and input builder live on the scoring server;
editing this copy changes nothing except your own understanding.
"""

import jax, jax.numpy as jnp
import numpy as np

NPERSEG = 128
NREF = 64


def _segments(x, nperseg, step):
    L = x.shape[-1]
    n_seg = (L - nperseg) // step + 1
    idx = np.arange(n_seg)[:, None] * step + np.arange(nperseg)[None, :]
    return x[..., idx]


def _coherence_scores(target, db, nperseg):
    # target: [B, L], db: [B, N, L] -> scores [B, N]
    step = nperseg // 2
    win = 0.5 - 0.5 * jnp.cos(2.0 * jnp.pi * jnp.arange(nperseg, dtype=jnp.float32) / nperseg)
    tx = _segments(target, nperseg, step) * win          # [B, n_seg, nperseg]
    dx = _segments(db, nperseg, step) * win              # [B, N, n_seg, nperseg]
    X = jnp.fft.rfft(tx, axis=-1)[:, None, :, :]         # [B, 1, n_seg, F]
    Y = jnp.fft.rfft(dx, axis=-1)                        # [B, N, n_seg, F]
    Pxx = jnp.mean(jnp.real(X * jnp.conj(X)), axis=-2)   # [B, 1, F]
    Pyy = jnp.mean(jnp.real(Y * jnp.conj(Y)), axis=-2)   # [B, N, F]
    Pxy = jnp.mean(X * jnp.conj(Y), axis=-2)             # [B, N, F]
    cxy = jnp.real(Pxy * jnp.conj(Pxy)) / (Pxx * Pyy + 1e-12)
    return jnp.mean(cxy, axis=-1)                        # [B, N]


def setup_inputs(seed: int = 0):
    key = jax.random.key(seed)
    k1, k2 = jax.random.split(key)
    target_series = jax.random.normal(k1, (8, 1, 512), dtype=jnp.float32)
    TS_database = jax.random.normal(k2, (8, 4096, 512), dtype=jnp.float32)
    return {"target_series": target_series, "TS_database": TS_database}


def reference(target_series, TS_database):
    target = jnp.squeeze(target_series, axis=1)                 # [B, L]
    scores = _coherence_scores(target, TS_database, NPERSEG)    # [B, N]
    _, topk_idx = jax.lax.top_k(scores, NREF)                   # [B, nref]
    return jnp.take_along_axis(TS_database, topk_idx[:, :, None], axis=1)  # [B, nref, L]

if __name__ == "__main__":
    import jax
    _d = setup_inputs()
    print(jax.jit(kernel)(*tuple(_d.values())))

</pallas_src>

<mosaic_0001>
#map = affine_map<(d0, d1) -> (0, 0)>
#map1 = affine_map<(d0, d1) -> (0)>
module attributes {stable_mosaic.version = 14 : i64} {
  func.func @gather(%arg0: i32, %arg1: i32, %arg2: memref<32768x512xf32, #tpu.memory_space<hbm>>, %arg3: memref<1024xi32, #tpu.memory_space<hbm>>, %arg4: memref<1024x512xf32, #tpu.memory_space<hbm>>, %arg5: memref<16xi32, #tpu.memory_space<vmem>>, %arg6: memref<16xi32, #tpu.memory_space<vmem>>, %arg7: memref<16x512xf32, #tpu.memory_space<vmem>>, %arg8: memref<16x512xf32, #tpu.memory_space<vmem>>, %arg9: memref<!tpu.dma_semaphore, #tpu.memory_space<semaphore_mem>>, %arg10: memref<!tpu.dma_semaphore, #tpu.memory_space<semaphore_mem>>, %arg11: memref<!tpu.dma_semaphore, #tpu.memory_space<semaphore_mem>>, %arg12: memref<!tpu.dma_semaphore, #tpu.memory_space<semaphore_mem>>) attributes {dimension_semantics = [#tpu.dimension_semantics<core_parallel>, #tpu.dimension_semantics<subcore_parallel>], iteration_bounds = array<i64: 2, 16>, scalar_prefetch = 0 : i64, scratch_operands = 8 : i64, tpu.core_type = #tpu.core_type<sc_vector_subcore>, window_params = [{transform_indices = #map}, {transform_indices = #map1}, {transform_indices = #map}]} {
    %mul3A = arith.constant 2 : i32
    %mul3A_0 = arith.muli %arg1, %mul3A : i32
    %add3A = arith.addi %mul3A_0, %arg0 : i32
    %mul3A_1 = arith.constant 32 : i32
    %mul3A_2 = arith.muli %add3A, %mul3A_1 : i32
    "tpu.region"() ({
      %run_scoped3A = tpu.sem_alloc : memref<!tpu.dma_semaphore, #tpu.memory_space<semaphore_mem>>
      %dma_start3A_33 = tpu.memref_slice %arg3[%mul3A_2] : memref<1024xi32, #tpu.memory_space<hbm>> -> memref<16xi32, #tpu.memory_space<hbm>>
      %dma_start3A_34 = tpu.memref_slice %arg3[%mul3A_2] : memref<1024xi32, #tpu.memory_space<hbm>> -> memref<16xi32, #tpu.memory_space<hbm>>
      tpu.enqueue_dma source(%dma_start3A_34 : memref<16xi32, #tpu.memory_space<hbm>>) target(%arg5 : memref<16xi32, #tpu.memory_space<vmem>>) target_semaphore(%run_scoped3A : memref<!tpu.dma_semaphore, #tpu.memory_space<semaphore_mem>>)
      %dma_wait3A_35 = tpu.memref_slice %arg3[%mul3A_2] : memref<1024xi32, #tpu.memory_space<hbm>> -> memref<16xi32, #tpu.memory_space<hbm>>
      %dma_wait3A_36 = tpu.memref_slice %arg3[%mul3A_2] : memref<1024xi32, #tpu.memory_space<hbm>> -> memref<16xi32, #tpu.memory_space<hbm>>
      tpu.wait_dma2 semaphore(%run_scoped3A : memref<!tpu.dma_semaphore, #tpu.memory_space<semaphore_mem>>) src(%dma_wait3A_36 : memref<16xi32, #tpu.memory_space<hbm>>) dst(%arg5 : memref<16xi32, #tpu.memory_space<vmem>>)
      tpu.yield
    }) : () -> ()
    %dma_start3A = arith.constant 0 : i32
    %dma_start3A_3 = arith.constant 0 : i32
    %dma_start3A_4 = tpu.memref_slice %arg2[%dma_start3A, %dma_start3A_3] : memref<32768x512xf32, #tpu.memory_space<hbm>> -> memref<32768x512xf32, #tpu.memory_space<hbm>>
    tpu.enqueue_indirect_dma source(%dma_start3A_4 : memref<32768x512xf32, #tpu.memory_space<hbm>>) target(%arg7 : memref<16x512xf32, #tpu.memory_space<vmem>>) offsets(%arg5 : memref<16xi32, #tpu.memory_space<vmem>>) semaphore(%arg9 : memref<!tpu.dma_semaphore, #tpu.memory_space<semaphore_mem>>)
    %add3A_5 = arith.constant 16 : i32
    %add3A_6 = arith.addi %mul3A_2, %add3A_5 : i32
    "tpu.region"() ({
      %run_scoped3A = tpu.sem_alloc : memref<!tpu.dma_semaphore, #tpu.memory_space<semaphore_mem>>
      %dma_start3A_33 = tpu.memref_slice %arg3[%add3A_6] : memref<1024xi32, #tpu.memory_space<hbm>> -> memref<16xi32, #tpu.memory_space<hbm>>
      %dma_start3A_34 = tpu.memref_slice %arg3[%add3A_6] : memref<1024xi32, #tpu.memory_space<hbm>> -> memref<16xi32, #tpu.memory_space<hbm>>
      tpu.enqueue_dma source(%dma_start3A_34 : memref<16xi32, #tpu.memory_space<hbm>>) target(%arg6 : memref<16xi32, #tpu.memory_space<vmem>>) target_semaphore(%run_scoped3A : memref<!tpu.dma_semaphore, #tpu.memory_space<semaphore_mem>>)
      %dma_wait3A_35 = tpu.memref_slice %arg3[%add3A_6] : memref<1024xi32, #tpu.memory_space<hbm>> -> memref<16xi32, #tpu.memory_space<hbm>>
      %dma_wait3A_36 = tpu.memref_slice %arg3[%add3A_6] : memref<1024xi32, #tpu.memory_space<hbm>> -> memref<16xi32, #tpu.memory_space<hbm>>
      tpu.wait_dma2 semaphore(%run_scoped3A : memref<!tpu.dma_semaphore, #tpu.memory_space<semaphore_mem>>) src(%dma_wait3A_36 : memref<16xi32, #tpu.memory_space<hbm>>) dst(%arg6 : memref<16xi32, #tpu.memory_space<vmem>>)
      tpu.yield
    }) : () -> ()
    %dma_start3A_7 = arith.constant 0 : i32
    %dma_start3A_8 = arith.constant 0 : i32
    %dma_start3A_9 = tpu.memref_slice %arg2[%dma_start3A_7, %dma_start3A_8] : memref<32768x512xf32, #tpu.memory_space<hbm>> -> memref<32768x512xf32, #tpu.memory_space<hbm>>
    tpu.enqueue_indirect_dma source(%dma_start3A_9 : memref<32768x512xf32, #tpu.memory_space<hbm>>) target(%arg8 : memref<16x512xf32, #tpu.memory_space<vmem>>) offsets(%arg6 : memref<16xi32, #tpu.memory_space<vmem>>) semaphore(%arg10 : memref<!tpu.dma_semaphore, #tpu.memory_space<semaphore_mem>>)
    %dma_wait3A = arith.constant 0 : i32
    %dma_wait3A_10 = arith.constant 0 : i32
    %dma_wait3A_11 = tpu.memref_slice %arg2[%dma_wait3A, %dma_wait3A_10] : memref<32768x512xf32, #tpu.memory_space<hbm>> -> memref<32768x512xf32, #tpu.memory_space<hbm>>
    tpu.wait_indirect_dma semaphore(%arg9 : memref<!tpu.dma_semaphore, #tpu.memory_space<semaphore_mem>>) src(%dma_wait3A_11 : memref<32768x512xf32, #tpu.memory_space<hbm>>) dst(%arg7 : memref<16x512xf32, #tpu.memory_space<vmem>>)
    %dma_start3A_12 = arith.constant 0 : i32
    %dma_start3A_13 = tpu.memref_slice %arg4[%mul3A_2, %dma_start3A_12] : memref<1024x512xf32, #tpu.memory_space<hbm>> -> memref<16x512xf32, #tpu.memory_space<hbm>>
    %dma_start3A_14 = arith.constant 0 : i32
    %dma_start3A_15 = tpu.memref_slice %arg4[%mul3A_2, %dma_start3A_14] : memref<1024x512xf32, #tpu.memory_space<hbm>> -> memref<16x512xf32, #tpu.memory_space<hbm>>
    tpu.enqueue_dma source(%arg7 : memref<16x512xf32, #tpu.memory_space<vmem>>) target(%dma_start3A_15 : memref<16x512xf32, #tpu.memory_space<hbm>>) target_semaphore(%arg11 : memref<!tpu.dma_semaphore, #tpu.memory_space<semaphore_mem>>)
    %dma_wait3A_16 = arith.constant 0 : i32
    %dma_wait3A_17 = arith.constant 0 : i32
    %dma_wait3A_18 = tpu.memref_slice %arg2[%dma_wait3A_16, %dma_wait3A_17] : memref<32768x512xf32, #tpu.memory_space<hbm>> -> memref<32768x512xf32, #tpu.memory_space<hbm>>
    tpu.wait_indirect_dma semaphore(%arg10 : memref<!tpu.dma_semaphore, #tpu.memory_space<semaphore_mem>>) src(%dma_wait3A_18 : memref<32768x512xf32, #tpu.memory_space<hbm>>) dst(%arg8 : memref<16x512xf32, #tpu.memory_space<vmem>>)
    %add3A_19 = arith.constant 16 : i32
    %add3A_20 = arith.addi %mul3A_2, %add3A_19 : i32
    %dma_start3A_21 = arith.constant 0 : i32
    %dma_start3A_22 = tpu.memref_slice %arg4[%add3A_20, %dma_start3A_21] : memref<1024x512xf32, #tpu.memory_space<hbm>> -> memref<16x512xf32, #tpu.memory_space<hbm>>
    %dma_start3A_23 = arith.constant 0 : i32
    %dma_start3A_24 = tpu.memref_slice %arg4[%add3A_20, %dma_start3A_23] : memref<1024x512xf32, #tpu.memory_space<hbm>> -> memref<16x512xf32, #tpu.memory_space<hbm>>
    tpu.enqueue_dma source(%arg8 : memref<16x512xf32, #tpu.memory_space<vmem>>) target(%dma_start3A_24 : memref<16x512xf32, #tpu.memory_space<hbm>>) target_semaphore(%arg12 : memref<!tpu.dma_semaphore, #tpu.memory_space<semaphore_mem>>)
    %dma_wait3A_25 = arith.constant 0 : i32
    %dma_wait3A_26 = tpu.memref_slice %arg4[%mul3A_2, %dma_wait3A_25] : memref<1024x512xf32, #tpu.memory_space<hbm>> -> memref<16x512xf32, #tpu.memory_space<hbm>>
    %dma_wait3A_27 = arith.constant 0 : i32
    %dma_wait3A_28 = tpu.memref_slice %arg4[%mul3A_2, %dma_wait3A_27] : memref<1024x512xf32, #tpu.memory_space<hbm>> -> memref<16x512xf32, #tpu.memory_space<hbm>>
    tpu.wait_dma2 semaphore(%arg11 : memref<!tpu.dma_semaphore, #tpu.memory_space<semaphore_mem>>) src(%arg7 : memref<16x512xf32, #tpu.memory_space<vmem>>) dst(%dma_wait3A_28 : memref<16x512xf32, #tpu.memory_space<hbm>>)
    %dma_wait3A_29 = arith.constant 0 : i32
    %dma_wait3A_30 = tpu.memref_slice %arg4[%add3A_20, %dma_wait3A_29] : memref<1024x512xf32, #tpu.memory_space<hbm>> -> memref<16x512xf32, #tpu.memory_space<hbm>>
    %dma_wait3A_31 = arith.constant 0 : i32
    %dma_wait3A_32 = tpu.memref_slice %arg4[%add3A_20, %dma_wait3A_31] : memref<1024x512xf32, #tpu.memory_space<hbm>> -> memref<16x512xf32, #tpu.memory_space<hbm>>
    tpu.wait_dma2 semaphore(%arg12 : memref<!tpu.dma_semaphore, #tpu.memory_space<semaphore_mem>>) src(%arg8 : memref<16x512xf32, #tpu.memory_space<vmem>>) dst(%dma_wait3A_32 : memref<16x512xf32, #tpu.memory_space<hbm>>)
    return
  }
}

#map = affine_map<(d0, d1) -> (0, 0)>
#map1 = affine_map<(d0, d1) -> (0)>
module attributes {stable_mosaic.version = 14 : i64} {
  func.func @gather(%arg0: i32, %arg1: i32, %arg2: memref<32768x512xf32, #tpu.memory_space<hbm>>, %arg3: memref<512xi32, #tpu.memory_space<hbm>>, %arg4: memref<512x512xf32, #tpu.memory_space<hbm>>, %arg5: memref<8xi32, #tpu.memory_space<vmem>>, %arg6: memref<8xi32, #tpu.memory_space<vmem>>, %arg7: memref<8x512xf32, #tpu.memory_space<vmem>>, %arg8: memref<8x512xf32, #tpu.memory_space<vmem>>, %arg9: memref<!tpu.dma_semaphore, #tpu.memory_space<semaphore_mem>>, %arg10: memref<!tpu.dma_semaphore, #tpu.memory_space<semaphore_mem>>, %arg11: memref<!tpu.dma_semaphore, #tpu.memory_space<semaphore_mem>>, %arg12: memref<!tpu.dma_semaphore, #tpu.memory_space<semaphore_mem>>) attributes {dimension_semantics = [#tpu.dimension_semantics<core_parallel>, #tpu.dimension_semantics<subcore_parallel>], iteration_bounds = array<i64: 2, 16>, scalar_prefetch = 0 : i64, scratch_operands = 8 : i64, tpu.core_type = #tpu.core_type<sc_vector_subcore>, window_params = [{transform_indices = #map}, {transform_indices = #map1}, {transform_indices = #map}]} {
    %mul3A = arith.constant 2 : i32
    %mul3A_0 = arith.muli %arg1, %mul3A : i32
    %add3A = arith.addi %mul3A_0, %arg0 : i32
    %mul3A_1 = arith.constant 16 : i32
    %mul3A_2 = arith.muli %add3A, %mul3A_1 : i32
    "tpu.region"() ({
      %run_scoped3A = tpu.sem_alloc : memref<!tpu.dma_semaphore, #tpu.memory_space<semaphore_mem>>
      %dma_start3A_33 = tpu.memref_slice %arg3[%mul3A_2] : memref<512xi32, #tpu.memory_space<hbm>> -> memref<8xi32, #tpu.memory_space<hbm>>
      %dma_start3A_34 = tpu.memref_slice %arg3[%mul3A_2] : memref<512xi32, #tpu.memory_space<hbm>> -> memref<8xi32, #tpu.memory_space<hbm>>
      tpu.enqueue_dma source(%dma_start3A_34 : memref<8xi32, #tpu.memory_space<hbm>>) target(%arg5 : memref<8xi32, #tpu.memory_space<vmem>>) target_semaphore(%run_scoped3A : memref<!tpu.dma_semaphore, #tpu.memory_space<semaphore_mem>>)
      %dma_wait3A_35 = tpu.memref_slice %arg3[%mul3A_2] : memref<512xi32, #tpu.memory_space<hbm>> -> memref<8xi32, #tpu.memory_space<hbm>>
      %dma_wait3A_36 = tpu.memref_slice %arg3[%mul3A_2] : memref<512xi32, #tpu.memory_space<hbm>> -> memref<8xi32, #tpu.memory_space<hbm>>
      tpu.wait_dma2 semaphore(%run_scoped3A : memref<!tpu.dma_semaphore, #tpu.memory_space<semaphore_mem>>) src(%dma_wait3A_36 : memref<8xi32, #tpu.memory_space<hbm>>) dst(%arg5 : memref<8xi32, #tpu.memory_space<vmem>>)
      tpu.yield
    }) : () -> ()
    %dma_start3A = arith.constant 0 : i32
    %dma_start3A_3 = arith.constant 0 : i32
    %dma_start3A_4 = tpu.memref_slice %arg2[%dma_start3A, %dma_start3A_3] : memref<32768x512xf32, #tpu.memory_space<hbm>> -> memref<32768x512xf32, #tpu.memory_space<hbm>>
    tpu.enqueue_indirect_dma source(%dma_start3A_4 : memref<32768x512xf32, #tpu.memory_space<hbm>>) target(%arg7 : memref<8x512xf32, #tpu.memory_space<vmem>>) offsets(%arg5 : memref<8xi32, #tpu.memory_space<vmem>>) semaphore(%arg9 : memref<!tpu.dma_semaphore, #tpu.memory_space<semaphore_mem>>)
    %add3A_5 = arith.constant 8 : i32
    %add3A_6 = arith.addi %mul3A_2, %add3A_5 : i32
    "tpu.region"() ({
      %run_scoped3A = tpu.sem_alloc : memref<!tpu.dma_semaphore, #tpu.memory_space<semaphore_mem>>
      %dma_start3A_33 = tpu.memref_slice %arg3[%add3A_6] : memref<512xi32, #tpu.memory_space<hbm>> -> memref<8xi32, #tpu.memory_space<hbm>>
      %dma_start3A_34 = tpu.memref_slice %arg3[%add3A_6] : memref<512xi32, #tpu.memory_space<hbm>> -> memref<8xi32, #tpu.memory_space<hbm>>
      tpu.enqueue_dma source(%dma_start3A_34 : memref<8xi32, #tpu.memory_space<hbm>>) target(%arg6 : memref<8xi32, #tpu.memory_space<vmem>>) target_semaphore(%run_scoped3A : memref<!tpu.dma_semaphore, #tpu.memory_space<semaphore_mem>>)
      %dma_wait3A_35 = tpu.memref_slice %arg3[%add3A_6] : memref<512xi32, #tpu.memory_space<hbm>> -> memref<8xi32, #tpu.memory_space<hbm>>
      %dma_wait3A_36 = tpu.memref_slice %arg3[%add3A_6] : memref<512xi32, #tpu.memory_space<hbm>> -> memref<8xi32, #tpu.memory_space<hbm>>
      tpu.wait_dma2 semaphore(%run_scoped3A : memref<!tpu.dma_semaphore, #tpu.memory_space<semaphore_mem>>) src(%dma_wait3A_36 : memref<8xi32, #tpu.memory_space<hbm>>) dst(%arg6 : memref<8xi32, #tpu.memory_space<vmem>>)
      tpu.yield
    }) : () -> ()
    %dma_start3A_7 = arith.constant 0 : i32
    %dma_start3A_8 = arith.constant 0 : i32
    %dma_start3A_9 = tpu.memref_slice %arg2[%dma_start3A_7, %dma_start3A_8] : memref<32768x512xf32, #tpu.memory_space<hbm>> -> memref<32768x512xf32, #tpu.memory_space<hbm>>
    tpu.enqueue_indirect_dma source(%dma_start3A_9 : memref<32768x512xf32, #tpu.memory_space<hbm>>) target(%arg8 : memref<8x512xf32, #tpu.memory_space<vmem>>) offsets(%arg6 : memref<8xi32, #tpu.memory_space<vmem>>) semaphore(%arg10 : memref<!tpu.dma_semaphore, #tpu.memory_space<semaphore_mem>>)
    %dma_wait3A = arith.constant 0 : i32
    %dma_wait3A_10 = arith.constant 0 : i32
    %dma_wait3A_11 = tpu.memref_slice %arg2[%dma_wait3A, %dma_wait3A_10] : memref<32768x512xf32, #tpu.memory_space<hbm>> -> memref<32768x512xf32, #tpu.memory_space<hbm>>
    tpu.wait_indirect_dma semaphore(%arg9 : memref<!tpu.dma_semaphore, #tpu.memory_space<semaphore_mem>>) src(%dma_wait3A_11 : memref<32768x512xf32, #tpu.memory_space<hbm>>) dst(%arg7 : memref<8x512xf32, #tpu.memory_space<vmem>>)
    %dma_start3A_12 = arith.constant 0 : i32
    %dma_start3A_13 = tpu.memref_slice %arg4[%mul3A_2, %dma_start3A_12] : memref<512x512xf32, #tpu.memory_space<hbm>> -> memref<8x512xf32, #tpu.memory_space<hbm>>
    %dma_start3A_14 = arith.constant 0 : i32
    %dma_start3A_15 = tpu.memref_slice %arg4[%mul3A_2, %dma_start3A_14] : memref<512x512xf32, #tpu.memory_space<hbm>> -> memref<8x512xf32, #tpu.memory_space<hbm>>
    tpu.enqueue_dma source(%arg7 : memref<8x512xf32, #tpu.memory_space<vmem>>) target(%dma_start3A_15 : memref<8x512xf32, #tpu.memory_space<hbm>>) target_semaphore(%arg11 : memref<!tpu.dma_semaphore, #tpu.memory_space<semaphore_mem>>)
    %dma_wait3A_16 = arith.constant 0 : i32
    %dma_wait3A_17 = arith.constant 0 : i32
    %dma_wait3A_18 = tpu.memref_slice %arg2[%dma_wait3A_16, %dma_wait3A_17] : memref<32768x512xf32, #tpu.memory_space<hbm>> -> memref<32768x512xf32, #tpu.memory_space<hbm>>
    tpu.wait_indirect_dma semaphore(%arg10 : memref<!tpu.dma_semaphore, #tpu.memory_space<semaphore_mem>>) src(%dma_wait3A_18 : memref<32768x512xf32, #tpu.memory_space<hbm>>) dst(%arg8 : memref<8x512xf32, #tpu.memory_space<vmem>>)
    %add3A_19 = arith.constant 8 : i32
    %add3A_20 = arith.addi %mul3A_2, %add3A_19 : i32
    %dma_start3A_21 = arith.constant 0 : i32
    %dma_start3A_22 = tpu.memref_slice %arg4[%add3A_20, %dma_start3A_21] : memref<512x512xf32, #tpu.memory_space<hbm>> -> memref<8x512xf32, #tpu.memory_space<hbm>>
    %dma_start3A_23 = arith.constant 0 : i32
    %dma_start3A_24 = tpu.memref_slice %arg4[%add3A_20, %dma_start3A_23] : memref<512x512xf32, #tpu.memory_space<hbm>> -> memref<8x512xf32, #tpu.memory_space<hbm>>
    tpu.enqueue_dma source(%arg8 : memref<8x512xf32, #tpu.memory_space<vmem>>) target(%dma_start3A_24 : memref<8x512xf32, #tpu.memory_space<hbm>>) target_semaphore(%arg12 : memref<!tpu.dma_semaphore, #tpu.memory_space<semaphore_mem>>)
    %dma_wait3A_25 = arith.constant 0 : i32
    %dma_wait3A_26 = tpu.memref_slice %arg4[%mul3A_2, %dma_wait3A_25] : memref<512x512xf32, #tpu.memory_space<hbm>> -> memref<8x512xf32, #tpu.memory_space<hbm>>
    %dma_wait3A_27 = arith.constant 0 : i32
    %dma_wait3A_28 = tpu.memref_slice %arg4[%mul3A_2, %dma_wait3A_27] : memref<512x512xf32, #tpu.memory_space<hbm>> -> memref<8x512xf32, #tpu.memory_space<hbm>>
    tpu.wait_dma2 semaphore(%arg11 : memref<!tpu.dma_semaphore, #tpu.memory_space<semaphore_mem>>) src(%arg7 : memref<8x512xf32, #tpu.memory_space<vmem>>) dst(%dma_wait3A_28 : memref<8x512xf32, #tpu.memory_space<hbm>>)
    %dma_wait3A_29 = arith.constant 0 : i32
    %dma_wait3A_30 = tpu.memref_slice %arg4[%add3A_20, %dma_wait3A_29] : memref<512x512xf32, #tpu.memory_space<hbm>> -> memref<8x512xf32, #tpu.memory_space<hbm>>
    %dma_wait3A_31 = arith.constant 0 : i32
    %dma_wait3A_32 = tpu.memref_slice %arg4[%add3A_20, %dma_wait3A_31] : memref<512x512xf32, #tpu.memory_space<hbm>> -> memref<8x512xf32, #tpu.memory_space<hbm>>
    tpu.wait_dma2 semaphore(%arg12 : memref<!tpu.dma_semaphore, #tpu.memory_space<semaphore_mem>>) src(%arg8 : memref<8x512xf32, #tpu.memory_space<vmem>>) dst(%dma_wait3A_32 : memref<8x512xf32, #tpu.memory_space<hbm>>)
    return
  }
}

module attributes {stable_mosaic.version = 14 : i64} {
  func.func @_topk_kernel(%arg0: memref<8x4096xf32, #tpu.memory_space<vmem>>, %arg1: memref<8x128xi32, #tpu.memory_space<vmem>>) attributes {dimension_semantics = [], scalar_prefetch = 0 : i64, scratch_operands = 0 : i64, tpu.core_type = #tpu.core_type<tc>} {
    %get3A = arith.constant 0 : index
    %get3A_0 = arith.constant 0 : index
    %get3A_1 = vector.load %arg0[%get3A, %get3A_0] : memref<8x4096xf32, #tpu.memory_space<vmem>>, vector<8x4096xf32>
    %iota3A = tpu.iota {dimensions = array<i32: 1>} : vector<8x4096xi32>
    %iota3A_2 = tpu.iota {dimensions = array<i32: 0>} : vector<8x1xi32>
    %mul3A = arith.constant 4096 : i32
    %mul3A_3 = vector.broadcast %mul3A : i32 to vector<8x1xi32>
    %mul3A_4 = arith.muli %iota3A_2, %mul3A_3 : vector<8x1xi32>
    %bitcast_convert_type3A = tpu.bitcast %get3A_1 : vector<8x4096xf32> -> vector<8x4096xi32>
    %and3A = arith.constant -4096 : i32
    %and3A_5 = vector.broadcast %and3A : i32 to vector<8x4096xi32>
    %and3A_6 = arith.andi %bitcast_convert_type3A, %and3A_5 : vector<8x4096xi32>
    %sub3A = arith.constant 4095 : i32
    %sub3A_7 = vector.broadcast %sub3A : i32 to vector<8x4096xi32>
    %sub3A_8 = arith.subi %sub3A_7, %iota3A : vector<8x4096xi32>
    %or3A = arith.ori %and3A_6, %sub3A_8 : vector<8x4096xi32>
    %reduce_max3A = arith.constant dense<-2147483648> : vector<8xi32>
    %reduce_max3A_9 = vector.multi_reduction <maxsi>, %or3A, %reduce_max3A [1] : vector<8x4096xi32> to vector<8xi32>
    %broadcast_in_dim3A = vector.shape_cast %reduce_max3A_9 : vector<8xi32> to vector<8x1xi32>
    %and3A_10 = arith.constant 4095 : i32
    %and3A_11 = vector.broadcast %and3A_10 : i32 to vector<8x1xi32>
    %and3A_12 = arith.andi %broadcast_in_dim3A, %and3A_11 : vector<8x1xi32>
    %sub3A_13 = arith.constant 4095 : i32
    %sub3A_14 = vector.broadcast %sub3A_13 : i32 to vector<8x1xi32>
    %sub3A_15 = arith.subi %sub3A_14, %and3A_12 : vector<8x1xi32>
    %add3A = arith.addi %sub3A_15, %mul3A_4 : vector<8x1xi32>
    %eq3A = vector.broadcast %broadcast_in_dim3A : vector<8x1xi32> to vector<8x4096xi32>
    %eq3A_16 = arith.cmpi eq, %or3A, %eq3A : vector<8x4096xi32>
    %jit3A = arith.constant -2147483648 : i32
    %broadcast_in_dim3A_17 = vector.broadcast %jit3A : i32 to vector<8x4096xi32>
    %select_n3A = arith.select %eq3A_16, %broadcast_in_dim3A_17, %or3A : vector<8x4096xi1>, vector<8x4096xi32>
    %reduce_max3A_18 = arith.constant dense<-2147483648> : vector<8xi32>
    %reduce_max3A_19 = vector.multi_reduction <maxsi>, %select_n3A, %reduce_max3A_18 [1] : vector<8x4096xi32> to vector<8xi32>
    %broadcast_in_dim3A_20 = vector.shape_cast %reduce_max3A_19 : vector<8xi32> to vector<8x1xi32>
    %and3A_21 = arith.constant 4095 : i32
    %and3A_22 = vector.broadcast %and3A_21 : i32 to vector<8x1xi32>
    %and3A_23 = arith.andi %broadcast_in_dim3A_20, %and3A_22 : vector<8x1xi32>
    %sub3A_24 = arith.constant 4095 : i32
    %sub3A_25 = vector.broadcast %sub3A_24 : i32 to vector<8x1xi32>
    %sub3A_26 = arith.subi %sub3A_25, %and3A_23 : vector<8x1xi32>
    %add3A_27 = arith.addi %sub3A_26, %mul3A_4 : vector<8x1xi32>
    %eq3A_28 = vector.broadcast %broadcast_in_dim3A_20 : vector<8x1xi32> to vector<8x4096xi32>
    %eq3A_29 = arith.cmpi eq, %select_n3A, %eq3A_28 : vector<8x4096xi32>
    %jit3A_30 = arith.constant -2147483648 : i32
    %broadcast_in_dim3A_31 = vector.broadcast %jit3A_30 : i32 to vector<8x4096xi32>
    %select_n3A_32 = arith.select %eq3A_29, %broadcast_in_dim3A_31, %select_n3A : vector<8x4096xi1>, vector<8x4096xi32>
    %reduce_max3A_33 = arith.constant dense<-2147483648> : vector<8xi32>
    %reduce_max3A_34 = vector.multi_reduction <maxsi>, %select_n3A_32, %reduce_max3A_33 [1] : vector<8x4096xi32> to vector<8xi32>
    %broadcast_in_dim3A_35 = vector.shape_cast %reduce_max3A_34 : vector<8xi32> to vector<8x1xi32>
    %and3A_36 = arith.constant 4095 : i32
    %and3A_37 = vector.broadcast %and3A_36 : i32 to vector<8x1xi32>
    %and3A_38 = arith.andi %broadcast_in_dim3A_35, %and3A_37 : vector<8x1xi32>
    %sub3A_39 = arith.constant 4095 : i32
    %sub3A_40 = vector.broadcast %sub3A_39 : i32 to vector<8x1xi32>
    %sub3A_41 = arith.subi %sub3A_40, %and3A_38 : vector<8x1xi32>
    %add3A_42 = arith.addi %sub3A_41, %mul3A_4 : vector<8x1xi32>
    %eq3A_43 = vector.broadcast %broadcast_in_dim3A_35 : vector<8x1xi32> to vector<8x4096xi32>
    %eq3A_44 = arith.cmpi eq, %select_n3A_32, %eq3A_43 : vector<8x4096xi32>
    %jit3A_45 = arith.constant -2147483648 : i32
    %broadcast_in_dim3A_46 = vector.broadcast %jit3A_45 : i32 to vector<8x4096xi32>
    %select_n3A_47 = arith.select %eq3A_44, %broadcast_in_dim3A_46, %select_n3A_32 : vector<8x4096xi1>, vector<8x4096xi32>
    %reduce_max3A_48 = arith.constant dense<-2147483648> : vector<8xi32>
    %reduce_max3A_49 = vector.multi_reduction <maxsi>, %select_n3A_47, %reduce_max3A_48 [1] : vector<8x4096xi32> to vector<8xi32>
    %broadcast_in_dim3A_50 = vector.shape_cast %reduce_max3A_49 : vector<8xi32> to vector<8x1xi32>
    %and3A_51 = arith.constant 4095 : i32
    %and3A_52 = vector.broadcast %and3A_51 : i32 to vector<8x1xi32>
    %and3A_53 = arith.andi %broadcast_in_dim3A_50, %and3A_52 : vector<8x1xi32>
    %sub3A_54 = arith.constant 4095 : i32
    %sub3A_55 = vector.broadcast %sub3A_54 : i32 to vector<8x1xi32>
    %sub3A_56 = arith.subi %sub3A_55, %and3A_53 : vector<8x1xi32>
    %add3A_57 = arith.addi %sub3A_56, %mul3A_4 : vector<8x1xi32>
    %eq3A_58 = vector.broadcast %broadcast_in_dim3A_50 : vector<8x1xi32> to vector<8x4096xi32>
    %eq3A_59 = arith.cmpi eq, %select_n3A_47, %eq3A_58 : vector<8x4096xi32>
    %jit3A_60 = arith.constant -2147483648 : i32
    %broadcast_in_dim3A_61 = vector.broadcast %jit3A_60 : i32 to vector<8x4096xi32>
    %select_n3A_62 = arith.select %eq3A_59, %broadcast_in_dim3A_61, %select_n3A_47 : vector<8x4096xi1>, vector<8x4096xi32>
    %reduce_max3A_63 = arith.constant dense<-2147483648> : vector<8xi32>
    %reduce_max3A_64 = vector.multi_reduction <maxsi>, %select_n3A_62, %reduce_max3A_63 [1] : vector<8x4096xi32> to vector<8xi32>
    %broadcast_in_dim3A_65 = vector.shape_cast %reduce_max3A_64 : vector<8xi32> to vector<8x1xi32>
    %and3A_66 = arith.constant 4095 : i32
    %and3A_67 = vector.broadcast %and3A_66 : i32 to vector<8x1xi32>
    %and3A_68 = arith.andi %broadcast_in_dim3A_65, %and3A_67 : vector<8x1xi32>
    %sub3A_69 = arith.constant 4095 : i32
    %sub3A_70 = vector.broadcast %sub3A_69 : i32 to vector<8x1xi32>
    %sub3A_71 = arith.subi %sub3A_70, %and3A_68 : vector<8x1xi32>
    %add3A_72 = arith.addi %sub3A_71, %mul3A_4 : vector<8x1xi32>
    %eq3A_73 = vector.broadcast %broadcast_in_dim3A_65 : vector<8x1xi32> to vector<8x4096xi32>
    %eq3A_74 = arith.cmpi eq, %select_n3A_62, %eq3A_73 : vector<8x4096xi32>
    %jit3A_75 = arith.constant -2147483648 : i32
    %broadcast_in_dim3A_76 = vector.broadcast %jit3A_75 : i32 to vector<8x4096xi32>
    %select_n3A_77 = arith.select %eq3A_74, %broadcast_in_dim3A_76, %select_n3A_62 : vector<8x4096xi1>, vector<8x4096xi32>
    %reduce_max3A_78 = arith.constant dense<-2147483648> : vector<8xi32>
    %reduce_max3A_79 = vector.multi_reduction <maxsi>, %select_n3A_77, %reduce_max3A_78 [1] : vector<8x4096xi32> to vector<8xi32>
    %broadcast_in_dim3A_80 = vector.shape_cast %reduce_max3A_79 : vector<8xi32> to vector<8x1xi32>
    %and3A_81 = arith.constant 4095 : i32
    %and3A_82 = vector.broadcast %and3A_81 : i32 to vector<8x1xi32>
    %and3A_83 = arith.andi %broadcast_in_dim3A_80, %and3A_82 : vector<8x1xi32>
    %sub3A_84 = arith.constant 4095 : i32
    %sub3A_85 = vector.broadcast %sub3A_84 : i32 to vector<8x1xi32>
    %sub3A_86 = arith.subi %sub3A_85, %and3A_83 : vector<8x1xi32>
    %add3A_87 = arith.addi %sub3A_86, %mul3A_4 : vector<8x1xi32>
    %eq3A_88 = vector.broadcast %broadcast_in_dim3A_80 : vector<8x1xi32> to vector<8x4096xi32>
    %eq3A_89 = arith.cmpi eq, %select_n3A_77, %eq3A_88 : vector<8x4096xi32>
    %jit3A_90 = arith.constant -2147483648 : i32
    %broadcast_in_dim3A_91 = vector.broadcast %jit3A_90 : i32 to vector<8x4096xi32>
    %select_n3A_92 = arith.select %eq3A_89, %broadcast_in_dim3A_91, %select_n3A_77 : vector<8x4096xi1>, vector<8x4096xi32>
    %reduce_max3A_93 = arith.constant dense<-2147483648> : vector<8xi32>
    %reduce_max3A_94 = vector.multi_reduction <maxsi>, %select_n3A_92, %reduce_max3A_93 [1] : vector<8x4096xi32> to vector<8xi32>
    %broadcast_in_dim3A_95 = vector.shape_cast %reduce_max3A_94 : vector<8xi32> to vector<8x1xi32>
    %and3A_96 = arith.constant 4095 : i32
    %and3A_97 = vector.broadcast %and3A_96 : i32 to vector<8x1xi32>
    %and3A_98 = arith.andi %broadcast_in_dim3A_95, %and3A_97 : vector<8x1xi32>
    %sub3A_99 = arith.constant 4095 : i32
    %sub3A_100 = vector.broadcast %sub3A_99 : i32 to vector<8x1xi32>
    %sub3A_101 = arith.subi %sub3A_100, %and3A_98 : vector<8x1xi32>
    %add3A_102 = arith.addi %sub3A_101, %mul3A_4 : vector<8x1xi32>
    %eq3A_103 = vector.broadcast %broadcast_in_dim3A_95 : vector<8x1xi32> to vector<8x4096xi32>
    %eq3A_104 = arith.cmpi eq, %select_n3A_92, %eq3A_103 : vector<8x4096xi32>
    %jit3A_105 = arith.constant -2147483648 : i32
    %broadcast_in_dim3A_106 = vector.broadcast %jit3A_105 : i32 to vector<8x4096xi32>
    %select_n3A_107 = arith.select %eq3A_104, %broadcast_in_dim3A_106, %select_n3A_92 : vector<8x4096xi1>, vector<8x4096xi32>
    %reduce_max3A_108 = arith.constant dense<-2147483648> : vector<8xi32>
    %reduce_max3A_109 = vector.multi_reduction <maxsi>, %select_n3A_107, %reduce_max3A_108 [1] : vector<8x4096xi32> to vector<8xi32>
    %broadcast_in_dim3A_110 = vector.shape_cast %reduce_max3A_109 : vector<8xi32> to vector<8x1xi32>
    %and3A_111 = arith.constant 4095 : i32
    %and3A_112 = vector.broadcast %and3A_111 : i32 to vector<8x1xi32>
    %and3A_113 = arith.andi %broadcast_in_dim3A_110, %and3A_112 : vector<8x1xi32>
    %sub3A_114 = arith.constant 4095 : i32
    %sub3A_115 = vector.broadcast %sub3A_114 : i32 to vector<8x1xi32>
    %sub3A_116 = arith.subi %sub3A_115, %and3A_113 : vector<8x1xi32>
    %add3A_117 = arith.addi %sub3A_116, %mul3A_4 : vector<8x1xi32>
    %eq3A_118 = vector.broadcast %broadcast_in_dim3A_110 : vector<8x1xi32> to vector<8x4096xi32>
    %eq3A_119 = arith.cmpi eq, %select_n3A_107, %eq3A_118 : vector<8x4096xi32>
    %jit3A_120 = arith.constant -2147483648 : i32
    %broadcast_in_dim3A_121 = vector.broadcast %jit3A_120 : i32 to vector<8x4096xi32>
    %select_n3A_122 = arith.select %eq3A_119, %broadcast_in_dim3A_121, %select_n3A_107 : vector<8x4096xi1>, vector<8x4096xi32>
    %reduce_max3A_123 = arith.constant dense<-2147483648> : vector<8xi32>
    %reduce_max3A_124 = vector.multi_reduction <maxsi>, %select_n3A_122, %reduce_max3A_123 [1] : vector<8x4096xi32> to vector<8xi32>
    %broadcast_in_dim3A_125 = vector.shape_cast %reduce_max3A_124 : vector<8xi32> to vector<8x1xi32>
    %and3A_126 = arith.constant 4095 : i32
    %and3A_127 = vector.broadcast %and3A_126 : i32 to vector<8x1xi32>
    %and3A_128 = arith.andi %broadcast_in_dim3A_125, %and3A_127 : vector<8x1xi32>
    %sub3A_129 = arith.constant 4095 : i32
    %sub3A_130 = vector.broadcast %sub3A_129 : i32 to vector<8x1xi32>
    %sub3A_131 = arith.subi %sub3A_130, %and3A_128 : vector<8x1xi32>
    %add3A_132 = arith.addi %sub3A_131, %mul3A_4 : vector<8x1xi32>
    %eq3A_133 = vector.broadcast %broadcast_in_dim3A_125 : vector<8x1xi32> to vector<8x4096xi32>
    %eq3A_134 = arith.cmpi eq, %select_n3A_122, %eq3A_133 : vector<8x4096xi32>
    %jit3A_135 = arith.constant -2147483648 : i32
    %broadcast_in_dim3A_136 = vector.broadcast %jit3A_135 : i32 to vector<8x4096xi32>
    %select_n3A_137 = arith.select %eq3A_134, %broadcast_in_dim3A_136, %select_n3A_122 : vector<8x4096xi1>, vector<8x4096xi32>
    %reduce_max3A_138 = arith.constant dense<-2147483648> : vector<8xi32>
    %reduce_max3A_139 = vector.multi_reduction <maxsi>, %select_n3A_137, %reduce_max3A_138 [1] : vector<8x4096xi32> to vector<8xi32>
    %broadcast_in_dim3A_140 = vector.shape_cast %reduce_max3A_139 : vector<8xi32> to vector<8x1xi32>
    %and3A_141 = arith.constant 4095 : i32
    %and3A_142 = vector.broadcast %and3A_141 : i32 to vector<8x1xi32>
    %and3A_143 = arith.andi %broadcast_in_dim3A_140, %and3A_142 : vector<8x1xi32>
    %sub3A_144 = arith.constant 4095 : i32
    %sub3A_145 = vector.broadcast %sub3A_144 : i32 to vector<8x1xi32>
    %sub3A_146 = arith.subi %sub3A_145, %and3A_143 : vector<8x1xi32>
    %add3A_147 = arith.addi %sub3A_146, %mul3A_4 : vector<8x1xi32>
    %eq3A_148 = vector.broadcast %broadcast_in_dim3A_140 : vector<8x1xi32> to vector<8x4096xi32>
    %eq3A_149 = arith.cmpi eq, %select_n3A_137, %eq3A_148 : vector<8x4096xi32>
    %jit3A_150 = arith.constant -2147483648 : i32
    %broadcast_in_dim3A_151 = vector.broadcast %jit3A_150 : i32 to vector<8x4096xi32>
    %select_n3A_152 = arith.select %eq3A_149, %broadcast_in_dim3A_151, %select_n3A_137 : vector<8x4096xi1>, vector<8x4096xi32>
    %reduce_max3A_153 = arith.constant dense<-2147483648> : vector<8xi32>
    %reduce_max3A_154 = vector.multi_reduction <maxsi>, %select_n3A_152, %reduce_max3A_153 [1] : vector<8x4096xi32> to vector<8xi32>
    %broadcast_in_dim3A_155 = vector.shape_cast %reduce_max3A_154 : vector<8xi32> to vector<8x1xi32>
    %and3A_156 = arith.constant 4095 : i32
    %and3A_157 = vector.broadcast %and3A_156 : i32 to vector<8x1xi32>
    %and3A_158 = arith.andi %broadcast_in_dim3A_155, %and3A_157 : vector<8x1xi32>
    %sub3A_159 = arith.constant 4095 : i32
    %sub3A_160 = vector.broadcast %sub3A_159 : i32 to vector<8x1xi32>
    %sub3A_161 = arith.subi %sub3A_160, %and3A_158 : vector<8x1xi32>
    %add3A_162 = arith.addi %sub3A_161, %mul3A_4 : vector<8x1xi32>
    %eq3A_163 = vector.broadcast %broadcast_in_dim3A_155 : vector<8x1xi32> to vector<8x4096xi32>
    %eq3A_164 = arith.cmpi eq, %select_n3A_152, %eq3A_163 : vector<8x4096xi32>
    %jit3A_165 = arith.constant -2147483648 : i32
    %broadcast_in_dim3A_166 = vector.broadcast %jit3A_165 : i32 to vector<8x4096xi32>
    %select_n3A_167 = arith.select %eq3A_164, %broadcast_in_dim3A_166, %select_n3A_152 : vector<8x4096xi1>, vector<8x4096xi32>
    %reduce_max3A_168 = arith.constant dense<-2147483648> : vector<8xi32>
    %reduce_max3A_169 = vector.multi_reduction <maxsi>, %select_n3A_167, %reduce_max3A_168 [1] : vector<8x4096xi32> to vector<8xi32>
    %broadcast_in_dim3A_170 = vector.shape_cast %reduce_max3A_169 : vector<8xi32> to vector<8x1xi32>
    %and3A_171 = arith.constant 4095 : i32
    %and3A_172 = vector.broadcast %and3A_171 : i32 to vector<8x1xi32>
    %and3A_173 = arith.andi %broadcast_in_dim3A_170, %and3A_172 : vector<8x1xi32>
    %sub3A_174 = arith.constant 4095 : i32
    %sub3A_175 = vector.broadcast %sub3A_174 : i32 to vector<8x1xi32>
    %sub3A_176 = arith.subi %sub3A_175, %and3A_173 : vector<8x1xi32>
    %add3A_177 = arith.addi %sub3A_176, %mul3A_4 : vector<8x1xi32>
    %eq3A_178 = vector.broadcast %broadcast_in_dim3A_170 : vector<8x1xi32> to vector<8x4096xi32>
    %eq3A_179 = arith.cmpi eq, %select_n3A_167, %eq3A_178 : vector<8x4096xi32>
    %jit3A_180 = arith.constant -2147483648 : i32
    %broadcast_in_dim3A_181 = vector.broadcast %jit3A_180 : i32 to vector<8x4096xi32>
    %select_n3A_182 = arith.select %eq3A_179, %broadcast_in_dim3A_181, %select_n3A_167 : vector<8x4096xi1>, vector<8x4096xi32>
    %reduce_max3A_183 = arith.constant dense<-2147483648> : vector<8xi32>
    %reduce_max3A_184 = vector.multi_reduction <maxsi>, %select_n3A_182, %reduce_max3A_183 [1] : vector<8x4096xi32> to vector<8xi32>
    %broadcast_in_dim3A_185 = vector.shape_cast %reduce_max3A_184 : vector<8xi32> to vector<8x1xi32>
    %and3A_186 = arith.constant 4095 : i32
    %and3A_187 = vector.broadcast %and3A_186 : i32 to vector<8x1xi32>
    %and3A_188 = arith.andi %broadcast_in_dim3A_185, %and3A_187 : vector<8x1xi32>
    %sub3A_189 = arith.constant 4095 : i32
    %sub3A_190 = vector.broadcast %sub3A_189 : i32 to vector<8x1xi32>
    %sub3A_191 = arith.subi %sub3A_190, %and3A_188 : vector<8x1xi32>
    %add3A_192 = arith.addi %sub3A_191, %mul3A_4 : vector<8x1xi32>
    %eq3A_193 = vector.broadcast %broadcast_in_dim3A_185 : vector<8x1xi32> to vector<8x4096xi32>
    %eq3A_194 = arith.cmpi eq, %select_n3A_182, %eq3A_193 : vector<8x4096xi32>
    %jit3A_195 = arith.constant -2147483648 : i32
    %broadcast_in_dim3A_196 = vector.broadcast %jit3A_195 : i32 to vector<8x4096xi32>
    %select_n3A_197 = arith.select %eq3A_194, %broadcast_in_dim3A_196, %select_n3A_182 : vector<8x4096xi1>, vector<8x4096xi32>
    %reduce_max3A_198 = arith.constant dense<-2147483648> : vector<8xi32>
    %reduce_max3A_199 = vector.multi_reduction <maxsi>, %select_n3A_197, %reduce_max3A_198 [1] : vector<8x4096xi32> to vector<8xi32>
    %broadcast_in_dim3A_200 = vector.shape_cast %reduce_max3A_199 : vector<8xi32> to vector<8x1xi32>
    %and3A_201 = arith.constant 4095 : i32
    %and3A_202 = vector.broadcast %and3A_201 : i32 to vector<8x1xi32>
    %and3A_203 = arith.andi %broadcast_in_dim3A_200, %and3A_202 : vector<8x1xi32>
    %sub3A_204 = arith.constant 4095 : i32
    %sub3A_205 = vector.broadcast %sub3A_204 : i32 to vector<8x1xi32>
    %sub3A_206 = arith.subi %sub3A_205, %and3A_203 : vector<8x1xi32>
    %add3A_207 = arith.addi %sub3A_206, %mul3A_4 : vector<8x1xi32>
    %eq3A_208 = vector.broadcast %broadcast_in_dim3A_200 : vector<8x1xi32> to vector<8x4096xi32>
    %eq3A_209 = arith.cmpi eq, %select_n3A_197, %eq3A_208 : vector<8x4096xi32>
    %jit3A_210 = arith.constant -2147483648 : i32
    %broadcast_in_dim3A_211 = vector.broadcast %jit3A_210 : i32 to vector<8x4096xi32>
    %select_n3A_212 = arith.select %eq3A_209, %broadcast_in_dim3A_211, %select_n3A_197 : vector<8x4096xi1>, vector<8x4096xi32>
    %reduce_max3A_213 = arith.constant dense<-2147483648> : vector<8xi32>
    %reduce_max3A_214 = vector.multi_reduction <maxsi>, %select_n3A_212, %reduce_max3A_213 [1] : vector<8x4096xi32> to vector<8xi32>
    %broadcast_in_dim3A_215 = vector.shape_cast %reduce_max3A_214 : vector<8xi32> to vector<8x1xi32>
    %and3A_216 = arith.constant 4095 : i32
    %and3A_217 = vector.broadcast %and3A_216 : i32 to vector<8x1xi32>
    %and3A_218 = arith.andi %broadcast_in_dim3A_215, %and3A_217 : vector<8x1xi32>
    %sub3A_219 = arith.constant 4095 : i32
    %sub3A_220 = vector.broadcast %sub3A_219 : i32 to vector<8x1xi32>
    %sub3A_221 = arith.subi %sub3A_220, %and3A_218 : vector<8x1xi32>
    %add3A_222 = arith.addi %sub3A_221, %mul3A_4 : vector<8x1xi32>
    %eq3A_223 = vector.broadcast %broadcast_in_dim3A_215 : vector<8x1xi32> to vector<8x4096xi32>
    %eq3A_224 = arith.cmpi eq, %select_n3A_212, %eq3A_223 : vector<8x4096xi32>
    %jit3A_225 = arith.constant -2147483648 : i32
    %broadcast_in_dim3A_226 = vector.broadcast %jit3A_225 : i32 to vector<8x4096xi32>
    %select_n3A_227 = arith.select %eq3A_224, %broadcast_in_dim3A_226, %select_n3A_212 : vector<8x4096xi1>, vector<8x4096xi32>
    %reduce_max3A_228 = arith.constant dense<-2147483648> : vector<8xi32>
    %reduce_max3A_229 = vector.multi_reduction <maxsi>, %select_n3A_227, %reduce_max3A_228 [1] : vector<8x4096xi32> to vector<8xi32>
    %broadcast_in_dim3A_230 = vector.shape_cast %reduce_max3A_229 : vector<8xi32> to vector<8x1xi32>
    %and3A_231 = arith.constant 4095 : i32
    %and3A_232 = vector.broadcast %and3A_231 : i32 to vector<8x1xi32>
    %and3A_233 = arith.andi %broadcast_in_dim3A_230, %and3A_232 : vector<8x1xi32>
    %sub3A_234 = arith.constant 4095 : i32
    %sub3A_235 = vector.broadcast %sub3A_234 : i32 to vector<8x1xi32>
    %sub3A_236 = arith.subi %sub3A_235, %and3A_233 : vector<8x1xi32>
    %add3A_237 = arith.addi %sub3A_236, %mul3A_4 : vector<8x1xi32>
    %eq3A_238 = vector.broadcast %broadcast_in_dim3A_230 : vector<8x1xi32> to vector<8x4096xi32>
    %eq3A_239 = arith.cmpi eq, %select_n3A_227, %eq3A_238 : vector<8x4096xi32>
    %jit3A_240 = arith.constant -2147483648 : i32
    %broadcast_in_dim3A_241 = vector.broadcast %jit3A_240 : i32 to vector<8x4096xi32>
    %select_n3A_242 = arith.select %eq3A_239, %broadcast_in_dim3A_241, %select_n3A_227 : vector<8x4096xi1>, vector<8x4096xi32>
    %reduce_max3A_243 = arith.constant dense<-2147483648> : vector<8xi32>
    %reduce_max3A_244 = vector.multi_reduction <maxsi>, %select_n3A_242, %reduce_max3A_243 [1] : vector<8x4096xi32> to vector<8xi32>
    %broadcast_in_dim3A_245 = vector.shape_cast %reduce_max3A_244 : vector<8xi32> to vector<8x1xi32>
    %and3A_246 = arith.constant 4095 : i32
    %and3A_247 = vector.broadcast %and3A_246 : i32 to vector<8x1xi32>
    %and3A_248 = arith.andi %broadcast_in_dim3A_245, %and3A_247 : vector<8x1xi32>
    %sub3A_249 = arith.constant 4095 : i32
    %sub3A_250 = vector.broadcast %sub3A_249 : i32 to vector<8x1xi32>
    %sub3A_251 = arith.subi %sub3A_250, %and3A_248 : vector<8x1xi32>
    %add3A_252 = arith.addi %sub3A_251, %mul3A_4 : vector<8x1xi32>
    %eq3A_253 = vector.broadcast %broadcast_in_dim3A_245 : vector<8x1xi32> to vector<8x4096xi32>
    %eq3A_254 = arith.cmpi eq, %select_n3A_242, %eq3A_253 : vector<8x4096xi32>
    %jit3A_255 = arith.constant -2147483648 : i32
    %broadcast_in_dim3A_256 = vector.broadcast %jit3A_255 : i32 to vector<8x4096xi32>
    %select_n3A_257 = arith.select %eq3A_254, %broadcast_in_dim3A_256, %select_n3A_242 : vector<8x4096xi1>, vector<8x4096xi32>
    %reduce_max3A_258 = arith.constant dense<-2147483648> : vector<8xi32>
    %reduce_max3A_259 = vector.multi_reduction <maxsi>, %select_n3A_257, %reduce_max3A_258 [1] : vector<8x4096xi32> to vector<8xi32>
    %broadcast_in_dim3A_260 = vector.shape_cast %reduce_max3A_259 : vector<8xi32> to vector<8x1xi32>
    %and3A_261 = arith.constant 4095 : i32
    %and3A_262 = vector.broadcast %and3A_261 : i32 to vector<8x1xi32>
    %and3A_263 = arith.andi %broadcast_in_dim3A_260, %and3A_262 : vector<8x1xi32>
    %sub3A_264 = arith.constant 4095 : i32
    %sub3A_265 = vector.broadcast %sub3A_264 : i32 to vector<8x1xi32>
    %sub3A_266 = arith.subi %sub3A_265, %and3A_263 : vector<8x1xi32>
    %add3A_267 = arith.addi %sub3A_266, %mul3A_4 : vector<8x1xi32>
    %eq3A_268 = vector.broadcast %broadcast_in_dim3A_260 : vector<8x1xi32> to vector<8x4096xi32>
    %eq3A_269 = arith.cmpi eq, %select_n3A_257, %eq3A_268 : vector<8x4096xi32>
    %jit3A_270 = arith.constant -2147483648 : i32
    %broadcast_in_dim3A_271 = vector.broadcast %jit3A_270 : i32 to vector<8x4096xi32>
    %select_n3A_272 = arith.select %eq3A_269, %broadcast_in_dim3A_271, %select_n3A_257 : vector<8x4096xi1>, vector<8x4096xi32>
    %reduce_max3A_273 = arith.constant dense<-2147483648> : vector<8xi32>
    %reduce_max3A_274 = vector.multi_reduction <maxsi>, %select_n3A_272, %reduce_max3A_273 [1] : vector<8x4096xi32> to vector<8xi32>
    %broadcast_in_dim3A_275 = vector.shape_cast %reduce_max3A_274 : vector<8xi32> to vector<8x1xi32>
    %and3A_276 = arith.constant 4095 : i32
    %and3A_277 = vector.broadcast %and3A_276 : i32 to vector<8x1xi32>
    %and3A_278 = arith.andi %broadcast_in_dim3A_275, %and3A_277 : vector<8x1xi32>
    %sub3A_279 = arith.constant 4095 : i32
    %sub3A_280 = vector.broadcast %sub3A_279 : i32 to vector<8x1xi32>
    %sub3A_281 = arith.subi %sub3A_280, %and3A_278 : vector<8x1xi32>
    %add3A_282 = arith.addi %sub3A_281, %mul3A_4 : vector<8x1xi32>
    %eq3A_283 = vector.broadcast %broadcast_in_dim3A_275 : vector<8x1xi32> to vector<8x4096xi32>
    %eq3A_284 = arith.cmpi eq, %select_n3A_272, %eq3A_283 : vector<8x4096xi32>
    %jit3A_285 = arith.constant -2147483648 : i32
    %broadcast_in_dim3A_286 = vector.broadcast %jit3A_285 : i32 to vector<8x4096xi32>
    %select_n3A_287 = arith.select %eq3A_284, %broadcast_in_dim3A_286, %select_n3A_272 : vector<8x4096xi1>, vector<8x4096xi32>
    %reduce_max3A_288 = arith.constant dense<-2147483648> : vector<8xi32>
    %reduce_max3A_289 = vector.multi_reduction <maxsi>, %select_n3A_287, %reduce_max3A_288 [1] : vector<8x4096xi32> to vector<8xi32>
    %broadcast_in_dim3A_290 = vector.shape_cast %reduce_max3A_289 : vector<8xi32> to vector<8x1xi32>
    %and3A_291 = arith.constant 4095 : i32
    %and3A_292 = vector.broadcast %and3A_291 : i32 to vector<8x1xi32>
    %and3A_293 = arith.andi %broadcast_in_dim3A_290, %and3A_292 : vector<8x1xi32>
    %sub3A_294 = arith.constant 4095 : i32
    %sub3A_295 = vector.broadcast %sub3A_294 : i32 to vector<8x1xi32>
    %sub3A_296 = arith.subi %sub3A_295, %and3A_293 : vector<8x1xi32>
    %add3A_297 = arith.addi %sub3A_296, %mul3A_4 : vector<8x1xi32>
    %eq3A_298 = vector.broadcast %broadcast_in_dim3A_290 : vector<8x1xi32> to vector<8x4096xi32>
    %eq3A_299 = arith.cmpi eq, %select_n3A_287, %eq3A_298 : vector<8x4096xi32>
    %jit3A_300 = arith.constant -2147483648 : i32
    %broadcast_in_dim3A_301 = vector.broadcast %jit3A_300 : i32 to vector<8x4096xi32>
    %select_n3A_302 = arith.select %eq3A_299, %broadcast_in_dim3A_301, %select_n3A_287 : vector<8x4096xi1>, vector<8x4096xi32>
    %reduce_max3A_303 = arith.constant dense<-2147483648> : vector<8xi32>
    %reduce_max3A_304 = vector.multi_reduction <maxsi>, %select_n3A_302, %reduce_max3A_303 [1] : vector<8x4096xi32> to vector<8xi32>
    %broadcast_in_dim3A_305 = vector.shape_cast %reduce_max3A_304 : vector<8xi32> to vector<8x1xi32>
    %and3A_306 = arith.constant 4095 : i32
    %and3A_307 = vector.broadcast %and3A_306 : i32 to vector<8x1xi32>
    %and3A_308 = arith.andi %broadcast_in_dim3A_305, %and3A_307 : vector<8x1xi32>
    %sub3A_309 = arith.constant 4095 : i32
    %sub3A_310 = vector.broadcast %sub3A_309 : i32 to vector<8x1xi32>
    %sub3A_311 = arith.subi %sub3A_310, %and3A_308 : vector<8x1xi32>
    %add3A_312 = arith.addi %sub3A_311, %mul3A_4 : vector<8x1xi32>
    %eq3A_313 = vector.broadcast %broadcast_in_dim3A_305 : vector<8x1xi32> to vector<8x4096xi32>
    %eq3A_314 = arith.cmpi eq, %select_n3A_302, %eq3A_313 : vector<8x4096xi32>
    %jit3A_315 = arith.constant -2147483648 : i32
    %broadcast_in_dim3A_316 = vector.broadcast %jit3A_315 : i32 to vector<8x4096xi32>
    %select_n3A_317 = arith.select %eq3A_314, %broadcast_in_dim3A_316, %select_n3A_302 : vector<8x4096xi1>, vector<8x4096xi32>
    %reduce_max3A_318 = arith.constant dense<-2147483648> : vector<8xi32>
    %reduce_max3A_319 = vector.multi_reduction <maxsi>, %select_n3A_317, %reduce_max3A_318 [1] : vector<8x4096xi32> to vector<8xi32>
    %broadcast_in_dim3A_320 = vector.shape_cast %reduce_max3A_319 : vector<8xi32> to vector<8x1xi32>
    %and3A_321 = arith.constant 4095 : i32
    %and3A_322 = vector.broadcast %and3A_321 : i32 to vector<8x1xi32>
    %and3A_323 = arith.andi %broadcast_in_dim3A_320, %and3A_322 : vector<8x1xi32>
    %sub3A_324 = arith.constant 4095 : i32
    %sub3A_325 = vector.broadcast %sub3A_324 : i32 to vector<8x1xi32>
    %sub3A_326 = arith.subi %sub3A_325, %and3A_323 : vector<8x1xi32>
    %add3A_327 = arith.addi %sub3A_326, %mul3A_4 : vector<8x1xi32>
    %eq3A_328 = vector.broadcast %broadcast_in_dim3A_320 : vector<8x1xi32> to vector<8x4096xi32>
    %eq3A_329 = arith.cmpi eq, %select_n3A_317, %eq3A_328 : vector<8x4096xi32>
    %jit3A_330 = arith.constant -2147483648 : i32
    %broadcast_in_dim3A_331 = vector.broadcast %jit3A_330 : i32 to vector<8x4096xi32>
    %select_n3A_332 = arith.select %eq3A_329, %broadcast_in_dim3A_331, %select_n3A_317 : vector<8x4096xi1>, vector<8x4096xi32>
    %reduce_max3A_333 = arith.constant dense<-2147483648> : vector<8xi32>
    %reduce_max3A_334 = vector.multi_reduction <maxsi>, %select_n3A_332, %reduce_max3A_333 [1] : vector<8x4096xi32> to vector<8xi32>
    %broadcast_in_dim3A_335 = vector.shape_cast %reduce_max3A_334 : vector<8xi32> to vector<8x1xi32>
    %and3A_336 = arith.constant 4095 : i32
    %and3A_337 = vector.broadcast %and3A_336 : i32 to vector<8x1xi32>
    %and3A_338 = arith.andi %broadcast_in_dim3A_335, %and3A_337 : vector<8x1xi32>
    %sub3A_339 = arith.constant 4095 : i32
    %sub3A_340 = vector.broadcast %sub3A_339 : i32 to vector<8x1xi32>
    %sub3A_341 = arith.subi %sub3A_340, %and3A_338 : vector<8x1xi32>
    %add3A_342 = arith.addi %sub3A_341, %mul3A_4 : vector<8x1xi32>
    %eq3A_343 = vector.broadcast %broadcast_in_dim3A_335 : vector<8x1xi32> to vector<8x4096xi32>
    %eq3A_344 = arith.cmpi eq, %select_n3A_332, %eq3A_343 : vector<8x4096xi32>
    %jit3A_345 = arith.constant -2147483648 : i32
    %broadcast_in_dim3A_346 = vector.broadcast %jit3A_345 : i32 to vector<8x4096xi32>
    %select_n3A_347 = arith.select %eq3A_344, %broadcast_in_dim3A_346, %select_n3A_332 : vector<8x4096xi1>, vector<8x4096xi32>
    %reduce_max3A_348 = arith.constant dense<-2147483648> : vector<8xi32>
    %reduce_max3A_349 = vector.multi_reduction <maxsi>, %select_n3A_347, %reduce_max3A_348 [1] : vector<8x4096xi32> to vector<8xi32>
    %broadcast_in_dim3A_350 = vector.shape_cast %reduce_max3A_349 : vector<8xi32> to vector<8x1xi32>
    %and3A_351 = arith.constant 4095 : i32
    %and3A_352 = vector.broadcast %and3A_351 : i32 to vector<8x1xi32>
    %and3A_353 = arith.andi %broadcast_in_dim3A_350, %and3A_352 : vector<8x1xi32>
    %sub3A_354 = arith.constant 4095 : i32
    %sub3A_355 = vector.broadcast %sub3A_354 : i32 to vector<8x1xi32>
    %sub3A_356 = arith.subi %sub3A_355, %and3A_353 : vector<8x1xi32>
    %add3A_357 = arith.addi %sub3A_356, %mul3A_4 : vector<8x1xi32>
    %eq3A_358 = vector.broadcast %broadcast_in_dim3A_350 : vector<8x1xi32> to vector<8x4096xi32>
    %eq3A_359 = arith.cmpi eq, %select_n3A_347, %eq3A_358 : vector<8x4096xi32>
    %jit3A_360 = arith.constant -2147483648 : i32
    %broadcast_in_dim3A_361 = vector.broadcast %jit3A_360 : i32 to vector<8x4096xi32>
    %select_n3A_362 = arith.select %eq3A_359, %broadcast_in_dim3A_361, %select_n3A_347 : vector<8x4096xi1>, vector<8x4096xi32>
    %reduce_max3A_363 = arith.constant dense<-2147483648> : vector<8xi32>
    %reduce_max3A_364 = vector.multi_reduction <maxsi>, %select_n3A_362, %reduce_max3A_363 [1] : vector<8x4096xi32> to vector<8xi32>
    %broadcast_in_dim3A_365 = vector.shape_cast %reduce_max3A_364 : vector<8xi32> to vector<8x1xi32>
    %and3A_366 = arith.constant 4095 : i32
    %and3A_367 = vector.broadcast %and3A_366 : i32 to vector<8x1xi32>
    %and3A_368 = arith.andi %broadcast_in_dim3A_365, %and3A_367 : vector<8x1xi32>
    %sub3A_369 = arith.constant 4095 : i32
    %sub3A_370 = vector.broadcast %sub3A_369 : i32 to vector<8x1xi32>
    %sub3A_371 = arith.subi %sub3A_370, %and3A_368 : vector<8x1xi32>
    %add3A_372 = arith.addi %sub3A_371, %mul3A_4 : vector<8x1xi32>
    %eq3A_373 = vector.broadcast %broadcast_in_dim3A_365 : vector<8x1xi32> to vector<8x4096xi32>
    %eq3A_374 = arith.cmpi eq, %select_n3A_362, %eq3A_373 : vector<8x4096xi32>
    %jit3A_375 = arith.constant -2147483648 : i32
    %broadcast_in_dim3A_376 = vector.broadcast %jit3A_375 : i32 to vector<8x4096xi32>
    %select_n3A_377 = arith.select %eq3A_374, %broadcast_in_dim3A_376, %select_n3A_362 : vector<8x4096xi1>, vector<8x4096xi32>
    %reduce_max3A_378 = arith.constant dense<-2147483648> : vector<8xi32>
    %reduce_max3A_379 = vector.multi_reduction <maxsi>, %select_n3A_377, %reduce_max3A_378 [1] : vector<8x4096xi32> to vector<8xi32>
    %broadcast_in_dim3A_380 = vector.shape_cast %reduce_max3A_379 : vector<8xi32> to vector<8x1xi32>
    %and3A_381 = arith.constant 4095 : i32
    %and3A_382 = vector.broadcast %and3A_381 : i32 to vector<8x1xi32>
    %and3A_383 = arith.andi %broadcast_in_dim3A_380, %and3A_382 : vector<8x1xi32>
    %sub3A_384 = arith.constant 4095 : i32
    %sub3A_385 = vector.broadcast %sub3A_384 : i32 to vector<8x1xi32>
    %sub3A_386 = arith.subi %sub3A_385, %and3A_383 : vector<8x1xi32>
    %add3A_387 = arith.addi %sub3A_386, %mul3A_4 : vector<8x1xi32>
    %eq3A_388 = vector.broadcast %broadcast_in_dim3A_380 : vector<8x1xi32> to vector<8x4096xi32>
    %eq3A_389 = arith.cmpi eq, %select_n3A_377, %eq3A_388 : vector<8x4096xi32>
    %jit3A_390 = arith.constant -2147483648 : i32
    %broadcast_in_dim3A_391 = vector.broadcast %jit3A_390 : i32 to vector<8x4096xi32>
    %select_n3A_392 = arith.select %eq3A_389, %broadcast_in_dim3A_391, %select_n3A_377 : vector<8x4096xi1>, vector<8x4096xi32>
    %reduce_max3A_393 = arith.constant dense<-2147483648> : vector<8xi32>
    %reduce_max3A_394 = vector.multi_reduction <maxsi>, %select_n3A_392, %reduce_max3A_393 [1] : vector<8x4096xi32> to vector<8xi32>
    %broadcast_in_dim3A_395 = vector.shape_cast %reduce_max3A_394 : vector<8xi32> to vector<8x1xi32>
    %and3A_396 = arith.constant 4095 : i32
    %and3A_397 = vector.broadcast %and3A_396 : i32 to vector<8x1xi32>
    %and3A_398 = arith.andi %broadcast_in_dim3A_395, %and3A_397 : vector<8x1xi32>
    %sub3A_399 = arith.constant 4095 : i32
    %sub3A_400 = vector.broadcast %sub3A_399 : i32 to vector<8x1xi32>
    %sub3A_401 = arith.subi %sub3A_400, %and3A_398 : vector<8x1xi32>
    %add3A_402 = arith.addi %sub3A_401, %mul3A_4 : vector<8x1xi32>
    %eq3A_403 = vector.broadcast %broadcast_in_dim3A_395 : vector<8x1xi32> to vector<8x4096xi32>
    %eq3A_404 = arith.cmpi eq, %select_n3A_392, %eq3A_403 : vector<8x4096xi32>
    %jit3A_405 = arith.constant -2147483648 : i32
    %broadcast_in_dim3A_406 = vector.broadcast %jit3A_405 : i32 to vector<8x4096xi32>
    %select_n3A_407 = arith.select %eq3A_404, %broadcast_in_dim3A_406, %select_n3A_392 : vector<8x4096xi1>, vector<8x4096xi32>
    %reduce_max3A_408 = arith.constant dense<-2147483648> : vector<8xi32>
    %reduce_max3A_409 = vector.multi_reduction <maxsi>, %select_n3A_407, %reduce_max3A_408 [1] : vector<8x4096xi32> to vector<8xi32>
    %broadcast_in_dim3A_410 = vector.shape_cast %reduce_max3A_409 : vector<8xi32> to vector<8x1xi32>
    %and3A_411 = arith.constant 4095 : i32
    %and3A_412 = vector.broadcast %and3A_411 : i32 to vector<8x1xi32>
    %and3A_413 = arith.andi %broadcast_in_dim3A_410, %and3A_412 : vector<8x1xi32>
    %sub3A_414 = arith.constant 4095 : i32
    %sub3A_415 = vector.broadcast %sub3A_414 : i32 to vector<8x1xi32>
    %sub3A_416 = arith.subi %sub3A_415, %and3A_413 : vector<8x1xi32>
    %add3A_417 = arith.addi %sub3A_416, %mul3A_4 : vector<8x1xi32>
    %eq3A_418 = vector.broadcast %broadcast_in_dim3A_410 : vector<8x1xi32> to vector<8x4096xi32>
    %eq3A_419 = arith.cmpi eq, %select_n3A_407, %eq3A_418 : vector<8x4096xi32>
    %jit3A_420 = arith.constant -2147483648 : i32
    %broadcast_in_dim3A_421 = vector.broadcast %jit3A_420 : i32 to vector<8x4096xi32>
    %select_n3A_422 = arith.select %eq3A_419, %broadcast_in_dim3A_421, %select_n3A_407 : vector<8x4096xi1>, vector<8x4096xi32>
    %reduce_max3A_423 = arith.constant dense<-2147483648> : vector<8xi32>
    %reduce_max3A_424 = vector.multi_reduction <maxsi>, %select_n3A_422, %reduce_max3A_423 [1] : vector<8x4096xi32> to vector<8xi32>
    %broadcast_in_dim3A_425 = vector.shape_cast %reduce_max3A_424 : vector<8xi32> to vector<8x1xi32>
    %and3A_426 = arith.constant 4095 : i32
    %and3A_427 = vector.broadcast %and3A_426 : i32 to vector<8x1xi32>
    %and3A_428 = arith.andi %broadcast_in_dim3A_425, %and3A_427 : vector<8x1xi32>
    %sub3A_429 = arith.constant 4095 : i32
    %sub3A_430 = vector.broadcast %sub3A_429 : i32 to vector<8x1xi32>
    %sub3A_431 = arith.subi %sub3A_430, %and3A_428 : vector<8x1xi32>
    %add3A_432 = arith.addi %sub3A_431, %mul3A_4 : vector<8x1xi32>
    %eq3A_433 = vector.broadcast %broadcast_in_dim3A_425 : vector<8x1xi32> to vector<8x4096xi32>
    %eq3A_434 = arith.cmpi eq, %select_n3A_422, %eq3A_433 : vector<8x4096xi32>
    %jit3A_435 = arith.constant -2147483648 : i32
    %broadcast_in_dim3A_436 = vector.broadcast %jit3A_435 : i32 to vector<8x4096xi32>
    %select_n3A_437 = arith.select %eq3A_434, %broadcast_in_dim3A_436, %select_n3A_422 : vector<8x4096xi1>, vector<8x4096xi32>
    %reduce_max3A_438 = arith.constant dense<-2147483648> : vector<8xi32>
    %reduce_max3A_439 = vector.multi_reduction <maxsi>, %select_n3A_437, %reduce_max3A_438 [1] : vector<8x4096xi32> to vector<8xi32>
    %broadcast_in_dim3A_440 = vector.shape_cast %reduce_max3A_439 : vector<8xi32> to vector<8x1xi32>
    %and3A_441 = arith.constant 4095 : i32
    %and3A_442 = vector.broadcast %and3A_441 : i32 to vector<8x1xi32>
    %and3A_443 = arith.andi %broadcast_in_dim3A_440, %and3A_442 : vector<8x1xi32>
    %sub3A_444 = arith.constant 4095 : i32
    %sub3A_445 = vector.broadcast %sub3A_444 : i32 to vector<8x1xi32>
    %sub3A_446 = arith.subi %sub3A_445, %and3A_443 : vector<8x1xi32>
    %add3A_447 = arith.addi %sub3A_446, %mul3A_4 : vector<8x1xi32>
    %eq3A_448 = vector.broadcast %broadcast_in_dim3A_440 : vector<8x1xi32> to vector<8x4096xi32>
    %eq3A_449 = arith.cmpi eq, %select_n3A_437, %eq3A_448 : vector<8x4096xi32>
    %jit3A_450 = arith.constant -2147483648 : i32
    %broadcast_in_dim3A_451 = vector.broadcast %jit3A_450 : i32 to vector<8x4096xi32>
    %select_n3A_452 = arith.select %eq3A_449, %broadcast_in_dim3A_451, %select_n3A_437 : vector<8x4096xi1>, vector<8x4096xi32>
    %reduce_max3A_453 = arith.constant dense<-2147483648> : vector<8xi32>
    %reduce_max3A_454 = vector.multi_reduction <maxsi>, %select_n3A_452, %reduce_max3A_453 [1] : vector<8x4096xi32> to vector<8xi32>
    %broadcast_in_dim3A_455 = vector.shape_cast %reduce_max3A_454 : vector<8xi32> to vector<8x1xi32>
    %and3A_456 = arith.constant 4095 : i32
    %and3A_457 = vector.broadcast %and3A_456 : i32 to vector<8x1xi32>
    %and3A_458 = arith.andi %broadcast_in_dim3A_455, %and3A_457 : vector<8x1xi32>
    %sub3A_459 = arith.constant 4095 : i32
    %sub3A_460 = vector.broadcast %sub3A_459 : i32 to vector<8x1xi32>
    %sub3A_461 = arith.subi %sub3A_460, %and3A_458 : vector<8x1xi32>
    %add3A_462 = arith.addi %sub3A_461, %mul3A_4 : vector<8x1xi32>
    %eq3A_463 = vector.broadcast %broadcast_in_dim3A_455 : vector<8x1xi32> to vector<8x4096xi32>
    %eq3A_464 = arith.cmpi eq, %select_n3A_452, %eq3A_463 : vector<8x4096xi32>
    %jit3A_465 = arith.constant -2147483648 : i32
    %broadcast_in_dim3A_466 = vector.broadcast %jit3A_465 : i32 to vector<8x4096xi32>
    %select_n3A_467 = arith.select %eq3A_464, %broadcast_in_dim3A_466, %select_n3A_452 : vector<8x4096xi1>, vector<8x4096xi32>
    %reduce_max3A_468 = arith.constant dense<-2147483648> : vector<8xi32>
    %reduce_max3A_469 = vector.multi_reduction <maxsi>, %select_n3A_467, %reduce_max3A_468 [1] : vector<8x4096xi32> to vector<8xi32>
    %broadcast_in_dim3A_470 = vector.shape_cast %reduce_max3A_469 : vector<8xi32> to vector<8x1xi32>
    %and3A_471 = arith.constant 4095 : i32
    %and3A_472 = vector.broadcast %and3A_471 : i32 to vector<8x1xi32>
    %and3A_473 = arith.andi %broadcast_in_dim3A_470, %and3A_472 : vector<8x1xi32>
    %sub3A_474 = arith.constant 4095 : i32
    %sub3A_475 = vector.broadcast %sub3A_474 : i32 to vector<8x1xi32>
    %sub3A_476 = arith.subi %sub3A_475, %and3A_473 : vector<8x1xi32>
    %add3A_477 = arith.addi %sub3A_476, %mul3A_4 : vector<8x1xi32>
    %eq3A_478 = vector.broadcast %broadcast_in_dim3A_470 : vector<8x1xi32> to vector<8x4096xi32>
    %eq3A_479 = arith.cmpi eq, %select_n3A_467, %eq3A_478 : vector<8x4096xi32>
    %jit3A_480 = arith.constant -2147483648 : i32
    %broadcast_in_dim3A_481 = vector.broadcast %jit3A_480 : i32 to vector<8x4096xi32>
    %select_n3A_482 = arith.select %eq3A_479, %broadcast_in_dim3A_481, %select_n3A_467 : vector<8x4096xi1>, vector<8x4096xi32>
    %reduce_max3A_483 = arith.constant dense<-2147483648> : vector<8xi32>
    %reduce_max3A_484 = vector.multi_reduction <maxsi>, %select_n3A_482, %reduce_max3A_483 [1] : vector<8x4096xi32> to vector<8xi32>
    %broadcast_in_dim3A_485 = vector.shape_cast %reduce_max3A_484 : vector<8xi32> to vector<8x1xi32>
    %and3A_486 = arith.constant 4095 : i32
    %and3A_487 = vector.broadcast %and3A_486 : i32 to vector<8x1xi32>
    %and3A_488 = arith.andi %broadcast_in_dim3A_485, %and3A_487 : vector<8x1xi32>
    %sub3A_489 = arith.constant 4095 : i32
    %sub3A_490 = vector.broadcast %sub3A_489 : i32 to vector<8x1xi32>
    %sub3A_491 = arith.subi %sub3A_490, %and3A_488 : vector<8x1xi32>
    %add3A_492 = arith.addi %sub3A_491, %mul3A_4 : vector<8x1xi32>
    %eq3A_493 = vector.broadcast %broadcast_in_dim3A_485 : vector<8x1xi32> to vector<8x4096xi32>
    %eq3A_494 = arith.cmpi eq, %select_n3A_482, %eq3A_493 : vector<8x4096xi32>
    %jit3A_495 = arith.constant -2147483648 : i32
    %broadcast_in_dim3A_496 = vector.broadcast %jit3A_495 : i32 to vector<8x4096xi32>
    %select_n3A_497 = arith.select %eq3A_494, %broadcast_in_dim3A_496, %select_n3A_482 : vector<8x4096xi1>, vector<8x4096xi32>
    %reduce_max3A_498 = arith.constant dense<-2147483648> : vector<8xi32>
    %reduce_max3A_499 = vector.multi_reduction <maxsi>, %select_n3A_497, %reduce_max3A_498 [1] : vector<8x4096xi32> to vector<8xi32>
    %broadcast_in_dim3A_500 = vector.shape_cast %reduce_max3A_499 : vector<8xi32> to vector<8x1xi32>
    %and3A_501 = arith.constant 4095 : i32
    %and3A_502 = vector.broadcast %and3A_501 : i32 to vector<8x1xi32>
    %and3A_503 = arith.andi %broadcast_in_dim3A_500, %and3A_502 : vector<8x1xi32>
    %sub3A_504 = arith.constant 4095 : i32
    %sub3A_505 = vector.broadcast %sub3A_504 : i32 to vector<8x1xi32>
    %sub3A_506 = arith.subi %sub3A_505, %and3A_503 : vector<8x1xi32>
    %add3A_507 = arith.addi %sub3A_506, %mul3A_4 : vector<8x1xi32>
    %eq3A_508 = vector.broadcast %broadcast_in_dim3A_500 : vector<8x1xi32> to vector<8x4096xi32>
    %eq3A_509 = arith.cmpi eq, %select_n3A_497, %eq3A_508 : vector<8x4096xi32>
    %jit3A_510 = arith.constant -2147483648 : i32
    %broadcast_in_dim3A_511 = vector.broadcast %jit3A_510 : i32 to vector<8x4096xi32>
    %select_n3A_512 = arith.select %eq3A_509, %broadcast_in_dim3A_511, %select_n3A_497 : vector<8x4096xi1>, vector<8x4096xi32>
    %reduce_max3A_513 = arith.constant dense<-2147483648> : vector<8xi32>
    %reduce_max3A_514 = vector.multi_reduction <maxsi>, %select_n3A_512, %reduce_max3A_513 [1] : vector<8x4096xi32> to vector<8xi32>
    %broadcast_in_dim3A_515 = vector.shape_cast %reduce_max3A_514 : vector<8xi32> to vector<8x1xi32>
    %and3A_516 = arith.constant 4095 : i32
    %and3A_517 = vector.broadcast %and3A_516 : i32 to vector<8x1xi32>
    %and3A_518 = arith.andi %broadcast_in_dim3A_515, %and3A_517 : vector<8x1xi32>
    %sub3A_519 = arith.constant 4095 : i32
    %sub3A_520 = vector.broadcast %sub3A_519 : i32 to vector<8x1xi32>
    %sub3A_521 = arith.subi %sub3A_520, %and3A_518 : vector<8x1xi32>
    %add3A_522 = arith.addi %sub3A_521, %mul3A_4 : vector<8x1xi32>
    %eq3A_523 = vector.broadcast %broadcast_in_dim3A_515 : vector<8x1xi32> to vector<8x4096xi32>
    %eq3A_524 = arith.cmpi eq, %select_n3A_512, %eq3A_523 : vector<8x4096xi32>
    %jit3A_525 = arith.constant -2147483648 : i32
    %broadcast_in_dim3A_526 = vector.broadcast %jit3A_525 : i32 to vector<8x4096xi32>
    %select_n3A_527 = arith.select %eq3A_524, %broadcast_in_dim3A_526, %select_n3A_512 : vector<8x4096xi1>, vector<8x4096xi32>
    %reduce_max3A_528 = arith.constant dense<-2147483648> : vector<8xi32>
    %reduce_max3A_529 = vector.multi_reduction <maxsi>, %select_n3A_527, %reduce_max3A_528 [1] : vector<8x4096xi32> to vector<8xi32>
    %broadcast_in_dim3A_530 = vector.shape_cast %reduce_max3A_529 : vector<8xi32> to vector<8x1xi32>
    %and3A_531 = arith.constant 4095 : i32
    %and3A_532 = vector.broadcast %and3A_531 : i32 to vector<8x1xi32>
    %and3A_533 = arith.andi %broadcast_in_dim3A_530, %and3A_532 : vector<8x1xi32>
    %sub3A_534 = arith.constant 4095 : i32
    %sub3A_535 = vector.broadcast %sub3A_534 : i32 to vector<8x1xi32>
    %sub3A_536 = arith.subi %sub3A_535, %and3A_533 : vector<8x1xi32>
    %add3A_537 = arith.addi %sub3A_536, %mul3A_4 : vector<8x1xi32>
    %eq3A_538 = vector.broadcast %broadcast_in_dim3A_530 : vector<8x1xi32> to vector<8x4096xi32>
    %eq3A_539 = arith.cmpi eq, %select_n3A_527, %eq3A_538 : vector<8x4096xi32>
    %jit3A_540 = arith.constant -2147483648 : i32
    %broadcast_in_dim3A_541 = vector.broadcast %jit3A_540 : i32 to vector<8x4096xi32>
    %select_n3A_542 = arith.select %eq3A_539, %broadcast_in_dim3A_541, %select_n3A_527 : vector<8x4096xi1>, vector<8x4096xi32>
    %reduce_max3A_543 = arith.constant dense<-2147483648> : vector<8xi32>
    %reduce_max3A_544 = vector.multi_reduction <maxsi>, %select_n3A_542, %reduce_max3A_543 [1] : vector<8x4096xi32> to vector<8xi32>
    %broadcast_in_dim3A_545 = vector.shape_cast %reduce_max3A_544 : vector<8xi32> to vector<8x1xi32>
    %and3A_546 = arith.constant 4095 : i32
    %and3A_547 = vector.broadcast %and3A_546 : i32 to vector<8x1xi32>
    %and3A_548 = arith.andi %broadcast_in_dim3A_545, %and3A_547 : vector<8x1xi32>
    %sub3A_549 = arith.constant 4095 : i32
    %sub3A_550 = vector.broadcast %sub3A_549 : i32 to vector<8x1xi32>
    %sub3A_551 = arith.subi %sub3A_550, %and3A_548 : vector<8x1xi32>
    %add3A_552 = arith.addi %sub3A_551, %mul3A_4 : vector<8x1xi32>
    %eq3A_553 = vector.broadcast %broadcast_in_dim3A_545 : vector<8x1xi32> to vector<8x4096xi32>
    %eq3A_554 = arith.cmpi eq, %select_n3A_542, %eq3A_553 : vector<8x4096xi32>
    %jit3A_555 = arith.constant -2147483648 : i32
    %broadcast_in_dim3A_556 = vector.broadcast %jit3A_555 : i32 to vector<8x4096xi32>
    %select_n3A_557 = arith.select %eq3A_554, %broadcast_in_dim3A_556, %select_n3A_542 : vector<8x4096xi1>, vector<8x4096xi32>
    %reduce_max3A_558 = arith.constant dense<-2147483648> : vector<8xi32>
    %reduce_max3A_559 = vector.multi_reduction <maxsi>, %select_n3A_557, %reduce_max3A_558 [1] : vector<8x4096xi32> to vector<8xi32>
    %broadcast_in_dim3A_560 = vector.shape_cast %reduce_max3A_559 : vector<8xi32> to vector<8x1xi32>
    %and3A_561 = arith.constant 4095 : i32
    %and3A_562 = vector.broadcast %and3A_561 : i32 to vector<8x1xi32>
    %and3A_563 = arith.andi %broadcast_in_dim3A_560, %and3A_562 : vector<8x1xi32>
    %sub3A_564 = arith.constant 4095 : i32
    %sub3A_565 = vector.broadcast %sub3A_564 : i32 to vector<8x1xi32>
    %sub3A_566 = arith.subi %sub3A_565, %and3A_563 : vector<8x1xi32>
    %add3A_567 = arith.addi %sub3A_566, %mul3A_4 : vector<8x1xi32>
    %eq3A_568 = vector.broadcast %broadcast_in_dim3A_560 : vector<8x1xi32> to vector<8x4096xi32>
    %eq3A_569 = arith.cmpi eq, %select_n3A_557, %eq3A_568 : vector<8x4096xi32>
    %jit3A_570 = arith.constant -2147483648 : i32
    %broadcast_in_dim3A_571 = vector.broadcast %jit3A_570 : i32 to vector<8x4096xi32>
    %select_n3A_572 = arith.select %eq3A_569, %broadcast_in_dim3A_571, %select_n3A_557 : vector<8x4096xi1>, vector<8x4096xi32>
    %reduce_max3A_573 = arith.constant dense<-2147483648> : vector<8xi32>
    %reduce_max3A_574 = vector.multi_reduction <maxsi>, %select_n3A_572, %reduce_max3A_573 [1] : vector<8x4096xi32> to vector<8xi32>
    %broadcast_in_dim3A_575 = vector.shape_cast %reduce_max3A_574 : vector<8xi32> to vector<8x1xi32>
    %and3A_576 = arith.constant 4095 : i32
    %and3A_577 = vector.broadcast %and3A_576 : i32 to vector<8x1xi32>
    %and3A_578 = arith.andi %broadcast_in_dim3A_575, %and3A_577 : vector<8x1xi32>
    %sub3A_579 = arith.constant 4095 : i32
    %sub3A_580 = vector.broadcast %sub3A_579 : i32 to vector<8x1xi32>
    %sub3A_581 = arith.subi %sub3A_580, %and3A_578 : vector<8x1xi32>
    %add3A_582 = arith.addi %sub3A_581, %mul3A_4 : vector<8x1xi32>
    %eq3A_583 = vector.broadcast %broadcast_in_dim3A_575 : vector<8x1xi32> to vector<8x4096xi32>
    %eq3A_584 = arith.cmpi eq, %select_n3A_572, %eq3A_583 : vector<8x4096xi32>
    %jit3A_585 = arith.constant -2147483648 : i32
    %broadcast_in_dim3A_586 = vector.broadcast %jit3A_585 : i32 to vector<8x4096xi32>
    %select_n3A_587 = arith.select %eq3A_584, %broadcast_in_dim3A_586, %select_n3A_572 : vector<8x4096xi1>, vector<8x4096xi32>
    %reduce_max3A_588 = arith.constant dense<-2147483648> : vector<8xi32>
    %reduce_max3A_589 = vector.multi_reduction <maxsi>, %select_n3A_587, %reduce_max3A_588 [1] : vector<8x4096xi32> to vector<8xi32>
    %broadcast_in_dim3A_590 = vector.shape_cast %reduce_max3A_589 : vector<8xi32> to vector<8x1xi32>
    %and3A_591 = arith.constant 4095 : i32
    %and3A_592 = vector.broadcast %and3A_591 : i32 to vector<8x1xi32>
    %and3A_593 = arith.andi %broadcast_in_dim3A_590, %and3A_592 : vector<8x1xi32>
    %sub3A_594 = arith.constant 4095 : i32
    %sub3A_595 = vector.broadcast %sub3A_594 : i32 to vector<8x1xi32>
    %sub3A_596 = arith.subi %sub3A_595, %and3A_593 : vector<8x1xi32>
    %add3A_597 = arith.addi %sub3A_596, %mul3A_4 : vector<8x1xi32>
    %eq3A_598 = vector.broadcast %broadcast_in_dim3A_590 : vector<8x1xi32> to vector<8x4096xi32>
    %eq3A_599 = arith.cmpi eq, %select_n3A_587, %eq3A_598 : vector<8x4096xi32>
    %jit3A_600 = arith.constant -2147483648 : i32
    %broadcast_in_dim3A_601 = vector.broadcast %jit3A_600 : i32 to vector<8x4096xi32>
    %select_n3A_602 = arith.select %eq3A_599, %broadcast_in_dim3A_601, %select_n3A_587 : vector<8x4096xi1>, vector<8x4096xi32>
    %reduce_max3A_603 = arith.constant dense<-2147483648> : vector<8xi32>
    %reduce_max3A_604 = vector.multi_reduction <maxsi>, %select_n3A_602, %reduce_max3A_603 [1] : vector<8x4096xi32> to vector<8xi32>
    %broadcast_in_dim3A_605 = vector.shape_cast %reduce_max3A_604 : vector<8xi32> to vector<8x1xi32>
    %and3A_606 = arith.constant 4095 : i32
    %and3A_607 = vector.broadcast %and3A_606 : i32 to vector<8x1xi32>
    %and3A_608 = arith.andi %broadcast_in_dim3A_605, %and3A_607 : vector<8x1xi32>
    %sub3A_609 = arith.constant 4095 : i32
    %sub3A_610 = vector.broadcast %sub3A_609 : i32 to vector<8x1xi32>
    %sub3A_611 = arith.subi %sub3A_610, %and3A_608 : vector<8x1xi32>
    %add3A_612 = arith.addi %sub3A_611, %mul3A_4 : vector<8x1xi32>
    %eq3A_613 = vector.broadcast %broadcast_in_dim3A_605 : vector<8x1xi32> to vector<8x4096xi32>
    %eq3A_614 = arith.cmpi eq, %select_n3A_602, %eq3A_613 : vector<8x4096xi32>
    %jit3A_615 = arith.constant -2147483648 : i32
    %broadcast_in_dim3A_616 = vector.broadcast %jit3A_615 : i32 to vector<8x4096xi32>
    %select_n3A_617 = arith.select %eq3A_614, %broadcast_in_dim3A_616, %select_n3A_602 : vector<8x4096xi1>, vector<8x4096xi32>
    %reduce_max3A_618 = arith.constant dense<-2147483648> : vector<8xi32>
    %reduce_max3A_619 = vector.multi_reduction <maxsi>, %select_n3A_617, %reduce_max3A_618 [1] : vector<8x4096xi32> to vector<8xi32>
    %broadcast_in_dim3A_620 = vector.shape_cast %reduce_max3A_619 : vector<8xi32> to vector<8x1xi32>
    %and3A_621 = arith.constant 4095 : i32
    %and3A_622 = vector.broadcast %and3A_621 : i32 to vector<8x1xi32>
    %and3A_623 = arith.andi %broadcast_in_dim3A_620, %and3A_622 : vector<8x1xi32>
    %sub3A_624 = arith.constant 4095 : i32
    %sub3A_625 = vector.broadcast %sub3A_624 : i32 to vector<8x1xi32>
    %sub3A_626 = arith.subi %sub3A_625, %and3A_623 : vector<8x1xi32>
    %add3A_627 = arith.addi %sub3A_626, %mul3A_4 : vector<8x1xi32>
    %eq3A_628 = vector.broadcast %broadcast_in_dim3A_620 : vector<8x1xi32> to vector<8x4096xi32>
    %eq3A_629 = arith.cmpi eq, %select_n3A_617, %eq3A_628 : vector<8x4096xi32>
    %jit3A_630 = arith.constant -2147483648 : i32
    %broadcast_in_dim3A_631 = vector.broadcast %jit3A_630 : i32 to vector<8x4096xi32>
    %select_n3A_632 = arith.select %eq3A_629, %broadcast_in_dim3A_631, %select_n3A_617 : vector<8x4096xi1>, vector<8x4096xi32>
    %reduce_max3A_633 = arith.constant dense<-2147483648> : vector<8xi32>
    %reduce_max3A_634 = vector.multi_reduction <maxsi>, %select_n3A_632, %reduce_max3A_633 [1] : vector<8x4096xi32> to vector<8xi32>
    %broadcast_in_dim3A_635 = vector.shape_cast %reduce_max3A_634 : vector<8xi32> to vector<8x1xi32>
    %and3A_636 = arith.constant 4095 : i32
    %and3A_637 = vector.broadcast %and3A_636 : i32 to vector<8x1xi32>
    %and3A_638 = arith.andi %broadcast_in_dim3A_635, %and3A_637 : vector<8x1xi32>
    %sub3A_639 = arith.constant 4095 : i32
    %sub3A_640 = vector.broadcast %sub3A_639 : i32 to vector<8x1xi32>
    %sub3A_641 = arith.subi %sub3A_640, %and3A_638 : vector<8x1xi32>
    %add3A_642 = arith.addi %sub3A_641, %mul3A_4 : vector<8x1xi32>
    %eq3A_643 = vector.broadcast %broadcast_in_dim3A_635 : vector<8x1xi32> to vector<8x4096xi32>
    %eq3A_644 = arith.cmpi eq, %select_n3A_632, %eq3A_643 : vector<8x4096xi32>
    %jit3A_645 = arith.constant -2147483648 : i32
    %broadcast_in_dim3A_646 = vector.broadcast %jit3A_645 : i32 to vector<8x4096xi32>
    %select_n3A_647 = arith.select %eq3A_644, %broadcast_in_dim3A_646, %select_n3A_632 : vector<8x4096xi1>, vector<8x4096xi32>
    %reduce_max3A_648 = arith.constant dense<-2147483648> : vector<8xi32>
    %reduce_max3A_649 = vector.multi_reduction <maxsi>, %select_n3A_647, %reduce_max3A_648 [1] : vector<8x4096xi32> to vector<8xi32>
    %broadcast_in_dim3A_650 = vector.shape_cast %reduce_max3A_649 : vector<8xi32> to vector<8x1xi32>
    %and3A_651 = arith.constant 4095 : i32
    %and3A_652 = vector.broadcast %and3A_651 : i32 to vector<8x1xi32>
    %and3A_653 = arith.andi %broadcast_in_dim3A_650, %and3A_652 : vector<8x1xi32>
    %sub3A_654 = arith.constant 4095 : i32
    %sub3A_655 = vector.broadcast %sub3A_654 : i32 to vector<8x1xi32>
    %sub3A_656 = arith.subi %sub3A_655, %and3A_653 : vector<8x1xi32>
    %add3A_657 = arith.addi %sub3A_656, %mul3A_4 : vector<8x1xi32>
    %eq3A_658 = vector.broadcast %broadcast_in_dim3A_650 : vector<8x1xi32> to vector<8x4096xi32>
    %eq3A_659 = arith.cmpi eq, %select_n3A_647, %eq3A_658 : vector<8x4096xi32>
    %jit3A_660 = arith.constant -2147483648 : i32
    %broadcast_in_dim3A_661 = vector.broadcast %jit3A_660 : i32 to vector<8x4096xi32>
    %select_n3A_662 = arith.select %eq3A_659, %broadcast_in_dim3A_661, %select_n3A_647 : vector<8x4096xi1>, vector<8x4096xi32>
    %reduce_max3A_663 = arith.constant dense<-2147483648> : vector<8xi32>
    %reduce_max3A_664 = vector.multi_reduction <maxsi>, %select_n3A_662, %reduce_max3A_663 [1] : vector<8x4096xi32> to vector<8xi32>
    %broadcast_in_dim3A_665 = vector.shape_cast %reduce_max3A_664 : vector<8xi32> to vector<8x1xi32>
    %and3A_666 = arith.constant 4095 : i32
    %and3A_667 = vector.broadcast %and3A_666 : i32 to vector<8x1xi32>
    %and3A_668 = arith.andi %broadcast_in_dim3A_665, %and3A_667 : vector<8x1xi32>
    %sub3A_669 = arith.constant 4095 : i32
    %sub3A_670 = vector.broadcast %sub3A_669 : i32 to vector<8x1xi32>
    %sub3A_671 = arith.subi %sub3A_670, %and3A_668 : vector<8x1xi32>
    %add3A_672 = arith.addi %sub3A_671, %mul3A_4 : vector<8x1xi32>
    %eq3A_673 = vector.broadcast %broadcast_in_dim3A_665 : vector<8x1xi32> to vector<8x4096xi32>
    %eq3A_674 = arith.cmpi eq, %select_n3A_662, %eq3A_673 : vector<8x4096xi32>
    %jit3A_675 = arith.constant -2147483648 : i32
    %broadcast_in_dim3A_676 = vector.broadcast %jit3A_675 : i32 to vector<8x4096xi32>
    %select_n3A_677 = arith.select %eq3A_674, %broadcast_in_dim3A_676, %select_n3A_662 : vector<8x4096xi1>, vector<8x4096xi32>
    %reduce_max3A_678 = arith.constant dense<-2147483648> : vector<8xi32>
    %reduce_max3A_679 = vector.multi_reduction <maxsi>, %select_n3A_677, %reduce_max3A_678 [1] : vector<8x4096xi32> to vector<8xi32>
    %broadcast_in_dim3A_680 = vector.shape_cast %reduce_max3A_679 : vector<8xi32> to vector<8x1xi32>
    %and3A_681 = arith.constant 4095 : i32
    %and3A_682 = vector.broadcast %and3A_681 : i32 to vector<8x1xi32>
    %and3A_683 = arith.andi %broadcast_in_dim3A_680, %and3A_682 : vector<8x1xi32>
    %sub3A_684 = arith.constant 4095 : i32
    %sub3A_685 = vector.broadcast %sub3A_684 : i32 to vector<8x1xi32>
    %sub3A_686 = arith.subi %sub3A_685, %and3A_683 : vector<8x1xi32>
    %add3A_687 = arith.addi %sub3A_686, %mul3A_4 : vector<8x1xi32>
    %eq3A_688 = vector.broadcast %broadcast_in_dim3A_680 : vector<8x1xi32> to vector<8x4096xi32>
    %eq3A_689 = arith.cmpi eq, %select_n3A_677, %eq3A_688 : vector<8x4096xi32>
    %jit3A_690 = arith.constant -2147483648 : i32
    %broadcast_in_dim3A_691 = vector.broadcast %jit3A_690 : i32 to vector<8x4096xi32>
    %select_n3A_692 = arith.select %eq3A_689, %broadcast_in_dim3A_691, %select_n3A_677 : vector<8x4096xi1>, vector<8x4096xi32>
    %reduce_max3A_693 = arith.constant dense<-2147483648> : vector<8xi32>
    %reduce_max3A_694 = vector.multi_reduction <maxsi>, %select_n3A_692, %reduce_max3A_693 [1] : vector<8x4096xi32> to vector<8xi32>
    %broadcast_in_dim3A_695 = vector.shape_cast %reduce_max3A_694 : vector<8xi32> to vector<8x1xi32>
    %and3A_696 = arith.constant 4095 : i32
    %and3A_697 = vector.broadcast %and3A_696 : i32 to vector<8x1xi32>
    %and3A_698 = arith.andi %broadcast_in_dim3A_695, %and3A_697 : vector<8x1xi32>
    %sub3A_699 = arith.constant 4095 : i32
    %sub3A_700 = vector.broadcast %sub3A_699 : i32 to vector<8x1xi32>
    %sub3A_701 = arith.subi %sub3A_700, %and3A_698 : vector<8x1xi32>
    %add3A_702 = arith.addi %sub3A_701, %mul3A_4 : vector<8x1xi32>
    %eq3A_703 = vector.broadcast %broadcast_in_dim3A_695 : vector<8x1xi32> to vector<8x4096xi32>
    %eq3A_704 = arith.cmpi eq, %select_n3A_692, %eq3A_703 : vector<8x4096xi32>
    %jit3A_705 = arith.constant -2147483648 : i32
    %broadcast_in_dim3A_706 = vector.broadcast %jit3A_705 : i32 to vector<8x4096xi32>
    %select_n3A_707 = arith.select %eq3A_704, %broadcast_in_dim3A_706, %select_n3A_692 : vector<8x4096xi1>, vector<8x4096xi32>
    %reduce_max3A_708 = arith.constant dense<-2147483648> : vector<8xi32>
    %reduce_max3A_709 = vector.multi_reduction <maxsi>, %select_n3A_707, %reduce_max3A_708 [1] : vector<8x4096xi32> to vector<8xi32>
    %broadcast_in_dim3A_710 = vector.shape_cast %reduce_max3A_709 : vector<8xi32> to vector<8x1xi32>
    %and3A_711 = arith.constant 4095 : i32
    %and3A_712 = vector.broadcast %and3A_711 : i32 to vector<8x1xi32>
    %and3A_713 = arith.andi %broadcast_in_dim3A_710, %and3A_712 : vector<8x1xi32>
    %sub3A_714 = arith.constant 4095 : i32
    %sub3A_715 = vector.broadcast %sub3A_714 : i32 to vector<8x1xi32>
    %sub3A_716 = arith.subi %sub3A_715, %and3A_713 : vector<8x1xi32>
    %add3A_717 = arith.addi %sub3A_716, %mul3A_4 : vector<8x1xi32>
    %eq3A_718 = vector.broadcast %broadcast_in_dim3A_710 : vector<8x1xi32> to vector<8x4096xi32>
    %eq3A_719 = arith.cmpi eq, %select_n3A_707, %eq3A_718 : vector<8x4096xi32>
    %jit3A_720 = arith.constant -2147483648 : i32
    %broadcast_in_dim3A_721 = vector.broadcast %jit3A_720 : i32 to vector<8x4096xi32>
    %select_n3A_722 = arith.select %eq3A_719, %broadcast_in_dim3A_721, %select_n3A_707 : vector<8x4096xi1>, vector<8x4096xi32>
    %reduce_max3A_723 = arith.constant dense<-2147483648> : vector<8xi32>
    %reduce_max3A_724 = vector.multi_reduction <maxsi>, %select_n3A_722, %reduce_max3A_723 [1] : vector<8x4096xi32> to vector<8xi32>
    %broadcast_in_dim3A_725 = vector.shape_cast %reduce_max3A_724 : vector<8xi32> to vector<8x1xi32>
    %and3A_726 = arith.constant 4095 : i32
    %and3A_727 = vector.broadcast %and3A_726 : i32 to vector<8x1xi32>
    %and3A_728 = arith.andi %broadcast_in_dim3A_725, %and3A_727 : vector<8x1xi32>
    %sub3A_729 = arith.constant 4095 : i32
    %sub3A_730 = vector.broadcast %sub3A_729 : i32 to vector<8x1xi32>
    %sub3A_731 = arith.subi %sub3A_730, %and3A_728 : vector<8x1xi32>
    %add3A_732 = arith.addi %sub3A_731, %mul3A_4 : vector<8x1xi32>
    %eq3A_733 = vector.broadcast %broadcast_in_dim3A_725 : vector<8x1xi32> to vector<8x4096xi32>
    %eq3A_734 = arith.cmpi eq, %select_n3A_722, %eq3A_733 : vector<8x4096xi32>
    %jit3A_735 = arith.constant -2147483648 : i32
    %broadcast_in_dim3A_736 = vector.broadcast %jit3A_735 : i32 to vector<8x4096xi32>
    %select_n3A_737 = arith.select %eq3A_734, %broadcast_in_dim3A_736, %select_n3A_722 : vector<8x4096xi1>, vector<8x4096xi32>
    %reduce_max3A_738 = arith.constant dense<-2147483648> : vector<8xi32>
    %reduce_max3A_739 = vector.multi_reduction <maxsi>, %select_n3A_737, %reduce_max3A_738 [1] : vector<8x4096xi32> to vector<8xi32>
    %broadcast_in_dim3A_740 = vector.shape_cast %reduce_max3A_739 : vector<8xi32> to vector<8x1xi32>
    %and3A_741 = arith.constant 4095 : i32
    %and3A_742 = vector.broadcast %and3A_741 : i32 to vector<8x1xi32>
    %and3A_743 = arith.andi %broadcast_in_dim3A_740, %and3A_742 : vector<8x1xi32>
    %sub3A_744 = arith.constant 4095 : i32
    %sub3A_745 = vector.broadcast %sub3A_744 : i32 to vector<8x1xi32>
    %sub3A_746 = arith.subi %sub3A_745, %and3A_743 : vector<8x1xi32>
    %add3A_747 = arith.addi %sub3A_746, %mul3A_4 : vector<8x1xi32>
    %eq3A_748 = vector.broadcast %broadcast_in_dim3A_740 : vector<8x1xi32> to vector<8x4096xi32>
    %eq3A_749 = arith.cmpi eq, %select_n3A_737, %eq3A_748 : vector<8x4096xi32>
    %jit3A_750 = arith.constant -2147483648 : i32
    %broadcast_in_dim3A_751 = vector.broadcast %jit3A_750 : i32 to vector<8x4096xi32>
    %select_n3A_752 = arith.select %eq3A_749, %broadcast_in_dim3A_751, %select_n3A_737 : vector<8x4096xi1>, vector<8x4096xi32>
    %reduce_max3A_753 = arith.constant dense<-2147483648> : vector<8xi32>
    %reduce_max3A_754 = vector.multi_reduction <maxsi>, %select_n3A_752, %reduce_max3A_753 [1] : vector<8x4096xi32> to vector<8xi32>
    %broadcast_in_dim3A_755 = vector.shape_cast %reduce_max3A_754 : vector<8xi32> to vector<8x1xi32>
    %and3A_756 = arith.constant 4095 : i32
    %and3A_757 = vector.broadcast %and3A_756 : i32 to vector<8x1xi32>
    %and3A_758 = arith.andi %broadcast_in_dim3A_755, %and3A_757 : vector<8x1xi32>
    %sub3A_759 = arith.constant 4095 : i32
    %sub3A_760 = vector.broadcast %sub3A_759 : i32 to vector<8x1xi32>
    %sub3A_761 = arith.subi %sub3A_760, %and3A_758 : vector<8x1xi32>
    %add3A_762 = arith.addi %sub3A_761, %mul3A_4 : vector<8x1xi32>
    %eq3A_763 = vector.broadcast %broadcast_in_dim3A_755 : vector<8x1xi32> to vector<8x4096xi32>
    %eq3A_764 = arith.cmpi eq, %select_n3A_752, %eq3A_763 : vector<8x4096xi32>
    %jit3A_765 = arith.constant -2147483648 : i32
    %broadcast_in_dim3A_766 = vector.broadcast %jit3A_765 : i32 to vector<8x4096xi32>
    %select_n3A_767 = arith.select %eq3A_764, %broadcast_in_dim3A_766, %select_n3A_752 : vector<8x4096xi1>, vector<8x4096xi32>
    %reduce_max3A_768 = arith.constant dense<-2147483648> : vector<8xi32>
    %reduce_max3A_769 = vector.multi_reduction <maxsi>, %select_n3A_767, %reduce_max3A_768 [1] : vector<8x4096xi32> to vector<8xi32>
    %broadcast_in_dim3A_770 = vector.shape_cast %reduce_max3A_769 : vector<8xi32> to vector<8x1xi32>
    %and3A_771 = arith.constant 4095 : i32
    %and3A_772 = vector.broadcast %and3A_771 : i32 to vector<8x1xi32>
    %and3A_773 = arith.andi %broadcast_in_dim3A_770, %and3A_772 : vector<8x1xi32>
    %sub3A_774 = arith.constant 4095 : i32
    %sub3A_775 = vector.broadcast %sub3A_774 : i32 to vector<8x1xi32>
    %sub3A_776 = arith.subi %sub3A_775, %and3A_773 : vector<8x1xi32>
    %add3A_777 = arith.addi %sub3A_776, %mul3A_4 : vector<8x1xi32>
    %eq3A_778 = vector.broadcast %broadcast_in_dim3A_770 : vector<8x1xi32> to vector<8x4096xi32>
    %eq3A_779 = arith.cmpi eq, %select_n3A_767, %eq3A_778 : vector<8x4096xi32>
    %jit3A_780 = arith.constant -2147483648 : i32
    %broadcast_in_dim3A_781 = vector.broadcast %jit3A_780 : i32 to vector<8x4096xi32>
    %select_n3A_782 = arith.select %eq3A_779, %broadcast_in_dim3A_781, %select_n3A_767 : vector<8x4096xi1>, vector<8x4096xi32>
    %reduce_max3A_783 = arith.constant dense<-2147483648> : vector<8xi32>
    %reduce_max3A_784 = vector.multi_reduction <maxsi>, %select_n3A_782, %reduce_max3A_783 [1] : vector<8x4096xi32> to vector<8xi32>
    %broadcast_in_dim3A_785 = vector.shape_cast %reduce_max3A_784 : vector<8xi32> to vector<8x1xi32>
    %and3A_786 = arith.constant 4095 : i32
    %and3A_787 = vector.broadcast %and3A_786 : i32 to vector<8x1xi32>
    %and3A_788 = arith.andi %broadcast_in_dim3A_785, %and3A_787 : vector<8x1xi32>
    %sub3A_789 = arith.constant 4095 : i32
    %sub3A_790 = vector.broadcast %sub3A_789 : i32 to vector<8x1xi32>
    %sub3A_791 = arith.subi %sub3A_790, %and3A_788 : vector<8x1xi32>
    %add3A_792 = arith.addi %sub3A_791, %mul3A_4 : vector<8x1xi32>
    %eq3A_793 = vector.broadcast %broadcast_in_dim3A_785 : vector<8x1xi32> to vector<8x4096xi32>
    %eq3A_794 = arith.cmpi eq, %select_n3A_782, %eq3A_793 : vector<8x4096xi32>
    %jit3A_795 = arith.constant -2147483648 : i32
    %broadcast_in_dim3A_796 = vector.broadcast %jit3A_795 : i32 to vector<8x4096xi32>
    %select_n3A_797 = arith.select %eq3A_794, %broadcast_in_dim3A_796, %select_n3A_782 : vector<8x4096xi1>, vector<8x4096xi32>
    %reduce_max3A_798 = arith.constant dense<-2147483648> : vector<8xi32>
    %reduce_max3A_799 = vector.multi_reduction <maxsi>, %select_n3A_797, %reduce_max3A_798 [1] : vector<8x4096xi32> to vector<8xi32>
    %broadcast_in_dim3A_800 = vector.shape_cast %reduce_max3A_799 : vector<8xi32> to vector<8x1xi32>
    %and3A_801 = arith.constant 4095 : i32
    %and3A_802 = vector.broadcast %and3A_801 : i32 to vector<8x1xi32>
    %and3A_803 = arith.andi %broadcast_in_dim3A_800, %and3A_802 : vector<8x1xi32>
    %sub3A_804 = arith.constant 4095 : i32
    %sub3A_805 = vector.broadcast %sub3A_804 : i32 to vector<8x1xi32>
    %sub3A_806 = arith.subi %sub3A_805, %and3A_803 : vector<8x1xi32>
    %add3A_807 = arith.addi %sub3A_806, %mul3A_4 : vector<8x1xi32>
    %eq3A_808 = vector.broadcast %broadcast_in_dim3A_800 : vector<8x1xi32> to vector<8x4096xi32>
    %eq3A_809 = arith.cmpi eq, %select_n3A_797, %eq3A_808 : vector<8x4096xi32>
    %jit3A_810 = arith.constant -2147483648 : i32
    %broadcast_in_dim3A_811 = vector.broadcast %jit3A_810 : i32 to vector<8x4096xi32>
    %select_n3A_812 = arith.select %eq3A_809, %broadcast_in_dim3A_811, %select_n3A_797 : vector<8x4096xi1>, vector<8x4096xi32>
    %reduce_max3A_813 = arith.constant dense<-2147483648> : vector<8xi32>
    %reduce_max3A_814 = vector.multi_reduction <maxsi>, %select_n3A_812, %reduce_max3A_813 [1] : vector<8x4096xi32> to vector<8xi32>
    %broadcast_in_dim3A_815 = vector.shape_cast %reduce_max3A_814 : vector<8xi32> to vector<8x1xi32>
    %and3A_816 = arith.constant 4095 : i32
    %and3A_817 = vector.broadcast %and3A_816 : i32 to vector<8x1xi32>
    %and3A_818 = arith.andi %broadcast_in_dim3A_815, %and3A_817 : vector<8x1xi32>
    %sub3A_819 = arith.constant 4095 : i32
    %sub3A_820 = vector.broadcast %sub3A_819 : i32 to vector<8x1xi32>
    %sub3A_821 = arith.subi %sub3A_820, %and3A_818 : vector<8x1xi32>
    %add3A_822 = arith.addi %sub3A_821, %mul3A_4 : vector<8x1xi32>
    %eq3A_823 = vector.broadcast %broadcast_in_dim3A_815 : vector<8x1xi32> to vector<8x4096xi32>
    %eq3A_824 = arith.cmpi eq, %select_n3A_812, %eq3A_823 : vector<8x4096xi32>
    %jit3A_825 = arith.constant -2147483648 : i32
    %broadcast_in_dim3A_826 = vector.broadcast %jit3A_825 : i32 to vector<8x4096xi32>
    %select_n3A_827 = arith.select %eq3A_824, %broadcast_in_dim3A_826, %select_n3A_812 : vector<8x4096xi1>, vector<8x4096xi32>
    %reduce_max3A_828 = arith.constant dense<-2147483648> : vector<8xi32>
    %reduce_max3A_829 = vector.multi_reduction <maxsi>, %select_n3A_827, %reduce_max3A_828 [1] : vector<8x4096xi32> to vector<8xi32>
    %broadcast_in_dim3A_830 = vector.shape_cast %reduce_max3A_829 : vector<8xi32> to vector<8x1xi32>
    %and3A_831 = arith.constant 4095 : i32
    %and3A_832 = vector.broadcast %and3A_831 : i32 to vector<8x1xi32>
    %and3A_833 = arith.andi %broadcast_in_dim3A_830, %and3A_832 : vector<8x1xi32>
    %sub3A_834 = arith.constant 4095 : i32
    %sub3A_835 = vector.broadcast %sub3A_834 : i32 to vector<8x1xi32>
    %sub3A_836 = arith.subi %sub3A_835, %and3A_833 : vector<8x1xi32>
    %add3A_837 = arith.addi %sub3A_836, %mul3A_4 : vector<8x1xi32>
    %eq3A_838 = vector.broadcast %broadcast_in_dim3A_830 : vector<8x1xi32> to vector<8x4096xi32>
    %eq3A_839 = arith.cmpi eq, %select_n3A_827, %eq3A_838 : vector<8x4096xi32>
    %jit3A_840 = arith.constant -2147483648 : i32
    %broadcast_in_dim3A_841 = vector.broadcast %jit3A_840 : i32 to vector<8x4096xi32>
    %select_n3A_842 = arith.select %eq3A_839, %broadcast_in_dim3A_841, %select_n3A_827 : vector<8x4096xi1>, vector<8x4096xi32>
    %reduce_max3A_843 = arith.constant dense<-2147483648> : vector<8xi32>
    %reduce_max3A_844 = vector.multi_reduction <maxsi>, %select_n3A_842, %reduce_max3A_843 [1] : vector<8x4096xi32> to vector<8xi32>
    %broadcast_in_dim3A_845 = vector.shape_cast %reduce_max3A_844 : vector<8xi32> to vector<8x1xi32>
    %and3A_846 = arith.constant 4095 : i32
    %and3A_847 = vector.broadcast %and3A_846 : i32 to vector<8x1xi32>
    %and3A_848 = arith.andi %broadcast_in_dim3A_845, %and3A_847 : vector<8x1xi32>
    %sub3A_849 = arith.constant 4095 : i32
    %sub3A_850 = vector.broadcast %sub3A_849 : i32 to vector<8x1xi32>
    %sub3A_851 = arith.subi %sub3A_850, %and3A_848 : vector<8x1xi32>
    %add3A_852 = arith.addi %sub3A_851, %mul3A_4 : vector<8x1xi32>
    %eq3A_853 = vector.broadcast %broadcast_in_dim3A_845 : vector<8x1xi32> to vector<8x4096xi32>
    %eq3A_854 = arith.cmpi eq, %select_n3A_842, %eq3A_853 : vector<8x4096xi32>
    %jit3A_855 = arith.constant -2147483648 : i32
    %broadcast_in_dim3A_856 = vector.broadcast %jit3A_855 : i32 to vector<8x4096xi32>
    %select_n3A_857 = arith.select %eq3A_854, %broadcast_in_dim3A_856, %select_n3A_842 : vector<8x4096xi1>, vector<8x4096xi32>
    %reduce_max3A_858 = arith.constant dense<-2147483648> : vector<8xi32>
    %reduce_max3A_859 = vector.multi_reduction <maxsi>, %select_n3A_857, %reduce_max3A_858 [1] : vector<8x4096xi32> to vector<8xi32>
    %broadcast_in_dim3A_860 = vector.shape_cast %reduce_max3A_859 : vector<8xi32> to vector<8x1xi32>
    %and3A_861 = arith.constant 4095 : i32
    %and3A_862 = vector.broadcast %and3A_861 : i32 to vector<8x1xi32>
    %and3A_863 = arith.andi %broadcast_in_dim3A_860, %and3A_862 : vector<8x1xi32>
    %sub3A_864 = arith.constant 4095 : i32
    %sub3A_865 = vector.broadcast %sub3A_864 : i32 to vector<8x1xi32>
    %sub3A_866 = arith.subi %sub3A_865, %and3A_863 : vector<8x1xi32>
    %add3A_867 = arith.addi %sub3A_866, %mul3A_4 : vector<8x1xi32>
    %eq3A_868 = vector.broadcast %broadcast_in_dim3A_860 : vector<8x1xi32> to vector<8x4096xi32>
    %eq3A_869 = arith.cmpi eq, %select_n3A_857, %eq3A_868 : vector<8x4096xi32>
    %jit3A_870 = arith.constant -2147483648 : i32
    %broadcast_in_dim3A_871 = vector.broadcast %jit3A_870 : i32 to vector<8x4096xi32>
    %select_n3A_872 = arith.select %eq3A_869, %broadcast_in_dim3A_871, %select_n3A_857 : vector<8x4096xi1>, vector<8x4096xi32>
    %reduce_max3A_873 = arith.constant dense<-2147483648> : vector<8xi32>
    %reduce_max3A_874 = vector.multi_reduction <maxsi>, %select_n3A_872, %reduce_max3A_873 [1] : vector<8x4096xi32> to vector<8xi32>
    %broadcast_in_dim3A_875 = vector.shape_cast %reduce_max3A_874 : vector<8xi32> to vector<8x1xi32>
    %and3A_876 = arith.constant 4095 : i32
    %and3A_877 = vector.broadcast %and3A_876 : i32 to vector<8x1xi32>
    %and3A_878 = arith.andi %broadcast_in_dim3A_875, %and3A_877 : vector<8x1xi32>
    %sub3A_879 = arith.constant 4095 : i32
    %sub3A_880 = vector.broadcast %sub3A_879 : i32 to vector<8x1xi32>
    %sub3A_881 = arith.subi %sub3A_880, %and3A_878 : vector<8x1xi32>
    %add3A_882 = arith.addi %sub3A_881, %mul3A_4 : vector<8x1xi32>
    %eq3A_883 = vector.broadcast %broadcast_in_dim3A_875 : vector<8x1xi32> to vector<8x4096xi32>
    %eq3A_884 = arith.cmpi eq, %select_n3A_872, %eq3A_883 : vector<8x4096xi32>
    %jit3A_885 = arith.constant -2147483648 : i32
    %broadcast_in_dim3A_886 = vector.broadcast %jit3A_885 : i32 to vector<8x4096xi32>
    %select_n3A_887 = arith.select %eq3A_884, %broadcast_in_dim3A_886, %select_n3A_872 : vector<8x4096xi1>, vector<8x4096xi32>
    %reduce_max3A_888 = arith.constant dense<-2147483648> : vector<8xi32>
    %reduce_max3A_889 = vector.multi_reduction <maxsi>, %select_n3A_887, %reduce_max3A_888 [1] : vector<8x4096xi32> to vector<8xi32>
    %broadcast_in_dim3A_890 = vector.shape_cast %reduce_max3A_889 : vector<8xi32> to vector<8x1xi32>
    %and3A_891 = arith.constant 4095 : i32
    %and3A_892 = vector.broadcast %and3A_891 : i32 to vector<8x1xi32>
    %and3A_893 = arith.andi %broadcast_in_dim3A_890, %and3A_892 : vector<8x1xi32>
    %sub3A_894 = arith.constant 4095 : i32
    %sub3A_895 = vector.broadcast %sub3A_894 : i32 to vector<8x1xi32>
    %sub3A_896 = arith.subi %sub3A_895, %and3A_893 : vector<8x1xi32>
    %add3A_897 = arith.addi %sub3A_896, %mul3A_4 : vector<8x1xi32>
    %eq3A_898 = vector.broadcast %broadcast_in_dim3A_890 : vector<8x1xi32> to vector<8x4096xi32>
    %eq3A_899 = arith.cmpi eq, %select_n3A_887, %eq3A_898 : vector<8x4096xi32>
    %jit3A_900 = arith.constant -2147483648 : i32
    %broadcast_in_dim3A_901 = vector.broadcast %jit3A_900 : i32 to vector<8x4096xi32>
    %select_n3A_902 = arith.select %eq3A_899, %broadcast_in_dim3A_901, %select_n3A_887 : vector<8x4096xi1>, vector<8x4096xi32>
    %reduce_max3A_903 = arith.constant dense<-2147483648> : vector<8xi32>
    %reduce_max3A_904 = vector.multi_reduction <maxsi>, %select_n3A_902, %reduce_max3A_903 [1] : vector<8x4096xi32> to vector<8xi32>
    %broadcast_in_dim3A_905 = vector.shape_cast %reduce_max3A_904 : vector<8xi32> to vector<8x1xi32>
    %and3A_906 = arith.constant 4095 : i32
    %and3A_907 = vector.broadcast %and3A_906 : i32 to vector<8x1xi32>
    %and3A_908 = arith.andi %broadcast_in_dim3A_905, %and3A_907 : vector<8x1xi32>
    %sub3A_909 = arith.constant 4095 : i32
    %sub3A_910 = vector.broadcast %sub3A_909 : i32 to vector<8x1xi32>
    %sub3A_911 = arith.subi %sub3A_910, %and3A_908 : vector<8x1xi32>
    %add3A_912 = arith.addi %sub3A_911, %mul3A_4 : vector<8x1xi32>
    %eq3A_913 = vector.broadcast %broadcast_in_dim3A_905 : vector<8x1xi32> to vector<8x4096xi32>
    %eq3A_914 = arith.cmpi eq, %select_n3A_902, %eq3A_913 : vector<8x4096xi32>
    %jit3A_915 = arith.constant -2147483648 : i32
    %broadcast_in_dim3A_916 = vector.broadcast %jit3A_915 : i32 to vector<8x4096xi32>
    %select_n3A_917 = arith.select %eq3A_914, %broadcast_in_dim3A_916, %select_n3A_902 : vector<8x4096xi1>, vector<8x4096xi32>
    %reduce_max3A_918 = arith.constant dense<-2147483648> : vector<8xi32>
    %reduce_max3A_919 = vector.multi_reduction <maxsi>, %select_n3A_917, %reduce_max3A_918 [1] : vector<8x4096xi32> to vector<8xi32>
    %broadcast_in_dim3A_920 = vector.shape_cast %reduce_max3A_919 : vector<8xi32> to vector<8x1xi32>
    %and3A_921 = arith.constant 4095 : i32
    %and3A_922 = vector.broadcast %and3A_921 : i32 to vector<8x1xi32>
    %and3A_923 = arith.andi %broadcast_in_dim3A_920, %and3A_922 : vector<8x1xi32>
    %sub3A_924 = arith.constant 4095 : i32
    %sub3A_925 = vector.broadcast %sub3A_924 : i32 to vector<8x1xi32>
    %sub3A_926 = arith.subi %sub3A_925, %and3A_923 : vector<8x1xi32>
    %add3A_927 = arith.addi %sub3A_926, %mul3A_4 : vector<8x1xi32>
    %eq3A_928 = vector.broadcast %broadcast_in_dim3A_920 : vector<8x1xi32> to vector<8x4096xi32>
    %eq3A_929 = arith.cmpi eq, %select_n3A_917, %eq3A_928 : vector<8x4096xi32>
    %jit3A_930 = arith.constant -2147483648 : i32
    %broadcast_in_dim3A_931 = vector.broadcast %jit3A_930 : i32 to vector<8x4096xi32>
    %select_n3A_932 = arith.select %eq3A_929, %broadcast_in_dim3A_931, %select_n3A_917 : vector<8x4096xi1>, vector<8x4096xi32>
    %reduce_max3A_933 = arith.constant dense<-2147483648> : vector<8xi32>
    %reduce_max3A_934 = vector.multi_reduction <maxsi>, %select_n3A_932, %reduce_max3A_933 [1] : vector<8x4096xi32> to vector<8xi32>
    %broadcast_in_dim3A_935 = vector.shape_cast %reduce_max3A_934 : vector<8xi32> to vector<8x1xi32>
    %and3A_936 = arith.constant 4095 : i32
    %and3A_937 = vector.broadcast %and3A_936 : i32 to vector<8x1xi32>
    %and3A_938 = arith.andi %broadcast_in_dim3A_935, %and3A_937 : vector<8x1xi32>
    %sub3A_939 = arith.constant 4095 : i32
    %sub3A_940 = vector.broadcast %sub3A_939 : i32 to vector<8x1xi32>
    %sub3A_941 = arith.subi %sub3A_940, %and3A_938 : vector<8x1xi32>
    %add3A_942 = arith.addi %sub3A_941, %mul3A_4 : vector<8x1xi32>
    %eq3A_943 = vector.broadcast %broadcast_in_dim3A_935 : vector<8x1xi32> to vector<8x4096xi32>
    %eq3A_944 = arith.cmpi eq, %select_n3A_932, %eq3A_943 : vector<8x4096xi32>
    %jit3A_945 = arith.constant -2147483648 : i32
    %broadcast_in_dim3A_946 = vector.broadcast %jit3A_945 : i32 to vector<8x4096xi32>
    %select_n3A_947 = arith.select %eq3A_944, %broadcast_in_dim3A_946, %select_n3A_932 : vector<8x4096xi1>, vector<8x4096xi32>
    %reduce_max3A_948 = arith.constant dense<-2147483648> : vector<8xi32>
    %reduce_max3A_949 = vector.multi_reduction <maxsi>, %select_n3A_947, %reduce_max3A_948 [1] : vector<8x4096xi32> to vector<8xi32>
    %broadcast_in_dim3A_950 = vector.shape_cast %reduce_max3A_949 : vector<8xi32> to vector<8x1xi32>
    %and3A_951 = arith.constant 4095 : i32
    %and3A_952 = vector.broadcast %and3A_951 : i32 to vector<8x1xi32>
    %and3A_953 = arith.andi %broadcast_in_dim3A_950, %and3A_952 : vector<8x1xi32>
    %sub3A_954 = arith.constant 4095 : i32
    %sub3A_955 = vector.broadcast %sub3A_954 : i32 to vector<8x1xi32>
    %sub3A_956 = arith.subi %sub3A_955, %and3A_953 : vector<8x1xi32>
    %add3A_957 = arith.addi %sub3A_956, %mul3A_4 : vector<8x1xi32>
    %eq3A_958 = vector.broadcast %broadcast_in_dim3A_950 : vector<8x1xi32> to vector<8x4096xi32>
    %eq3A_959 = arith.cmpi eq, %select_n3A_947, %eq3A_958 : vector<8x4096xi32>
    %jit3A_960 = arith.constant -2147483648 : i32
    %broadcast_in_dim3A_961 = vector.broadcast %jit3A_960 : i32 to vector<8x4096xi32>
    %select_n3A_962 = arith.select %eq3A_959, %broadcast_in_dim3A_961, %select_n3A_947 : vector<8x4096xi1>, vector<8x4096xi32>
    %reduce_max3A_963 = arith.constant dense<-2147483648> : vector<8xi32>
    %reduce_max3A_964 = vector.multi_reduction <maxsi>, %select_n3A_962, %reduce_max3A_963 [1] : vector<8x4096xi32> to vector<8xi32>
    %broadcast_in_dim3A_965 = vector.shape_cast %reduce_max3A_964 : vector<8xi32> to vector<8x1xi32>
    %and3A_966 = arith.constant 4095 : i32
    %and3A_967 = vector.broadcast %and3A_966 : i32 to vector<8x1xi32>
    %and3A_968 = arith.andi %broadcast_in_dim3A_965, %and3A_967 : vector<8x1xi32>
    %sub3A_969 = arith.constant 4095 : i32
    %sub3A_970 = vector.broadcast %sub3A_969 : i32 to vector<8x1xi32>
    %sub3A_971 = arith.subi %sub3A_970, %and3A_968 : vector<8x1xi32>
    %add3A_972 = arith.addi %sub3A_971, %mul3A_4 : vector<8x1xi32>
    %eq3A_973 = vector.broadcast %broadcast_in_dim3A_965 : vector<8x1xi32> to vector<8x4096xi32>
    %eq3A_974 = arith.cmpi eq, %select_n3A_962, %eq3A_973 : vector<8x4096xi32>
    %jit3A_975 = arith.constant -2147483648 : i32
    %broadcast_in_dim3A_976 = vector.broadcast %jit3A_975 : i32 to vector<8x4096xi32>
    %select_n3A_977 = arith.select %eq3A_974, %broadcast_in_dim3A_976, %select_n3A_962 : vector<8x4096xi1>, vector<8x4096xi32>
    %reduce_max3A_978 = arith.constant dense<-2147483648> : vector<8xi32>
    %reduce_max3A_979 = vector.multi_reduction <maxsi>, %select_n3A_977, %reduce_max3A_978 [1] : vector<8x4096xi32> to vector<8xi32>
    %broadcast_in_dim3A_980 = vector.shape_cast %reduce_max3A_979 : vector<8xi32> to vector<8x1xi32>
    %and3A_981 = arith.constant 4095 : i32
    %and3A_982 = vector.broadcast %and3A_981 : i32 to vector<8x1xi32>
    %and3A_983 = arith.andi %broadcast_in_dim3A_980, %and3A_982 : vector<8x1xi32>
    %sub3A_984 = arith.constant 4095 : i32
    %sub3A_985 = vector.broadcast %sub3A_984 : i32 to vector<8x1xi32>
    %sub3A_986 = arith.subi %sub3A_985, %and3A_983 : vector<8x1xi32>
    %add3A_987 = arith.addi %sub3A_986, %mul3A_4 : vector<8x1xi32>
    %eq3A_988 = vector.broadcast %broadcast_in_dim3A_980 : vector<8x1xi32> to vector<8x4096xi32>
    %eq3A_989 = arith.cmpi eq, %select_n3A_977, %eq3A_988 : vector<8x4096xi32>
    %jit3A_990 = arith.constant -2147483648 : i32
    %broadcast_in_dim3A_991 = vector.broadcast %jit3A_990 : i32 to vector<8x4096xi32>
    %select_n3A_992 = arith.select %eq3A_989, %broadcast_in_dim3A_991, %select_n3A_977 : vector<8x4096xi1>, vector<8x4096xi32>
    %reduce_max3A_993 = arith.constant dense<-2147483648> : vector<8xi32>
    %reduce_max3A_994 = vector.multi_reduction <maxsi>, %select_n3A_992, %reduce_max3A_993 [1] : vector<8x4096xi32> to vector<8xi32>
    %broadcast_in_dim3A_995 = vector.shape_cast %reduce_max3A_994 : vector<8xi32> to vector<8x1xi32>
    %and3A_996 = arith.constant 4095 : i32
    %and3A_997 = vector.broadcast %and3A_996 : i32 to vector<8x1xi32>
    %and3A_998 = arith.andi %broadcast_in_dim3A_995, %and3A_997 : vector<8x1xi32>
    %sub3A_999 = arith.constant 4095 : i32
    %sub3A_1000 = vector.broadcast %sub3A_999 : i32 to vector<8x1xi32>
    %sub3A_1001 = arith.subi %sub3A_1000, %and3A_998 : vector<8x1xi32>
    %add3A_1002 = arith.addi %sub3A_1001, %mul3A_4 : vector<8x1xi32>
    %eq3A_1003 = vector.broadcast %broadcast_in_dim3A_995 : vector<8x1xi32> to vector<8x4096xi32>
    %eq3A_1004 = arith.cmpi eq, %select_n3A_992, %eq3A_1003 : vector<8x4096xi32>
    %jit3A_1005 = arith.constant -2147483648 : i32
    %broadcast_in_dim3A_1006 = vector.broadcast %jit3A_1005 : i32 to vector<8x4096xi32>
    %select_n3A_1007 = arith.select %eq3A_1004, %broadcast_in_dim3A_1006, %select_n3A_992 : vector<8x4096xi1>, vector<8x4096xi32>
    %reduce_max3A_1008 = arith.constant dense<-2147483648> : vector<8xi32>
    %reduce_max3A_1009 = vector.multi_reduction <maxsi>, %select_n3A_1007, %reduce_max3A_1008 [1] : vector<8x4096xi32> to vector<8xi32>
    %broadcast_in_dim3A_1010 = vector.shape_cast %reduce_max3A_1009 : vector<8xi32> to vector<8x1xi32>
    %and3A_1011 = arith.constant 4095 : i32
    %and3A_1012 = vector.broadcast %and3A_1011 : i32 to vector<8x1xi32>
    %and3A_1013 = arith.andi %broadcast_in_dim3A_1010, %and3A_1012 : vector<8x1xi32>
    %sub3A_1014 = arith.constant 4095 : i32
    %sub3A_1015 = vector.broadcast %sub3A_1014 : i32 to vector<8x1xi32>
    %sub3A_1016 = arith.subi %sub3A_1015, %and3A_1013 : vector<8x1xi32>
    %add3A_1017 = arith.addi %sub3A_1016, %mul3A_4 : vector<8x1xi32>
    %eq3A_1018 = vector.broadcast %broadcast_in_dim3A_1010 : vector<8x1xi32> to vector<8x4096xi32>
    %eq3A_1019 = arith.cmpi eq, %select_n3A_1007, %eq3A_1018 : vector<8x4096xi32>
    %jit3A_1020 = arith.constant -2147483648 : i32
    %broadcast_in_dim3A_1021 = vector.broadcast %jit3A_1020 : i32 to vector<8x4096xi32>
    %select_n3A_1022 = arith.select %eq3A_1019, %broadcast_in_dim3A_1021, %select_n3A_1007 : vector<8x4096xi1>, vector<8x4096xi32>
    %reduce_max3A_1023 = arith.constant dense<-2147483648> : vector<8xi32>
    %reduce_max3A_1024 = vector.multi_reduction <maxsi>, %select_n3A_1022, %reduce_max3A_1023 [1] : vector<8x4096xi32> to vector<8xi32>
    %broadcast_in_dim3A_1025 = vector.shape_cast %reduce_max3A_1024 : vector<8xi32> to vector<8x1xi32>
    %and3A_1026 = arith.constant 4095 : i32
    %and3A_1027 = vector.broadcast %and3A_1026 : i32 to vector<8x1xi32>
    %and3A_1028 = arith.andi %broadcast_in_dim3A_1025, %and3A_1027 : vector<8x1xi32>
    %sub3A_1029 = arith.constant 4095 : i32
    %sub3A_1030 = vector.broadcast %sub3A_1029 : i32 to vector<8x1xi32>
    %sub3A_1031 = arith.subi %sub3A_1030, %and3A_1028 : vector<8x1xi32>
    %add3A_1032 = arith.addi %sub3A_1031, %mul3A_4 : vector<8x1xi32>
    %eq3A_1033 = vector.broadcast %broadcast_in_dim3A_1025 : vector<8x1xi32> to vector<8x4096xi32>
    %eq3A_1034 = arith.cmpi eq, %select_n3A_1022, %eq3A_1033 : vector<8x4096xi32>
    %jit3A_1035 = arith.constant -2147483648 : i32
    %broadcast_in_dim3A_1036 = vector.broadcast %jit3A_1035 : i32 to vector<8x4096xi32>
    %select_n3A_1037 = arith.select %eq3A_1034, %broadcast_in_dim3A_1036, %select_n3A_1022 : vector<8x4096xi1>, vector<8x4096xi32>
    %reduce_max3A_1038 = arith.constant dense<-2147483648> : vector<8xi32>
    %reduce_max3A_1039 = vector.multi_reduction <maxsi>, %select_n3A_1037, %reduce_max3A_1038 [1] : vector<8x4096xi32> to vector<8xi32>
    %broadcast_in_dim3A_1040 = vector.shape_cast %reduce_max3A_1039 : vector<8xi32> to vector<8x1xi32>
    %and3A_1041 = arith.constant 4095 : i32
    %and3A_1042 = vector.broadcast %and3A_1041 : i32 to vector<8x1xi32>
    %and3A_1043 = arith.andi %broadcast_in_dim3A_1040, %and3A_1042 : vector<8x1xi32>
    %sub3A_1044 = arith.constant 4095 : i32
    %sub3A_1045 = vector.broadcast %sub3A_1044 : i32 to vector<8x1xi32>
    %sub3A_1046 = arith.subi %sub3A_1045, %and3A_1043 : vector<8x1xi32>
    %add3A_1047 = arith.addi %sub3A_1046, %mul3A_4 : vector<8x1xi32>
    %eq3A_1048 = vector.broadcast %broadcast_in_dim3A_1040 : vector<8x1xi32> to vector<8x4096xi32>
    %eq3A_1049 = arith.cmpi eq, %select_n3A_1037, %eq3A_1048 : vector<8x4096xi32>
    %jit3A_1050 = arith.constant -2147483648 : i32
    %broadcast_in_dim3A_1051 = vector.broadcast %jit3A_1050 : i32 to vector<8x4096xi32>
    %select_n3A_1052 = arith.select %eq3A_1049, %broadcast_in_dim3A_1051, %select_n3A_1037 : vector<8x4096xi1>, vector<8x4096xi32>
    %reduce_max3A_1053 = arith.constant dense<-2147483648> : vector<8xi32>
    %reduce_max3A_1054 = vector.multi_reduction <maxsi>, %select_n3A_1052, %reduce_max3A_1053 [1] : vector<8x4096xi32> to vector<8xi32>
    %broadcast_in_dim3A_1055 = vector.shape_cast %reduce_max3A_1054 : vector<8xi32> to vector<8x1xi32>
    %and3A_1056 = arith.constant 4095 : i32
    %and3A_1057 = vector.broadcast %and3A_1056 : i32 to vector<8x1xi32>
    %and3A_1058 = arith.andi %broadcast_in_dim3A_1055, %and3A_1057 : vector<8x1xi32>
    %sub3A_1059 = arith.constant 4095 : i32
    %sub3A_1060 = vector.broadcast %sub3A_1059 : i32 to vector<8x1xi32>
    %sub3A_1061 = arith.subi %sub3A_1060, %and3A_1058 : vector<8x1xi32>
    %add3A_1062 = arith.addi %sub3A_1061, %mul3A_4 : vector<8x1xi32>
    %eq3A_1063 = vector.broadcast %broadcast_in_dim3A_1055 : vector<8x1xi32> to vector<8x4096xi32>
    %eq3A_1064 = arith.cmpi eq, %select_n3A_1052, %eq3A_1063 : vector<8x4096xi32>
    %jit3A_1065 = arith.constant -2147483648 : i32
    %broadcast_in_dim3A_1066 = vector.broadcast %jit3A_1065 : i32 to vector<8x4096xi32>
    %select_n3A_1067 = arith.select %eq3A_1064, %broadcast_in_dim3A_1066, %select_n3A_1052 : vector<8x4096xi1>, vector<8x4096xi32>
    %reduce_max3A_1068 = arith.constant dense<-2147483648> : vector<8xi32>
    %reduce_max3A_1069 = vector.multi_reduction <maxsi>, %select_n3A_1067, %reduce_max3A_1068 [1] : vector<8x4096xi32> to vector<8xi32>
    %broadcast_in_dim3A_1070 = vector.shape_cast %reduce_max3A_1069 : vector<8xi32> to vector<8x1xi32>
    %and3A_1071 = arith.constant 4095 : i32
    %and3A_1072 = vector.broadcast %and3A_1071 : i32 to vector<8x1xi32>
    %and3A_1073 = arith.andi %broadcast_in_dim3A_1070, %and3A_1072 : vector<8x1xi32>
    %sub3A_1074 = arith.constant 4095 : i32
    %sub3A_1075 = vector.broadcast %sub3A_1074 : i32 to vector<8x1xi32>
    %sub3A_1076 = arith.subi %sub3A_1075, %and3A_1073 : vector<8x1xi32>
    %add3A_1077 = arith.addi %sub3A_1076, %mul3A_4 : vector<8x1xi32>
    %eq3A_1078 = vector.broadcast %broadcast_in_dim3A_1070 : vector<8x1xi32> to vector<8x4096xi32>
    %eq3A_1079 = arith.cmpi eq, %select_n3A_1067, %eq3A_1078 : vector<8x4096xi32>
    %jit3A_1080 = arith.constant -2147483648 : i32
    %broadcast_in_dim3A_1081 = vector.broadcast %jit3A_1080 : i32 to vector<8x4096xi32>
    %select_n3A_1082 = arith.select %eq3A_1079, %broadcast_in_dim3A_1081, %select_n3A_1067 : vector<8x4096xi1>, vector<8x4096xi32>
    %reduce_max3A_1083 = arith.constant dense<-2147483648> : vector<8xi32>
    %reduce_max3A_1084 = vector.multi_reduction <maxsi>, %select_n3A_1082, %reduce_max3A_1083 [1] : vector<8x4096xi32> to vector<8xi32>
    %broadcast_in_dim3A_1085 = vector.shape_cast %reduce_max3A_1084 : vector<8xi32> to vector<8x1xi32>
    %and3A_1086 = arith.constant 4095 : i32
    %and3A_1087 = vector.broadcast %and3A_1086 : i32 to vector<8x1xi32>
    %and3A_1088 = arith.andi %broadcast_in_dim3A_1085, %and3A_1087 : vector<8x1xi32>
    %sub3A_1089 = arith.constant 4095 : i32
    %sub3A_1090 = vector.broadcast %sub3A_1089 : i32 to vector<8x1xi32>
    %sub3A_1091 = arith.subi %sub3A_1090, %and3A_1088 : vector<8x1xi32>
    %add3A_1092 = arith.addi %sub3A_1091, %mul3A_4 : vector<8x1xi32>
    %eq3A_1093 = vector.broadcast %broadcast_in_dim3A_1085 : vector<8x1xi32> to vector<8x4096xi32>
    %eq3A_1094 = arith.cmpi eq, %select_n3A_1082, %eq3A_1093 : vector<8x4096xi32>
    %jit3A_1095 = arith.constant -2147483648 : i32
    %broadcast_in_dim3A_1096 = vector.broadcast %jit3A_1095 : i32 to vector<8x4096xi32>
    %select_n3A_1097 = arith.select %eq3A_1094, %broadcast_in_dim3A_1096, %select_n3A_1082 : vector<8x4096xi1>, vector<8x4096xi32>
    %reduce_max3A_1098 = arith.constant dense<-2147483648> : vector<8xi32>
    %reduce_max3A_1099 = vector.multi_reduction <maxsi>, %select_n3A_1097, %reduce_max3A_1098 [1] : vector<8x4096xi32> to vector<8xi32>
    %broadcast_in_dim3A_1100 = vector.shape_cast %reduce_max3A_1099 : vector<8xi32> to vector<8x1xi32>
    %and3A_1101 = arith.constant 4095 : i32
    %and3A_1102 = vector.broadcast %and3A_1101 : i32 to vector<8x1xi32>
    %and3A_1103 = arith.andi %broadcast_in_dim3A_1100, %and3A_1102 : vector<8x1xi32>
    %sub3A_1104 = arith.constant 4095 : i32
    %sub3A_1105 = vector.broadcast %sub3A_1104 : i32 to vector<8x1xi32>
    %sub3A_1106 = arith.subi %sub3A_1105, %and3A_1103 : vector<8x1xi32>
    %add3A_1107 = arith.addi %sub3A_1106, %mul3A_4 : vector<8x1xi32>
    %eq3A_1108 = vector.broadcast %broadcast_in_dim3A_1100 : vector<8x1xi32> to vector<8x4096xi32>
    %eq3A_1109 = arith.cmpi eq, %select_n3A_1097, %eq3A_1108 : vector<8x4096xi32>
    %jit3A_1110 = arith.constant -2147483648 : i32
    %broadcast_in_dim3A_1111 = vector.broadcast %jit3A_1110 : i32 to vector<8x4096xi32>
    %select_n3A_1112 = arith.select %eq3A_1109, %broadcast_in_dim3A_1111, %select_n3A_1097 : vector<8x4096xi1>, vector<8x4096xi32>
    %reduce_max3A_1113 = arith.constant dense<-2147483648> : vector<8xi32>
    %reduce_max3A_1114 = vector.multi_reduction <maxsi>, %select_n3A_1112, %reduce_max3A_1113 [1] : vector<8x4096xi32> to vector<8xi32>
    %broadcast_in_dim3A_1115 = vector.shape_cast %reduce_max3A_1114 : vector<8xi32> to vector<8x1xi32>
    %and3A_1116 = arith.constant 4095 : i32
    %and3A_1117 = vector.broadcast %and3A_1116 : i32 to vector<8x1xi32>
    %and3A_1118 = arith.andi %broadcast_in_dim3A_1115, %and3A_1117 : vector<8x1xi32>
    %sub3A_1119 = arith.constant 4095 : i32
    %sub3A_1120 = vector.broadcast %sub3A_1119 : i32 to vector<8x1xi32>
    %sub3A_1121 = arith.subi %sub3A_1120, %and3A_1118 : vector<8x1xi32>
    %add3A_1122 = arith.addi %sub3A_1121, %mul3A_4 : vector<8x1xi32>
    %eq3A_1123 = vector.broadcast %broadcast_in_dim3A_1115 : vector<8x1xi32> to vector<8x4096xi32>
    %eq3A_1124 = arith.cmpi eq, %select_n3A_1112, %eq3A_1123 : vector<8x4096xi32>
    %jit3A_1125 = arith.constant -2147483648 : i32
    %broadcast_in_dim3A_1126 = vector.broadcast %jit3A_1125 : i32 to vector<8x4096xi32>
    %select_n3A_1127 = arith.select %eq3A_1124, %broadcast_in_dim3A_1126, %select_n3A_1112 : vector<8x4096xi1>, vector<8x4096xi32>
    %reduce_max3A_1128 = arith.constant dense<-2147483648> : vector<8xi32>
    %reduce_max3A_1129 = vector.multi_reduction <maxsi>, %select_n3A_1127, %reduce_max3A_1128 [1] : vector<8x4096xi32> to vector<8xi32>
    %broadcast_in_dim3A_1130 = vector.shape_cast %reduce_max3A_1129 : vector<8xi32> to vector<8x1xi32>
    %and3A_1131 = arith.constant 4095 : i32
    %and3A_1132 = vector.broadcast %and3A_1131 : i32 to vector<8x1xi32>
    %and3A_1133 = arith.andi %broadcast_in_dim3A_1130, %and3A_1132 : vector<8x1xi32>
    %sub3A_1134 = arith.constant 4095 : i32
    %sub3A_1135 = vector.broadcast %sub3A_1134 : i32 to vector<8x1xi32>
    %sub3A_1136 = arith.subi %sub3A_1135, %and3A_1133 : vector<8x1xi32>
    %add3A_1137 = arith.addi %sub3A_1136, %mul3A_4 : vector<8x1xi32>
    %eq3A_1138 = vector.broadcast %broadcast_in_dim3A_1130 : vector<8x1xi32> to vector<8x4096xi32>
    %eq3A_1139 = arith.cmpi eq, %select_n3A_1127, %eq3A_1138 : vector<8x4096xi32>
    %jit3A_1140 = arith.constant -2147483648 : i32
    %broadcast_in_dim3A_1141 = vector.broadcast %jit3A_1140 : i32 to vector<8x4096xi32>
    %select_n3A_1142 = arith.select %eq3A_1139, %broadcast_in_dim3A_1141, %select_n3A_1127 : vector<8x4096xi1>, vector<8x4096xi32>
    %reduce_max3A_1143 = arith.constant dense<-2147483648> : vector<8xi32>
    %reduce_max3A_1144 = vector.multi_reduction <maxsi>, %select_n3A_1142, %reduce_max3A_1143 [1] : vector<8x4096xi32> to vector<8xi32>
    %broadcast_in_dim3A_1145 = vector.shape_cast %reduce_max3A_1144 : vector<8xi32> to vector<8x1xi32>
    %and3A_1146 = arith.constant 4095 : i32
    %and3A_1147 = vector.broadcast %and3A_1146 : i32 to vector<8x1xi32>
    %and3A_1148 = arith.andi %broadcast_in_dim3A_1145, %and3A_1147 : vector<8x1xi32>
    %sub3A_1149 = arith.constant 4095 : i32
    %sub3A_1150 = vector.broadcast %sub3A_1149 : i32 to vector<8x1xi32>
    %sub3A_1151 = arith.subi %sub3A_1150, %and3A_1148 : vector<8x1xi32>
    %add3A_1152 = arith.addi %sub3A_1151, %mul3A_4 : vector<8x1xi32>
    %eq3A_1153 = vector.broadcast %broadcast_in_dim3A_1145 : vector<8x1xi32> to vector<8x4096xi32>
    %eq3A_1154 = arith.cmpi eq, %select_n3A_1142, %eq3A_1153 : vector<8x4096xi32>
    %jit3A_1155 = arith.constant -2147483648 : i32
    %broadcast_in_dim3A_1156 = vector.broadcast %jit3A_1155 : i32 to vector<8x4096xi32>
    %select_n3A_1157 = arith.select %eq3A_1154, %broadcast_in_dim3A_1156, %select_n3A_1142 : vector<8x4096xi1>, vector<8x4096xi32>
    %reduce_max3A_1158 = arith.constant dense<-2147483648> : vector<8xi32>
    %reduce_max3A_1159 = vector.multi_reduction <maxsi>, %select_n3A_1157, %reduce_max3A_1158 [1] : vector<8x4096xi32> to vector<8xi32>
    %broadcast_in_dim3A_1160 = vector.shape_cast %reduce_max3A_1159 : vector<8xi32> to vector<8x1xi32>
    %and3A_1161 = arith.constant 4095 : i32
    %and3A_1162 = vector.broadcast %and3A_1161 : i32 to vector<8x1xi32>
    %and3A_1163 = arith.andi %broadcast_in_dim3A_1160, %and3A_1162 : vector<8x1xi32>
    %sub3A_1164 = arith.constant 4095 : i32
    %sub3A_1165 = vector.broadcast %sub3A_1164 : i32 to vector<8x1xi32>
    %sub3A_1166 = arith.subi %sub3A_1165, %and3A_1163 : vector<8x1xi32>
    %add3A_1167 = arith.addi %sub3A_1166, %mul3A_4 : vector<8x1xi32>
    %eq3A_1168 = vector.broadcast %broadcast_in_dim3A_1160 : vector<8x1xi32> to vector<8x4096xi32>
    %eq3A_1169 = arith.cmpi eq, %select_n3A_1157, %eq3A_1168 : vector<8x4096xi32>
    %jit3A_1170 = arith.constant -2147483648 : i32
    %broadcast_in_dim3A_1171 = vector.broadcast %jit3A_1170 : i32 to vector<8x4096xi32>
    %select_n3A_1172 = arith.select %eq3A_1169, %broadcast_in_dim3A_1171, %select_n3A_1157 : vector<8x4096xi1>, vector<8x4096xi32>
    %reduce_max3A_1173 = arith.constant dense<-2147483648> : vector<8xi32>
    %reduce_max3A_1174 = vector.multi_reduction <maxsi>, %select_n3A_1172, %reduce_max3A_1173 [1] : vector<8x4096xi32> to vector<8xi32>
    %broadcast_in_dim3A_1175 = vector.shape_cast %reduce_max3A_1174 : vector<8xi32> to vector<8x1xi32>
    %and3A_1176 = arith.constant 4095 : i32
    %and3A_1177 = vector.broadcast %and3A_1176 : i32 to vector<8x1xi32>
    %and3A_1178 = arith.andi %broadcast_in_dim3A_1175, %and3A_1177 : vector<8x1xi32>
    %sub3A_1179 = arith.constant 4095 : i32
    %sub3A_1180 = vector.broadcast %sub3A_1179 : i32 to vector<8x1xi32>
    %sub3A_1181 = arith.subi %sub3A_1180, %and3A_1178 : vector<8x1xi32>
    %add3A_1182 = arith.addi %sub3A_1181, %mul3A_4 : vector<8x1xi32>
    %eq3A_1183 = vector.broadcast %broadcast_in_dim3A_1175 : vector<8x1xi32> to vector<8x4096xi32>
    %eq3A_1184 = arith.cmpi eq, %select_n3A_1172, %eq3A_1183 : vector<8x4096xi32>
    %jit3A_1185 = arith.constant -2147483648 : i32
    %broadcast_in_dim3A_1186 = vector.broadcast %jit3A_1185 : i32 to vector<8x4096xi32>
    %select_n3A_1187 = arith.select %eq3A_1184, %broadcast_in_dim3A_1186, %select_n3A_1172 : vector<8x4096xi1>, vector<8x4096xi32>
    %reduce_max3A_1188 = arith.constant dense<-2147483648> : vector<8xi32>
    %reduce_max3A_1189 = vector.multi_reduction <maxsi>, %select_n3A_1187, %reduce_max3A_1188 [1] : vector<8x4096xi32> to vector<8xi32>
    %broadcast_in_dim3A_1190 = vector.shape_cast %reduce_max3A_1189 : vector<8xi32> to vector<8x1xi32>
    %and3A_1191 = arith.constant 4095 : i32
    %and3A_1192 = vector.broadcast %and3A_1191 : i32 to vector<8x1xi32>
    %and3A_1193 = arith.andi %broadcast_in_dim3A_1190, %and3A_1192 : vector<8x1xi32>
    %sub3A_1194 = arith.constant 4095 : i32
    %sub3A_1195 = vector.broadcast %sub3A_1194 : i32 to vector<8x1xi32>
    %sub3A_1196 = arith.subi %sub3A_1195, %and3A_1193 : vector<8x1xi32>
    %add3A_1197 = arith.addi %sub3A_1196, %mul3A_4 : vector<8x1xi32>
    %eq3A_1198 = vector.broadcast %broadcast_in_dim3A_1190 : vector<8x1xi32> to vector<8x4096xi32>
    %eq3A_1199 = arith.cmpi eq, %select_n3A_1187, %eq3A_1198 : vector<8x4096xi32>
    %jit3A_1200 = arith.constant -2147483648 : i32
    %broadcast_in_dim3A_1201 = vector.broadcast %jit3A_1200 : i32 to vector<8x4096xi32>
    %select_n3A_1202 = arith.select %eq3A_1199, %broadcast_in_dim3A_1201, %select_n3A_1187 : vector<8x4096xi1>, vector<8x4096xi32>
    %reduce_max3A_1203 = arith.constant dense<-2147483648> : vector<8xi32>
    %reduce_max3A_1204 = vector.multi_reduction <maxsi>, %select_n3A_1202, %reduce_max3A_1203 [1] : vector<8x4096xi32> to vector<8xi32>
    %broadcast_in_dim3A_1205 = vector.shape_cast %reduce_max3A_1204 : vector<8xi32> to vector<8x1xi32>
    %and3A_1206 = arith.constant 4095 : i32
    %and3A_1207 = vector.broadcast %and3A_1206 : i32 to vector<8x1xi32>
    %and3A_1208 = arith.andi %broadcast_in_dim3A_1205, %and3A_1207 : vector<8x1xi32>
    %sub3A_1209 = arith.constant 4095 : i32
    %sub3A_1210 = vector.broadcast %sub3A_1209 : i32 to vector<8x1xi32>
    %sub3A_1211 = arith.subi %sub3A_1210, %and3A_1208 : vector<8x1xi32>
    %add3A_1212 = arith.addi %sub3A_1211, %mul3A_4 : vector<8x1xi32>
    %eq3A_1213 = vector.broadcast %broadcast_in_dim3A_1205 : vector<8x1xi32> to vector<8x4096xi32>
    %eq3A_1214 = arith.cmpi eq, %select_n3A_1202, %eq3A_1213 : vector<8x4096xi32>
    %jit3A_1215 = arith.constant -2147483648 : i32
    %broadcast_in_dim3A_1216 = vector.broadcast %jit3A_1215 : i32 to vector<8x4096xi32>
    %select_n3A_1217 = arith.select %eq3A_1214, %broadcast_in_dim3A_1216, %select_n3A_1202 : vector<8x4096xi1>, vector<8x4096xi32>
    %reduce_max3A_1218 = arith.constant dense<-2147483648> : vector<8xi32>
    %reduce_max3A_1219 = vector.multi_reduction <maxsi>, %select_n3A_1217, %reduce_max3A_1218 [1] : vector<8x4096xi32> to vector<8xi32>
    %broadcast_in_dim3A_1220 = vector.shape_cast %reduce_max3A_1219 : vector<8xi32> to vector<8x1xi32>
    %and3A_1221 = arith.constant 4095 : i32
    %and3A_1222 = vector.broadcast %and3A_1221 : i32 to vector<8x1xi32>
    %and3A_1223 = arith.andi %broadcast_in_dim3A_1220, %and3A_1222 : vector<8x1xi32>
    %sub3A_1224 = arith.constant 4095 : i32
    %sub3A_1225 = vector.broadcast %sub3A_1224 : i32 to vector<8x1xi32>
    %sub3A_1226 = arith.subi %sub3A_1225, %and3A_1223 : vector<8x1xi32>
    %add3A_1227 = arith.addi %sub3A_1226, %mul3A_4 : vector<8x1xi32>
    %eq3A_1228 = vector.broadcast %broadcast_in_dim3A_1220 : vector<8x1xi32> to vector<8x4096xi32>
    %eq3A_1229 = arith.cmpi eq, %select_n3A_1217, %eq3A_1228 : vector<8x4096xi32>
    %jit3A_1230 = arith.constant -2147483648 : i32
    %broadcast_in_dim3A_1231 = vector.broadcast %jit3A_1230 : i32 to vector<8x4096xi32>
    %select_n3A_1232 = arith.select %eq3A_1229, %broadcast_in_dim3A_1231, %select_n3A_1217 : vector<8x4096xi1>, vector<8x4096xi32>
    %reduce_max3A_1233 = arith.constant dense<-2147483648> : vector<8xi32>
    %reduce_max3A_1234 = vector.multi_reduction <maxsi>, %select_n3A_1232, %reduce_max3A_1233 [1] : vector<8x4096xi32> to vector<8xi32>
    %broadcast_in_dim3A_1235 = vector.shape_cast %reduce_max3A_1234 : vector<8xi32> to vector<8x1xi32>
    %and3A_1236 = arith.constant 4095 : i32
    %and3A_1237 = vector.broadcast %and3A_1236 : i32 to vector<8x1xi32>
    %and3A_1238 = arith.andi %broadcast_in_dim3A_1235, %and3A_1237 : vector<8x1xi32>
    %sub3A_1239 = arith.constant 4095 : i32
    %sub3A_1240 = vector.broadcast %sub3A_1239 : i32 to vector<8x1xi32>
    %sub3A_1241 = arith.subi %sub3A_1240, %and3A_1238 : vector<8x1xi32>
    %add3A_1242 = arith.addi %sub3A_1241, %mul3A_4 : vector<8x1xi32>
    %eq3A_1243 = vector.broadcast %broadcast_in_dim3A_1235 : vector<8x1xi32> to vector<8x4096xi32>
    %eq3A_1244 = arith.cmpi eq, %select_n3A_1232, %eq3A_1243 : vector<8x4096xi32>
    %jit3A_1245 = arith.constant -2147483648 : i32
    %broadcast_in_dim3A_1246 = vector.broadcast %jit3A_1245 : i32 to vector<8x4096xi32>
    %select_n3A_1247 = arith.select %eq3A_1244, %broadcast_in_dim3A_1246, %select_n3A_1232 : vector<8x4096xi1>, vector<8x4096xi32>
    %reduce_max3A_1248 = arith.constant dense<-2147483648> : vector<8xi32>
    %reduce_max3A_1249 = vector.multi_reduction <maxsi>, %select_n3A_1247, %reduce_max3A_1248 [1] : vector<8x4096xi32> to vector<8xi32>
    %broadcast_in_dim3A_1250 = vector.shape_cast %reduce_max3A_1249 : vector<8xi32> to vector<8x1xi32>
    %and3A_1251 = arith.constant 4095 : i32
    %and3A_1252 = vector.broadcast %and3A_1251 : i32 to vector<8x1xi32>
    %and3A_1253 = arith.andi %broadcast_in_dim3A_1250, %and3A_1252 : vector<8x1xi32>
    %sub3A_1254 = arith.constant 4095 : i32
    %sub3A_1255 = vector.broadcast %sub3A_1254 : i32 to vector<8x1xi32>
    %sub3A_1256 = arith.subi %sub3A_1255, %and3A_1253 : vector<8x1xi32>
    %add3A_1257 = arith.addi %sub3A_1256, %mul3A_4 : vector<8x1xi32>
    %eq3A_1258 = vector.broadcast %broadcast_in_dim3A_1250 : vector<8x1xi32> to vector<8x4096xi32>
    %eq3A_1259 = arith.cmpi eq, %select_n3A_1247, %eq3A_1258 : vector<8x4096xi32>
    %jit3A_1260 = arith.constant -2147483648 : i32
    %broadcast_in_dim3A_1261 = vector.broadcast %jit3A_1260 : i32 to vector<8x4096xi32>
    %select_n3A_1262 = arith.select %eq3A_1259, %broadcast_in_dim3A_1261, %select_n3A_1247 : vector<8x4096xi1>, vector<8x4096xi32>
    %reduce_max3A_1263 = arith.constant dense<-2147483648> : vector<8xi32>
    %reduce_max3A_1264 = vector.multi_reduction <maxsi>, %select_n3A_1262, %reduce_max3A_1263 [1] : vector<8x4096xi32> to vector<8xi32>
    %broadcast_in_dim3A_1265 = vector.shape_cast %reduce_max3A_1264 : vector<8xi32> to vector<8x1xi32>
    %and3A_1266 = arith.constant 4095 : i32
    %and3A_1267 = vector.broadcast %and3A_1266 : i32 to vector<8x1xi32>
    %and3A_1268 = arith.andi %broadcast_in_dim3A_1265, %and3A_1267 : vector<8x1xi32>
    %sub3A_1269 = arith.constant 4095 : i32
    %sub3A_1270 = vector.broadcast %sub3A_1269 : i32 to vector<8x1xi32>
    %sub3A_1271 = arith.subi %sub3A_1270, %and3A_1268 : vector<8x1xi32>
    %add3A_1272 = arith.addi %sub3A_1271, %mul3A_4 : vector<8x1xi32>
    %eq3A_1273 = vector.broadcast %broadcast_in_dim3A_1265 : vector<8x1xi32> to vector<8x4096xi32>
    %eq3A_1274 = arith.cmpi eq, %select_n3A_1262, %eq3A_1273 : vector<8x4096xi32>
    %jit3A_1275 = arith.constant -2147483648 : i32
    %broadcast_in_dim3A_1276 = vector.broadcast %jit3A_1275 : i32 to vector<8x4096xi32>
    %select_n3A_1277 = arith.select %eq3A_1274, %broadcast_in_dim3A_1276, %select_n3A_1262 : vector<8x4096xi1>, vector<8x4096xi32>
    %reduce_max3A_1278 = arith.constant dense<-2147483648> : vector<8xi32>
    %reduce_max3A_1279 = vector.multi_reduction <maxsi>, %select_n3A_1277, %reduce_max3A_1278 [1] : vector<8x4096xi32> to vector<8xi32>
    %broadcast_in_dim3A_1280 = vector.shape_cast %reduce_max3A_1279 : vector<8xi32> to vector<8x1xi32>
    %and3A_1281 = arith.constant 4095 : i32
    %and3A_1282 = vector.broadcast %and3A_1281 : i32 to vector<8x1xi32>
    %and3A_1283 = arith.andi %broadcast_in_dim3A_1280, %and3A_1282 : vector<8x1xi32>
    %sub3A_1284 = arith.constant 4095 : i32
    %sub3A_1285 = vector.broadcast %sub3A_1284 : i32 to vector<8x1xi32>
    %sub3A_1286 = arith.subi %sub3A_1285, %and3A_1283 : vector<8x1xi32>
    %add3A_1287 = arith.addi %sub3A_1286, %mul3A_4 : vector<8x1xi32>
    %eq3A_1288 = vector.broadcast %broadcast_in_dim3A_1280 : vector<8x1xi32> to vector<8x4096xi32>
    %eq3A_1289 = arith.cmpi eq, %select_n3A_1277, %eq3A_1288 : vector<8x4096xi32>
    %jit3A_1290 = arith.constant -2147483648 : i32
    %broadcast_in_dim3A_1291 = vector.broadcast %jit3A_1290 : i32 to vector<8x4096xi32>
    %select_n3A_1292 = arith.select %eq3A_1289, %broadcast_in_dim3A_1291, %select_n3A_1277 : vector<8x4096xi1>, vector<8x4096xi32>
    %reduce_max3A_1293 = arith.constant dense<-2147483648> : vector<8xi32>
    %reduce_max3A_1294 = vector.multi_reduction <maxsi>, %select_n3A_1292, %reduce_max3A_1293 [1] : vector<8x4096xi32> to vector<8xi32>
    %broadcast_in_dim3A_1295 = vector.shape_cast %reduce_max3A_1294 : vector<8xi32> to vector<8x1xi32>
    %and3A_1296 = arith.constant 4095 : i32
    %and3A_1297 = vector.broadcast %and3A_1296 : i32 to vector<8x1xi32>
    %and3A_1298 = arith.andi %broadcast_in_dim3A_1295, %and3A_1297 : vector<8x1xi32>
    %sub3A_1299 = arith.constant 4095 : i32
    %sub3A_1300 = vector.broadcast %sub3A_1299 : i32 to vector<8x1xi32>
    %sub3A_1301 = arith.subi %sub3A_1300, %and3A_1298 : vector<8x1xi32>
    %add3A_1302 = arith.addi %sub3A_1301, %mul3A_4 : vector<8x1xi32>
    %eq3A_1303 = vector.broadcast %broadcast_in_dim3A_1295 : vector<8x1xi32> to vector<8x4096xi32>
    %eq3A_1304 = arith.cmpi eq, %select_n3A_1292, %eq3A_1303 : vector<8x4096xi32>
    %jit3A_1305 = arith.constant -2147483648 : i32
    %broadcast_in_dim3A_1306 = vector.broadcast %jit3A_1305 : i32 to vector<8x4096xi32>
    %select_n3A_1307 = arith.select %eq3A_1304, %broadcast_in_dim3A_1306, %select_n3A_1292 : vector<8x4096xi1>, vector<8x4096xi32>
    %reduce_max3A_1308 = arith.constant dense<-2147483648> : vector<8xi32>
    %reduce_max3A_1309 = vector.multi_reduction <maxsi>, %select_n3A_1307, %reduce_max3A_1308 [1] : vector<8x4096xi32> to vector<8xi32>
    %broadcast_in_dim3A_1310 = vector.shape_cast %reduce_max3A_1309 : vector<8xi32> to vector<8x1xi32>
    %and3A_1311 = arith.constant 4095 : i32
    %and3A_1312 = vector.broadcast %and3A_1311 : i32 to vector<8x1xi32>
    %and3A_1313 = arith.andi %broadcast_in_dim3A_1310, %and3A_1312 : vector<8x1xi32>
    %sub3A_1314 = arith.constant 4095 : i32
    %sub3A_1315 = vector.broadcast %sub3A_1314 : i32 to vector<8x1xi32>
    %sub3A_1316 = arith.subi %sub3A_1315, %and3A_1313 : vector<8x1xi32>
    %add3A_1317 = arith.addi %sub3A_1316, %mul3A_4 : vector<8x1xi32>
    %eq3A_1318 = vector.broadcast %broadcast_in_dim3A_1310 : vector<8x1xi32> to vector<8x4096xi32>
    %eq3A_1319 = arith.cmpi eq, %select_n3A_1307, %eq3A_1318 : vector<8x4096xi32>
    %jit3A_1320 = arith.constant -2147483648 : i32
    %broadcast_in_dim3A_1321 = vector.broadcast %jit3A_1320 : i32 to vector<8x4096xi32>
    %select_n3A_1322 = arith.select %eq3A_1319, %broadcast_in_dim3A_1321, %select_n3A_1307 : vector<8x4096xi1>, vector<8x4096xi32>
    %reduce_max3A_1323 = arith.constant dense<-2147483648> : vector<8xi32>
    %reduce_max3A_1324 = vector.multi_reduction <maxsi>, %select_n3A_1322, %reduce_max3A_1323 [1] : vector<8x4096xi32> to vector<8xi32>
    %broadcast_in_dim3A_1325 = vector.shape_cast %reduce_max3A_1324 : vector<8xi32> to vector<8x1xi32>
    %and3A_1326 = arith.constant 4095 : i32
    %and3A_1327 = vector.broadcast %and3A_1326 : i32 to vector<8x1xi32>
    %and3A_1328 = arith.andi %broadcast_in_dim3A_1325, %and3A_1327 : vector<8x1xi32>
    %sub3A_1329 = arith.constant 4095 : i32
    %sub3A_1330 = vector.broadcast %sub3A_1329 : i32 to vector<8x1xi32>
    %sub3A_1331 = arith.subi %sub3A_1330, %and3A_1328 : vector<8x1xi32>
    %add3A_1332 = arith.addi %sub3A_1331, %mul3A_4 : vector<8x1xi32>
    %eq3A_1333 = vector.broadcast %broadcast_in_dim3A_1325 : vector<8x1xi32> to vector<8x4096xi32>
    %eq3A_1334 = arith.cmpi eq, %select_n3A_1322, %eq3A_1333 : vector<8x4096xi32>
    %jit3A_1335 = arith.constant -2147483648 : i32
    %broadcast_in_dim3A_1336 = vector.broadcast %jit3A_1335 : i32 to vector<8x4096xi32>
    %select_n3A_1337 = arith.select %eq3A_1334, %broadcast_in_dim3A_1336, %select_n3A_1322 : vector<8x4096xi1>, vector<8x4096xi32>
    %reduce_max3A_1338 = arith.constant dense<-2147483648> : vector<8xi32>
    %reduce_max3A_1339 = vector.multi_reduction <maxsi>, %select_n3A_1337, %reduce_max3A_1338 [1] : vector<8x4096xi32> to vector<8xi32>
    %broadcast_in_dim3A_1340 = vector.shape_cast %reduce_max3A_1339 : vector<8xi32> to vector<8x1xi32>
    %and3A_1341 = arith.constant 4095 : i32
    %and3A_1342 = vector.broadcast %and3A_1341 : i32 to vector<8x1xi32>
    %and3A_1343 = arith.andi %broadcast_in_dim3A_1340, %and3A_1342 : vector<8x1xi32>
    %sub3A_1344 = arith.constant 4095 : i32
    %sub3A_1345 = vector.broadcast %sub3A_1344 : i32 to vector<8x1xi32>
    %sub3A_1346 = arith.subi %sub3A_1345, %and3A_1343 : vector<8x1xi32>
    %add3A_1347 = arith.addi %sub3A_1346, %mul3A_4 : vector<8x1xi32>
    %eq3A_1348 = vector.broadcast %broadcast_in_dim3A_1340 : vector<8x1xi32> to vector<8x4096xi32>
    %eq3A_1349 = arith.cmpi eq, %select_n3A_1337, %eq3A_1348 : vector<8x4096xi32>
    %jit3A_1350 = arith.constant -2147483648 : i32
    %broadcast_in_dim3A_1351 = vector.broadcast %jit3A_1350 : i32 to vector<8x4096xi32>
    %select_n3A_1352 = arith.select %eq3A_1349, %broadcast_in_dim3A_1351, %select_n3A_1337 : vector<8x4096xi1>, vector<8x4096xi32>
    %reduce_max3A_1353 = arith.constant dense<-2147483648> : vector<8xi32>
    %reduce_max3A_1354 = vector.multi_reduction <maxsi>, %select_n3A_1352, %reduce_max3A_1353 [1] : vector<8x4096xi32> to vector<8xi32>
    %broadcast_in_dim3A_1355 = vector.shape_cast %reduce_max3A_1354 : vector<8xi32> to vector<8x1xi32>
    %and3A_1356 = arith.constant 4095 : i32
    %and3A_1357 = vector.broadcast %and3A_1356 : i32 to vector<8x1xi32>
    %and3A_1358 = arith.andi %broadcast_in_dim3A_1355, %and3A_1357 : vector<8x1xi32>
    %sub3A_1359 = arith.constant 4095 : i32
    %sub3A_1360 = vector.broadcast %sub3A_1359 : i32 to vector<8x1xi32>
    %sub3A_1361 = arith.subi %sub3A_1360, %and3A_1358 : vector<8x1xi32>
    %add3A_1362 = arith.addi %sub3A_1361, %mul3A_4 : vector<8x1xi32>
    %eq3A_1363 = vector.broadcast %broadcast_in_dim3A_1355 : vector<8x1xi32> to vector<8x4096xi32>
    %eq3A_1364 = arith.cmpi eq, %select_n3A_1352, %eq3A_1363 : vector<8x4096xi32>
    %jit3A_1365 = arith.constant -2147483648 : i32
    %broadcast_in_dim3A_1366 = vector.broadcast %jit3A_1365 : i32 to vector<8x4096xi32>
    %select_n3A_1367 = arith.select %eq3A_1364, %broadcast_in_dim3A_1366, %select_n3A_1352 : vector<8x4096xi1>, vector<8x4096xi32>
    %reduce_max3A_1368 = arith.constant dense<-2147483648> : vector<8xi32>
    %reduce_max3A_1369 = vector.multi_reduction <maxsi>, %select_n3A_1367, %reduce_max3A_1368 [1] : vector<8x4096xi32> to vector<8xi32>
    %broadcast_in_dim3A_1370 = vector.shape_cast %reduce_max3A_1369 : vector<8xi32> to vector<8x1xi32>
    %and3A_1371 = arith.constant 4095 : i32
    %and3A_1372 = vector.broadcast %and3A_1371 : i32 to vector<8x1xi32>
    %and3A_1373 = arith.andi %broadcast_in_dim3A_1370, %and3A_1372 : vector<8x1xi32>
    %sub3A_1374 = arith.constant 4095 : i32
    %sub3A_1375 = vector.broadcast %sub3A_1374 : i32 to vector<8x1xi32>
    %sub3A_1376 = arith.subi %sub3A_1375, %and3A_1373 : vector<8x1xi32>
    %add3A_1377 = arith.addi %sub3A_1376, %mul3A_4 : vector<8x1xi32>
    %eq3A_1378 = vector.broadcast %broadcast_in_dim3A_1370 : vector<8x1xi32> to vector<8x4096xi32>
    %eq3A_1379 = arith.cmpi eq, %select_n3A_1367, %eq3A_1378 : vector<8x4096xi32>
    %jit3A_1380 = arith.constant -2147483648 : i32
    %broadcast_in_dim3A_1381 = vector.broadcast %jit3A_1380 : i32 to vector<8x4096xi32>
    %select_n3A_1382 = arith.select %eq3A_1379, %broadcast_in_dim3A_1381, %select_n3A_1367 : vector<8x4096xi1>, vector<8x4096xi32>
    %reduce_max3A_1383 = arith.constant dense<-2147483648> : vector<8xi32>
    %reduce_max3A_1384 = vector.multi_reduction <maxsi>, %select_n3A_1382, %reduce_max3A_1383 [1] : vector<8x4096xi32> to vector<8xi32>
    %broadcast_in_dim3A_1385 = vector.shape_cast %reduce_max3A_1384 : vector<8xi32> to vector<8x1xi32>
    %and3A_1386 = arith.constant 4095 : i32
    %and3A_1387 = vector.broadcast %and3A_1386 : i32 to vector<8x1xi32>
    %and3A_1388 = arith.andi %broadcast_in_dim3A_1385, %and3A_1387 : vector<8x1xi32>
    %sub3A_1389 = arith.constant 4095 : i32
    %sub3A_1390 = vector.broadcast %sub3A_1389 : i32 to vector<8x1xi32>
    %sub3A_1391 = arith.subi %sub3A_1390, %and3A_1388 : vector<8x1xi32>
    %add3A_1392 = arith.addi %sub3A_1391, %mul3A_4 : vector<8x1xi32>
    %eq3A_1393 = vector.broadcast %broadcast_in_dim3A_1385 : vector<8x1xi32> to vector<8x4096xi32>
    %eq3A_1394 = arith.cmpi eq, %select_n3A_1382, %eq3A_1393 : vector<8x4096xi32>
    %jit3A_1395 = arith.constant -2147483648 : i32
    %broadcast_in_dim3A_1396 = vector.broadcast %jit3A_1395 : i32 to vector<8x4096xi32>
    %select_n3A_1397 = arith.select %eq3A_1394, %broadcast_in_dim3A_1396, %select_n3A_1382 : vector<8x4096xi1>, vector<8x4096xi32>
    %reduce_max3A_1398 = arith.constant dense<-2147483648> : vector<8xi32>
    %reduce_max3A_1399 = vector.multi_reduction <maxsi>, %select_n3A_1397, %reduce_max3A_1398 [1] : vector<8x4096xi32> to vector<8xi32>
    %broadcast_in_dim3A_1400 = vector.shape_cast %reduce_max3A_1399 : vector<8xi32> to vector<8x1xi32>
    %and3A_1401 = arith.constant 4095 : i32
    %and3A_1402 = vector.broadcast %and3A_1401 : i32 to vector<8x1xi32>
    %and3A_1403 = arith.andi %broadcast_in_dim3A_1400, %and3A_1402 : vector<8x1xi32>
    %sub3A_1404 = arith.constant 4095 : i32
    %sub3A_1405 = vector.broadcast %sub3A_1404 : i32 to vector<8x1xi32>
    %sub3A_1406 = arith.subi %sub3A_1405, %and3A_1403 : vector<8x1xi32>
    %add3A_1407 = arith.addi %sub3A_1406, %mul3A_4 : vector<8x1xi32>
    %eq3A_1408 = vector.broadcast %broadcast_in_dim3A_1400 : vector<8x1xi32> to vector<8x4096xi32>
    %eq3A_1409 = arith.cmpi eq, %select_n3A_1397, %eq3A_1408 : vector<8x4096xi32>
    %jit3A_1410 = arith.constant -2147483648 : i32
    %broadcast_in_dim3A_1411 = vector.broadcast %jit3A_1410 : i32 to vector<8x4096xi32>
    %select_n3A_1412 = arith.select %eq3A_1409, %broadcast_in_dim3A_1411, %select_n3A_1397 : vector<8x4096xi1>, vector<8x4096xi32>
    %reduce_max3A_1413 = arith.constant dense<-2147483648> : vector<8xi32>
    %reduce_max3A_1414 = vector.multi_reduction <maxsi>, %select_n3A_1412, %reduce_max3A_1413 [1] : vector<8x4096xi32> to vector<8xi32>
    %broadcast_in_dim3A_1415 = vector.shape_cast %reduce_max3A_1414 : vector<8xi32> to vector<8x1xi32>
    %and3A_1416 = arith.constant 4095 : i32
    %and3A_1417 = vector.broadcast %and3A_1416 : i32 to vector<8x1xi32>
    %and3A_1418 = arith.andi %broadcast_in_dim3A_1415, %and3A_1417 : vector<8x1xi32>
    %sub3A_1419 = arith.constant 4095 : i32
    %sub3A_1420 = vector.broadcast %sub3A_1419 : i32 to vector<8x1xi32>
    %sub3A_1421 = arith.subi %sub3A_1420, %and3A_1418 : vector<8x1xi32>
    %add3A_1422 = arith.addi %sub3A_1421, %mul3A_4 : vector<8x1xi32>
    %eq3A_1423 = vector.broadcast %broadcast_in_dim3A_1415 : vector<8x1xi32> to vector<8x4096xi32>
    %eq3A_1424 = arith.cmpi eq, %select_n3A_1412, %eq3A_1423 : vector<8x4096xi32>
    %jit3A_1425 = arith.constant -2147483648 : i32
    %broadcast_in_dim3A_1426 = vector.broadcast %jit3A_1425 : i32 to vector<8x4096xi32>
    %select_n3A_1427 = arith.select %eq3A_1424, %broadcast_in_dim3A_1426, %select_n3A_1412 : vector<8x4096xi1>, vector<8x4096xi32>
    %reduce_max3A_1428 = arith.constant dense<-2147483648> : vector<8xi32>
    %reduce_max3A_1429 = vector.multi_reduction <maxsi>, %select_n3A_1427, %reduce_max3A_1428 [1] : vector<8x4096xi32> to vector<8xi32>
    %broadcast_in_dim3A_1430 = vector.shape_cast %reduce_max3A_1429 : vector<8xi32> to vector<8x1xi32>
    %and3A_1431 = arith.constant 4095 : i32
    %and3A_1432 = vector.broadcast %and3A_1431 : i32 to vector<8x1xi32>
    %and3A_1433 = arith.andi %broadcast_in_dim3A_1430, %and3A_1432 : vector<8x1xi32>
    %sub3A_1434 = arith.constant 4095 : i32
    %sub3A_1435 = vector.broadcast %sub3A_1434 : i32 to vector<8x1xi32>
    %sub3A_1436 = arith.subi %sub3A_1435, %and3A_1433 : vector<8x1xi32>
    %add3A_1437 = arith.addi %sub3A_1436, %mul3A_4 : vector<8x1xi32>
    %eq3A_1438 = vector.broadcast %broadcast_in_dim3A_1430 : vector<8x1xi32> to vector<8x4096xi32>
    %eq3A_1439 = arith.cmpi eq, %select_n3A_1427, %eq3A_1438 : vector<8x4096xi32>
    %jit3A_1440 = arith.constant -2147483648 : i32
    %broadcast_in_dim3A_1441 = vector.broadcast %jit3A_1440 : i32 to vector<8x4096xi32>
    %select_n3A_1442 = arith.select %eq3A_1439, %broadcast_in_dim3A_1441, %select_n3A_1427 : vector<8x4096xi1>, vector<8x4096xi32>
    %reduce_max3A_1443 = arith.constant dense<-2147483648> : vector<8xi32>
    %reduce_max3A_1444 = vector.multi_reduction <maxsi>, %select_n3A_1442, %reduce_max3A_1443 [1] : vector<8x4096xi32> to vector<8xi32>
    %broadcast_in_dim3A_1445 = vector.shape_cast %reduce_max3A_1444 : vector<8xi32> to vector<8x1xi32>
    %and3A_1446 = arith.constant 4095 : i32
    %and3A_1447 = vector.broadcast %and3A_1446 : i32 to vector<8x1xi32>
    %and3A_1448 = arith.andi %broadcast_in_dim3A_1445, %and3A_1447 : vector<8x1xi32>
    %sub3A_1449 = arith.constant 4095 : i32
    %sub3A_1450 = vector.broadcast %sub3A_1449 : i32 to vector<8x1xi32>
    %sub3A_1451 = arith.subi %sub3A_1450, %and3A_1448 : vector<8x1xi32>
    %add3A_1452 = arith.addi %sub3A_1451, %mul3A_4 : vector<8x1xi32>
    %eq3A_1453 = vector.broadcast %broadcast_in_dim3A_1445 : vector<8x1xi32> to vector<8x4096xi32>
    %eq3A_1454 = arith.cmpi eq, %select_n3A_1442, %eq3A_1453 : vector<8x4096xi32>
    %jit3A_1455 = arith.constant -2147483648 : i32
    %broadcast_in_dim3A_1456 = vector.broadcast %jit3A_1455 : i32 to vector<8x4096xi32>
    %select_n3A_1457 = arith.select %eq3A_1454, %broadcast_in_dim3A_1456, %select_n3A_1442 : vector<8x4096xi1>, vector<8x4096xi32>
    %reduce_max3A_1458 = arith.constant dense<-2147483648> : vector<8xi32>
    %reduce_max3A_1459 = vector.multi_reduction <maxsi>, %select_n3A_1457, %reduce_max3A_1458 [1] : vector<8x4096xi32> to vector<8xi32>
    %broadcast_in_dim3A_1460 = vector.shape_cast %reduce_max3A_1459 : vector<8xi32> to vector<8x1xi32>
    %and3A_1461 = arith.constant 4095 : i32
    %and3A_1462 = vector.broadcast %and3A_1461 : i32 to vector<8x1xi32>
    %and3A_1463 = arith.andi %broadcast_in_dim3A_1460, %and3A_1462 : vector<8x1xi32>
    %sub3A_1464 = arith.constant 4095 : i32
    %sub3A_1465 = vector.broadcast %sub3A_1464 : i32 to vector<8x1xi32>
    %sub3A_1466 = arith.subi %sub3A_1465, %and3A_1463 : vector<8x1xi32>
    %add3A_1467 = arith.addi %sub3A_1466, %mul3A_4 : vector<8x1xi32>
    %eq3A_1468 = vector.broadcast %broadcast_in_dim3A_1460 : vector<8x1xi32> to vector<8x4096xi32>
    %eq3A_1469 = arith.cmpi eq, %select_n3A_1457, %eq3A_1468 : vector<8x4096xi32>
    %jit3A_1470 = arith.constant -2147483648 : i32
    %broadcast_in_dim3A_1471 = vector.broadcast %jit3A_1470 : i32 to vector<8x4096xi32>
    %select_n3A_1472 = arith.select %eq3A_1469, %broadcast_in_dim3A_1471, %select_n3A_1457 : vector<8x4096xi1>, vector<8x4096xi32>
    %reduce_max3A_1473 = arith.constant dense<-2147483648> : vector<8xi32>
    %reduce_max3A_1474 = vector.multi_reduction <maxsi>, %select_n3A_1472, %reduce_max3A_1473 [1] : vector<8x4096xi32> to vector<8xi32>
    %broadcast_in_dim3A_1475 = vector.shape_cast %reduce_max3A_1474 : vector<8xi32> to vector<8x1xi32>
    %and3A_1476 = arith.constant 4095 : i32
    %and3A_1477 = vector.broadcast %and3A_1476 : i32 to vector<8x1xi32>
    %and3A_1478 = arith.andi %broadcast_in_dim3A_1475, %and3A_1477 : vector<8x1xi32>
    %sub3A_1479 = arith.constant 4095 : i32
    %sub3A_1480 = vector.broadcast %sub3A_1479 : i32 to vector<8x1xi32>
    %sub3A_1481 = arith.subi %sub3A_1480, %and3A_1478 : vector<8x1xi32>
    %add3A_1482 = arith.addi %sub3A_1481, %mul3A_4 : vector<8x1xi32>
    %eq3A_1483 = vector.broadcast %broadcast_in_dim3A_1475 : vector<8x1xi32> to vector<8x4096xi32>
    %eq3A_1484 = arith.cmpi eq, %select_n3A_1472, %eq3A_1483 : vector<8x4096xi32>
    %jit3A_1485 = arith.constant -2147483648 : i32
    %broadcast_in_dim3A_1486 = vector.broadcast %jit3A_1485 : i32 to vector<8x4096xi32>
    %select_n3A_1487 = arith.select %eq3A_1484, %broadcast_in_dim3A_1486, %select_n3A_1472 : vector<8x4096xi1>, vector<8x4096xi32>
    %reduce_max3A_1488 = arith.constant dense<-2147483648> : vector<8xi32>
    %reduce_max3A_1489 = vector.multi_reduction <maxsi>, %select_n3A_1487, %reduce_max3A_1488 [1] : vector<8x4096xi32> to vector<8xi32>
    %broadcast_in_dim3A_1490 = vector.shape_cast %reduce_max3A_1489 : vector<8xi32> to vector<8x1xi32>
    %and3A_1491 = arith.constant 4095 : i32
    %and3A_1492 = vector.broadcast %and3A_1491 : i32 to vector<8x1xi32>
    %and3A_1493 = arith.andi %broadcast_in_dim3A_1490, %and3A_1492 : vector<8x1xi32>
    %sub3A_1494 = arith.constant 4095 : i32
    %sub3A_1495 = vector.broadcast %sub3A_1494 : i32 to vector<8x1xi32>
    %sub3A_1496 = arith.subi %sub3A_1495, %and3A_1493 : vector<8x1xi32>
    %add3A_1497 = arith.addi %sub3A_1496, %mul3A_4 : vector<8x1xi32>
    %eq3A_1498 = vector.broadcast %broadcast_in_dim3A_1490 : vector<8x1xi32> to vector<8x4096xi32>
    %eq3A_1499 = arith.cmpi eq, %select_n3A_1487, %eq3A_1498 : vector<8x4096xi32>
    %jit3A_1500 = arith.constant -2147483648 : i32
    %broadcast_in_dim3A_1501 = vector.broadcast %jit3A_1500 : i32 to vector<8x4096xi32>
    %select_n3A_1502 = arith.select %eq3A_1499, %broadcast_in_dim3A_1501, %select_n3A_1487 : vector<8x4096xi1>, vector<8x4096xi32>
    %reduce_max3A_1503 = arith.constant dense<-2147483648> : vector<8xi32>
    %reduce_max3A_1504 = vector.multi_reduction <maxsi>, %select_n3A_1502, %reduce_max3A_1503 [1] : vector<8x4096xi32> to vector<8xi32>
    %broadcast_in_dim3A_1505 = vector.shape_cast %reduce_max3A_1504 : vector<8xi32> to vector<8x1xi32>
    %and3A_1506 = arith.constant 4095 : i32
    %and3A_1507 = vector.broadcast %and3A_1506 : i32 to vector<8x1xi32>
    %and3A_1508 = arith.andi %broadcast_in_dim3A_1505, %and3A_1507 : vector<8x1xi32>
    %sub3A_1509 = arith.constant 4095 : i32
    %sub3A_1510 = vector.broadcast %sub3A_1509 : i32 to vector<8x1xi32>
    %sub3A_1511 = arith.subi %sub3A_1510, %and3A_1508 : vector<8x1xi32>
    %add3A_1512 = arith.addi %sub3A_1511, %mul3A_4 : vector<8x1xi32>
    %eq3A_1513 = vector.broadcast %broadcast_in_dim3A_1505 : vector<8x1xi32> to vector<8x4096xi32>
    %eq3A_1514 = arith.cmpi eq, %select_n3A_1502, %eq3A_1513 : vector<8x4096xi32>
    %jit3A_1515 = arith.constant -2147483648 : i32
    %broadcast_in_dim3A_1516 = vector.broadcast %jit3A_1515 : i32 to vector<8x4096xi32>
    %select_n3A_1517 = arith.select %eq3A_1514, %broadcast_in_dim3A_1516, %select_n3A_1502 : vector<8x4096xi1>, vector<8x4096xi32>
    %reduce_max3A_1518 = arith.constant dense<-2147483648> : vector<8xi32>
    %reduce_max3A_1519 = vector.multi_reduction <maxsi>, %select_n3A_1517, %reduce_max3A_1518 [1] : vector<8x4096xi32> to vector<8xi32>
    %broadcast_in_dim3A_1520 = vector.shape_cast %reduce_max3A_1519 : vector<8xi32> to vector<8x1xi32>
    %and3A_1521 = arith.constant 4095 : i32
    %and3A_1522 = vector.broadcast %and3A_1521 : i32 to vector<8x1xi32>
    %and3A_1523 = arith.andi %broadcast_in_dim3A_1520, %and3A_1522 : vector<8x1xi32>
    %sub3A_1524 = arith.constant 4095 : i32
    %sub3A_1525 = vector.broadcast %sub3A_1524 : i32 to vector<8x1xi32>
    %sub3A_1526 = arith.subi %sub3A_1525, %and3A_1523 : vector<8x1xi32>
    %add3A_1527 = arith.addi %sub3A_1526, %mul3A_4 : vector<8x1xi32>
    %eq3A_1528 = vector.broadcast %broadcast_in_dim3A_1520 : vector<8x1xi32> to vector<8x4096xi32>
    %eq3A_1529 = arith.cmpi eq, %select_n3A_1517, %eq3A_1528 : vector<8x4096xi32>
    %jit3A_1530 = arith.constant -2147483648 : i32
    %broadcast_in_dim3A_1531 = vector.broadcast %jit3A_1530 : i32 to vector<8x4096xi32>
    %select_n3A_1532 = arith.select %eq3A_1529, %broadcast_in_dim3A_1531, %select_n3A_1517 : vector<8x4096xi1>, vector<8x4096xi32>
    %reduce_max3A_1533 = arith.constant dense<-2147483648> : vector<8xi32>
    %reduce_max3A_1534 = vector.multi_reduction <maxsi>, %select_n3A_1532, %reduce_max3A_1533 [1] : vector<8x4096xi32> to vector<8xi32>
    %broadcast_in_dim3A_1535 = vector.shape_cast %reduce_max3A_1534 : vector<8xi32> to vector<8x1xi32>
    %and3A_1536 = arith.constant 4095 : i32
    %and3A_1537 = vector.broadcast %and3A_1536 : i32 to vector<8x1xi32>
    %and3A_1538 = arith.andi %broadcast_in_dim3A_1535, %and3A_1537 : vector<8x1xi32>
    %sub3A_1539 = arith.constant 4095 : i32
    %sub3A_1540 = vector.broadcast %sub3A_1539 : i32 to vector<8x1xi32>
    %sub3A_1541 = arith.subi %sub3A_1540, %and3A_1538 : vector<8x1xi32>
    %add3A_1542 = arith.addi %sub3A_1541, %mul3A_4 : vector<8x1xi32>
    %eq3A_1543 = vector.broadcast %broadcast_in_dim3A_1535 : vector<8x1xi32> to vector<8x4096xi32>
    %eq3A_1544 = arith.cmpi eq, %select_n3A_1532, %eq3A_1543 : vector<8x4096xi32>
    %jit3A_1545 = arith.constant -2147483648 : i32
    %broadcast_in_dim3A_1546 = vector.broadcast %jit3A_1545 : i32 to vector<8x4096xi32>
    %select_n3A_1547 = arith.select %eq3A_1544, %broadcast_in_dim3A_1546, %select_n3A_1532 : vector<8x4096xi1>, vector<8x4096xi32>
    %reduce_max3A_1548 = arith.constant dense<-2147483648> : vector<8xi32>
    %reduce_max3A_1549 = vector.multi_reduction <maxsi>, %select_n3A_1547, %reduce_max3A_1548 [1] : vector<8x4096xi32> to vector<8xi32>
    %broadcast_in_dim3A_1550 = vector.shape_cast %reduce_max3A_1549 : vector<8xi32> to vector<8x1xi32>
    %and3A_1551 = arith.constant 4095 : i32
    %and3A_1552 = vector.broadcast %and3A_1551 : i32 to vector<8x1xi32>
    %and3A_1553 = arith.andi %broadcast_in_dim3A_1550, %and3A_1552 : vector<8x1xi32>
    %sub3A_1554 = arith.constant 4095 : i32
    %sub3A_1555 = vector.broadcast %sub3A_1554 : i32 to vector<8x1xi32>
    %sub3A_1556 = arith.subi %sub3A_1555, %and3A_1553 : vector<8x1xi32>
    %add3A_1557 = arith.addi %sub3A_1556, %mul3A_4 : vector<8x1xi32>
    %eq3A_1558 = vector.broadcast %broadcast_in_dim3A_1550 : vector<8x1xi32> to vector<8x4096xi32>
    %eq3A_1559 = arith.cmpi eq, %select_n3A_1547, %eq3A_1558 : vector<8x4096xi32>
    %jit3A_1560 = arith.constant -2147483648 : i32
    %broadcast_in_dim3A_1561 = vector.broadcast %jit3A_1560 : i32 to vector<8x4096xi32>
    %select_n3A_1562 = arith.select %eq3A_1559, %broadcast_in_dim3A_1561, %select_n3A_1547 : vector<8x4096xi1>, vector<8x4096xi32>
    %reduce_max3A_1563 = arith.constant dense<-2147483648> : vector<8xi32>
    %reduce_max3A_1564 = vector.multi_reduction <maxsi>, %select_n3A_1562, %reduce_max3A_1563 [1] : vector<8x4096xi32> to vector<8xi32>
    %broadcast_in_dim3A_1565 = vector.shape_cast %reduce_max3A_1564 : vector<8xi32> to vector<8x1xi32>
    %and3A_1566 = arith.constant 4095 : i32
    %and3A_1567 = vector.broadcast %and3A_1566 : i32 to vector<8x1xi32>
    %and3A_1568 = arith.andi %broadcast_in_dim3A_1565, %and3A_1567 : vector<8x1xi32>
    %sub3A_1569 = arith.constant 4095 : i32
    %sub3A_1570 = vector.broadcast %sub3A_1569 : i32 to vector<8x1xi32>
    %sub3A_1571 = arith.subi %sub3A_1570, %and3A_1568 : vector<8x1xi32>
    %add3A_1572 = arith.addi %sub3A_1571, %mul3A_4 : vector<8x1xi32>
    %eq3A_1573 = vector.broadcast %broadcast_in_dim3A_1565 : vector<8x1xi32> to vector<8x4096xi32>
    %eq3A_1574 = arith.cmpi eq, %select_n3A_1562, %eq3A_1573 : vector<8x4096xi32>
    %jit3A_1575 = arith.constant -2147483648 : i32
    %broadcast_in_dim3A_1576 = vector.broadcast %jit3A_1575 : i32 to vector<8x4096xi32>
    %select_n3A_1577 = arith.select %eq3A_1574, %broadcast_in_dim3A_1576, %select_n3A_1562 : vector<8x4096xi1>, vector<8x4096xi32>
    %reduce_max3A_1578 = arith.constant dense<-2147483648> : vector<8xi32>
    %reduce_max3A_1579 = vector.multi_reduction <maxsi>, %select_n3A_1577, %reduce_max3A_1578 [1] : vector<8x4096xi32> to vector<8xi32>
    %broadcast_in_dim3A_1580 = vector.shape_cast %reduce_max3A_1579 : vector<8xi32> to vector<8x1xi32>
    %and3A_1581 = arith.constant 4095 : i32
    %and3A_1582 = vector.broadcast %and3A_1581 : i32 to vector<8x1xi32>
    %and3A_1583 = arith.andi %broadcast_in_dim3A_1580, %and3A_1582 : vector<8x1xi32>
    %sub3A_1584 = arith.constant 4095 : i32
    %sub3A_1585 = vector.broadcast %sub3A_1584 : i32 to vector<8x1xi32>
    %sub3A_1586 = arith.subi %sub3A_1585, %and3A_1583 : vector<8x1xi32>
    %add3A_1587 = arith.addi %sub3A_1586, %mul3A_4 : vector<8x1xi32>
    %eq3A_1588 = vector.broadcast %broadcast_in_dim3A_1580 : vector<8x1xi32> to vector<8x4096xi32>
    %eq3A_1589 = arith.cmpi eq, %select_n3A_1577, %eq3A_1588 : vector<8x4096xi32>
    %jit3A_1590 = arith.constant -2147483648 : i32
    %broadcast_in_dim3A_1591 = vector.broadcast %jit3A_1590 : i32 to vector<8x4096xi32>
    %select_n3A_1592 = arith.select %eq3A_1589, %broadcast_in_dim3A_1591, %select_n3A_1577 : vector<8x4096xi1>, vector<8x4096xi32>
    %reduce_max3A_1593 = arith.constant dense<-2147483648> : vector<8xi32>
    %reduce_max3A_1594 = vector.multi_reduction <maxsi>, %select_n3A_1592, %reduce_max3A_1593 [1] : vector<8x4096xi32> to vector<8xi32>
    %broadcast_in_dim3A_1595 = vector.shape_cast %reduce_max3A_1594 : vector<8xi32> to vector<8x1xi32>
    %and3A_1596 = arith.constant 4095 : i32
    %and3A_1597 = vector.broadcast %and3A_1596 : i32 to vector<8x1xi32>
    %and3A_1598 = arith.andi %broadcast_in_dim3A_1595, %and3A_1597 : vector<8x1xi32>
    %sub3A_1599 = arith.constant 4095 : i32
    %sub3A_1600 = vector.broadcast %sub3A_1599 : i32 to vector<8x1xi32>
    %sub3A_1601 = arith.subi %sub3A_1600, %and3A_1598 : vector<8x1xi32>
    %add3A_1602 = arith.addi %sub3A_1601, %mul3A_4 : vector<8x1xi32>
    %eq3A_1603 = vector.broadcast %broadcast_in_dim3A_1595 : vector<8x1xi32> to vector<8x4096xi32>
    %eq3A_1604 = arith.cmpi eq, %select_n3A_1592, %eq3A_1603 : vector<8x4096xi32>
    %jit3A_1605 = arith.constant -2147483648 : i32
    %broadcast_in_dim3A_1606 = vector.broadcast %jit3A_1605 : i32 to vector<8x4096xi32>
    %select_n3A_1607 = arith.select %eq3A_1604, %broadcast_in_dim3A_1606, %select_n3A_1592 : vector<8x4096xi1>, vector<8x4096xi32>
    %reduce_max3A_1608 = arith.constant dense<-2147483648> : vector<8xi32>
    %reduce_max3A_1609 = vector.multi_reduction <maxsi>, %select_n3A_1607, %reduce_max3A_1608 [1] : vector<8x4096xi32> to vector<8xi32>
    %broadcast_in_dim3A_1610 = vector.shape_cast %reduce_max3A_1609 : vector<8xi32> to vector<8x1xi32>
    %and3A_1611 = arith.constant 4095 : i32
    %and3A_1612 = vector.broadcast %and3A_1611 : i32 to vector<8x1xi32>
    %and3A_1613 = arith.andi %broadcast_in_dim3A_1610, %and3A_1612 : vector<8x1xi32>
    %sub3A_1614 = arith.constant 4095 : i32
    %sub3A_1615 = vector.broadcast %sub3A_1614 : i32 to vector<8x1xi32>
    %sub3A_1616 = arith.subi %sub3A_1615, %and3A_1613 : vector<8x1xi32>
    %add3A_1617 = arith.addi %sub3A_1616, %mul3A_4 : vector<8x1xi32>
    %eq3A_1618 = vector.broadcast %broadcast_in_dim3A_1610 : vector<8x1xi32> to vector<8x4096xi32>
    %eq3A_1619 = arith.cmpi eq, %select_n3A_1607, %eq3A_1618 : vector<8x4096xi32>
    %jit3A_1620 = arith.constant -2147483648 : i32
    %broadcast_in_dim3A_1621 = vector.broadcast %jit3A_1620 : i32 to vector<8x4096xi32>
    %select_n3A_1622 = arith.select %eq3A_1619, %broadcast_in_dim3A_1621, %select_n3A_1607 : vector<8x4096xi1>, vector<8x4096xi32>
    %reduce_max3A_1623 = arith.constant dense<-2147483648> : vector<8xi32>
    %reduce_max3A_1624 = vector.multi_reduction <maxsi>, %select_n3A_1622, %reduce_max3A_1623 [1] : vector<8x4096xi32> to vector<8xi32>
    %broadcast_in_dim3A_1625 = vector.shape_cast %reduce_max3A_1624 : vector<8xi32> to vector<8x1xi32>
    %and3A_1626 = arith.constant 4095 : i32
    %and3A_1627 = vector.broadcast %and3A_1626 : i32 to vector<8x1xi32>
    %and3A_1628 = arith.andi %broadcast_in_dim3A_1625, %and3A_1627 : vector<8x1xi32>
    %sub3A_1629 = arith.constant 4095 : i32
    %sub3A_1630 = vector.broadcast %sub3A_1629 : i32 to vector<8x1xi32>
    %sub3A_1631 = arith.subi %sub3A_1630, %and3A_1628 : vector<8x1xi32>
    %add3A_1632 = arith.addi %sub3A_1631, %mul3A_4 : vector<8x1xi32>
    %eq3A_1633 = vector.broadcast %broadcast_in_dim3A_1625 : vector<8x1xi32> to vector<8x4096xi32>
    %eq3A_1634 = arith.cmpi eq, %select_n3A_1622, %eq3A_1633 : vector<8x4096xi32>
    %jit3A_1635 = arith.constant -2147483648 : i32
    %broadcast_in_dim3A_1636 = vector.broadcast %jit3A_1635 : i32 to vector<8x4096xi32>
    %select_n3A_1637 = arith.select %eq3A_1634, %broadcast_in_dim3A_1636, %select_n3A_1622 : vector<8x4096xi1>, vector<8x4096xi32>
    %reduce_max3A_1638 = arith.constant dense<-2147483648> : vector<8xi32>
    %reduce_max3A_1639 = vector.multi_reduction <maxsi>, %select_n3A_1637, %reduce_max3A_1638 [1] : vector<8x4096xi32> to vector<8xi32>
    %broadcast_in_dim3A_1640 = vector.shape_cast %reduce_max3A_1639 : vector<8xi32> to vector<8x1xi32>
    %and3A_1641 = arith.constant 4095 : i32
    %and3A_1642 = vector.broadcast %and3A_1641 : i32 to vector<8x1xi32>
    %and3A_1643 = arith.andi %broadcast_in_dim3A_1640, %and3A_1642 : vector<8x1xi32>
    %sub3A_1644 = arith.constant 4095 : i32
    %sub3A_1645 = vector.broadcast %sub3A_1644 : i32 to vector<8x1xi32>
    %sub3A_1646 = arith.subi %sub3A_1645, %and3A_1643 : vector<8x1xi32>
    %add3A_1647 = arith.addi %sub3A_1646, %mul3A_4 : vector<8x1xi32>
    %eq3A_1648 = vector.broadcast %broadcast_in_dim3A_1640 : vector<8x1xi32> to vector<8x4096xi32>
    %eq3A_1649 = arith.cmpi eq, %select_n3A_1637, %eq3A_1648 : vector<8x4096xi32>
    %jit3A_1650 = arith.constant -2147483648 : i32
    %broadcast_in_dim3A_1651 = vector.broadcast %jit3A_1650 : i32 to vector<8x4096xi32>
    %select_n3A_1652 = arith.select %eq3A_1649, %broadcast_in_dim3A_1651, %select_n3A_1637 : vector<8x4096xi1>, vector<8x4096xi32>
    %reduce_max3A_1653 = arith.constant dense<-2147483648> : vector<8xi32>
    %reduce_max3A_1654 = vector.multi_reduction <maxsi>, %select_n3A_1652, %reduce_max3A_1653 [1] : vector<8x4096xi32> to vector<8xi32>
    %broadcast_in_dim3A_1655 = vector.shape_cast %reduce_max3A_1654 : vector<8xi32> to vector<8x1xi32>
    %and3A_1656 = arith.constant 4095 : i32
    %and3A_1657 = vector.broadcast %and3A_1656 : i32 to vector<8x1xi32>
    %and3A_1658 = arith.andi %broadcast_in_dim3A_1655, %and3A_1657 : vector<8x1xi32>
    %sub3A_1659 = arith.constant 4095 : i32
    %sub3A_1660 = vector.broadcast %sub3A_1659 : i32 to vector<8x1xi32>
    %sub3A_1661 = arith.subi %sub3A_1660, %and3A_1658 : vector<8x1xi32>
    %add3A_1662 = arith.addi %sub3A_1661, %mul3A_4 : vector<8x1xi32>
    %eq3A_1663 = vector.broadcast %broadcast_in_dim3A_1655 : vector<8x1xi32> to vector<8x4096xi32>
    %eq3A_1664 = arith.cmpi eq, %select_n3A_1652, %eq3A_1663 : vector<8x4096xi32>
    %jit3A_1665 = arith.constant -2147483648 : i32
    %broadcast_in_dim3A_1666 = vector.broadcast %jit3A_1665 : i32 to vector<8x4096xi32>
    %select_n3A_1667 = arith.select %eq3A_1664, %broadcast_in_dim3A_1666, %select_n3A_1652 : vector<8x4096xi1>, vector<8x4096xi32>
    %reduce_max3A_1668 = arith.constant dense<-2147483648> : vector<8xi32>
    %reduce_max3A_1669 = vector.multi_reduction <maxsi>, %select_n3A_1667, %reduce_max3A_1668 [1] : vector<8x4096xi32> to vector<8xi32>
    %broadcast_in_dim3A_1670 = vector.shape_cast %reduce_max3A_1669 : vector<8xi32> to vector<8x1xi32>
    %and3A_1671 = arith.constant 4095 : i32
    %and3A_1672 = vector.broadcast %and3A_1671 : i32 to vector<8x1xi32>
    %and3A_1673 = arith.andi %broadcast_in_dim3A_1670, %and3A_1672 : vector<8x1xi32>
    %sub3A_1674 = arith.constant 4095 : i32
    %sub3A_1675 = vector.broadcast %sub3A_1674 : i32 to vector<8x1xi32>
    %sub3A_1676 = arith.subi %sub3A_1675, %and3A_1673 : vector<8x1xi32>
    %add3A_1677 = arith.addi %sub3A_1676, %mul3A_4 : vector<8x1xi32>
    %eq3A_1678 = vector.broadcast %broadcast_in_dim3A_1670 : vector<8x1xi32> to vector<8x4096xi32>
    %eq3A_1679 = arith.cmpi eq, %select_n3A_1667, %eq3A_1678 : vector<8x4096xi32>
    %jit3A_1680 = arith.constant -2147483648 : i32
    %broadcast_in_dim3A_1681 = vector.broadcast %jit3A_1680 : i32 to vector<8x4096xi32>
    %select_n3A_1682 = arith.select %eq3A_1679, %broadcast_in_dim3A_1681, %select_n3A_1667 : vector<8x4096xi1>, vector<8x4096xi32>
    %reduce_max3A_1683 = arith.constant dense<-2147483648> : vector<8xi32>
    %reduce_max3A_1684 = vector.multi_reduction <maxsi>, %select_n3A_1682, %reduce_max3A_1683 [1] : vector<8x4096xi32> to vector<8xi32>
    %broadcast_in_dim3A_1685 = vector.shape_cast %reduce_max3A_1684 : vector<8xi32> to vector<8x1xi32>
    %and3A_1686 = arith.constant 4095 : i32
    %and3A_1687 = vector.broadcast %and3A_1686 : i32 to vector<8x1xi32>
    %and3A_1688 = arith.andi %broadcast_in_dim3A_1685, %and3A_1687 : vector<8x1xi32>
    %sub3A_1689 = arith.constant 4095 : i32
    %sub3A_1690 = vector.broadcast %sub3A_1689 : i32 to vector<8x1xi32>
    %sub3A_1691 = arith.subi %sub3A_1690, %and3A_1688 : vector<8x1xi32>
    %add3A_1692 = arith.addi %sub3A_1691, %mul3A_4 : vector<8x1xi32>
    %eq3A_1693 = vector.broadcast %broadcast_in_dim3A_1685 : vector<8x1xi32> to vector<8x4096xi32>
    %eq3A_1694 = arith.cmpi eq, %select_n3A_1682, %eq3A_1693 : vector<8x4096xi32>
    %jit3A_1695 = arith.constant -2147483648 : i32
    %broadcast_in_dim3A_1696 = vector.broadcast %jit3A_1695 : i32 to vector<8x4096xi32>
    %select_n3A_1697 = arith.select %eq3A_1694, %broadcast_in_dim3A_1696, %select_n3A_1682 : vector<8x4096xi1>, vector<8x4096xi32>
    %reduce_max3A_1698 = arith.constant dense<-2147483648> : vector<8xi32>
    %reduce_max3A_1699 = vector.multi_reduction <maxsi>, %select_n3A_1697, %reduce_max3A_1698 [1] : vector<8x4096xi32> to vector<8xi32>
    %broadcast_in_dim3A_1700 = vector.shape_cast %reduce_max3A_1699 : vector<8xi32> to vector<8x1xi32>
    %and3A_1701 = arith.constant 4095 : i32
    %and3A_1702 = vector.broadcast %and3A_1701 : i32 to vector<8x1xi32>
    %and3A_1703 = arith.andi %broadcast_in_dim3A_1700, %and3A_1702 : vector<8x1xi32>
    %sub3A_1704 = arith.constant 4095 : i32
    %sub3A_1705 = vector.broadcast %sub3A_1704 : i32 to vector<8x1xi32>
    %sub3A_1706 = arith.subi %sub3A_1705, %and3A_1703 : vector<8x1xi32>
    %add3A_1707 = arith.addi %sub3A_1706, %mul3A_4 : vector<8x1xi32>
    %eq3A_1708 = vector.broadcast %broadcast_in_dim3A_1700 : vector<8x1xi32> to vector<8x4096xi32>
    %eq3A_1709 = arith.cmpi eq, %select_n3A_1697, %eq3A_1708 : vector<8x4096xi32>
    %jit3A_1710 = arith.constant -2147483648 : i32
    %broadcast_in_dim3A_1711 = vector.broadcast %jit3A_1710 : i32 to vector<8x4096xi32>
    %select_n3A_1712 = arith.select %eq3A_1709, %broadcast_in_dim3A_1711, %select_n3A_1697 : vector<8x4096xi1>, vector<8x4096xi32>
    %reduce_max3A_1713 = arith.constant dense<-2147483648> : vector<8xi32>
    %reduce_max3A_1714 = vector.multi_reduction <maxsi>, %select_n3A_1712, %reduce_max3A_1713 [1] : vector<8x4096xi32> to vector<8xi32>
    %broadcast_in_dim3A_1715 = vector.shape_cast %reduce_max3A_1714 : vector<8xi32> to vector<8x1xi32>
    %and3A_1716 = arith.constant 4095 : i32
    %and3A_1717 = vector.broadcast %and3A_1716 : i32 to vector<8x1xi32>
    %and3A_1718 = arith.andi %broadcast_in_dim3A_1715, %and3A_1717 : vector<8x1xi32>
    %sub3A_1719 = arith.constant 4095 : i32
    %sub3A_1720 = vector.broadcast %sub3A_1719 : i32 to vector<8x1xi32>
    %sub3A_1721 = arith.subi %sub3A_1720, %and3A_1718 : vector<8x1xi32>
    %add3A_1722 = arith.addi %sub3A_1721, %mul3A_4 : vector<8x1xi32>
    %eq3A_1723 = vector.broadcast %broadcast_in_dim3A_1715 : vector<8x1xi32> to vector<8x4096xi32>
    %eq3A_1724 = arith.cmpi eq, %select_n3A_1712, %eq3A_1723 : vector<8x4096xi32>
    %jit3A_1725 = arith.constant -2147483648 : i32
    %broadcast_in_dim3A_1726 = vector.broadcast %jit3A_1725 : i32 to vector<8x4096xi32>
    %select_n3A_1727 = arith.select %eq3A_1724, %broadcast_in_dim3A_1726, %select_n3A_1712 : vector<8x4096xi1>, vector<8x4096xi32>
    %reduce_max3A_1728 = arith.constant dense<-2147483648> : vector<8xi32>
    %reduce_max3A_1729 = vector.multi_reduction <maxsi>, %select_n3A_1727, %reduce_max3A_1728 [1] : vector<8x4096xi32> to vector<8xi32>
    %broadcast_in_dim3A_1730 = vector.shape_cast %reduce_max3A_1729 : vector<8xi32> to vector<8x1xi32>
    %and3A_1731 = arith.constant 4095 : i32
    %and3A_1732 = vector.broadcast %and3A_1731 : i32 to vector<8x1xi32>
    %and3A_1733 = arith.andi %broadcast_in_dim3A_1730, %and3A_1732 : vector<8x1xi32>
    %sub3A_1734 = arith.constant 4095 : i32
    %sub3A_1735 = vector.broadcast %sub3A_1734 : i32 to vector<8x1xi32>
    %sub3A_1736 = arith.subi %sub3A_1735, %and3A_1733 : vector<8x1xi32>
    %add3A_1737 = arith.addi %sub3A_1736, %mul3A_4 : vector<8x1xi32>
    %eq3A_1738 = vector.broadcast %broadcast_in_dim3A_1730 : vector<8x1xi32> to vector<8x4096xi32>
    %eq3A_1739 = arith.cmpi eq, %select_n3A_1727, %eq3A_1738 : vector<8x4096xi32>
    %jit3A_1740 = arith.constant -2147483648 : i32
    %broadcast_in_dim3A_1741 = vector.broadcast %jit3A_1740 : i32 to vector<8x4096xi32>
    %select_n3A_1742 = arith.select %eq3A_1739, %broadcast_in_dim3A_1741, %select_n3A_1727 : vector<8x4096xi1>, vector<8x4096xi32>
    %reduce_max3A_1743 = arith.constant dense<-2147483648> : vector<8xi32>
    %reduce_max3A_1744 = vector.multi_reduction <maxsi>, %select_n3A_1742, %reduce_max3A_1743 [1] : vector<8x4096xi32> to vector<8xi32>
    %broadcast_in_dim3A_1745 = vector.shape_cast %reduce_max3A_1744 : vector<8xi32> to vector<8x1xi32>
    %and3A_1746 = arith.constant 4095 : i32
    %and3A_1747 = vector.broadcast %and3A_1746 : i32 to vector<8x1xi32>
    %and3A_1748 = arith.andi %broadcast_in_dim3A_1745, %and3A_1747 : vector<8x1xi32>
    %sub3A_1749 = arith.constant 4095 : i32
    %sub3A_1750 = vector.broadcast %sub3A_1749 : i32 to vector<8x1xi32>
    %sub3A_1751 = arith.subi %sub3A_1750, %and3A_1748 : vector<8x1xi32>
    %add3A_1752 = arith.addi %sub3A_1751, %mul3A_4 : vector<8x1xi32>
    %eq3A_1753 = vector.broadcast %broadcast_in_dim3A_1745 : vector<8x1xi32> to vector<8x4096xi32>
    %eq3A_1754 = arith.cmpi eq, %select_n3A_1742, %eq3A_1753 : vector<8x4096xi32>
    %jit3A_1755 = arith.constant -2147483648 : i32
    %broadcast_in_dim3A_1756 = vector.broadcast %jit3A_1755 : i32 to vector<8x4096xi32>
    %select_n3A_1757 = arith.select %eq3A_1754, %broadcast_in_dim3A_1756, %select_n3A_1742 : vector<8x4096xi1>, vector<8x4096xi32>
    %reduce_max3A_1758 = arith.constant dense<-2147483648> : vector<8xi32>
    %reduce_max3A_1759 = vector.multi_reduction <maxsi>, %select_n3A_1757, %reduce_max3A_1758 [1] : vector<8x4096xi32> to vector<8xi32>
    %broadcast_in_dim3A_1760 = vector.shape_cast %reduce_max3A_1759 : vector<8xi32> to vector<8x1xi32>
    %and3A_1761 = arith.constant 4095 : i32
    %and3A_1762 = vector.broadcast %and3A_1761 : i32 to vector<8x1xi32>
    %and3A_1763 = arith.andi %broadcast_in_dim3A_1760, %and3A_1762 : vector<8x1xi32>
    %sub3A_1764 = arith.constant 4095 : i32
    %sub3A_1765 = vector.broadcast %sub3A_1764 : i32 to vector<8x1xi32>
    %sub3A_1766 = arith.subi %sub3A_1765, %and3A_1763 : vector<8x1xi32>
    %add3A_1767 = arith.addi %sub3A_1766, %mul3A_4 : vector<8x1xi32>
    %eq3A_1768 = vector.broadcast %broadcast_in_dim3A_1760 : vector<8x1xi32> to vector<8x4096xi32>
    %eq3A_1769 = arith.cmpi eq, %select_n3A_1757, %eq3A_1768 : vector<8x4096xi32>
    %jit3A_1770 = arith.constant -2147483648 : i32
    %broadcast_in_dim3A_1771 = vector.broadcast %jit3A_1770 : i32 to vector<8x4096xi32>
    %select_n3A_1772 = arith.select %eq3A_1769, %broadcast_in_dim3A_1771, %select_n3A_1757 : vector<8x4096xi1>, vector<8x4096xi32>
    %reduce_max3A_1773 = arith.constant dense<-2147483648> : vector<8xi32>
    %reduce_max3A_1774 = vector.multi_reduction <maxsi>, %select_n3A_1772, %reduce_max3A_1773 [1] : vector<8x4096xi32> to vector<8xi32>
    %broadcast_in_dim3A_1775 = vector.shape_cast %reduce_max3A_1774 : vector<8xi32> to vector<8x1xi32>
    %and3A_1776 = arith.constant 4095 : i32
    %and3A_1777 = vector.broadcast %and3A_1776 : i32 to vector<8x1xi32>
    %and3A_1778 = arith.andi %broadcast_in_dim3A_1775, %and3A_1777 : vector<8x1xi32>
    %sub3A_1779 = arith.constant 4095 : i32
    %sub3A_1780 = vector.broadcast %sub3A_1779 : i32 to vector<8x1xi32>
    %sub3A_1781 = arith.subi %sub3A_1780, %and3A_1778 : vector<8x1xi32>
    %add3A_1782 = arith.addi %sub3A_1781, %mul3A_4 : vector<8x1xi32>
    %eq3A_1783 = vector.broadcast %broadcast_in_dim3A_1775 : vector<8x1xi32> to vector<8x4096xi32>
    %eq3A_1784 = arith.cmpi eq, %select_n3A_1772, %eq3A_1783 : vector<8x4096xi32>
    %jit3A_1785 = arith.constant -2147483648 : i32
    %broadcast_in_dim3A_1786 = vector.broadcast %jit3A_1785 : i32 to vector<8x4096xi32>
    %select_n3A_1787 = arith.select %eq3A_1784, %broadcast_in_dim3A_1786, %select_n3A_1772 : vector<8x4096xi1>, vector<8x4096xi32>
    %reduce_max3A_1788 = arith.constant dense<-2147483648> : vector<8xi32>
    %reduce_max3A_1789 = vector.multi_reduction <maxsi>, %select_n3A_1787, %reduce_max3A_1788 [1] : vector<8x4096xi32> to vector<8xi32>
    %broadcast_in_dim3A_1790 = vector.shape_cast %reduce_max3A_1789 : vector<8xi32> to vector<8x1xi32>
    %and3A_1791 = arith.constant 4095 : i32
    %and3A_1792 = vector.broadcast %and3A_1791 : i32 to vector<8x1xi32>
    %and3A_1793 = arith.andi %broadcast_in_dim3A_1790, %and3A_1792 : vector<8x1xi32>
    %sub3A_1794 = arith.constant 4095 : i32
    %sub3A_1795 = vector.broadcast %sub3A_1794 : i32 to vector<8x1xi32>
    %sub3A_1796 = arith.subi %sub3A_1795, %and3A_1793 : vector<8x1xi32>
    %add3A_1797 = arith.addi %sub3A_1796, %mul3A_4 : vector<8x1xi32>
    %eq3A_1798 = vector.broadcast %broadcast_in_dim3A_1790 : vector<8x1xi32> to vector<8x4096xi32>
    %eq3A_1799 = arith.cmpi eq, %select_n3A_1787, %eq3A_1798 : vector<8x4096xi32>
    %jit3A_1800 = arith.constant -2147483648 : i32
    %broadcast_in_dim3A_1801 = vector.broadcast %jit3A_1800 : i32 to vector<8x4096xi32>
    %select_n3A_1802 = arith.select %eq3A_1799, %broadcast_in_dim3A_1801, %select_n3A_1787 : vector<8x4096xi1>, vector<8x4096xi32>
    %reduce_max3A_1803 = arith.constant dense<-2147483648> : vector<8xi32>
    %reduce_max3A_1804 = vector.multi_reduction <maxsi>, %select_n3A_1802, %reduce_max3A_1803 [1] : vector<8x4096xi32> to vector<8xi32>
    %broadcast_in_dim3A_1805 = vector.shape_cast %reduce_max3A_1804 : vector<8xi32> to vector<8x1xi32>
    %and3A_1806 = arith.constant 4095 : i32
    %and3A_1807 = vector.broadcast %and3A_1806 : i32 to vector<8x1xi32>
    %and3A_1808 = arith.andi %broadcast_in_dim3A_1805, %and3A_1807 : vector<8x1xi32>
    %sub3A_1809 = arith.constant 4095 : i32
    %sub3A_1810 = vector.broadcast %sub3A_1809 : i32 to vector<8x1xi32>
    %sub3A_1811 = arith.subi %sub3A_1810, %and3A_1808 : vector<8x1xi32>
    %add3A_1812 = arith.addi %sub3A_1811, %mul3A_4 : vector<8x1xi32>
    %eq3A_1813 = vector.broadcast %broadcast_in_dim3A_1805 : vector<8x1xi32> to vector<8x4096xi32>
    %eq3A_1814 = arith.cmpi eq, %select_n3A_1802, %eq3A_1813 : vector<8x4096xi32>
    %jit3A_1815 = arith.constant -2147483648 : i32
    %broadcast_in_dim3A_1816 = vector.broadcast %jit3A_1815 : i32 to vector<8x4096xi32>
    %select_n3A_1817 = arith.select %eq3A_1814, %broadcast_in_dim3A_1816, %select_n3A_1802 : vector<8x4096xi1>, vector<8x4096xi32>
    %reduce_max3A_1818 = arith.constant dense<-2147483648> : vector<8xi32>
    %reduce_max3A_1819 = vector.multi_reduction <maxsi>, %select_n3A_1817, %reduce_max3A_1818 [1] : vector<8x4096xi32> to vector<8xi32>
    %broadcast_in_dim3A_1820 = vector.shape_cast %reduce_max3A_1819 : vector<8xi32> to vector<8x1xi32>
    %and3A_1821 = arith.constant 4095 : i32
    %and3A_1822 = vector.broadcast %and3A_1821 : i32 to vector<8x1xi32>
    %and3A_1823 = arith.andi %broadcast_in_dim3A_1820, %and3A_1822 : vector<8x1xi32>
    %sub3A_1824 = arith.constant 4095 : i32
    %sub3A_1825 = vector.broadcast %sub3A_1824 : i32 to vector<8x1xi32>
    %sub3A_1826 = arith.subi %sub3A_1825, %and3A_1823 : vector<8x1xi32>
    %add3A_1827 = arith.addi %sub3A_1826, %mul3A_4 : vector<8x1xi32>
    %eq3A_1828 = vector.broadcast %broadcast_in_dim3A_1820 : vector<8x1xi32> to vector<8x4096xi32>
    %eq3A_1829 = arith.cmpi eq, %select_n3A_1817, %eq3A_1828 : vector<8x4096xi32>
    %jit3A_1830 = arith.constant -2147483648 : i32
    %broadcast_in_dim3A_1831 = vector.broadcast %jit3A_1830 : i32 to vector<8x4096xi32>
    %select_n3A_1832 = arith.select %eq3A_1829, %broadcast_in_dim3A_1831, %select_n3A_1817 : vector<8x4096xi1>, vector<8x4096xi32>
    %reduce_max3A_1833 = arith.constant dense<-2147483648> : vector<8xi32>
    %reduce_max3A_1834 = vector.multi_reduction <maxsi>, %select_n3A_1832, %reduce_max3A_1833 [1] : vector<8x4096xi32> to vector<8xi32>
    %broadcast_in_dim3A_1835 = vector.shape_cast %reduce_max3A_1834 : vector<8xi32> to vector<8x1xi32>
    %and3A_1836 = arith.constant 4095 : i32
    %and3A_1837 = vector.broadcast %and3A_1836 : i32 to vector<8x1xi32>
    %and3A_1838 = arith.andi %broadcast_in_dim3A_1835, %and3A_1837 : vector<8x1xi32>
    %sub3A_1839 = arith.constant 4095 : i32
    %sub3A_1840 = vector.broadcast %sub3A_1839 : i32 to vector<8x1xi32>
    %sub3A_1841 = arith.subi %sub3A_1840, %and3A_1838 : vector<8x1xi32>
    %add3A_1842 = arith.addi %sub3A_1841, %mul3A_4 : vector<8x1xi32>
    %eq3A_1843 = vector.broadcast %broadcast_in_dim3A_1835 : vector<8x1xi32> to vector<8x4096xi32>
    %eq3A_1844 = arith.cmpi eq, %select_n3A_1832, %eq3A_1843 : vector<8x4096xi32>
    %jit3A_1845 = arith.constant -2147483648 : i32
    %broadcast_in_dim3A_1846 = vector.broadcast %jit3A_1845 : i32 to vector<8x4096xi32>
    %select_n3A_1847 = arith.select %eq3A_1844, %broadcast_in_dim3A_1846, %select_n3A_1832 : vector<8x4096xi1>, vector<8x4096xi32>
    %reduce_max3A_1848 = arith.constant dense<-2147483648> : vector<8xi32>
    %reduce_max3A_1849 = vector.multi_reduction <maxsi>, %select_n3A_1847, %reduce_max3A_1848 [1] : vector<8x4096xi32> to vector<8xi32>
    %broadcast_in_dim3A_1850 = vector.shape_cast %reduce_max3A_1849 : vector<8xi32> to vector<8x1xi32>
    %and3A_1851 = arith.constant 4095 : i32
    %and3A_1852 = vector.broadcast %and3A_1851 : i32 to vector<8x1xi32>
    %and3A_1853 = arith.andi %broadcast_in_dim3A_1850, %and3A_1852 : vector<8x1xi32>
    %sub3A_1854 = arith.constant 4095 : i32
    %sub3A_1855 = vector.broadcast %sub3A_1854 : i32 to vector<8x1xi32>
    %sub3A_1856 = arith.subi %sub3A_1855, %and3A_1853 : vector<8x1xi32>
    %add3A_1857 = arith.addi %sub3A_1856, %mul3A_4 : vector<8x1xi32>
    %eq3A_1858 = vector.broadcast %broadcast_in_dim3A_1850 : vector<8x1xi32> to vector<8x4096xi32>
    %eq3A_1859 = arith.cmpi eq, %select_n3A_1847, %eq3A_1858 : vector<8x4096xi32>
    %jit3A_1860 = arith.constant -2147483648 : i32
    %broadcast_in_dim3A_1861 = vector.broadcast %jit3A_1860 : i32 to vector<8x4096xi32>
    %select_n3A_1862 = arith.select %eq3A_1859, %broadcast_in_dim3A_1861, %select_n3A_1847 : vector<8x4096xi1>, vector<8x4096xi32>
    %reduce_max3A_1863 = arith.constant dense<-2147483648> : vector<8xi32>
    %reduce_max3A_1864 = vector.multi_reduction <maxsi>, %select_n3A_1862, %reduce_max3A_1863 [1] : vector<8x4096xi32> to vector<8xi32>
    %broadcast_in_dim3A_1865 = vector.shape_cast %reduce_max3A_1864 : vector<8xi32> to vector<8x1xi32>
    %and3A_1866 = arith.constant 4095 : i32
    %and3A_1867 = vector.broadcast %and3A_1866 : i32 to vector<8x1xi32>
    %and3A_1868 = arith.andi %broadcast_in_dim3A_1865, %and3A_1867 : vector<8x1xi32>
    %sub3A_1869 = arith.constant 4095 : i32
    %sub3A_1870 = vector.broadcast %sub3A_1869 : i32 to vector<8x1xi32>
    %sub3A_1871 = arith.subi %sub3A_1870, %and3A_1868 : vector<8x1xi32>
    %add3A_1872 = arith.addi %sub3A_1871, %mul3A_4 : vector<8x1xi32>
    %eq3A_1873 = vector.broadcast %broadcast_in_dim3A_1865 : vector<8x1xi32> to vector<8x4096xi32>
    %eq3A_1874 = arith.cmpi eq, %select_n3A_1862, %eq3A_1873 : vector<8x4096xi32>
    %jit3A_1875 = arith.constant -2147483648 : i32
    %broadcast_in_dim3A_1876 = vector.broadcast %jit3A_1875 : i32 to vector<8x4096xi32>
    %select_n3A_1877 = arith.select %eq3A_1874, %broadcast_in_dim3A_1876, %select_n3A_1862 : vector<8x4096xi1>, vector<8x4096xi32>
    %reduce_max3A_1878 = arith.constant dense<-2147483648> : vector<8xi32>
    %reduce_max3A_1879 = vector.multi_reduction <maxsi>, %select_n3A_1877, %reduce_max3A_1878 [1] : vector<8x4096xi32> to vector<8xi32>
    %broadcast_in_dim3A_1880 = vector.shape_cast %reduce_max3A_1879 : vector<8xi32> to vector<8x1xi32>
    %and3A_1881 = arith.constant 4095 : i32
    %and3A_1882 = vector.broadcast %and3A_1881 : i32 to vector<8x1xi32>
    %and3A_1883 = arith.andi %broadcast_in_dim3A_1880, %and3A_1882 : vector<8x1xi32>
    %sub3A_1884 = arith.constant 4095 : i32
    %sub3A_1885 = vector.broadcast %sub3A_1884 : i32 to vector<8x1xi32>
    %sub3A_1886 = arith.subi %sub3A_1885, %and3A_1883 : vector<8x1xi32>
    %add3A_1887 = arith.addi %sub3A_1886, %mul3A_4 : vector<8x1xi32>
    %eq3A_1888 = vector.broadcast %broadcast_in_dim3A_1880 : vector<8x1xi32> to vector<8x4096xi32>
    %eq3A_1889 = arith.cmpi eq, %select_n3A_1877, %eq3A_1888 : vector<8x4096xi32>
    %jit3A_1890 = arith.constant -2147483648 : i32
    %broadcast_in_dim3A_1891 = vector.broadcast %jit3A_1890 : i32 to vector<8x4096xi32>
    %select_n3A_1892 = arith.select %eq3A_1889, %broadcast_in_dim3A_1891, %select_n3A_1877 : vector<8x4096xi1>, vector<8x4096xi32>
    %reduce_max3A_1893 = arith.constant dense<-2147483648> : vector<8xi32>
    %reduce_max3A_1894 = vector.multi_reduction <maxsi>, %select_n3A_1892, %reduce_max3A_1893 [1] : vector<8x4096xi32> to vector<8xi32>
    %broadcast_in_dim3A_1895 = vector.shape_cast %reduce_max3A_1894 : vector<8xi32> to vector<8x1xi32>
    %and3A_1896 = arith.constant 4095 : i32
    %and3A_1897 = vector.broadcast %and3A_1896 : i32 to vector<8x1xi32>
    %and3A_1898 = arith.andi %broadcast_in_dim3A_1895, %and3A_1897 : vector<8x1xi32>
    %sub3A_1899 = arith.constant 4095 : i32
    %sub3A_1900 = vector.broadcast %sub3A_1899 : i32 to vector<8x1xi32>
    %sub3A_1901 = arith.subi %sub3A_1900, %and3A_1898 : vector<8x1xi32>
    %add3A_1902 = arith.addi %sub3A_1901, %mul3A_4 : vector<8x1xi32>
    %eq3A_1903 = vector.broadcast %broadcast_in_dim3A_1895 : vector<8x1xi32> to vector<8x4096xi32>
    %eq3A_1904 = arith.cmpi eq, %select_n3A_1892, %eq3A_1903 : vector<8x4096xi32>
    %jit3A_1905 = arith.constant -2147483648 : i32
    %broadcast_in_dim3A_1906 = vector.broadcast %jit3A_1905 : i32 to vector<8x4096xi32>
    %select_n3A_1907 = arith.select %eq3A_1904, %broadcast_in_dim3A_1906, %select_n3A_1892 : vector<8x4096xi1>, vector<8x4096xi32>
    %reduce_max3A_1908 = arith.constant dense<-2147483648> : vector<8xi32>
    %reduce_max3A_1909 = vector.multi_reduction <maxsi>, %select_n3A_1907, %reduce_max3A_1908 [1] : vector<8x4096xi32> to vector<8xi32>
    %broadcast_in_dim3A_1910 = vector.shape_cast %reduce_max3A_1909 : vector<8xi32> to vector<8x1xi32>
    %and3A_1911 = arith.constant 4095 : i32
    %and3A_1912 = vector.broadcast %and3A_1911 : i32 to vector<8x1xi32>
    %and3A_1913 = arith.andi %broadcast_in_dim3A_1910, %and3A_1912 : vector<8x1xi32>
    %sub3A_1914 = arith.constant 4095 : i32
    %sub3A_1915 = vector.broadcast %sub3A_1914 : i32 to vector<8x1xi32>
    %sub3A_1916 = arith.subi %sub3A_1915, %and3A_1913 : vector<8x1xi32>
    %add3A_1917 = arith.addi %sub3A_1916, %mul3A_4 : vector<8x1xi32>
    %concatenate3A = tpu.concatenate %add3A, %add3A_27, %add3A_42, %add3A_57, %add3A_72, %add3A_87, %add3A_102, %add3A_117, %add3A_132, %add3A_147, %add3A_162, %add3A_177, %add3A_192, %add3A_207, %add3A_222, %add3A_237, %add3A_252, %add3A_267, %add3A_282, %add3A_297, %add3A_312, %add3A_327, %add3A_342, %add3A_357, %add3A_372, %add3A_387, %add3A_402, %add3A_417, %add3A_432, %add3A_447, %add3A_462, %add3A_477, %add3A_492, %add3A_507, %add3A_522, %add3A_537, %add3A_552, %add3A_567, %add3A_582, %add3A_597, %add3A_612, %add3A_627, %add3A_642, %add3A_657, %add3A_672, %add3A_687, %add3A_702, %add3A_717, %add3A_732, %add3A_747, %add3A_762, %add3A_777, %add3A_792, %add3A_807, %add3A_822, %add3A_837, %add3A_852, %add3A_867, %add3A_882, %add3A_897, %add3A_912, %add3A_927, %add3A_942, %add3A_957, %add3A_972, %add3A_987, %add3A_1002, %add3A_1017, %add3A_1032, %add3A_1047, %add3A_1062, %add3A_1077, %add3A_1092, %add3A_1107, %add3A_1122, %add3A_1137, %add3A_1152, %add3A_1167, %add3A_1182, %add3A_1197, %add3A_1212, %add3A_1227, %add3A_1242, %add3A_1257, %add3A_1272, %add3A_1287, %add3A_1302, %add3A_1317, %add3A_1332, %add3A_1347, %add3A_1362, %add3A_1377, %add3A_1392, %add3A_1407, %add3A_1422, %add3A_1437, %add3A_1452, %add3A_1467, %add3A_1482, %add3A_1497, %add3A_1512, %add3A_1527, %add3A_1542, %add3A_1557, %add3A_1572, %add3A_1587, %add3A_1602, %add3A_1617, %add3A_1632, %add3A_1647, %add3A_1662, %add3A_1677, %add3A_1692, %add3A_1707, %add3A_1722, %add3A_1737, %add3A_1752, %add3A_1767, %add3A_1782, %add3A_1797, %add3A_1812, %add3A_1827, %add3A_1842, %add3A_1857, %add3A_1872, %add3A_1887, %add3A_1902, %add3A_1917 in 1 : vector<8x1xi32>, vector<8x1xi32>, vector<8x1xi32>, vector<8x1xi32>, vector<8x1xi32>, vector<8x1xi32>, vector<8x1xi32>, vector<8x1xi32>, vector<8x1xi32>, vector<8x1xi32>, vector<8x1xi32>, vector<8x1xi32>, vector<8x1xi32>, vector<8x1xi32>, vector<8x1xi32>, vector<8x1xi32>, vector<8x1xi32>, vector<8x1xi32>, vector<8x1xi32>, vector<8x1xi32>, vector<8x1xi32>, vector<8x1xi32>, vector<8x1xi32>, vector<8x1xi32>, vector<8x1xi32>, vector<8x1xi32>, vector<8x1xi32>, vector<8x1xi32>, vector<8x1xi32>, vector<8x1xi32>, vector<8x1xi32>, vector<8x1xi32>, vector<8x1xi32>, vector<8x1xi32>, vector<8x1xi32>, vector<8x1xi32>, vector<8x1xi32>, vector<8x1xi32>, vector<8x1xi32>, vector<8x1xi32>, vector<8x1xi32>, vector<8x1xi32>, vector<8x1xi32>, vector<8x1xi32>, vector<8x1xi32>, vector<8x1xi32>, vector<8x1xi32>, vector<8x1xi32>, vector<8x1xi32>, vector<8x1xi32>, vector<8x1xi32>, vector<8x1xi32>, vector<8x1xi32>, vector<8x1xi32>, vector<8x1xi32>, vector<8x1xi32>, vector<8x1xi32>, vector<8x1xi32>, vector<8x1xi32>, vector<8x1xi32>, vector<8x1xi32>, vector<8x1xi32>, vector<8x1xi32>, vector<8x1xi32>, vector<8x1xi32>, vector<8x1xi32>, vector<8x1xi32>, vector<8x1xi32>, vector<8x1xi32>, vector<8x1xi32>, vector<8x1xi32>, vector<8x1xi32>, vector<8x1xi32>, vector<8x1xi32>, vector<8x1xi32>, vector<8x1xi32>, vector<8x1xi32>, vector<8x1xi32>, vector<8x1xi32>, vector<8x1xi32>, vector<8x1xi32>, vector<8x1xi32>, vector<8x1xi32>, vector<8x1xi32>, vector<8x1xi32>, vector<8x1xi32>, vector<8x1xi32>, vector<8x1xi32>, vector<8x1xi32>, vector<8x1xi32>, vector<8x1xi32>, vector<8x1xi32>, vector<8x1xi32>, vector<8x1xi32>, vector<8x1xi32>, vector<8x1xi32>, vector<8x1xi32>, vector<8x1xi32>, vector<8x1xi32>, vector<8x1xi32>, vector<8x1xi32>, vector<8x1xi32>, vector<8x1xi32>, vector<8x1xi32>, vector<8x1xi32>, vector<8x1xi32>, vector<8x1xi32>, vector<8x1xi32>, vector<8x1xi32>, vector<8x1xi32>, vector<8x1xi32>, vector<8x1xi32>, vector<8x1xi32>, vector<8x1xi32>, vector<8x1xi32>, vector<8x1xi32>, vector<8x1xi32>, vector<8x1xi32>, vector<8x1xi32>, vector<8x1xi32>, vector<8x1xi32>, vector<8x1xi32>, vector<8x1xi32>, vector<8x1xi32>, vector<8x1xi32>, vector<8x1xi32>, vector<8x1xi32>, vector<8x1xi32> -> vector<8x128xi32>
    %swap3A = arith.constant 0 : index
    %swap3A_1918 = arith.constant 0 : index
    %swap3A_1919 = vector.load %arg1[%swap3A, %swap3A_1918] : memref<8x128xi32, #tpu.memory_space<vmem>>, vector<8x128xi32>
    tpu.vector_store %arg1[%swap3A, %swap3A_1918], %concatenate3A {strides = array<i32>} : memref<8x128xi32, #tpu.memory_space<vmem>>, vector<8x128xi32>,
    return
  }
}

module attributes {stable_mosaic.version = 14 : i64} {
  func.func @_stage1_kernel(%arg0: i32, %arg1: memref<1x1x512xf32, #tpu.memory_space<vmem>>, %arg2: memref<512x512xf32, #tpu.memory_space<vmem>>, %arg3: memref<128x128xbf16, #tpu.memory_space<vmem>>, %arg4: memref<128x128xbf16, #tpu.memory_space<vmem>>, %arg5: memref<1x512x1xf32, #tpu.memory_space<vmem>>) attributes {dimension_semantics = [#tpu.dimension_semantics<arbitrary>], iteration_bounds = array<i64: 64>, scalar_prefetch = 0 : i64, scratch_operands = 0 : i64, tpu.core_type = #tpu.core_type<tc>, window_params = [{transform_indices = @transform_0, window_bounds = array<i64: 1, 1, 512>}, {transform_indices = @transform_1, window_bounds = array<i64: 512, 512>}, {pipeline_mode = #tpu.pipeline_mode<synchronous>, transform_indices = @transform_2, window_bounds = array<i64: 128, 128>}, {pipeline_mode = #tpu.pipeline_mode<synchronous>, transform_indices = @transform_3, window_bounds = array<i64: 128, 128>}, {transform_indices = @transform_4, window_bounds = array<i64: 1, 512, 1>}]} {
    %get3A = arith.constant 0 : index
    %get3A_0 = arith.constant 0 : index
    %get3A_1 = vector.load %arg3[%get3A, %get3A_0] : memref<128x128xbf16, #tpu.memory_space<vmem>>, vector<128x128xbf16>
    %get3A_2 = arith.constant 0 : index
    %get3A_3 = arith.constant 0 : index
    %get3A_4 = vector.load %arg4[%get3A_2, %get3A_3] : memref<128x128xbf16, #tpu.memory_space<vmem>>, vector<128x128xbf16>
    %iota3A = tpu.iota {dimensions = array<i32: 1>} : vector<1x128xi32>
    %ge3A = arith.constant 1 : i32
    %ge3A_5 = vector.broadcast %ge3A : i32 to vector<1x128xi32>
    %ge3A_6 = arith.cmpi sge, %iota3A, %ge3A_5 : vector<1x128xi32>
    %le3A = arith.constant 63 : i32
    %le3A_7 = vector.broadcast %le3A : i32 to vector<1x128xi32>
    %le3A_8 = arith.cmpi sle, %iota3A, %le3A_7 : vector<1x128xi32>
    %and3A = arith.andi %ge3A_6, %le3A_8 : vector<1x128xi1>
    %broadcast_in_dim3A = arith.constant 0.000000e+00 : f32
    %broadcast_in_dim3A_9 = vector.broadcast %broadcast_in_dim3A : f32 to vector<1x128xf32>
    %get3A_10 = arith.constant 0 : index
    %get3A_11 = arith.constant 0 : index
    %get3A_12 = arith.constant 0 : index
    %get3A_13 = vector.load %arg1[%get3A_10, %get3A_11, %get3A_12] : memref<1x1x512xf32, #tpu.memory_space<vmem>>, vector<1x1x128xf32>
    %get3A_14 = vector.shape_cast %get3A_13 : vector<1x1x128xf32> to vector<1x128xf32>
    %convert_element_type3A = arith.truncf %get3A_14 : vector<1x128xf32> to vector<1x128xbf16>
    %dot_general3A = arith.constant dense<0.000000e+00> : vector<1x128xf32>
    %dot_general3A_15 = tpu.matmul %convert_element_type3A, %get3A_1, %dot_general3A {dimension_numbers = #tpu.dot_dimension_numbers<[1], [0], [0], [1], [0, 0, 1, 1], [], []>, transpose_lhs_hint = false} : vector<1x128xbf16>, vector<128x128xbf16>, vector<1x128xf32> -> vector<1x128xf32>
    %dot_general3A_16 = arith.constant dense<0.000000e+00> : vector<1x128xf32>
    %dot_general3A_17 = tpu.matmul %convert_element_type3A, %get3A_4, %dot_general3A_16 {dimension_numbers = #tpu.dot_dimension_numbers<[1], [0], [0], [1], [0, 0, 1, 1], [], []>, transpose_lhs_hint = false} : vector<1x128xbf16>, vector<128x128xbf16>, vector<1x128xf32> -> vector<1x128xf32>
    %mul3A = arith.mulf %dot_general3A_15, %dot_general3A_15 : vector<1x128xf32>
    %add3A = arith.addf %broadcast_in_dim3A_9, %mul3A : vector<1x128xf32>
    %get3A_18 = arith.constant 0 : index
    %get3A_19 = arith.constant 0 : index
    %get3A_20 = arith.constant 64 : index
    %get3A_21 = vector.load %arg1[%get3A_18, %get3A_19, %get3A_20] : memref<1x1x512xf32, #tpu.memory_space<vmem>>, vector<1x1x128xf32>
    %get3A_22 = vector.shape_cast %get3A_21 : vector<1x1x128xf32> to vector<1x128xf32>
    %convert_element_type3A_23 = arith.truncf %get3A_22 : vector<1x128xf32> to vector<1x128xbf16>
    %dot_general3A_24 = arith.constant dense<0.000000e+00> : vector<1x128xf32>
    %dot_general3A_25 = tpu.matmul %convert_element_type3A_23, %get3A_1, %dot_general3A_24 {dimension_numbers = #tpu.dot_dimension_numbers<[1], [0], [0], [1], [0, 0, 1, 1], [], []>, transpose_lhs_hint = false} : vector<1x128xbf16>, vector<128x128xbf16>, vector<1x128xf32> -> vector<1x128xf32>
    %dot_general3A_26 = arith.constant dense<0.000000e+00> : vector<1x128xf32>
    %dot_general3A_27 = tpu.matmul %convert_element_type3A_23, %get3A_4, %dot_general3A_26 {dimension_numbers = #tpu.dot_dimension_numbers<[1], [0], [0], [1], [0, 0, 1, 1], [], []>, transpose_lhs_hint = false} : vector<1x128xbf16>, vector<128x128xbf16>, vector<1x128xf32> -> vector<1x128xf32>
    %mul3A_28 = arith.mulf %dot_general3A_25, %dot_general3A_25 : vector<1x128xf32>
    %add3A_29 = arith.addf %add3A, %mul3A_28 : vector<1x128xf32>
    %get3A_30 = arith.constant 0 : index
    %get3A_31 = arith.constant 0 : index
    %get3A_32 = arith.constant 128 : index
    %get3A_33 = vector.load %arg1[%get3A_30, %get3A_31, %get3A_32] : memref<1x1x512xf32, #tpu.memory_space<vmem>>, vector<1x1x128xf32>
    %get3A_34 = vector.shape_cast %get3A_33 : vector<1x1x128xf32> to vector<1x128xf32>
    %convert_element_type3A_35 = arith.truncf %get3A_34 : vector<1x128xf32> to vector<1x128xbf16>
    %dot_general3A_36 = arith.constant dense<0.000000e+00> : vector<1x128xf32>
    %dot_general3A_37 = tpu.matmul %convert_element_type3A_35, %get3A_1, %dot_general3A_36 {dimension_numbers = #tpu.dot_dimension_numbers<[1], [0], [0], [1], [0, 0, 1, 1], [], []>, transpose_lhs_hint = false} : vector<1x128xbf16>, vector<128x128xbf16>, vector<1x128xf32> -> vector<1x128xf32>
    %dot_general3A_38 = arith.constant dense<0.000000e+00> : vector<1x128xf32>
    %dot_general3A_39 = tpu.matmul %convert_element_type3A_35, %get3A_4, %dot_general3A_38 {dimension_numbers = #tpu.dot_dimension_numbers<[1], [0], [0], [1], [0, 0, 1, 1], [], []>, transpose_lhs_hint = false} : vector<1x128xbf16>, vector<128x128xbf16>, vector<1x128xf32> -> vector<1x128xf32>
    %mul3A_40 = arith.mulf %dot_general3A_37, %dot_general3A_37 : vector<1x128xf32>
    %add3A_41 = arith.addf %add3A_29, %mul3A_40 : vector<1x128xf32>
    %get3A_42 = arith.constant 0 : index
    %get3A_43 = arith.constant 0 : index
    %get3A_44 = arith.constant 192 : index
    %get3A_45 = vector.load %arg1[%get3A_42, %get3A_43, %get3A_44] : memref<1x1x512xf32, #tpu.memory_space<vmem>>, vector<1x1x128xf32>
    %get3A_46 = vector.shape_cast %get3A_45 : vector<1x1x128xf32> to vector<1x128xf32>
    %convert_element_type3A_47 = arith.truncf %get3A_46 : vector<1x128xf32> to vector<1x128xbf16>
    %dot_general3A_48 = arith.constant dense<0.000000e+00> : vector<1x128xf32>
    %dot_general3A_49 = tpu.matmul %convert_element_type3A_47, %get3A_1, %dot_general3A_48 {dimension_numbers = #tpu.dot_dimension_numbers<[1], [0], [0], [1], [0, 0, 1, 1], [], []>, transpose_lhs_hint = false} : vector<1x128xbf16>, vector<128x128xbf16>, vector<1x128xf32> -> vector<1x128xf32>
    %dot_general3A_50 = arith.constant dense<0.000000e+00> : vector<1x128xf32>
    %dot_general3A_51 = tpu.matmul %convert_element_type3A_47, %get3A_4, %dot_general3A_50 {dimension_numbers = #tpu.dot_dimension_numbers<[1], [0], [0], [1], [0, 0, 1, 1], [], []>, transpose_lhs_hint = false} : vector<1x128xbf16>, vector<128x128xbf16>, vector<1x128xf32> -> vector<1x128xf32>
    %mul3A_52 = arith.mulf %dot_general3A_49, %dot_general3A_49 : vector<1x128xf32>
    %add3A_53 = arith.addf %add3A_41, %mul3A_52 : vector<1x128xf32>
    %get3A_54 = arith.constant 0 : index
    %get3A_55 = arith.constant 0 : index
    %get3A_56 = arith.constant 256 : index
    %get3A_57 = vector.load %arg1[%get3A_54, %get3A_55, %get3A_56] : memref<1x1x512xf32, #tpu.memory_space<vmem>>, vector<1x1x128xf32>
    %get3A_58 = vector.shape_cast %get3A_57 : vector<1x1x128xf32> to vector<1x128xf32>
    %convert_element_type3A_59 = arith.truncf %get3A_58 : vector<1x128xf32> to vector<1x128xbf16>
    %dot_general3A_60 = arith.constant dense<0.000000e+00> : vector<1x128xf32>
    %dot_general3A_61 = tpu.matmul %convert_element_type3A_59, %get3A_1, %dot_general3A_60 {dimension_numbers = #tpu.dot_dimension_numbers<[1], [0], [0], [1], [0, 0, 1, 1], [], []>, transpose_lhs_hint = false} : vector<1x128xbf16>, vector<128x128xbf16>, vector<1x128xf32> -> vector<1x128xf32>
    %dot_general3A_62 = arith.constant dense<0.000000e+00> : vector<1x128xf32>
    %dot_general3A_63 = tpu.matmul %convert_element_type3A_59, %get3A_4, %dot_general3A_62 {dimension_numbers = #tpu.dot_dimension_numbers<[1], [0], [0], [1], [0, 0, 1, 1], [], []>, transpose_lhs_hint = false} : vector<1x128xbf16>, vector<128x128xbf16>, vector<1x128xf32> -> vector<1x128xf32>
    %mul3A_64 = arith.mulf %dot_general3A_61, %dot_general3A_61 : vector<1x128xf32>
    %add3A_65 = arith.addf %add3A_53, %mul3A_64 : vector<1x128xf32>
    %get3A_66 = arith.constant 0 : index
    %get3A_67 = arith.constant 0 : index
    %get3A_68 = arith.constant 320 : index
    %get3A_69 = vector.load %arg1[%get3A_66, %get3A_67, %get3A_68] : memref<1x1x512xf32, #tpu.memory_space<vmem>>, vector<1x1x128xf32>
    %get3A_70 = vector.shape_cast %get3A_69 : vector<1x1x128xf32> to vector<1x128xf32>
    %convert_element_type3A_71 = arith.truncf %get3A_70 : vector<1x128xf32> to vector<1x128xbf16>
    %dot_general3A_72 = arith.constant dense<0.000000e+00> : vector<1x128xf32>
    %dot_general3A_73 = tpu.matmul %convert_element_type3A_71, %get3A_1, %dot_general3A_72 {dimension_numbers = #tpu.dot_dimension_numbers<[1], [0], [0], [1], [0, 0, 1, 1], [], []>, transpose_lhs_hint = false} : vector<1x128xbf16>, vector<128x128xbf16>, vector<1x128xf32> -> vector<1x128xf32>
    %dot_general3A_74 = arith.constant dense<0.000000e+00> : vector<1x128xf32>
    %dot_general3A_75 = tpu.matmul %convert_element_type3A_71, %get3A_4, %dot_general3A_74 {dimension_numbers = #tpu.dot_dimension_numbers<[1], [0], [0], [1], [0, 0, 1, 1], [], []>, transpose_lhs_hint = false} : vector<1x128xbf16>, vector<128x128xbf16>, vector<1x128xf32> -> vector<1x128xf32>
    %mul3A_76 = arith.mulf %dot_general3A_73, %dot_general3A_73 : vector<1x128xf32>
    %add3A_77 = arith.addf %add3A_65, %mul3A_76 : vector<1x128xf32>
    %get3A_78 = arith.constant 0 : index
    %get3A_79 = arith.constant 0 : index
    %get3A_80 = arith.constant 384 : index
    %get3A_81 = vector.load %arg1[%get3A_78, %get3A_79, %get3A_80] : memref<1x1x512xf32, #tpu.memory_space<vmem>>, vector<1x1x128xf32>
    %get3A_82 = vector.shape_cast %get3A_81 : vector<1x1x128xf32> to vector<1x128xf32>
    %convert_element_type3A_83 = arith.truncf %get3A_82 : vector<1x128xf32> to vector<1x128xbf16>
    %dot_general3A_84 = arith.constant dense<0.000000e+00> : vector<1x128xf32>
    %dot_general3A_85 = tpu.matmul %convert_element_type3A_83, %get3A_1, %dot_general3A_84 {dimension_numbers = #tpu.dot_dimension_numbers<[1], [0], [0], [1], [0, 0, 1, 1], [], []>, transpose_lhs_hint = false} : vector<1x128xbf16>, vector<128x128xbf16>, vector<1x128xf32> -> vector<1x128xf32>
    %dot_general3A_86 = arith.constant dense<0.000000e+00> : vector<1x128xf32>
    %dot_general3A_87 = tpu.matmul %convert_element_type3A_83, %get3A_4, %dot_general3A_86 {dimension_numbers = #tpu.dot_dimension_numbers<[1], [0], [0], [1], [0, 0, 1, 1], [], []>, transpose_lhs_hint = false} : vector<1x128xbf16>, vector<128x128xbf16>, vector<1x128xf32> -> vector<1x128xf32>
    %mul3A_88 = arith.mulf %dot_general3A_85, %dot_general3A_85 : vector<1x128xf32>
    %add3A_89 = arith.addf %add3A_77, %mul3A_88 : vector<1x128xf32>
    %mul3A_90 = arith.constant 0.142857149 : f32
    %mul3A_91 = vector.broadcast %mul3A_90 : f32 to vector<1x128xf32>
    %mul3A_92 = arith.mulf %add3A_89, %mul3A_91 : vector<1x128xf32>
    %slice3A = vector.extract_strided_slice %mul3A_92 {offsets = [0, 64], sizes = [1, 64], strides = [1, 1]} : vector<1x128xf32> to vector<1x64xf32>
    %slice3A_93 = vector.extract_strided_slice %mul3A_92 {offsets = [0, 0], sizes = [1, 64], strides = [1, 1]} : vector<1x128xf32> to vector<1x64xf32>
    %concatenate3A = tpu.concatenate %slice3A, %slice3A_93 in 1 : vector<1x64xf32>, vector<1x64xf32> -> vector<1x128xf32>
    %jit3A = arith.constant 0.000000e+00 : f32
    %broadcast_in_dim3A_94 = vector.broadcast %jit3A : f32 to vector<1x128xf32>
    %select_n3A = arith.select %and3A, %concatenate3A, %broadcast_in_dim3A_94 : vector<1x128xi1>, vector<1x128xf32>
    %add3A_95 = arith.addf %mul3A_92, %select_n3A : vector<1x128xf32>
    %broadcast_in_dim3A_96 = arith.constant 0.000000e+00 : f32
    %broadcast_in_dim3A_97 = vector.broadcast %broadcast_in_dim3A_96 : f32 to vector<128x128xf32>
    %broadcast_in_dim3A_98 = arith.constant 0.000000e+00 : f32
    %broadcast_in_dim3A_99 = vector.broadcast %broadcast_in_dim3A_98 : f32 to vector<128x128xf32>
    %broadcast_in_dim3A_100 = arith.constant 0.000000e+00 : f32
    %broadcast_in_dim3A_101 = vector.broadcast %broadcast_in_dim3A_100 : f32 to vector<128x128xf32>
    %get3A_102 = arith.constant 0 : index
    %get3A_103 = arith.constant 0 : index
    %get3A_104 = vector.load %arg2[%get3A_102, %get3A_103] : memref<512x512xf32, #tpu.memory_space<vmem>>, vector<128x128xf32>
    %convert_element_type3A_105 = arith.truncf %get3A_104 : vector<128x128xf32> to vector<128x128xbf16>
    %dot_general3A_106 = arith.constant dense<0.000000e+00> : vector<128x128xf32>
    %dot_general3A_107 = tpu.matmul %convert_element_type3A_105, %get3A_1, %dot_general3A_106 {dimension_numbers = #tpu.dot_dimension_numbers<[1], [0], [0], [1], [0, 0, 1, 1], [], []>, transpose_lhs_hint = false} : vector<128x128xbf16>, vector<128x128xbf16>, vector<128x128xf32> -> vector<128x128xf32>
    %mul3A_108 = arith.mulf %dot_general3A_107, %dot_general3A_107 : vector<128x128xf32>
    %add3A_109 = arith.addf %broadcast_in_dim3A_97, %mul3A_108 : vector<128x128xf32>
    %mul3A_110 = vector.broadcast %dot_general3A_15 : vector<1x128xf32> to vector<128x128xf32>
    %mul3A_111 = arith.mulf %mul3A_110, %dot_general3A_107 : vector<128x128xf32>
    %add3A_112 = arith.addf %broadcast_in_dim3A_99, %mul3A_111 : vector<128x128xf32>
    %mul3A_113 = vector.broadcast %dot_general3A_17 : vector<1x128xf32> to vector<128x128xf32>
    %mul3A_114 = arith.mulf %mul3A_113, %dot_general3A_107 : vector<128x128xf32>
    %add3A_115 = arith.addf %broadcast_in_dim3A_101, %mul3A_114 : vector<128x128xf32>
    %get3A_116 = arith.constant 0 : index
    %get3A_117 = arith.constant 64 : index
    %get3A_118 = vector.load %arg2[%get3A_116, %get3A_117] : memref<512x512xf32, #tpu.memory_space<vmem>>, vector<128x128xf32>
    %convert_element_type3A_119 = arith.truncf %get3A_118 : vector<128x128xf32> to vector<128x128xbf16>
    %dot_general3A_120 = arith.constant dense<0.000000e+00> : vector<128x128xf32>
    %dot_general3A_121 = tpu.matmul %convert_element_type3A_119, %get3A_1, %dot_general3A_120 {dimension_numbers = #tpu.dot_dimension_numbers<[1], [0], [0], [1], [0, 0, 1, 1], [], []>, transpose_lhs_hint = false} : vector<128x128xbf16>, vector<128x128xbf16>, vector<128x128xf32> -> vector<128x128xf32>
    %mul3A_122 = arith.mulf %dot_general3A_121, %dot_general3A_121 : vector<128x128xf32>
    %add3A_123 = arith.addf %add3A_109, %mul3A_122 : vector<128x128xf32>
    %mul3A_124 = vector.broadcast %dot_general3A_25 : vector<1x128xf32> to vector<128x128xf32>
    %mul3A_125 = arith.mulf %mul3A_124, %dot_general3A_121 : vector<128x128xf32>
    %add3A_126 = arith.addf %add3A_112, %mul3A_125 : vector<128x128xf32>
    %mul3A_127 = vector.broadcast %dot_general3A_27 : vector<1x128xf32> to vector<128x128xf32>
    %mul3A_128 = arith.mulf %mul3A_127, %dot_general3A_121 : vector<128x128xf32>
    %add3A_129 = arith.addf %add3A_115, %mul3A_128 : vector<128x128xf32>
    %get3A_130 = arith.constant 0 : index
    %get3A_131 = arith.constant 128 : index
    %get3A_132 = vector.load %arg2[%get3A_130, %get3A_131] : memref<512x512xf32, #tpu.memory_space<vmem>>, vector<128x128xf32>
    %convert_element_type3A_133 = arith.truncf %get3A_132 : vector<128x128xf32> to vector<128x128xbf16>
    %dot_general3A_134 = arith.constant dense<0.000000e+00> : vector<128x128xf32>
    %dot_general3A_135 = tpu.matmul %convert_element_type3A_133, %get3A_1, %dot_general3A_134 {dimension_numbers = #tpu.dot_dimension_numbers<[1], [0], [0], [1], [0, 0, 1, 1], [], []>, transpose_lhs_hint = false} : vector<128x128xbf16>, vector<128x128xbf16>, vector<128x128xf32> -> vector<128x128xf32>
    %mul3A_136 = arith.mulf %dot_general3A_135, %dot_general3A_135 : vector<128x128xf32>
    %add3A_137 = arith.addf %add3A_123, %mul3A_136 : vector<128x128xf32>
    %mul3A_138 = vector.broadcast %dot_general3A_37 : vector<1x128xf32> to vector<128x128xf32>
    %mul3A_139 = arith.mulf %mul3A_138, %dot_general3A_135 : vector<128x128xf32>
    %add3A_140 = arith.addf %add3A_126, %mul3A_139 : vector<128x128xf32>
    %mul3A_141 = vector.broadcast %dot_general3A_39 : vector<1x128xf32> to vector<128x128xf32>
    %mul3A_142 = arith.mulf %mul3A_141, %dot_general3A_135 : vector<128x128xf32>
    %add3A_143 = arith.addf %add3A_129, %mul3A_142 : vector<128x128xf32>
    %get3A_144 = arith.constant 0 : index
    %get3A_145 = arith.constant 192 : index
    %get3A_146 = vector.load %arg2[%get3A_144, %get3A_145] : memref<512x512xf32, #tpu.memory_space<vmem>>, vector<128x128xf32>
    %convert_element_type3A_147 = arith.truncf %get3A_146 : vector<128x128xf32> to vector<128x128xbf16>
    %dot_general3A_148 = arith.constant dense<0.000000e+00> : vector<128x128xf32>
    %dot_general3A_149 = tpu.matmul %convert_element_type3A_147, %get3A_1, %dot_general3A_148 {dimension_numbers = #tpu.dot_dimension_numbers<[1], [0], [0], [1], [0, 0, 1, 1], [], []>, transpose_lhs_hint = false} : vector<128x128xbf16>, vector<128x128xbf16>, vector<128x128xf32> -> vector<128x128xf32>
    %mul3A_150 = arith.mulf %dot_general3A_149, %dot_general3A_149 : vector<128x128xf32>
    %add3A_151 = arith.addf %add3A_137, %mul3A_150 : vector<128x128xf32>
    %mul3A_152 = vector.broadcast %dot_general3A_49 : vector<1x128xf32> to vector<128x128xf32>
    %mul3A_153 = arith.mulf %mul3A_152, %dot_general3A_149 : vector<128x128xf32>
    %add3A_154 = arith.addf %add3A_140, %mul3A_153 : vector<128x128xf32>
    %mul3A_155 = vector.broadcast %dot_general3A_51 : vector<1x128xf32> to vector<128x128xf32>
    %mul3A_156 = arith.mulf %mul3A_155, %dot_general3A_149 : vector<128x128xf32>
    %add3A_157 = arith.addf %add3A_143, %mul3A_156 : vector<128x128xf32>
    %get3A_158 = arith.constant 0 : index
    %get3A_159 = arith.constant 256 : index
    %get3A_160 = vector.load %arg2[%get3A_158, %get3A_159] : memref<512x512xf32, #tpu.memory_space<vmem>>, vector<128x128xf32>
    %convert_element_type3A_161 = arith.truncf %get3A_160 : vector<128x128xf32> to vector<128x128xbf16>
    %dot_general3A_162 = arith.constant dense<0.000000e+00> : vector<128x128xf32>
    %dot_general3A_163 = tpu.matmul %convert_element_type3A_161, %get3A_1, %dot_general3A_162 {dimension_numbers = #tpu.dot_dimension_numbers<[1], [0], [0], [1], [0, 0, 1, 1], [], []>, transpose_lhs_hint = false} : vector<128x128xbf16>, vector<128x128xbf16>, vector<128x128xf32> -> vector<128x128xf32>
    %mul3A_164 = arith.mulf %dot_general3A_163, %dot_general3A_163 : vector<128x128xf32>
    %add3A_165 = arith.addf %add3A_151, %mul3A_164 : vector<128x128xf32>
    %mul3A_166 = vector.broadcast %dot_general3A_61 : vector<1x128xf32> to vector<128x128xf32>
    %mul3A_167 = arith.mulf %mul3A_166, %dot_general3A_163 : vector<128x128xf32>
    %add3A_168 = arith.addf %add3A_154, %mul3A_167 : vector<128x128xf32>
    %mul3A_169 = vector.broadcast %dot_general3A_63 : vector<1x128xf32> to vector<128x128xf32>
    %mul3A_170 = arith.mulf %mul3A_169, %dot_general3A_163 : vector<128x128xf32>
    %add3A_171 = arith.addf %add3A_157, %mul3A_170 : vector<128x128xf32>
    %get3A_172 = arith.constant 0 : index
    %get3A_173 = arith.constant 320 : index
    %get3A_174 = vector.load %arg2[%get3A_172, %get3A_173] : memref<512x512xf32, #tpu.memory_space<vmem>>, vector<128x128xf32>
    %convert_element_type3A_175 = arith.truncf %get3A_174 : vector<128x128xf32> to vector<128x128xbf16>
    %dot_general3A_176 = arith.constant dense<0.000000e+00> : vector<128x128xf32>
    %dot_general3A_177 = tpu.matmul %convert_element_type3A_175, %get3A_1, %dot_general3A_176 {dimension_numbers = #tpu.dot_dimension_numbers<[1], [0], [0], [1], [0, 0, 1, 1], [], []>, transpose_lhs_hint = false} : vector<128x128xbf16>, vector<128x128xbf16>, vector<128x128xf32> -> vector<128x128xf32>
    %mul3A_178 = arith.mulf %dot_general3A_177, %dot_general3A_177 : vector<128x128xf32>
    %add3A_179 = arith.addf %add3A_165, %mul3A_178 : vector<128x128xf32>
    %mul3A_180 = vector.broadcast %dot_general3A_73 : vector<1x128xf32> to vector<128x128xf32>
    %mul3A_181 = arith.mulf %mul3A_180, %dot_general3A_177 : vector<128x128xf32>
    %add3A_182 = arith.addf %add3A_168, %mul3A_181 : vector<128x128xf32>
    %mul3A_183 = vector.broadcast %dot_general3A_75 : vector<1x128xf32> to vector<128x128xf32>
    %mul3A_184 = arith.mulf %mul3A_183, %dot_general3A_177 : vector<128x128xf32>
    %add3A_185 = arith.addf %add3A_171, %mul3A_184 : vector<128x128xf32>
    %get3A_186 = arith.constant 0 : index
    %get3A_187 = arith.constant 384 : index
    %get3A_188 = vector.load %arg2[%get3A_186, %get3A_187] : memref<512x512xf32, #tpu.memory_space<vmem>>, vector<128x128xf32>
    %convert_element_type3A_189 = arith.truncf %get3A_188 : vector<128x128xf32> to vector<128x128xbf16>
    %dot_general3A_190 = arith.constant dense<0.000000e+00> : vector<128x128xf32>
    %dot_general3A_191 = tpu.matmul %convert_element_type3A_189, %get3A_1, %dot_general3A_190 {dimension_numbers = #tpu.dot_dimension_numbers<[1], [0], [0], [1], [0, 0, 1, 1], [], []>, transpose_lhs_hint = false} : vector<128x128xbf16>, vector<128x128xbf16>, vector<128x128xf32> -> vector<128x128xf32>
    %mul3A_192 = arith.mulf %dot_general3A_191, %dot_general3A_191 : vector<128x128xf32>
    %add3A_193 = arith.addf %add3A_179, %mul3A_192 : vector<128x128xf32>
    %mul3A_194 = vector.broadcast %dot_general3A_85 : vector<1x128xf32> to vector<128x128xf32>
    %mul3A_195 = arith.mulf %mul3A_194, %dot_general3A_191 : vector<128x128xf32>
    %add3A_196 = arith.addf %add3A_182, %mul3A_195 : vector<128x128xf32>
    %mul3A_197 = vector.broadcast %dot_general3A_87 : vector<1x128xf32> to vector<128x128xf32>
    %mul3A_198 = arith.mulf %mul3A_197, %dot_general3A_191 : vector<128x128xf32>
    %add3A_199 = arith.addf %add3A_185, %mul3A_198 : vector<128x128xf32>
    %mul3A_200 = arith.constant 0.142857149 : f32
    %mul3A_201 = vector.broadcast %mul3A_200 : f32 to vector<128x128xf32>
    %mul3A_202 = arith.mulf %add3A_193, %mul3A_201 : vector<128x128xf32>
    %slice3A_203 = vector.extract_strided_slice %mul3A_202 {offsets = [0, 64], sizes = [128, 64], strides = [1, 1]} : vector<128x128xf32> to vector<128x64xf32>
    %slice3A_204 = vector.extract_strided_slice %mul3A_202 {offsets = [0, 0], sizes = [128, 64], strides = [1, 1]} : vector<128x128xf32> to vector<128x64xf32>
    %concatenate3A_205 = tpu.concatenate %slice3A_203, %slice3A_204 in 1 : vector<128x64xf32>, vector<128x64xf32> -> vector<128x128xf32>
    %jit3A_206 = arith.constant 0.000000e+00 : f32
    %broadcast_in_dim3A_207 = vector.shape_cast %and3A : vector<1x128xi1> to vector<1x128xi1>
    %broadcast_in_dim3A_208 = vector.broadcast %broadcast_in_dim3A_207 : vector<1x128xi1> to vector<128x128xi1>
    %broadcast_in_dim3A_209 = vector.broadcast %jit3A_206 : f32 to vector<128x128xf32>
    %select_n3A_210 = arith.select %broadcast_in_dim3A_208, %concatenate3A_205, %broadcast_in_dim3A_209 : vector<128x128xi1>, vector<128x128xf32>
    %add3A_211 = arith.addf %mul3A_202, %select_n3A_210 : vector<128x128xf32>
    %mul3A_212 = arith.constant 0.142857149 : f32
    %mul3A_213 = vector.broadcast %mul3A_212 : f32 to vector<128x128xf32>
    %mul3A_214 = arith.mulf %add3A_196, %mul3A_213 : vector<128x128xf32>
    %slice3A_215 = vector.extract_strided_slice %mul3A_214 {offsets = [0, 64], sizes = [128, 64], strides = [1, 1]} : vector<128x128xf32> to vector<128x64xf32>
    %slice3A_216 = vector.extract_strided_slice %mul3A_214 {offsets = [0, 0], sizes = [128, 64], strides = [1, 1]} : vector<128x128xf32> to vector<128x64xf32>
    %concatenate3A_217 = tpu.concatenate %slice3A_215, %slice3A_216 in 1 : vector<128x64xf32>, vector<128x64xf32> -> vector<128x128xf32>
    %jit3A_218 = arith.constant 0.000000e+00 : f32
    %broadcast_in_dim3A_219 = vector.shape_cast %and3A : vector<1x128xi1> to vector<1x128xi1>
    %broadcast_in_dim3A_220 = vector.broadcast %broadcast_in_dim3A_219 : vector<1x128xi1> to vector<128x128xi1>
    %broadcast_in_dim3A_221 = vector.broadcast %jit3A_218 : f32 to vector<128x128xf32>
    %select_n3A_222 = arith.select %broadcast_in_dim3A_220, %concatenate3A_217, %broadcast_in_dim3A_221 : vector<128x128xi1>, vector<128x128xf32>
    %add3A_223 = arith.addf %mul3A_214, %select_n3A_222 : vector<128x128xf32>
    %mul3A_224 = arith.constant 0.142857149 : f32
    %mul3A_225 = vector.broadcast %mul3A_224 : f32 to vector<128x128xf32>
    %mul3A_226 = arith.mulf %add3A_199, %mul3A_225 : vector<128x128xf32>
    %slice3A_227 = vector.extract_strided_slice %mul3A_226 {offsets = [0, 64], sizes = [128, 64], strides = [1, 1]} : vector<128x128xf32> to vector<128x64xf32>
    %slice3A_228 = vector.extract_strided_slice %mul3A_226 {offsets = [0, 0], sizes = [128, 64], strides = [1, 1]} : vector<128x128xf32> to vector<128x64xf32>
    %concatenate3A_229 = tpu.concatenate %slice3A_227, %slice3A_228 in 1 : vector<128x64xf32>, vector<128x64xf32> -> vector<128x128xf32>
    %jit3A_230 = arith.constant 0.000000e+00 : f32
    %broadcast_in_dim3A_231 = vector.shape_cast %and3A : vector<1x128xi1> to vector<1x128xi1>
    %broadcast_in_dim3A_232 = vector.broadcast %broadcast_in_dim3A_231 : vector<1x128xi1> to vector<128x128xi1>
    %broadcast_in_dim3A_233 = vector.broadcast %jit3A_230 : f32 to vector<128x128xf32>
    %select_n3A_234 = arith.select %broadcast_in_dim3A_232, %concatenate3A_229, %broadcast_in_dim3A_233 : vector<128x128xi1>, vector<128x128xf32>
    %add3A_235 = arith.addf %mul3A_226, %select_n3A_234 : vector<128x128xf32>
    %mul3A_236 = arith.mulf %add3A_223, %add3A_223 : vector<128x128xf32>
    %mul3A_237 = arith.mulf %add3A_235, %add3A_235 : vector<128x128xf32>
    %add3A_238 = arith.addf %mul3A_236, %mul3A_237 : vector<128x128xf32>
    %mul3A_239 = vector.broadcast %add3A_95 : vector<1x128xf32> to vector<128x128xf32>
    %mul3A_240 = arith.mulf %mul3A_239, %add3A_211 : vector<128x128xf32>
    %add3A_241 = arith.constant 9.99999996E-13 : f32
    %add3A_242 = vector.broadcast %add3A_241 : f32 to vector<128x128xf32>
    %add3A_243 = arith.addf %mul3A_240, %add3A_242 : vector<128x128xf32>
    %div3A = arith.divf %add3A_238, %add3A_243 : vector<128x128xf32>
    %le3A_244 = arith.constant 64 : i32
    %le3A_245 = vector.broadcast %le3A_244 : i32 to vector<1x128xi32>
    %le3A_246 = arith.cmpi sle, %iota3A, %le3A_245 : vector<1x128xi32>
    %jit3A_247 = arith.constant 0.000000e+00 : f32
    %broadcast_in_dim3A_248 = vector.shape_cast %le3A_246 : vector<1x128xi1> to vector<1x128xi1>
    %broadcast_in_dim3A_249 = vector.broadcast %broadcast_in_dim3A_248 : vector<1x128xi1> to vector<128x128xi1>
    %broadcast_in_dim3A_250 = vector.broadcast %jit3A_247 : f32 to vector<128x128xf32>
    %select_n3A_251 = arith.select %broadcast_in_dim3A_249, %div3A, %broadcast_in_dim3A_250 : vector<128x128xi1>, vector<128x128xf32>
    %reduce_sum3A = arith.constant dense<0.000000e+00> : vector<128xf32>
    %reduce_sum3A_252 = vector.multi_reduction <add>, %select_n3A_251, %reduce_sum3A [1] : vector<128x128xf32> to vector<128xf32>
    %broadcast_in_dim3A_253 = vector.shape_cast %reduce_sum3A_252 : vector<128xf32> to vector<128x1xf32>
    %swap3A = arith.constant 0 : index
    %swap3A_254 = arith.constant 0 : index
    %swap3A_255 = arith.constant 0 : index
    %swap3A_256 = vector.load %arg5[%swap3A, %swap3A_254, %swap3A_255] : memref<1x512x1xf32, #tpu.memory_space<vmem>>, vector<1x128x1xf32>
    %swap3A_257 = vector.shape_cast %swap3A_256 : vector<1x128x1xf32> to vector<128x1xf32>
    %swap3A_258 = vector.shape_cast %broadcast_in_dim3A_253 : vector<128x1xf32> to vector<1x128x1xf32>
    tpu.vector_store %arg5[%swap3A, %swap3A_254, %swap3A_255], %swap3A_258 {strides = array<i32>} : memref<1x512x1xf32, #tpu.memory_space<vmem>>, vector<1x128x1xf32>,
    %broadcast_in_dim3A_259 = arith.constant 0.000000e+00 : f32
    %broadcast_in_dim3A_260 = vector.broadcast %broadcast_in_dim3A_259 : f32 to vector<128x128xf32>
    %broadcast_in_dim3A_261 = arith.constant 0.000000e+00 : f32
    %broadcast_in_dim3A_262 = vector.broadcast %broadcast_in_dim3A_261 : f32 to vector<128x128xf32>
    %broadcast_in_dim3A_263 = arith.constant 0.000000e+00 : f32
    %broadcast_in_dim3A_264 = vector.broadcast %broadcast_in_dim3A_263 : f32 to vector<128x128xf32>
    %get3A_265 = arith.constant 128 : index
    %get3A_266 = arith.constant 0 : index
    %get3A_267 = vector.load %arg2[%get3A_265, %get3A_266] : memref<512x512xf32, #tpu.memory_space<vmem>>, vector<128x128xf32>
    %convert_element_type3A_268 = arith.truncf %get3A_267 : vector<128x128xf32> to vector<128x128xbf16>
    %dot_general3A_269 = arith.constant dense<0.000000e+00> : vector<128x128xf32>
    %dot_general3A_270 = tpu.matmul %convert_element_type3A_268, %get3A_1, %dot_general3A_269 {dimension_numbers = #tpu.dot_dimension_numbers<[1], [0], [0], [1], [0, 0, 1, 1], [], []>, transpose_lhs_hint = false} : vector<128x128xbf16>, vector<128x128xbf16>, vector<128x128xf32> -> vector<128x128xf32>
    %mul3A_271 = arith.mulf %dot_general3A_270, %dot_general3A_270 : vector<128x128xf32>
    %add3A_272 = arith.addf %broadcast_in_dim3A_260, %mul3A_271 : vector<128x128xf32>
    %mul3A_273 = vector.broadcast %dot_general3A_15 : vector<1x128xf32> to vector<128x128xf32>
    %mul3A_274 = arith.mulf %mul3A_273, %dot_general3A_270 : vector<128x128xf32>
    %add3A_275 = arith.addf %broadcast_in_dim3A_262, %mul3A_274 : vector<128x128xf32>
    %mul3A_276 = vector.broadcast %dot_general3A_17 : vector<1x128xf32> to vector<128x128xf32>
    %mul3A_277 = arith.mulf %mul3A_276, %dot_general3A_270 : vector<128x128xf32>
    %add3A_278 = arith.addf %broadcast_in_dim3A_264, %mul3A_277 : vector<128x128xf32>
    %get3A_279 = arith.constant 128 : index
    %get3A_280 = arith.constant 64 : index
    %get3A_281 = vector.load %arg2[%get3A_279, %get3A_280] : memref<512x512xf32, #tpu.memory_space<vmem>>, vector<128x128xf32>
    %convert_element_type3A_282 = arith.truncf %get3A_281 : vector<128x128xf32> to vector<128x128xbf16>
    %dot_general3A_283 = arith.constant dense<0.000000e+00> : vector<128x128xf32>
    %dot_general3A_284 = tpu.matmul %convert_element_type3A_282, %get3A_1, %dot_general3A_283 {dimension_numbers = #tpu.dot_dimension_numbers<[1], [0], [0], [1], [0, 0, 1, 1], [], []>, transpose_lhs_hint = false} : vector<128x128xbf16>, vector<128x128xbf16>, vector<128x128xf32> -> vector<128x128xf32>
    %mul3A_285 = arith.mulf %dot_general3A_284, %dot_general3A_284 : vector<128x128xf32>
    %add3A_286 = arith.addf %add3A_272, %mul3A_285 : vector<128x128xf32>
    %mul3A_287 = vector.broadcast %dot_general3A_25 : vector<1x128xf32> to vector<128x128xf32>
    %mul3A_288 = arith.mulf %mul3A_287, %dot_general3A_284 : vector<128x128xf32>
    %add3A_289 = arith.addf %add3A_275, %mul3A_288 : vector<128x128xf32>
    %mul3A_290 = vector.broadcast %dot_general3A_27 : vector<1x128xf32> to vector<128x128xf32>
    %mul3A_291 = arith.mulf %mul3A_290, %dot_general3A_284 : vector<128x128xf32>
    %add3A_292 = arith.addf %add3A_278, %mul3A_291 : vector<128x128xf32>
    %get3A_293 = arith.constant 128 : index
    %get3A_294 = arith.constant 128 : index
    %get3A_295 = vector.load %arg2[%get3A_293, %get3A_294] : memref<512x512xf32, #tpu.memory_space<vmem>>, vector<128x128xf32>
    %convert_element_type3A_296 = arith.truncf %get3A_295 : vector<128x128xf32> to vector<128x128xbf16>
    %dot_general3A_297 = arith.constant dense<0.000000e+00> : vector<128x128xf32>
    %dot_general3A_298 = tpu.matmul %convert_element_type3A_296, %get3A_1, %dot_general3A_297 {dimension_numbers = #tpu.dot_dimension_numbers<[1], [0], [0], [1], [0, 0, 1, 1], [], []>, transpose_lhs_hint = false} : vector<128x128xbf16>, vector<128x128xbf16>, vector<128x128xf32> -> vector<128x128xf32>
    %mul3A_299 = arith.mulf %dot_general3A_298, %dot_general3A_298 : vector<128x128xf32>
    %add3A_300 = arith.addf %add3A_286, %mul3A_299 : vector<128x128xf32>
    %mul3A_301 = vector.broadcast %dot_general3A_37 : vector<1x128xf32> to vector<128x128xf32>
    %mul3A_302 = arith.mulf %mul3A_301, %dot_general3A_298 : vector<128x128xf32>
    %add3A_303 = arith.addf %add3A_289, %mul3A_302 : vector<128x128xf32>
    %mul3A_304 = vector.broadcast %dot_general3A_39 : vector<1x128xf32> to vector<128x128xf32>
    %mul3A_305 = arith.mulf %mul3A_304, %dot_general3A_298 : vector<128x128xf32>
    %add3A_306 = arith.addf %add3A_292, %mul3A_305 : vector<128x128xf32>
    %get3A_307 = arith.constant 128 : index
    %get3A_308 = arith.constant 192 : index
    %get3A_309 = vector.load %arg2[%get3A_307, %get3A_308] : memref<512x512xf32, #tpu.memory_space<vmem>>, vector<128x128xf32>
    %convert_element_type3A_310 = arith.truncf %get3A_309 : vector<128x128xf32> to vector<128x128xbf16>
    %dot_general3A_311 = arith.constant dense<0.000000e+00> : vector<128x128xf32>
    %dot_general3A_312 = tpu.matmul %convert_element_type3A_310, %get3A_1, %dot_general3A_311 {dimension_numbers = #tpu.dot_dimension_numbers<[1], [0], [0], [1], [0, 0, 1, 1], [], []>, transpose_lhs_hint = false} : vector<128x128xbf16>, vector<128x128xbf16>, vector<128x128xf32> -> vector<128x128xf32>
    %mul3A_313 = arith.mulf %dot_general3A_312, %dot_general3A_312 : vector<128x128xf32>
    %add3A_314 = arith.addf %add3A_300, %mul3A_313 : vector<128x128xf32>
    %mul3A_315 = vector.broadcast %dot_general3A_49 : vector<1x128xf32> to vector<128x128xf32>
    %mul3A_316 = arith.mulf %mul3A_315, %dot_general3A_312 : vector<128x128xf32>
    %add3A_317 = arith.addf %add3A_303, %mul3A_316 : vector<128x128xf32>
    %mul3A_318 = vector.broadcast %dot_general3A_51 : vector<1x128xf32> to vector<128x128xf32>
    %mul3A_319 = arith.mulf %mul3A_318, %dot_general3A_312 : vector<128x128xf32>
    %add3A_320 = arith.addf %add3A_306, %mul3A_319 : vector<128x128xf32>
    %get3A_321 = arith.constant 128 : index
    %get3A_322 = arith.constant 256 : index
    %get3A_323 = vector.load %arg2[%get3A_321, %get3A_322] : memref<512x512xf32, #tpu.memory_space<vmem>>, vector<128x128xf32>
    %convert_element_type3A_324 = arith.truncf %get3A_323 : vector<128x128xf32> to vector<128x128xbf16>
    %dot_general3A_325 = arith.constant dense<0.000000e+00> : vector<128x128xf32>
    %dot_general3A_326 = tpu.matmul %convert_element_type3A_324, %get3A_1, %dot_general3A_325 {dimension_numbers = #tpu.dot_dimension_numbers<[1], [0], [0], [1], [0, 0, 1, 1], [], []>, transpose_lhs_hint = false} : vector<128x128xbf16>, vector<128x128xbf16>, vector<128x128xf32> -> vector<128x128xf32>
    %mul3A_327 = arith.mulf %dot_general3A_326, %dot_general3A_326 : vector<128x128xf32>
    %add3A_328 = arith.addf %add3A_314, %mul3A_327 : vector<128x128xf32>
    %mul3A_329 = vector.broadcast %dot_general3A_61 : vector<1x128xf32> to vector<128x128xf32>
    %mul3A_330 = arith.mulf %mul3A_329, %dot_general3A_326 : vector<128x128xf32>
    %add3A_331 = arith.addf %add3A_317, %mul3A_330 : vector<128x128xf32>
    %mul3A_332 = vector.broadcast %dot_general3A_63 : vector<1x128xf32> to vector<128x128xf32>
    %mul3A_333 = arith.mulf %mul3A_332, %dot_general3A_326 : vector<128x128xf32>
    %add3A_334 = arith.addf %add3A_320, %mul3A_333 : vector<128x128xf32>
    %get3A_335 = arith.constant 128 : index
    %get3A_336 = arith.constant 320 : index
    %get3A_337 = vector.load %arg2[%get3A_335, %get3A_336] : memref<512x512xf32, #tpu.memory_space<vmem>>, vector<128x128xf32>
    %convert_element_type3A_338 = arith.truncf %get3A_337 : vector<128x128xf32> to vector<128x128xbf16>
    %dot_general3A_339 = arith.constant dense<0.000000e+00> : vector<128x128xf32>
    %dot_general3A_340 = tpu.matmul %convert_element_type3A_338, %get3A_1, %dot_general3A_339 {dimension_numbers = #tpu.dot_dimension_numbers<[1], [0], [0], [1], [0, 0, 1, 1], [], []>, transpose_lhs_hint = false} : vector<128x128xbf16>, vector<128x128xbf16>, vector<128x128xf32> -> vector<128x128xf32>
    %mul3A_341 = arith.mulf %dot_general3A_340, %dot_general3A_340 : vector<128x128xf32>
    %add3A_342 = arith.addf %add3A_328, %mul3A_341 : vector<128x128xf32>
    %mul3A_343 = vector.broadcast %dot_general3A_73 : vector<1x128xf32> to vector<128x128xf32>
    %mul3A_344 = arith.mulf %mul3A_343, %dot_general3A_340 : vector<128x128xf32>
    %add3A_345 = arith.addf %add3A_331, %mul3A_344 : vector<128x128xf32>
    %mul3A_346 = vector.broadcast %dot_general3A_75 : vector<1x128xf32> to vector<128x128xf32>
    %mul3A_347 = arith.mulf %mul3A_346, %dot_general3A_340 : vector<128x128xf32>
    %add3A_348 = arith.addf %add3A_334, %mul3A_347 : vector<128x128xf32>
    %get3A_349 = arith.constant 128 : index
    %get3A_350 = arith.constant 384 : index
    %get3A_351 = vector.load %arg2[%get3A_349, %get3A_350] : memref<512x512xf32, #tpu.memory_space<vmem>>, vector<128x128xf32>
    %convert_element_type3A_352 = arith.truncf %get3A_351 : vector<128x128xf32> to vector<128x128xbf16>
    %dot_general3A_353 = arith.constant dense<0.000000e+00> : vector<128x128xf32>
    %dot_general3A_354 = tpu.matmul %convert_element_type3A_352, %get3A_1, %dot_general3A_353 {dimension_numbers = #tpu.dot_dimension_numbers<[1], [0], [0], [1], [0, 0, 1, 1], [], []>, transpose_lhs_hint = false} : vector<128x128xbf16>, vector<128x128xbf16>, vector<128x128xf32> -> vector<128x128xf32>
    %mul3A_355 = arith.mulf %dot_general3A_354, %dot_general3A_354 : vector<128x128xf32>
    %add3A_356 = arith.addf %add3A_342, %mul3A_355 : vector<128x128xf32>
    %mul3A_357 = vector.broadcast %dot_general3A_85 : vector<1x128xf32> to vector<128x128xf32>
    %mul3A_358 = arith.mulf %mul3A_357, %dot_general3A_354 : vector<128x128xf32>
    %add3A_359 = arith.addf %add3A_345, %mul3A_358 : vector<128x128xf32>
    %mul3A_360 = vector.broadcast %dot_general3A_87 : vector<1x128xf32> to vector<128x128xf32>
    %mul3A_361 = arith.mulf %mul3A_360, %dot_general3A_354 : vector<128x128xf32>
    %add3A_362 = arith.addf %add3A_348, %mul3A_361 : vector<128x128xf32>
    %mul3A_363 = arith.constant 0.142857149 : f32
    %mul3A_364 = vector.broadcast %mul3A_363 : f32 to vector<128x128xf32>
    %mul3A_365 = arith.mulf %add3A_356, %mul3A_364 : vector<128x128xf32>
    %slice3A_366 = vector.extract_strided_slice %mul3A_365 {offsets = [0, 64], sizes = [128, 64], strides = [1, 1]} : vector<128x128xf32> to vector<128x64xf32>
    %slice3A_367 = vector.extract_strided_slice %mul3A_365 {offsets = [0, 0], sizes = [128, 64], strides = [1, 1]} : vector<128x128xf32> to vector<128x64xf32>
    %concatenate3A_368 = tpu.concatenate %slice3A_366, %slice3A_367 in 1 : vector<128x64xf32>, vector<128x64xf32> -> vector<128x128xf32>
    %jit3A_369 = arith.constant 0.000000e+00 : f32
    %broadcast_in_dim3A_370 = vector.shape_cast %and3A : vector<1x128xi1> to vector<1x128xi1>
    %broadcast_in_dim3A_371 = vector.broadcast %broadcast_in_dim3A_370 : vector<1x128xi1> to vector<128x128xi1>
    %broadcast_in_dim3A_372 = vector.broadcast %jit3A_369 : f32 to vector<128x128xf32>
    %select_n3A_373 = arith.select %broadcast_in_dim3A_371, %concatenate3A_368, %broadcast_in_dim3A_372 : vector<128x128xi1>, vector<128x128xf32>
    %add3A_374 = arith.addf %mul3A_365, %select_n3A_373 : vector<128x128xf32>
    %mul3A_375 = arith.constant 0.142857149 : f32
    %mul3A_376 = vector.broadcast %mul3A_375 : f32 to vector<128x128xf32>
    %mul3A_377 = arith.mulf %add3A_359, %mul3A_376 : vector<128x128xf32>
    %slice3A_378 = vector.extract_strided_slice %mul3A_377 {offsets = [0, 64], sizes = [128, 64], strides = [1, 1]} : vector<128x128xf32> to vector<128x64xf32>
    %slice3A_379 = vector.extract_strided_slice %mul3A_377 {offsets = [0, 0], sizes = [128, 64], strides = [1, 1]} : vector<128x128xf32> to vector<128x64xf32>
    %concatenate3A_380 = tpu.concatenate %slice3A_378, %slice3A_379 in 1 : vector<128x64xf32>, vector<128x64xf32> -> vector<128x128xf32>
    %jit3A_381 = arith.constant 0.000000e+00 : f32
    %broadcast_in_dim3A_382 = vector.shape_cast %and3A : vector<1x128xi1> to vector<1x128xi1>
    %broadcast_in_dim3A_383 = vector.broadcast %broadcast_in_dim3A_382 : vector<1x128xi1> to vector<128x128xi1>
    %broadcast_in_dim3A_384 = vector.broadcast %jit3A_381 : f32 to vector<128x128xf32>
    %select_n3A_385 = arith.select %broadcast_in_dim3A_383, %concatenate3A_380, %broadcast_in_dim3A_384 : vector<128x128xi1>, vector<128x128xf32>
    %add3A_386 = arith.addf %mul3A_377, %select_n3A_385 : vector<128x128xf32>
    %mul3A_387 = arith.constant 0.142857149 : f32
    %mul3A_388 = vector.broadcast %mul3A_387 : f32 to vector<128x128xf32>
    %mul3A_389 = arith.mulf %add3A_362, %mul3A_388 : vector<128x128xf32>
    %slice3A_390 = vector.extract_strided_slice %mul3A_389 {offsets = [0, 64], sizes = [128, 64], strides = [1, 1]} : vector<128x128xf32> to vector<128x64xf32>
    %slice3A_391 = vector.extract_strided_slice %mul3A_389 {offsets = [0, 0], sizes = [128, 64], strides = [1, 1]} : vector<128x128xf32> to vector<128x64xf32>
    %concatenate3A_392 = tpu.concatenate %slice3A_390, %slice3A_391 in 1 : vector<128x64xf32>, vector<128x64xf32> -> vector<128x128xf32>
    %jit3A_393 = arith.constant 0.000000e+00 : f32
    %broadcast_in_dim3A_394 = vector.shape_cast %and3A : vector<1x128xi1> to vector<1x128xi1>
    %broadcast_in_dim3A_395 = vector.broadcast %broadcast_in_dim3A_394 : vector<1x128xi1> to vector<128x128xi1>
    %broadcast_in_dim3A_396 = vector.broadcast %jit3A_393 : f32 to vector<128x128xf32>
    %select_n3A_397 = arith.select %broadcast_in_dim3A_395, %concatenate3A_392, %broadcast_in_dim3A_396 : vector<128x128xi1>, vector<128x128xf32>
    %add3A_398 = arith.addf %mul3A_389, %select_n3A_397 : vector<128x128xf32>
    %mul3A_399 = arith.mulf %add3A_386, %add3A_386 : vector<128x128xf32>
    %mul3A_400 = arith.mulf %add3A_398, %add3A_398 : vector<128x128xf32>
    %add3A_401 = arith.addf %mul3A_399, %mul3A_400 : vector<128x128xf32>
    %mul3A_402 = vector.broadcast %add3A_95 : vector<1x128xf32> to vector<128x128xf32>
    %mul3A_403 = arith.mulf %mul3A_402, %add3A_374 : vector<128x128xf32>
    %add3A_404 = arith.constant 9.99999996E-13 : f32
    %add3A_405 = vector.broadcast %add3A_404 : f32 to vector<128x128xf32>
    %add3A_406 = arith.addf %mul3A_403, %add3A_405 : vector<128x128xf32>
    %div3A_407 = arith.divf %add3A_401, %add3A_406 : vector<128x128xf32>
    %le3A_408 = arith.constant 64 : i32
    %le3A_409 = vector.broadcast %le3A_408 : i32 to vector<1x128xi32>
    %le3A_410 = arith.cmpi sle, %iota3A, %le3A_409 : vector<1x128xi32>
    %jit3A_411 = arith.constant 0.000000e+00 : f32
    %broadcast_in_dim3A_412 = vector.shape_cast %le3A_410 : vector<1x128xi1> to vector<1x128xi1>
    %broadcast_in_dim3A_413 = vector.broadcast %broadcast_in_dim3A_412 : vector<1x128xi1> to vector<128x128xi1>
    %broadcast_in_dim3A_414 = vector.broadcast %jit3A_411 : f32 to vector<128x128xf32>
    %select_n3A_415 = arith.select %broadcast_in_dim3A_413, %div3A_407, %broadcast_in_dim3A_414 : vector<128x128xi1>, vector<128x128xf32>
    %reduce_sum3A_416 = arith.constant dense<0.000000e+00> : vector<128xf32>
    %reduce_sum3A_417 = vector.multi_reduction <add>, %select_n3A_415, %reduce_sum3A_416 [1] : vector<128x128xf32> to vector<128xf32>
    %broadcast_in_dim3A_418 = vector.shape_cast %reduce_sum3A_417 : vector<128xf32> to vector<128x1xf32>
    %swap3A_419 = arith.constant 0 : index
    %swap3A_420 = arith.constant 128 : index
    %swap3A_421 = arith.constant 0 : index
    %swap3A_422 = vector.load %arg5[%swap3A_419, %swap3A_420, %swap3A_421] : memref<1x512x1xf32, #tpu.memory_space<vmem>>, vector<1x128x1xf32>
    %swap3A_423 = vector.shape_cast %swap3A_422 : vector<1x128x1xf32> to vector<128x1xf32>
    %swap3A_424 = vector.shape_cast %broadcast_in_dim3A_418 : vector<128x1xf32> to vector<1x128x1xf32>
    tpu.vector_store %arg5[%swap3A_419, %swap3A_420, %swap3A_421], %swap3A_424 {strides = array<i32>} : memref<1x512x1xf32, #tpu.memory_space<vmem>>, vector<1x128x1xf32>,
    %broadcast_in_dim3A_425 = arith.constant 0.000000e+00 : f32
    %broadcast_in_dim3A_426 = vector.broadcast %broadcast_in_dim3A_425 : f32 to vector<128x128xf32>
    %broadcast_in_dim3A_427 = arith.constant 0.000000e+00 : f32
    %broadcast_in_dim3A_428 = vector.broadcast %broadcast_in_dim3A_427 : f32 to vector<128x128xf32>
    %broadcast_in_dim3A_429 = arith.constant 0.000000e+00 : f32
    %broadcast_in_dim3A_430 = vector.broadcast %broadcast_in_dim3A_429 : f32 to vector<128x128xf32>
    %get3A_431 = arith.constant 256 : index
    %get3A_432 = arith.constant 0 : index
    %get3A_433 = vector.load %arg2[%get3A_431, %get3A_432] : memref<512x512xf32, #tpu.memory_space<vmem>>, vector<128x128xf32>
    %convert_element_type3A_434 = arith.truncf %get3A_433 : vector<128x128xf32> to vector<128x128xbf16>
    %dot_general3A_435 = arith.constant dense<0.000000e+00> : vector<128x128xf32>
    %dot_general3A_436 = tpu.matmul %convert_element_type3A_434, %get3A_1, %dot_general3A_435 {dimension_numbers = #tpu.dot_dimension_numbers<[1], [0], [0], [1], [0, 0, 1, 1], [], []>, transpose_lhs_hint = false} : vector<128x128xbf16>, vector<128x128xbf16>, vector<128x128xf32> -> vector<128x128xf32>
    %mul3A_437 = arith.mulf %dot_general3A_436, %dot_general3A_436 : vector<128x128xf32>
    %add3A_438 = arith.addf %broadcast_in_dim3A_426, %mul3A_437 : vector<128x128xf32>
    %mul3A_439 = vector.broadcast %dot_general3A_15 : vector<1x128xf32> to vector<128x128xf32>
    %mul3A_440 = arith.mulf %mul3A_439, %dot_general3A_436 : vector<128x128xf32>
    %add3A_441 = arith.addf %broadcast_in_dim3A_428, %mul3A_440 : vector<128x128xf32>
    %mul3A_442 = vector.broadcast %dot_general3A_17 : vector<1x128xf32> to vector<128x128xf32>
    %mul3A_443 = arith.mulf %mul3A_442, %dot_general3A_436 : vector<128x128xf32>
    %add3A_444 = arith.addf %broadcast_in_dim3A_430, %mul3A_443 : vector<128x128xf32>
    %get3A_445 = arith.constant 256 : index
    %get3A_446 = arith.constant 64 : index
    %get3A_447 = vector.load %arg2[%get3A_445, %get3A_446] : memref<512x512xf32, #tpu.memory_space<vmem>>, vector<128x128xf32>
    %convert_element_type3A_448 = arith.truncf %get3A_447 : vector<128x128xf32> to vector<128x128xbf16>
    %dot_general3A_449 = arith.constant dense<0.000000e+00> : vector<128x128xf32>
    %dot_general3A_450 = tpu.matmul %convert_element_type3A_448, %get3A_1, %dot_general3A_449 {dimension_numbers = #tpu.dot_dimension_numbers<[1], [0], [0], [1], [0, 0, 1, 1], [], []>, transpose_lhs_hint = false} : vector<128x128xbf16>, vector<128x128xbf16>, vector<128x128xf32> -> vector<128x128xf32>
    %mul3A_451 = arith.mulf %dot_general3A_450, %dot_general3A_450 : vector<128x128xf32>
    %add3A_452 = arith.addf %add3A_438, %mul3A_451 : vector<128x128xf32>
    %mul3A_453 = vector.broadcast %dot_general3A_25 : vector<1x128xf32> to vector<128x128xf32>
    %mul3A_454 = arith.mulf %mul3A_453, %dot_general3A_450 : vector<128x128xf32>
    %add3A_455 = arith.addf %add3A_441, %mul3A_454 : vector<128x128xf32>
    %mul3A_456 = vector.broadcast %dot_general3A_27 : vector<1x128xf32> to vector<128x128xf32>
    %mul3A_457 = arith.mulf %mul3A_456, %dot_general3A_450 : vector<128x128xf32>
    %add3A_458 = arith.addf %add3A_444, %mul3A_457 : vector<128x128xf32>
    %get3A_459 = arith.constant 256 : index
    %get3A_460 = arith.constant 128 : index
    %get3A_461 = vector.load %arg2[%get3A_459, %get3A_460] : memref<512x512xf32, #tpu.memory_space<vmem>>, vector<128x128xf32>
    %convert_element_type3A_462 = arith.truncf %get3A_461 : vector<128x128xf32> to vector<128x128xbf16>
    %dot_general3A_463 = arith.constant dense<0.000000e+00> : vector<128x128xf32>
    %dot_general3A_464 = tpu.matmul %convert_element_type3A_462, %get3A_1, %dot_general3A_463 {dimension_numbers = #tpu.dot_dimension_numbers<[1], [0], [0], [1], [0, 0, 1, 1], [], []>, transpose_lhs_hint = false} : vector<128x128xbf16>, vector<128x128xbf16>, vector<128x128xf32> -> vector<128x128xf32>
    %mul3A_465 = arith.mulf %dot_general3A_464, %dot_general3A_464 : vector<128x128xf32>
    %add3A_466 = arith.addf %add3A_452, %mul3A_465 : vector<128x128xf32>
    %mul3A_467 = vector.broadcast %dot_general3A_37 : vector<1x128xf32> to vector<128x128xf32>
    %mul3A_468 = arith.mulf %mul3A_467, %dot_general3A_464 : vector<128x128xf32>
    %add3A_469 = arith.addf %add3A_455, %mul3A_468 : vector<128x128xf32>
    %mul3A_470 = vector.broadcast %dot_general3A_39 : vector<1x128xf32> to vector<128x128xf32>
    %mul3A_471 = arith.mulf %mul3A_470, %dot_general3A_464 : vector<128x128xf32>
    %add3A_472 = arith.addf %add3A_458, %mul3A_471 : vector<128x128xf32>
    %get3A_473 = arith.constant 256 : index
    %get3A_474 = arith.constant 192 : index
    %get3A_475 = vector.load %arg2[%get3A_473, %get3A_474] : memref<512x512xf32, #tpu.memory_space<vmem>>, vector<128x128xf32>
    %convert_element_type3A_476 = arith.truncf %get3A_475 : vector<128x128xf32> to vector<128x128xbf16>
    %dot_general3A_477 = arith.constant dense<0.000000e+00> : vector<128x128xf32>
    %dot_general3A_478 = tpu.matmul %convert_element_type3A_476, %get3A_1, %dot_general3A_477 {dimension_numbers = #tpu.dot_dimension_numbers<[1], [0], [0], [1], [0, 0, 1, 1], [], []>, transpose_lhs_hint = false} : vector<128x128xbf16>, vector<128x128xbf16>, vector<128x128xf32> -> vector<128x128xf32>
    %mul3A_479 = arith.mulf %dot_general3A_478, %dot_general3A_478 : vector<128x128xf32>
    %add3A_480 = arith.addf %add3A_466, %mul3A_479 : vector<128x128xf32>
    %mul3A_481 = vector.broadcast %dot_general3A_49 : vector<1x128xf32> to vector<128x128xf32>
    %mul3A_482 = arith.mulf %mul3A_481, %dot_general3A_478 : vector<128x128xf32>
    %add3A_483 = arith.addf %add3A_469, %mul3A_482 : vector<128x128xf32>
    %mul3A_484 = vector.broadcast %dot_general3A_51 : vector<1x128xf32> to vector<128x128xf32>
    %mul3A_485 = arith.mulf %mul3A_484, %dot_general3A_478 : vector<128x128xf32>
    %add3A_486 = arith.addf %add3A_472, %mul3A_485 : vector<128x128xf32>
    %get3A_487 = arith.constant 256 : index
    %get3A_488 = arith.constant 256 : index
    %get3A_489 = vector.load %arg2[%get3A_487, %get3A_488] : memref<512x512xf32, #tpu.memory_space<vmem>>, vector<128x128xf32>
    %convert_element_type3A_490 = arith.truncf %get3A_489 : vector<128x128xf32> to vector<128x128xbf16>
    %dot_general3A_491 = arith.constant dense<0.000000e+00> : vector<128x128xf32>
    %dot_general3A_492 = tpu.matmul %convert_element_type3A_490, %get3A_1, %dot_general3A_491 {dimension_numbers = #tpu.dot_dimension_numbers<[1], [0], [0], [1], [0, 0, 1, 1], [], []>, transpose_lhs_hint = false} : vector<128x128xbf16>, vector<128x128xbf16>, vector<128x128xf32> -> vector<128x128xf32>
    %mul3A_493 = arith.mulf %dot_general3A_492, %dot_general3A_492 : vector<128x128xf32>
    %add3A_494 = arith.addf %add3A_480, %mul3A_493 : vector<128x128xf32>
    %mul3A_495 = vector.broadcast %dot_general3A_61 : vector<1x128xf32> to vector<128x128xf32>
    %mul3A_496 = arith.mulf %mul3A_495, %dot_general3A_492 : vector<128x128xf32>
    %add3A_497 = arith.addf %add3A_483, %mul3A_496 : vector<128x128xf32>
    %mul3A_498 = vector.broadcast %dot_general3A_63 : vector<1x128xf32> to vector<128x128xf32>
    %mul3A_499 = arith.mulf %mul3A_498, %dot_general3A_492 : vector<128x128xf32>
    %add3A_500 = arith.addf %add3A_486, %mul3A_499 : vector<128x128xf32>
    %get3A_501 = arith.constant 256 : index
    %get3A_502 = arith.constant 320 : index
    %get3A_503 = vector.load %arg2[%get3A_501, %get3A_502] : memref<512x512xf32, #tpu.memory_space<vmem>>, vector<128x128xf32>
    %convert_element_type3A_504 = arith.truncf %get3A_503 : vector<128x128xf32> to vector<128x128xbf16>
    %dot_general3A_505 = arith.constant dense<0.000000e+00> : vector<128x128xf32>
    %dot_general3A_506 = tpu.matmul %convert_element_type3A_504, %get3A_1, %dot_general3A_505 {dimension_numbers = #tpu.dot_dimension_numbers<[1], [0], [0], [1], [0, 0, 1, 1], [], []>, transpose_lhs_hint = false} : vector<128x128xbf16>, vector<128x128xbf16>, vector<128x128xf32> -> vector<128x128xf32>
    %mul3A_507 = arith.mulf %dot_general3A_506, %dot_general3A_506 : vector<128x128xf32>
    %add3A_508 = arith.addf %add3A_494, %mul3A_507 : vector<128x128xf32>
    %mul3A_509 = vector.broadcast %dot_general3A_73 : vector<1x128xf32> to vector<128x128xf32>
    %mul3A_510 = arith.mulf %mul3A_509, %dot_general3A_506 : vector<128x128xf32>
    %add3A_511 = arith.addf %add3A_497, %mul3A_510 : vector<128x128xf32>
    %mul3A_512 = vector.broadcast %dot_general3A_75 : vector<1x128xf32> to vector<128x128xf32>
    %mul3A_513 = arith.mulf %mul3A_512, %dot_general3A_506 : vector<128x128xf32>
    %add3A_514 = arith.addf %add3A_500, %mul3A_513 : vector<128x128xf32>
    %get3A_515 = arith.constant 256 : index
    %get3A_516 = arith.constant 384 : index
    %get3A_517 = vector.load %arg2[%get3A_515, %get3A_516] : memref<512x512xf32, #tpu.memory_space<vmem>>, vector<128x128xf32>
    %convert_element_type3A_518 = arith.truncf %get3A_517 : vector<128x128xf32> to vector<128x128xbf16>
    %dot_general3A_519 = arith.constant dense<0.000000e+00> : vector<128x128xf32>
    %dot_general3A_520 = tpu.matmul %convert_element_type3A_518, %get3A_1, %dot_general3A_519 {dimension_numbers = #tpu.dot_dimension_numbers<[1], [0], [0], [1], [0, 0, 1, 1], [], []>, transpose_lhs_hint = false} : vector<128x128xbf16>, vector<128x128xbf16>, vector<128x128xf32> -> vector<128x128xf32>
    %mul3A_521 = arith.mulf %dot_general3A_520, %dot_general3A_520 : vector<128x128xf32>
    %add3A_522 = arith.addf %add3A_508, %mul3A_521 : vector<128x128xf32>
    %mul3A_523 = vector.broadcast %dot_general3A_85 : vector<1x128xf32> to vector<128x128xf32>
    %mul3A_524 = arith.mulf %mul3A_523, %dot_general3A_520 : vector<128x128xf32>
    %add3A_525 = arith.addf %add3A_511, %mul3A_524 : vector<128x128xf32>
    %mul3A_526 = vector.broadcast %dot_general3A_87 : vector<1x128xf32> to vector<128x128xf32>
    %mul3A_527 = arith.mulf %mul3A_526, %dot_general3A_520 : vector<128x128xf32>
    %add3A_528 = arith.addf %add3A_514, %mul3A_527 : vector<128x128xf32>
    %mul3A_529 = arith.constant 0.142857149 : f32
    %mul3A_530 = vector.broadcast %mul3A_529 : f32 to vector<128x128xf32>
    %mul3A_531 = arith.mulf %add3A_522, %mul3A_530 : vector<128x128xf32>
    %slice3A_532 = vector.extract_strided_slice %mul3A_531 {offsets = [0, 64], sizes = [128, 64], strides = [1, 1]} : vector<128x128xf32> to vector<128x64xf32>
    %slice3A_533 = vector.extract_strided_slice %mul3A_531 {offsets = [0, 0], sizes = [128, 64], strides = [1, 1]} : vector<128x128xf32> to vector<128x64xf32>
    %concatenate3A_534 = tpu.concatenate %slice3A_532, %slice3A_533 in 1 : vector<128x64xf32>, vector<128x64xf32> -> vector<128x128xf32>
    %jit3A_535 = arith.constant 0.000000e+00 : f32
    %broadcast_in_dim3A_536 = vector.shape_cast %and3A : vector<1x128xi1> to vector<1x128xi1>
    %broadcast_in_dim3A_537 = vector.broadcast %broadcast_in_dim3A_536 : vector<1x128xi1> to vector<128x128xi1>
    %broadcast_in_dim3A_538 = vector.broadcast %jit3A_535 : f32 to vector<128x128xf32>
    %select_n3A_539 = arith.select %broadcast_in_dim3A_537, %concatenate3A_534, %broadcast_in_dim3A_538 : vector<128x128xi1>, vector<128x128xf32>
    %add3A_540 = arith.addf %mul3A_531, %select_n3A_539 : vector<128x128xf32>
    %mul3A_541 = arith.constant 0.142857149 : f32
    %mul3A_542 = vector.broadcast %mul3A_541 : f32 to vector<128x128xf32>
    %mul3A_543 = arith.mulf %add3A_525, %mul3A_542 : vector<128x128xf32>
    %slice3A_544 = vector.extract_strided_slice %mul3A_543 {offsets = [0, 64], sizes = [128, 64], strides = [1, 1]} : vector<128x128xf32> to vector<128x64xf32>
    %slice3A_545 = vector.extract_strided_slice %mul3A_543 {offsets = [0, 0], sizes = [128, 64], strides = [1, 1]} : vector<128x128xf32> to vector<128x64xf32>
    %concatenate3A_546 = tpu.concatenate %slice3A_544, %slice3A_545 in 1 : vector<128x64xf32>, vector<128x64xf32> -> vector<128x128xf32>
    %jit3A_547 = arith.constant 0.000000e+00 : f32
    %broadcast_in_dim3A_548 = vector.shape_cast %and3A : vector<1x128xi1> to vector<1x128xi1>
    %broadcast_in_dim3A_549 = vector.broadcast %broadcast_in_dim3A_548 : vector<1x128xi1> to vector<128x128xi1>
    %broadcast_in_dim3A_550 = vector.broadcast %jit3A_547 : f32 to vector<128x128xf32>
    %select_n3A_551 = arith.select %broadcast_in_dim3A_549, %concatenate3A_546, %broadcast_in_dim3A_550 : vector<128x128xi1>, vector<128x128xf32>
    %add3A_552 = arith.addf %mul3A_543, %select_n3A_551 : vector<128x128xf32>
    %mul3A_553 = arith.constant 0.142857149 : f32
    %mul3A_554 = vector.broadcast %mul3A_553 : f32 to vector<128x128xf32>
    %mul3A_555 = arith.mulf %add3A_528, %mul3A_554 : vector<128x128xf32>
    %slice3A_556 = vector.extract_strided_slice %mul3A_555 {offsets = [0, 64], sizes = [128, 64], strides = [1, 1]} : vector<128x128xf32> to vector<128x64xf32>
    %slice3A_557 = vector.extract_strided_slice %mul3A_555 {offsets = [0, 0], sizes = [128, 64], strides = [1, 1]} : vector<128x128xf32> to vector<128x64xf32>
    %concatenate3A_558 = tpu.concatenate %slice3A_556, %slice3A_557 in 1 : vector<128x64xf32>, vector<128x64xf32> -> vector<128x128xf32>
    %jit3A_559 = arith.constant 0.000000e+00 : f32
    %broadcast_in_dim3A_560 = vector.shape_cast %and3A : vector<1x128xi1> to vector<1x128xi1>
    %broadcast_in_dim3A_561 = vector.broadcast %broadcast_in_dim3A_560 : vector<1x128xi1> to vector<128x128xi1>
    %broadcast_in_dim3A_562 = vector.broadcast %jit3A_559 : f32 to vector<128x128xf32>
    %select_n3A_563 = arith.select %broadcast_in_dim3A_561, %concatenate3A_558, %broadcast_in_dim3A_562 : vector<128x128xi1>, vector<128x128xf32>
    %add3A_564 = arith.addf %mul3A_555, %select_n3A_563 : vector<128x128xf32>
    %mul3A_565 = arith.mulf %add3A_552, %add3A_552 : vector<128x128xf32>
    %mul3A_566 = arith.mulf %add3A_564, %add3A_564 : vector<128x128xf32>
    %add3A_567 = arith.addf %mul3A_565, %mul3A_566 : vector<128x128xf32>
    %mul3A_568 = vector.broadcast %add3A_95 : vector<1x128xf32> to vector<128x128xf32>
    %mul3A_569 = arith.mulf %mul3A_568, %add3A_540 : vector<128x128xf32>
    %add3A_570 = arith.constant 9.99999996E-13 : f32
    %add3A_571 = vector.broadcast %add3A_570 : f32 to vector<128x128xf32>
    %add3A_572 = arith.addf %mul3A_569, %add3A_571 : vector<128x128xf32>
    %div3A_573 = arith.divf %add3A_567, %add3A_572 : vector<128x128xf32>
    %le3A_574 = arith.constant 64 : i32
    %le3A_575 = vector.broadcast %le3A_574 : i32 to vector<1x128xi32>
    %le3A_576 = arith.cmpi sle, %iota3A, %le3A_575 : vector<1x128xi32>
    %jit3A_577 = arith.constant 0.000000e+00 : f32
    %broadcast_in_dim3A_578 = vector.shape_cast %le3A_576 : vector<1x128xi1> to vector<1x128xi1>
    %broadcast_in_dim3A_579 = vector.broadcast %broadcast_in_dim3A_578 : vector<1x128xi1> to vector<128x128xi1>
    %broadcast_in_dim3A_580 = vector.broadcast %jit3A_577 : f32 to vector<128x128xf32>
    %select_n3A_581 = arith.select %broadcast_in_dim3A_579, %div3A_573, %broadcast_in_dim3A_580 : vector<128x128xi1>, vector<128x128xf32>
    %reduce_sum3A_582 = arith.constant dense<0.000000e+00> : vector<128xf32>
    %reduce_sum3A_583 = vector.multi_reduction <add>, %select_n3A_581, %reduce_sum3A_582 [1] : vector<128x128xf32> to vector<128xf32>
    %broadcast_in_dim3A_584 = vector.shape_cast %reduce_sum3A_583 : vector<128xf32> to vector<128x1xf32>
    %swap3A_585 = arith.constant 0 : index
    %swap3A_586 = arith.constant 256 : index
    %swap3A_587 = arith.constant 0 : index
    %swap3A_588 = vector.load %arg5[%swap3A_585, %swap3A_586, %swap3A_587] : memref<1x512x1xf32, #tpu.memory_space<vmem>>, vector<1x128x1xf32>
    %swap3A_589 = vector.shape_cast %swap3A_588 : vector<1x128x1xf32> to vector<128x1xf32>
    %swap3A_590 = vector.shape_cast %broadcast_in_dim3A_584 : vector<128x1xf32> to vector<1x128x1xf32>
    tpu.vector_store %arg5[%swap3A_585, %swap3A_586, %swap3A_587], %swap3A_590 {strides = array<i32>} : memref<1x512x1xf32, #tpu.memory_space<vmem>>, vector<1x128x1xf32>,
    %broadcast_in_dim3A_591 = arith.constant 0.000000e+00 : f32
    %broadcast_in_dim3A_592 = vector.broadcast %broadcast_in_dim3A_591 : f32 to vector<128x128xf32>
    %broadcast_in_dim3A_593 = arith.constant 0.000000e+00 : f32
    %broadcast_in_dim3A_594 = vector.broadcast %broadcast_in_dim3A_593 : f32 to vector<128x128xf32>
    %broadcast_in_dim3A_595 = arith.constant 0.000000e+00 : f32
    %broadcast_in_dim3A_596 = vector.broadcast %broadcast_in_dim3A_595 : f32 to vector<128x128xf32>
    %get3A_597 = arith.constant 384 : index
    %get3A_598 = arith.constant 0 : index
    %get3A_599 = vector.load %arg2[%get3A_597, %get3A_598] : memref<512x512xf32, #tpu.memory_space<vmem>>, vector<128x128xf32>
    %convert_element_type3A_600 = arith.truncf %get3A_599 : vector<128x128xf32> to vector<128x128xbf16>
    %dot_general3A_601 = arith.constant dense<0.000000e+00> : vector<128x128xf32>
    %dot_general3A_602 = tpu.matmul %convert_element_type3A_600, %get3A_1, %dot_general3A_601 {dimension_numbers = #tpu.dot_dimension_numbers<[1], [0], [0], [1], [0, 0, 1, 1], [], []>, transpose_lhs_hint = false} : vector<128x128xbf16>, vector<128x128xbf16>, vector<128x128xf32> -> vector<128x128xf32>
    %mul3A_603 = arith.mulf %dot_general3A_602, %dot_general3A_602 : vector<128x128xf32>
    %add3A_604 = arith.addf %broadcast_in_dim3A_592, %mul3A_603 : vector<128x128xf32>
    %mul3A_605 = vector.broadcast %dot_general3A_15 : vector<1x128xf32> to vector<128x128xf32>
    %mul3A_606 = arith.mulf %mul3A_605, %dot_general3A_602 : vector<128x128xf32>
    %add3A_607 = arith.addf %broadcast_in_dim3A_594, %mul3A_606 : vector<128x128xf32>
    %mul3A_608 = vector.broadcast %dot_general3A_17 : vector<1x128xf32> to vector<128x128xf32>
    %mul3A_609 = arith.mulf %mul3A_608, %dot_general3A_602 : vector<128x128xf32>
    %add3A_610 = arith.addf %broadcast_in_dim3A_596, %mul3A_609 : vector<128x128xf32>
    %get3A_611 = arith.constant 384 : index
    %get3A_612 = arith.constant 64 : index
    %get3A_613 = vector.load %arg2[%get3A_611, %get3A_612] : memref<512x512xf32, #tpu.memory_space<vmem>>, vector<128x128xf32>
    %convert_element_type3A_614 = arith.truncf %get3A_613 : vector<128x128xf32> to vector<128x128xbf16>
    %dot_general3A_615 = arith.constant dense<0.000000e+00> : vector<128x128xf32>
    %dot_general3A_616 = tpu.matmul %convert_element_type3A_614, %get3A_1, %dot_general3A_615 {dimension_numbers = #tpu.dot_dimension_numbers<[1], [0], [0], [1], [0, 0, 1, 1], [], []>, transpose_lhs_hint = false} : vector<128x128xbf16>, vector<128x128xbf16>, vector<128x128xf32> -> vector<128x128xf32>
    %mul3A_617 = arith.mulf %dot_general3A_616, %dot_general3A_616 : vector<128x128xf32>
    %add3A_618 = arith.addf %add3A_604, %mul3A_617 : vector<128x128xf32>
    %mul3A_619 = vector.broadcast %dot_general3A_25 : vector<1x128xf32> to vector<128x128xf32>
    %mul3A_620 = arith.mulf %mul3A_619, %dot_general3A_616 : vector<128x128xf32>
    %add3A_621 = arith.addf %add3A_607, %mul3A_620 : vector<128x128xf32>
    %mul3A_622 = vector.broadcast %dot_general3A_27 : vector<1x128xf32> to vector<128x128xf32>
    %mul3A_623 = arith.mulf %mul3A_622, %dot_general3A_616 : vector<128x128xf32>
    %add3A_624 = arith.addf %add3A_610, %mul3A_623 : vector<128x128xf32>
    %get3A_625 = arith.constant 384 : index
    %get3A_626 = arith.constant 128 : index
    %get3A_627 = vector.load %arg2[%get3A_625, %get3A_626] : memref<512x512xf32, #tpu.memory_space<vmem>>, vector<128x128xf32>
    %convert_element_type3A_628 = arith.truncf %get3A_627 : vector<128x128xf32> to vector<128x128xbf16>
    %dot_general3A_629 = arith.constant dense<0.000000e+00> : vector<128x128xf32>
    %dot_general3A_630 = tpu.matmul %convert_element_type3A_628, %get3A_1, %dot_general3A_629 {dimension_numbers = #tpu.dot_dimension_numbers<[1], [0], [0], [1], [0, 0, 1, 1], [], []>, transpose_lhs_hint = false} : vector<128x128xbf16>, vector<128x128xbf16>, vector<128x128xf32> -> vector<128x128xf32>
    %mul3A_631 = arith.mulf %dot_general3A_630, %dot_general3A_630 : vector<128x128xf32>
    %add3A_632 = arith.addf %add3A_618, %mul3A_631 : vector<128x128xf32>
    %mul3A_633 = vector.broadcast %dot_general3A_37 : vector<1x128xf32> to vector<128x128xf32>
    %mul3A_634 = arith.mulf %mul3A_633, %dot_general3A_630 : vector<128x128xf32>
    %add3A_635 = arith.addf %add3A_621, %mul3A_634 : vector<128x128xf32>
    %mul3A_636 = vector.broadcast %dot_general3A_39 : vector<1x128xf32> to vector<128x128xf32>
    %mul3A_637 = arith.mulf %mul3A_636, %dot_general3A_630 : vector<128x128xf32>
    %add3A_638 = arith.addf %add3A_624, %mul3A_637 : vector<128x128xf32>
    %get3A_639 = arith.constant 384 : index
    %get3A_640 = arith.constant 192 : index
    %get3A_641 = vector.load %arg2[%get3A_639, %get3A_640] : memref<512x512xf32, #tpu.memory_space<vmem>>, vector<128x128xf32>
    %convert_element_type3A_642 = arith.truncf %get3A_641 : vector<128x128xf32> to vector<128x128xbf16>
    %dot_general3A_643 = arith.constant dense<0.000000e+00> : vector<128x128xf32>
    %dot_general3A_644 = tpu.matmul %convert_element_type3A_642, %get3A_1, %dot_general3A_643 {dimension_numbers = #tpu.dot_dimension_numbers<[1], [0], [0], [1], [0, 0, 1, 1], [], []>, transpose_lhs_hint = false} : vector<128x128xbf16>, vector<128x128xbf16>, vector<128x128xf32> -> vector<128x128xf32>
    %mul3A_645 = arith.mulf %dot_general3A_644, %dot_general3A_644 : vector<128x128xf32>
    %add3A_646 = arith.addf %add3A_632, %mul3A_645 : vector<128x128xf32>
    %mul3A_647 = vector.broadcast %dot_general3A_49 : vector<1x128xf32> to vector<128x128xf32>
    %mul3A_648 = arith.mulf %mul3A_647, %dot_general3A_644 : vector<128x128xf32>
    %add3A_649 = arith.addf %add3A_635, %mul3A_648 : vector<128x128xf32>
    %mul3A_650 = vector.broadcast %dot_general3A_51 : vector<1x128xf32> to vector<128x128xf32>
    %mul3A_651 = arith.mulf %mul3A_650, %dot_general3A_644 : vector<128x128xf32>
    %add3A_652 = arith.addf %add3A_638, %mul3A_651 : vector<128x128xf32>
    %get3A_653 = arith.constant 384 : index
    %get3A_654 = arith.constant 256 : index
    %get3A_655 = vector.load %arg2[%get3A_653, %get3A_654] : memref<512x512xf32, #tpu.memory_space<vmem>>, vector<128x128xf32>
    %convert_element_type3A_656 = arith.truncf %get3A_655 : vector<128x128xf32> to vector<128x128xbf16>
    %dot_general3A_657 = arith.constant dense<0.000000e+00> : vector<128x128xf32>
    %dot_general3A_658 = tpu.matmul %convert_element_type3A_656, %get3A_1, %dot_general3A_657 {dimension_numbers = #tpu.dot_dimension_numbers<[1], [0], [0], [1], [0, 0, 1, 1], [], []>, transpose_lhs_hint = false} : vector<128x128xbf16>, vector<128x128xbf16>, vector<128x128xf32> -> vector<128x128xf32>
    %mul3A_659 = arith.mulf %dot_general3A_658, %dot_general3A_658 : vector<128x128xf32>
    %add3A_660 = arith.addf %add3A_646, %mul3A_659 : vector<128x128xf32>
    %mul3A_661 = vector.broadcast %dot_general3A_61 : vector<1x128xf32> to vector<128x128xf32>
    %mul3A_662 = arith.mulf %mul3A_661, %dot_general3A_658 : vector<128x128xf32>
    %add3A_663 = arith.addf %add3A_649, %mul3A_662 : vector<128x128xf32>
    %mul3A_664 = vector.broadcast %dot_general3A_63 : vector<1x128xf32> to vector<128x128xf32>
    %mul3A_665 = arith.mulf %mul3A_664, %dot_general3A_658 : vector<128x128xf32>
    %add3A_666 = arith.addf %add3A_652, %mul3A_665 : vector<128x128xf32>
    %get3A_667 = arith.constant 384 : index
    %get3A_668 = arith.constant 320 : index
    %get3A_669 = vector.load %arg2[%get3A_667, %get3A_668] : memref<512x512xf32, #tpu.memory_space<vmem>>, vector<128x128xf32>
    %convert_element_type3A_670 = arith.truncf %get3A_669 : vector<128x128xf32> to vector<128x128xbf16>
    %dot_general3A_671 = arith.constant dense<0.000000e+00> : vector<128x128xf32>
    %dot_general3A_672 = tpu.matmul %convert_element_type3A_670, %get3A_1, %dot_general3A_671 {dimension_numbers = #tpu.dot_dimension_numbers<[1], [0], [0], [1], [0, 0, 1, 1], [], []>, transpose_lhs_hint = false} : vector<128x128xbf16>, vector<128x128xbf16>, vector<128x128xf32> -> vector<128x128xf32>
    %mul3A_673 = arith.mulf %dot_general3A_672, %dot_general3A_672 : vector<128x128xf32>
    %add3A_674 = arith.addf %add3A_660, %mul3A_673 : vector<128x128xf32>
    %mul3A_675 = vector.broadcast %dot_general3A_73 : vector<1x128xf32> to vector<128x128xf32>
    %mul3A_676 = arith.mulf %mul3A_675, %dot_general3A_672 : vector<128x128xf32>
    %add3A_677 = arith.addf %add3A_663, %mul3A_676 : vector<128x128xf32>
    %mul3A_678 = vector.broadcast %dot_general3A_75 : vector<1x128xf32> to vector<128x128xf32>
    %mul3A_679 = arith.mulf %mul3A_678, %dot_general3A_672 : vector<128x128xf32>
    %add3A_680 = arith.addf %add3A_666, %mul3A_679 : vector<128x128xf32>
    %get3A_681 = arith.constant 384 : index
    %get3A_682 = arith.constant 384 : index
    %get3A_683 = vector.load %arg2[%get3A_681, %get3A_682] : memref<512x512xf32, #tpu.memory_space<vmem>>, vector<128x128xf32>
    %convert_element_type3A_684 = arith.truncf %get3A_683 : vector<128x128xf32> to vector<128x128xbf16>
    %dot_general3A_685 = arith.constant dense<0.000000e+00> : vector<128x128xf32>
    %dot_general3A_686 = tpu.matmul %convert_element_type3A_684, %get3A_1, %dot_general3A_685 {dimension_numbers = #tpu.dot_dimension_numbers<[1], [0], [0], [1], [0, 0, 1, 1], [], []>, transpose_lhs_hint = false} : vector<128x128xbf16>, vector<128x128xbf16>, vector<128x128xf32> -> vector<128x128xf32>
    %mul3A_687 = arith.mulf %dot_general3A_686, %dot_general3A_686 : vector<128x128xf32>
    %add3A_688 = arith.addf %add3A_674, %mul3A_687 : vector<128x128xf32>
    %mul3A_689 = vector.broadcast %dot_general3A_85 : vector<1x128xf32> to vector<128x128xf32>
    %mul3A_690 = arith.mulf %mul3A_689, %dot_general3A_686 : vector<128x128xf32>
    %add3A_691 = arith.addf %add3A_677, %mul3A_690 : vector<128x128xf32>
    %mul3A_692 = vector.broadcast %dot_general3A_87 : vector<1x128xf32> to vector<128x128xf32>
    %mul3A_693 = arith.mulf %mul3A_692, %dot_general3A_686 : vector<128x128xf32>
    %add3A_694 = arith.addf %add3A_680, %mul3A_693 : vector<128x128xf32>
    %mul3A_695 = arith.constant 0.142857149 : f32
    %mul3A_696 = vector.broadcast %mul3A_695 : f32 to vector<128x128xf32>
    %mul3A_697 = arith.mulf %add3A_688, %mul3A_696 : vector<128x128xf32>
    %slice3A_698 = vector.extract_strided_slice %mul3A_697 {offsets = [0, 64], sizes = [128, 64], strides = [1, 1]} : vector<128x128xf32> to vector<128x64xf32>
    %slice3A_699 = vector.extract_strided_slice %mul3A_697 {offsets = [0, 0], sizes = [128, 64], strides = [1, 1]} : vector<128x128xf32> to vector<128x64xf32>
    %concatenate3A_700 = tpu.concatenate %slice3A_698, %slice3A_699 in 1 : vector<128x64xf32>, vector<128x64xf32> -> vector<128x128xf32>
    %jit3A_701 = arith.constant 0.000000e+00 : f32
    %broadcast_in_dim3A_702 = vector.shape_cast %and3A : vector<1x128xi1> to vector<1x128xi1>
    %broadcast_in_dim3A_703 = vector.broadcast %broadcast_in_dim3A_702 : vector<1x128xi1> to vector<128x128xi1>
    %broadcast_in_dim3A_704 = vector.broadcast %jit3A_701 : f32 to vector<128x128xf32>
    %select_n3A_705 = arith.select %broadcast_in_dim3A_703, %concatenate3A_700, %broadcast_in_dim3A_704 : vector<128x128xi1>, vector<128x128xf32>
    %add3A_706 = arith.addf %mul3A_697, %select_n3A_705 : vector<128x128xf32>
    %mul3A_707 = arith.constant 0.142857149 : f32
    %mul3A_708 = vector.broadcast %mul3A_707 : f32 to vector<128x128xf32>
    %mul3A_709 = arith.mulf %add3A_691, %mul3A_708 : vector<128x128xf32>
    %slice3A_710 = vector.extract_strided_slice %mul3A_709 {offsets = [0, 64], sizes = [128, 64], strides = [1, 1]} : vector<128x128xf32> to vector<128x64xf32>
    %slice3A_711 = vector.extract_strided_slice %mul3A_709 {offsets = [0, 0], sizes = [128, 64], strides = [1, 1]} : vector<128x128xf32> to vector<128x64xf32>
    %concatenate3A_712 = tpu.concatenate %slice3A_710, %slice3A_711 in 1 : vector<128x64xf32>, vector<128x64xf32> -> vector<128x128xf32>
    %jit3A_713 = arith.constant 0.000000e+00 : f32
    %broadcast_in_dim3A_714 = vector.shape_cast %and3A : vector<1x128xi1> to vector<1x128xi1>
    %broadcast_in_dim3A_715 = vector.broadcast %broadcast_in_dim3A_714 : vector<1x128xi1> to vector<128x128xi1>
    %broadcast_in_dim3A_716 = vector.broadcast %jit3A_713 : f32 to vector<128x128xf32>
    %select_n3A_717 = arith.select %broadcast_in_dim3A_715, %concatenate3A_712, %broadcast_in_dim3A_716 : vector<128x128xi1>, vector<128x128xf32>
    %add3A_718 = arith.addf %mul3A_709, %select_n3A_717 : vector<128x128xf32>
    %mul3A_719 = arith.constant 0.142857149 : f32
    %mul3A_720 = vector.broadcast %mul3A_719 : f32 to vector<128x128xf32>
    %mul3A_721 = arith.mulf %add3A_694, %mul3A_720 : vector<128x128xf32>
    %slice3A_722 = vector.extract_strided_slice %mul3A_721 {offsets = [0, 64], sizes = [128, 64], strides = [1, 1]} : vector<128x128xf32> to vector<128x64xf32>
    %slice3A_723 = vector.extract_strided_slice %mul3A_721 {offsets = [0, 0], sizes = [128, 64], strides = [1, 1]} : vector<128x128xf32> to vector<128x64xf32>
    %concatenate3A_724 = tpu.concatenate %slice3A_722, %slice3A_723 in 1 : vector<128x64xf32>, vector<128x64xf32> -> vector<128x128xf32>
    %jit3A_725 = arith.constant 0.000000e+00 : f32
    %broadcast_in_dim3A_726 = vector.shape_cast %and3A : vector<1x128xi1> to vector<1x128xi1>
    %broadcast_in_dim3A_727 = vector.broadcast %broadcast_in_dim3A_726 : vector<1x128xi1> to vector<128x128xi1>
    %broadcast_in_dim3A_728 = vector.broadcast %jit3A_725 : f32 to vector<128x128xf32>
    %select_n3A_729 = arith.select %broadcast_in_dim3A_727, %concatenate3A_724, %broadcast_in_dim3A_728 : vector<128x128xi1>, vector<128x128xf32>
    %add3A_730 = arith.addf %mul3A_721, %select_n3A_729 : vector<128x128xf32>
    %mul3A_731 = arith.mulf %add3A_718, %add3A_718 : vector<128x128xf32>
    %mul3A_732 = arith.mulf %add3A_730, %add3A_730 : vector<128x128xf32>
    %add3A_733 = arith.addf %mul3A_731, %mul3A_732 : vector<128x128xf32>
    %mul3A_734 = vector.broadcast %add3A_95 : vector<1x128xf32> to vector<128x128xf32>
    %mul3A_735 = arith.mulf %mul3A_734, %add3A_706 : vector<128x128xf32>
    %add3A_736 = arith.constant 9.99999996E-13 : f32
    %add3A_737 = vector.broadcast %add3A_736 : f32 to vector<128x128xf32>
    %add3A_738 = arith.addf %mul3A_735, %add3A_737 : vector<128x128xf32>
    %div3A_739 = arith.divf %add3A_733, %add3A_738 : vector<128x128xf32>
    %le3A_740 = arith.constant 64 : i32
    %le3A_741 = vector.broadcast %le3A_740 : i32 to vector<1x128xi32>
    %le3A_742 = arith.cmpi sle, %iota3A, %le3A_741 : vector<1x128xi32>
    %jit3A_743 = arith.constant 0.000000e+00 : f32
    %broadcast_in_dim3A_744 = vector.shape_cast %le3A_742 : vector<1x128xi1> to vector<1x128xi1>
    %broadcast_in_dim3A_745 = vector.broadcast %broadcast_in_dim3A_744 : vector<1x128xi1> to vector<128x128xi1>
    %broadcast_in_dim3A_746 = vector.broadcast %jit3A_743 : f32 to vector<128x128xf32>
    %select_n3A_747 = arith.select %broadcast_in_dim3A_745, %div3A_739, %broadcast_in_dim3A_746 : vector<128x128xi1>, vector<128x128xf32>
    %reduce_sum3A_748 = arith.constant dense<0.000000e+00> : vector<128xf32>
    %reduce_sum3A_749 = vector.multi_reduction <add>, %select_n3A_747, %reduce_sum3A_748 [1] : vector<128x128xf32> to vector<128xf32>
    %broadcast_in_dim3A_750 = vector.shape_cast %reduce_sum3A_749 : vector<128xf32> to vector<128x1xf32>
    %swap3A_751 = arith.constant 0 : index
    %swap3A_752 = arith.constant 384 : index
    %swap3A_753 = arith.constant 0 : index
    %swap3A_754 = vector.load %arg5[%swap3A_751, %swap3A_752, %swap3A_753] : memref<1x512x1xf32, #tpu.memory_space<vmem>>, vector<1x128x1xf32>
    %swap3A_755 = vector.shape_cast %swap3A_754 : vector<1x128x1xf32> to vector<128x1xf32>
    %swap3A_756 = vector.shape_cast %broadcast_in_dim3A_750 : vector<128x1xf32> to vector<1x128x1xf32>
    tpu.vector_store %arg5[%swap3A_751, %swap3A_752, %swap3A_753], %swap3A_756 {strides = array<i32>} : memref<1x512x1xf32, #tpu.memory_space<vmem>>, vector<1x128x1xf32>,
    return
  }
  func.func @transform_0(%arg0: i32) -> (i32, i32, i32) {
    %jit3A = arith.constant 8 : i32
    %div3A = arith.divsi %arg0, %jit3A : i32
    %sign3A = arith.constant 0 : i32
    %sign3A_0 = arith.cmpi sgt, %arg0, %sign3A : i32
    %sign3A_1 = arith.extui %sign3A_0 : i1 to i32
    %sign3A_2 = arith.constant 0 : i32
    %sign3A_3 = arith.cmpi slt, %arg0, %sign3A_2 : i32
    %sign3A_4 = arith.extui %sign3A_3 : i1 to i32
    %sign3A_5 = arith.subi %sign3A_1, %sign3A_4 : i32
    %sign3A_6 = arith.constant 0 : i32
    %sign3A_7 = arith.cmpi sgt, %jit3A, %sign3A_6 : i32
    %sign3A_8 = arith.extui %sign3A_7 : i1 to i32
    %sign3A_9 = arith.constant 0 : i32
    %sign3A_10 = arith.cmpi slt, %jit3A, %sign3A_9 : i32
    %sign3A_11 = arith.extui %sign3A_10 : i1 to i32
    %sign3A_12 = arith.subi %sign3A_8, %sign3A_11 : i32
    %ne3A = arith.cmpi ne, %sign3A_5, %sign3A_12 : i32
    %rem3A = arith.remsi %arg0, %jit3A : i32
    %ne3A_13 = arith.constant 0 : i32
    %ne3A_14 = arith.cmpi ne, %rem3A, %ne3A_13 : i32
    %and3A = arith.andi %ne3A, %ne3A_14 : i1
    %sub3A = arith.constant 1 : i32
    %sub3A_15 = arith.subi %div3A, %sub3A : i32
    %select_n3A = arith.select %and3A, %sub3A_15, %div3A : i32
    %c0_i32 = arith.constant 0 : i32
    %c0_i32_16 = arith.constant 0 : i32
    %c0_i32_17 = arith.constant 0 : i32
    return %select_n3A, %c0_i32, %c0_i32_16 : i32, i32, i32
  }
  func.func @transform_1(%arg0: i32) -> (i32, i32) {
    %c0_i32 = arith.constant 0 : i32
    %c0_i32_0 = arith.constant 0 : i32
    return %arg0, %c0_i32 : i32, i32
  }
  func.func @transform_2(%arg0: i32) -> (i32, i32) {
    %c0_i32 = arith.constant 0 : i32
    %c0_i32_0 = arith.constant 0 : i32
    %c0_i32_1 = arith.constant 0 : i32
    return %c0_i32, %c0_i32_0 : i32, i32
  }
  func.func @transform_3(%arg0: i32) -> (i32, i32) {
    %c0_i32 = arith.constant 0 : i32
    %c0_i32_0 = arith.constant 0 : i32
    %c0_i32_1 = arith.constant 0 : i32
    return %c0_i32, %c0_i32_0 : i32, i32
  }
  func.func @transform_4(%arg0: i32) -> (i32, i32, i32) {
    %c0_i32 = arith.constant 0 : i32
    %c0_i32_0 = arith.constant 0 : i32
    %c0_i32_1 = arith.constant 0 : i32
    return %arg0, %c0_i32, %c0_i32_0 : i32, i32, i32
  }
}

module attributes {stable_mosaic.version = 14 : i64} {
  func.func @_rescore_kernel(%arg0: memref<8x1x512xf32, #tpu.memory_space<vmem>>, %arg1: memref<1024x512xf32, #tpu.memory_space<vmem>>, %arg2: memref<8x128xi32, #tpu.memory_space<vmem>>, %arg3: memref<128x128xf32, #tpu.memory_space<vmem>>, %arg4: memref<128x128xf32, #tpu.memory_space<vmem>>, %arg5: memref<8x64xi32, #tpu.memory_space<vmem>>) attributes {dimension_semantics = [], scalar_prefetch = 0 : i64, scratch_operands = 0 : i64, tpu.core_type = #tpu.core_type<tc>} {
    %get3A = arith.constant 0 : index
    %get3A_0 = arith.constant 0 : index
    %get3A_1 = vector.load %arg3[%get3A, %get3A_0] : memref<128x128xf32, #tpu.memory_space<vmem>>, vector<128x128xf32>
    %get3A_2 = arith.constant 0 : index
    %get3A_3 = arith.constant 0 : index
    %get3A_4 = vector.load %arg4[%get3A_2, %get3A_3] : memref<128x128xf32, #tpu.memory_space<vmem>>, vector<128x128xf32>
    %broadcast_in_dim3A = arith.constant 0.000000e+00 : f32
    %broadcast_in_dim3A_5 = vector.broadcast %broadcast_in_dim3A : f32 to vector<1024x128xf32>
    %broadcast_in_dim3A_6 = arith.constant 0.000000e+00 : f32
    %broadcast_in_dim3A_7 = vector.broadcast %broadcast_in_dim3A_6 : f32 to vector<1024x128xf32>
    %broadcast_in_dim3A_8 = arith.constant 0.000000e+00 : f32
    %broadcast_in_dim3A_9 = vector.broadcast %broadcast_in_dim3A_8 : f32 to vector<1024x128xf32>
    %broadcast_in_dim3A_10 = arith.constant 0.000000e+00 : f32
    %broadcast_in_dim3A_11 = vector.broadcast %broadcast_in_dim3A_10 : f32 to vector<8x128xf32>
    %get3A_12 = arith.constant 0 : index
    %get3A_13 = arith.constant 0 : index
    %get3A_14 = vector.load %arg1[%get3A_12, %get3A_13] : memref<1024x512xf32, #tpu.memory_space<vmem>>, vector<1024x128xf32>
    %dot_general3A = arith.constant dense<0.000000e+00> : vector<1024x128xf32>
    %dot_general3A_15 = tpu.matmul %get3A_14, %get3A_1, %dot_general3A {dimension_numbers = #tpu.dot_dimension_numbers<[1], [0], [0], [1], [0, 0, 1, 1], [], []>, precision = #tpu.contract_precision<fp32>, transpose_lhs_hint = false} : vector<1024x128xf32>, vector<128x128xf32>, vector<1024x128xf32> -> vector<1024x128xf32>
    %get3A_16 = arith.constant 0 : index
    %get3A_17 = arith.constant 0 : index
    %get3A_18 = arith.constant 0 : index
    %get3A_19 = vector.load %arg0[%get3A_16, %get3A_17, %get3A_18] : memref<8x1x512xf32, #tpu.memory_space<vmem>>, vector<8x1x128xf32>
    %get3A_20 = vector.shape_cast %get3A_19 : vector<8x1x128xf32> to vector<8x128xf32>
    %dot_general3A_21 = arith.constant dense<0.000000e+00> : vector<8x128xf32>
    %dot_general3A_22 = tpu.matmul %get3A_20, %get3A_1, %dot_general3A_21 {dimension_numbers = #tpu.dot_dimension_numbers<[1], [0], [0], [1], [0, 0, 1, 1], [], []>, precision = #tpu.contract_precision<fp32>, transpose_lhs_hint = false} : vector<8x128xf32>, vector<128x128xf32>, vector<8x128xf32> -> vector<8x128xf32>
    %dot_general3A_23 = arith.constant dense<0.000000e+00> : vector<8x128xf32>
    %dot_general3A_24 = tpu.matmul %get3A_20, %get3A_4, %dot_general3A_23 {dimension_numbers = #tpu.dot_dimension_numbers<[1], [0], [0], [1], [0, 0, 1, 1], [], []>, precision = #tpu.contract_precision<fp32>, transpose_lhs_hint = false} : vector<8x128xf32>, vector<128x128xf32>, vector<8x128xf32> -> vector<8x128xf32>
    %mul3A = arith.mulf %dot_general3A_15, %dot_general3A_15 : vector<1024x128xf32>
    %add3A = arith.addf %broadcast_in_dim3A_5, %mul3A : vector<1024x128xf32>
    %broadcast_in_dim3A_25 = vector.shape_cast %dot_general3A_22 : vector<8x128xf32> to vector<8x1x128xf32>
    %broadcast_in_dim3A_26 = vector.shape_cast %broadcast_in_dim3A_25 : vector<8x1x128xf32> to vector<8x1x128xf32>
    %broadcast_in_dim3A_27 = vector.broadcast %broadcast_in_dim3A_26 : vector<8x1x128xf32> to vector<8x128x128xf32>
    %reshape3A = vector.shape_cast %broadcast_in_dim3A_27 : vector<8x128x128xf32> to vector<1024x128xf32>
    %mul3A_28 = arith.mulf %reshape3A, %dot_general3A_15 : vector<1024x128xf32>
    %add3A_29 = arith.addf %broadcast_in_dim3A_7, %mul3A_28 : vector<1024x128xf32>
    %broadcast_in_dim3A_30 = vector.shape_cast %dot_general3A_24 : vector<8x128xf32> to vector<8x1x128xf32>
    %broadcast_in_dim3A_31 = vector.shape_cast %broadcast_in_dim3A_30 : vector<8x1x128xf32> to vector<8x1x128xf32>
    %broadcast_in_dim3A_32 = vector.broadcast %broadcast_in_dim3A_31 : vector<8x1x128xf32> to vector<8x128x128xf32>
    %reshape3A_33 = vector.shape_cast %broadcast_in_dim3A_32 : vector<8x128x128xf32> to vector<1024x128xf32>
    %mul3A_34 = arith.mulf %reshape3A_33, %dot_general3A_15 : vector<1024x128xf32>
    %add3A_35 = arith.addf %broadcast_in_dim3A_9, %mul3A_34 : vector<1024x128xf32>
    %mul3A_36 = arith.mulf %dot_general3A_22, %dot_general3A_22 : vector<8x128xf32>
    %add3A_37 = arith.addf %broadcast_in_dim3A_11, %mul3A_36 : vector<8x128xf32>
    %get3A_38 = arith.constant 0 : index
    %get3A_39 = arith.constant 64 : index
    %get3A_40 = vector.load %arg1[%get3A_38, %get3A_39] : memref<1024x512xf32, #tpu.memory_space<vmem>>, vector<1024x128xf32>
    %dot_general3A_41 = arith.constant dense<0.000000e+00> : vector<1024x128xf32>
    %dot_general3A_42 = tpu.matmul %get3A_40, %get3A_1, %dot_general3A_41 {dimension_numbers = #tpu.dot_dimension_numbers<[1], [0], [0], [1], [0, 0, 1, 1], [], []>, precision = #tpu.contract_precision<fp32>, transpose_lhs_hint = false} : vector<1024x128xf32>, vector<128x128xf32>, vector<1024x128xf32> -> vector<1024x128xf32>
    %get3A_43 = arith.constant 0 : index
    %get3A_44 = arith.constant 0 : index
    %get3A_45 = arith.constant 64 : index
    %get3A_46 = vector.load %arg0[%get3A_43, %get3A_44, %get3A_45] : memref<8x1x512xf32, #tpu.memory_space<vmem>>, vector<8x1x128xf32>
    %get3A_47 = vector.shape_cast %get3A_46 : vector<8x1x128xf32> to vector<8x128xf32>
    %dot_general3A_48 = arith.constant dense<0.000000e+00> : vector<8x128xf32>
    %dot_general3A_49 = tpu.matmul %get3A_47, %get3A_1, %dot_general3A_48 {dimension_numbers = #tpu.dot_dimension_numbers<[1], [0], [0], [1], [0, 0, 1, 1], [], []>, precision = #tpu.contract_precision<fp32>, transpose_lhs_hint = false} : vector<8x128xf32>, vector<128x128xf32>, vector<8x128xf32> -> vector<8x128xf32>
    %dot_general3A_50 = arith.constant dense<0.000000e+00> : vector<8x128xf32>
    %dot_general3A_51 = tpu.matmul %get3A_47, %get3A_4, %dot_general3A_50 {dimension_numbers = #tpu.dot_dimension_numbers<[1], [0], [0], [1], [0, 0, 1, 1], [], []>, precision = #tpu.contract_precision<fp32>, transpose_lhs_hint = false} : vector<8x128xf32>, vector<128x128xf32>, vector<8x128xf32> -> vector<8x128xf32>
    %mul3A_52 = arith.mulf %dot_general3A_42, %dot_general3A_42 : vector<1024x128xf32>
    %add3A_53 = arith.addf %add3A, %mul3A_52 : vector<1024x128xf32>
    %broadcast_in_dim3A_54 = vector.shape_cast %dot_general3A_49 : vector<8x128xf32> to vector<8x1x128xf32>
    %broadcast_in_dim3A_55 = vector.shape_cast %broadcast_in_dim3A_54 : vector<8x1x128xf32> to vector<8x1x128xf32>
    %broadcast_in_dim3A_56 = vector.broadcast %broadcast_in_dim3A_55 : vector<8x1x128xf32> to vector<8x128x128xf32>
    %reshape3A_57 = vector.shape_cast %broadcast_in_dim3A_56 : vector<8x128x128xf32> to vector<1024x128xf32>
    %mul3A_58 = arith.mulf %reshape3A_57, %dot_general3A_42 : vector<1024x128xf32>
    %add3A_59 = arith.addf %add3A_29, %mul3A_58 : vector<1024x128xf32>
    %broadcast_in_dim3A_60 = vector.shape_cast %dot_general3A_51 : vector<8x128xf32> to vector<8x1x128xf32>
    %broadcast_in_dim3A_61 = vector.shape_cast %broadcast_in_dim3A_60 : vector<8x1x128xf32> to vector<8x1x128xf32>
    %broadcast_in_dim3A_62 = vector.broadcast %broadcast_in_dim3A_61 : vector<8x1x128xf32> to vector<8x128x128xf32>
    %reshape3A_63 = vector.shape_cast %broadcast_in_dim3A_62 : vector<8x128x128xf32> to vector<1024x128xf32>
    %mul3A_64 = arith.mulf %reshape3A_63, %dot_general3A_42 : vector<1024x128xf32>
    %add3A_65 = arith.addf %add3A_35, %mul3A_64 : vector<1024x128xf32>
    %mul3A_66 = arith.mulf %dot_general3A_49, %dot_general3A_49 : vector<8x128xf32>
    %add3A_67 = arith.addf %add3A_37, %mul3A_66 : vector<8x128xf32>
    %get3A_68 = arith.constant 0 : index
    %get3A_69 = arith.constant 128 : index
    %get3A_70 = vector.load %arg1[%get3A_68, %get3A_69] : memref<1024x512xf32, #tpu.memory_space<vmem>>, vector<1024x128xf32>
    %dot_general3A_71 = arith.constant dense<0.000000e+00> : vector<1024x128xf32>
    %dot_general3A_72 = tpu.matmul %get3A_70, %get3A_1, %dot_general3A_71 {dimension_numbers = #tpu.dot_dimension_numbers<[1], [0], [0], [1], [0, 0, 1, 1], [], []>, precision = #tpu.contract_precision<fp32>, transpose_lhs_hint = false} : vector<1024x128xf32>, vector<128x128xf32>, vector<1024x128xf32> -> vector<1024x128xf32>
    %get3A_73 = arith.constant 0 : index
    %get3A_74 = arith.constant 0 : index
    %get3A_75 = arith.constant 128 : index
    %get3A_76 = vector.load %arg0[%get3A_73, %get3A_74, %get3A_75] : memref<8x1x512xf32, #tpu.memory_space<vmem>>, vector<8x1x128xf32>
    %get3A_77 = vector.shape_cast %get3A_76 : vector<8x1x128xf32> to vector<8x128xf32>
    %dot_general3A_78 = arith.constant dense<0.000000e+00> : vector<8x128xf32>
    %dot_general3A_79 = tpu.matmul %get3A_77, %get3A_1, %dot_general3A_78 {dimension_numbers = #tpu.dot_dimension_numbers<[1], [0], [0], [1], [0, 0, 1, 1], [], []>, precision = #tpu.contract_precision<fp32>, transpose_lhs_hint = false} : vector<8x128xf32>, vector<128x128xf32>, vector<8x128xf32> -> vector<8x128xf32>
    %dot_general3A_80 = arith.constant dense<0.000000e+00> : vector<8x128xf32>
    %dot_general3A_81 = tpu.matmul %get3A_77, %get3A_4, %dot_general3A_80 {dimension_numbers = #tpu.dot_dimension_numbers<[1], [0], [0], [1], [0, 0, 1, 1], [], []>, precision = #tpu.contract_precision<fp32>, transpose_lhs_hint = false} : vector<8x128xf32>, vector<128x128xf32>, vector<8x128xf32> -> vector<8x128xf32>
    %mul3A_82 = arith.mulf %dot_general3A_72, %dot_general3A_72 : vector<1024x128xf32>
    %add3A_83 = arith.addf %add3A_53, %mul3A_82 : vector<1024x128xf32>
    %broadcast_in_dim3A_84 = vector.shape_cast %dot_general3A_79 : vector<8x128xf32> to vector<8x1x128xf32>
    %broadcast_in_dim3A_85 = vector.shape_cast %broadcast_in_dim3A_84 : vector<8x1x128xf32> to vector<8x1x128xf32>
    %broadcast_in_dim3A_86 = vector.broadcast %broadcast_in_dim3A_85 : vector<8x1x128xf32> to vector<8x128x128xf32>
    %reshape3A_87 = vector.shape_cast %broadcast_in_dim3A_86 : vector<8x128x128xf32> to vector<1024x128xf32>
    %mul3A_88 = arith.mulf %reshape3A_87, %dot_general3A_72 : vector<1024x128xf32>
    %add3A_89 = arith.addf %add3A_59, %mul3A_88 : vector<1024x128xf32>
    %broadcast_in_dim3A_90 = vector.shape_cast %dot_general3A_81 : vector<8x128xf32> to vector<8x1x128xf32>
    %broadcast_in_dim3A_91 = vector.shape_cast %broadcast_in_dim3A_90 : vector<8x1x128xf32> to vector<8x1x128xf32>
    %broadcast_in_dim3A_92 = vector.broadcast %broadcast_in_dim3A_91 : vector<8x1x128xf32> to vector<8x128x128xf32>
    %reshape3A_93 = vector.shape_cast %broadcast_in_dim3A_92 : vector<8x128x128xf32> to vector<1024x128xf32>
    %mul3A_94 = arith.mulf %reshape3A_93, %dot_general3A_72 : vector<1024x128xf32>
    %add3A_95 = arith.addf %add3A_65, %mul3A_94 : vector<1024x128xf32>
    %mul3A_96 = arith.mulf %dot_general3A_79, %dot_general3A_79 : vector<8x128xf32>
    %add3A_97 = arith.addf %add3A_67, %mul3A_96 : vector<8x128xf32>
    %get3A_98 = arith.constant 0 : index
    %get3A_99 = arith.constant 192 : index
    %get3A_100 = vector.load %arg1[%get3A_98, %get3A_99] : memref<1024x512xf32, #tpu.memory_space<vmem>>, vector<1024x128xf32>
    %dot_general3A_101 = arith.constant dense<0.000000e+00> : vector<1024x128xf32>
    %dot_general3A_102 = tpu.matmul %get3A_100, %get3A_1, %dot_general3A_101 {dimension_numbers = #tpu.dot_dimension_numbers<[1], [0], [0], [1], [0, 0, 1, 1], [], []>, precision = #tpu.contract_precision<fp32>, transpose_lhs_hint = false} : vector<1024x128xf32>, vector<128x128xf32>, vector<1024x128xf32> -> vector<1024x128xf32>
    %get3A_103 = arith.constant 0 : index
    %get3A_104 = arith.constant 0 : index
    %get3A_105 = arith.constant 192 : index
    %get3A_106 = vector.load %arg0[%get3A_103, %get3A_104, %get3A_105] : memref<8x1x512xf32, #tpu.memory_space<vmem>>, vector<8x1x128xf32>
    %get3A_107 = vector.shape_cast %get3A_106 : vector<8x1x128xf32> to vector<8x128xf32>
    %dot_general3A_108 = arith.constant dense<0.000000e+00> : vector<8x128xf32>
    %dot_general3A_109 = tpu.matmul %get3A_107, %get3A_1, %dot_general3A_108 {dimension_numbers = #tpu.dot_dimension_numbers<[1], [0], [0], [1], [0, 0, 1, 1], [], []>, precision = #tpu.contract_precision<fp32>, transpose_lhs_hint = false} : vector<8x128xf32>, vector<128x128xf32>, vector<8x128xf32> -> vector<8x128xf32>
    %dot_general3A_110 = arith.constant dense<0.000000e+00> : vector<8x128xf32>
    %dot_general3A_111 = tpu.matmul %get3A_107, %get3A_4, %dot_general3A_110 {dimension_numbers = #tpu.dot_dimension_numbers<[1], [0], [0], [1], [0, 0, 1, 1], [], []>, precision = #tpu.contract_precision<fp32>, transpose_lhs_hint = false} : vector<8x128xf32>, vector<128x128xf32>, vector<8x128xf32> -> vector<8x128xf32>
    %mul3A_112 = arith.mulf %dot_general3A_102, %dot_general3A_102 : vector<1024x128xf32>
    %add3A_113 = arith.addf %add3A_83, %mul3A_112 : vector<1024x128xf32>
    %broadcast_in_dim3A_114 = vector.shape_cast %dot_general3A_109 : vector<8x128xf32> to vector<8x1x128xf32>
    %broadcast_in_dim3A_115 = vector.shape_cast %broadcast_in_dim3A_114 : vector<8x1x128xf32> to vector<8x1x128xf32>
    %broadcast_in_dim3A_116 = vector.broadcast %broadcast_in_dim3A_115 : vector<8x1x128xf32> to vector<8x128x128xf32>
    %reshape3A_117 = vector.shape_cast %broadcast_in_dim3A_116 : vector<8x128x128xf32> to vector<1024x128xf32>
    %mul3A_118 = arith.mulf %reshape3A_117, %dot_general3A_102 : vector<1024x128xf32>
    %add3A_119 = arith.addf %add3A_89, %mul3A_118 : vector<1024x128xf32>
    %broadcast_in_dim3A_120 = vector.shape_cast %dot_general3A_111 : vector<8x128xf32> to vector<8x1x128xf32>
    %broadcast_in_dim3A_121 = vector.shape_cast %broadcast_in_dim3A_120 : vector<8x1x128xf32> to vector<8x1x128xf32>
    %broadcast_in_dim3A_122 = vector.broadcast %broadcast_in_dim3A_121 : vector<8x1x128xf32> to vector<8x128x128xf32>
    %reshape3A_123 = vector.shape_cast %broadcast_in_dim3A_122 : vector<8x128x128xf32> to vector<1024x128xf32>
    %mul3A_124 = arith.mulf %reshape3A_123, %dot_general3A_102 : vector<1024x128xf32>
    %add3A_125 = arith.addf %add3A_95, %mul3A_124 : vector<1024x128xf32>
    %mul3A_126 = arith.mulf %dot_general3A_109, %dot_general3A_109 : vector<8x128xf32>
    %add3A_127 = arith.addf %add3A_97, %mul3A_126 : vector<8x128xf32>
    %get3A_128 = arith.constant 0 : index
    %get3A_129 = arith.constant 256 : index
    %get3A_130 = vector.load %arg1[%get3A_128, %get3A_129] : memref<1024x512xf32, #tpu.memory_space<vmem>>, vector<1024x128xf32>
    %dot_general3A_131 = arith.constant dense<0.000000e+00> : vector<1024x128xf32>
    %dot_general3A_132 = tpu.matmul %get3A_130, %get3A_1, %dot_general3A_131 {dimension_numbers = #tpu.dot_dimension_numbers<[1], [0], [0], [1], [0, 0, 1, 1], [], []>, precision = #tpu.contract_precision<fp32>, transpose_lhs_hint = false} : vector<1024x128xf32>, vector<128x128xf32>, vector<1024x128xf32> -> vector<1024x128xf32>
    %get3A_133 = arith.constant 0 : index
    %get3A_134 = arith.constant 0 : index
    %get3A_135 = arith.constant 256 : index
    %get3A_136 = vector.load %arg0[%get3A_133, %get3A_134, %get3A_135] : memref<8x1x512xf32, #tpu.memory_space<vmem>>, vector<8x1x128xf32>
    %get3A_137 = vector.shape_cast %get3A_136 : vector<8x1x128xf32> to vector<8x128xf32>
    %dot_general3A_138 = arith.constant dense<0.000000e+00> : vector<8x128xf32>
    %dot_general3A_139 = tpu.matmul %get3A_137, %get3A_1, %dot_general3A_138 {dimension_numbers = #tpu.dot_dimension_numbers<[1], [0], [0], [1], [0, 0, 1, 1], [], []>, precision = #tpu.contract_precision<fp32>, transpose_lhs_hint = false} : vector<8x128xf32>, vector<128x128xf32>, vector<8x128xf32> -> vector<8x128xf32>
    %dot_general3A_140 = arith.constant dense<0.000000e+00> : vector<8x128xf32>
    %dot_general3A_141 = tpu.matmul %get3A_137, %get3A_4, %dot_general3A_140 {dimension_numbers = #tpu.dot_dimension_numbers<[1], [0], [0], [1], [0, 0, 1, 1], [], []>, precision = #tpu.contract_precision<fp32>, transpose_lhs_hint = false} : vector<8x128xf32>, vector<128x128xf32>, vector<8x128xf32> -> vector<8x128xf32>
    %mul3A_142 = arith.mulf %dot_general3A_132, %dot_general3A_132 : vector<1024x128xf32>
    %add3A_143 = arith.addf %add3A_113, %mul3A_142 : vector<1024x128xf32>
    %broadcast_in_dim3A_144 = vector.shape_cast %dot_general3A_139 : vector<8x128xf32> to vector<8x1x128xf32>
    %broadcast_in_dim3A_145 = vector.shape_cast %broadcast_in_dim3A_144 : vector<8x1x128xf32> to vector<8x1x128xf32>
    %broadcast_in_dim3A_146 = vector.broadcast %broadcast_in_dim3A_145 : vector<8x1x128xf32> to vector<8x128x128xf32>
    %reshape3A_147 = vector.shape_cast %broadcast_in_dim3A_146 : vector<8x128x128xf32> to vector<1024x128xf32>
    %mul3A_148 = arith.mulf %reshape3A_147, %dot_general3A_132 : vector<1024x128xf32>
    %add3A_149 = arith.addf %add3A_119, %mul3A_148 : vector<1024x128xf32>
    %broadcast_in_dim3A_150 = vector.shape_cast %dot_general3A_141 : vector<8x128xf32> to vector<8x1x128xf32>
    %broadcast_in_dim3A_151 = vector.shape_cast %broadcast_in_dim3A_150 : vector<8x1x128xf32> to vector<8x1x128xf32>
    %broadcast_in_dim3A_152 = vector.broadcast %broadcast_in_dim3A_151 : vector<8x1x128xf32> to vector<8x128x128xf32>
    %reshape3A_153 = vector.shape_cast %broadcast_in_dim3A_152 : vector<8x128x128xf32> to vector<1024x128xf32>
    %mul3A_154 = arith.mulf %reshape3A_153, %dot_general3A_132 : vector<1024x128xf32>
    %add3A_155 = arith.addf %add3A_125, %mul3A_154 : vector<1024x128xf32>
    %mul3A_156 = arith.mulf %dot_general3A_139, %dot_general3A_139 : vector<8x128xf32>
    %add3A_157 = arith.addf %add3A_127, %mul3A_156 : vector<8x128xf32>
    %get3A_158 = arith.constant 0 : index
    %get3A_159 = arith.constant 320 : index
    %get3A_160 = vector.load %arg1[%get3A_158, %get3A_159] : memref<1024x512xf32, #tpu.memory_space<vmem>>, vector<1024x128xf32>
    %dot_general3A_161 = arith.constant dense<0.000000e+00> : vector<1024x128xf32>
    %dot_general3A_162 = tpu.matmul %get3A_160, %get3A_1, %dot_general3A_161 {dimension_numbers = #tpu.dot_dimension_numbers<[1], [0], [0], [1], [0, 0, 1, 1], [], []>, precision = #tpu.contract_precision<fp32>, transpose_lhs_hint = false} : vector<1024x128xf32>, vector<128x128xf32>, vector<1024x128xf32> -> vector<1024x128xf32>
    %get3A_163 = arith.constant 0 : index
    %get3A_164 = arith.constant 0 : index
    %get3A_165 = arith.constant 320 : index
    %get3A_166 = vector.load %arg0[%get3A_163, %get3A_164, %get3A_165] : memref<8x1x512xf32, #tpu.memory_space<vmem>>, vector<8x1x128xf32>
    %get3A_167 = vector.shape_cast %get3A_166 : vector<8x1x128xf32> to vector<8x128xf32>
    %dot_general3A_168 = arith.constant dense<0.000000e+00> : vector<8x128xf32>
    %dot_general3A_169 = tpu.matmul %get3A_167, %get3A_1, %dot_general3A_168 {dimension_numbers = #tpu.dot_dimension_numbers<[1], [0], [0], [1], [0, 0, 1, 1], [], []>, precision = #tpu.contract_precision<fp32>, transpose_lhs_hint = false} : vector<8x128xf32>, vector<128x128xf32>, vector<8x128xf32> -> vector<8x128xf32>
    %dot_general3A_170 = arith.constant dense<0.000000e+00> : vector<8x128xf32>
    %dot_general3A_171 = tpu.matmul %get3A_167, %get3A_4, %dot_general3A_170 {dimension_numbers = #tpu.dot_dimension_numbers<[1], [0], [0], [1], [0, 0, 1, 1], [], []>, precision = #tpu.contract_precision<fp32>, transpose_lhs_hint = false} : vector<8x128xf32>, vector<128x128xf32>, vector<8x128xf32> -> vector<8x128xf32>
    %mul3A_172 = arith.mulf %dot_general3A_162, %dot_general3A_162 : vector<1024x128xf32>
    %add3A_173 = arith.addf %add3A_143, %mul3A_172 : vector<1024x128xf32>
    %broadcast_in_dim3A_174 = vector.shape_cast %dot_general3A_169 : vector<8x128xf32> to vector<8x1x128xf32>
    %broadcast_in_dim3A_175 = vector.shape_cast %broadcast_in_dim3A_174 : vector<8x1x128xf32> to vector<8x1x128xf32>
    %broadcast_in_dim3A_176 = vector.broadcast %broadcast_in_dim3A_175 : vector<8x1x128xf32> to vector<8x128x128xf32>
    %reshape3A_177 = vector.shape_cast %broadcast_in_dim3A_176 : vector<8x128x128xf32> to vector<1024x128xf32>
    %mul3A_178 = arith.mulf %reshape3A_177, %dot_general3A_162 : vector<1024x128xf32>
    %add3A_179 = arith.addf %add3A_149, %mul3A_178 : vector<1024x128xf32>
    %broadcast_in_dim3A_180 = vector.shape_cast %dot_general3A_171 : vector<8x128xf32> to vector<8x1x128xf32>
    %broadcast_in_dim3A_181 = vector.shape_cast %broadcast_in_dim3A_180 : vector<8x1x128xf32> to vector<8x1x128xf32>
    %broadcast_in_dim3A_182 = vector.broadcast %broadcast_in_dim3A_181 : vector<8x1x128xf32> to vector<8x128x128xf32>
    %reshape3A_183 = vector.shape_cast %broadcast_in_dim3A_182 : vector<8x128x128xf32> to vector<1024x128xf32>
    %mul3A_184 = arith.mulf %reshape3A_183, %dot_general3A_162 : vector<1024x128xf32>
    %add3A_185 = arith.addf %add3A_155, %mul3A_184 : vector<1024x128xf32>
    %mul3A_186 = arith.mulf %dot_general3A_169, %dot_general3A_169 : vector<8x128xf32>
    %add3A_187 = arith.addf %add3A_157, %mul3A_186 : vector<8x128xf32>
    %get3A_188 = arith.constant 0 : index
    %get3A_189 = arith.constant 384 : index
    %get3A_190 = vector.load %arg1[%get3A_188, %get3A_189] : memref<1024x512xf32, #tpu.memory_space<vmem>>, vector<1024x128xf32>
    %dot_general3A_191 = arith.constant dense<0.000000e+00> : vector<1024x128xf32>
    %dot_general3A_192 = tpu.matmul %get3A_190, %get3A_1, %dot_general3A_191 {dimension_numbers = #tpu.dot_dimension_numbers<[1], [0], [0], [1], [0, 0, 1, 1], [], []>, precision = #tpu.contract_precision<fp32>, transpose_lhs_hint = false} : vector<1024x128xf32>, vector<128x128xf32>, vector<1024x128xf32> -> vector<1024x128xf32>
    %get3A_193 = arith.constant 0 : index
    %get3A_194 = arith.constant 0 : index
    %get3A_195 = arith.constant 384 : index
    %get3A_196 = vector.load %arg0[%get3A_193, %get3A_194, %get3A_195] : memref<8x1x512xf32, #tpu.memory_space<vmem>>, vector<8x1x128xf32>
    %get3A_197 = vector.shape_cast %get3A_196 : vector<8x1x128xf32> to vector<8x128xf32>
    %dot_general3A_198 = arith.constant dense<0.000000e+00> : vector<8x128xf32>
    %dot_general3A_199 = tpu.matmul %get3A_197, %get3A_1, %dot_general3A_198 {dimension_numbers = #tpu.dot_dimension_numbers<[1], [0], [0], [1], [0, 0, 1, 1], [], []>, precision = #tpu.contract_precision<fp32>, transpose_lhs_hint = false} : vector<8x128xf32>, vector<128x128xf32>, vector<8x128xf32> -> vector<8x128xf32>
    %dot_general3A_200 = arith.constant dense<0.000000e+00> : vector<8x128xf32>
    %dot_general3A_201 = tpu.matmul %get3A_197, %get3A_4, %dot_general3A_200 {dimension_numbers = #tpu.dot_dimension_numbers<[1], [0], [0], [1], [0, 0, 1, 1], [], []>, precision = #tpu.contract_precision<fp32>, transpose_lhs_hint = false} : vector<8x128xf32>, vector<128x128xf32>, vector<8x128xf32> -> vector<8x128xf32>
    %mul3A_202 = arith.mulf %dot_general3A_192, %dot_general3A_192 : vector<1024x128xf32>
    %add3A_203 = arith.addf %add3A_173, %mul3A_202 : vector<1024x128xf32>
    %broadcast_in_dim3A_204 = vector.shape_cast %dot_general3A_199 : vector<8x128xf32> to vector<8x1x128xf32>
    %broadcast_in_dim3A_205 = vector.shape_cast %broadcast_in_dim3A_204 : vector<8x1x128xf32> to vector<8x1x128xf32>
    %broadcast_in_dim3A_206 = vector.broadcast %broadcast_in_dim3A_205 : vector<8x1x128xf32> to vector<8x128x128xf32>
    %reshape3A_207 = vector.shape_cast %broadcast_in_dim3A_206 : vector<8x128x128xf32> to vector<1024x128xf32>
    %mul3A_208 = arith.mulf %reshape3A_207, %dot_general3A_192 : vector<1024x128xf32>
    %add3A_209 = arith.addf %add3A_179, %mul3A_208 : vector<1024x128xf32>
    %broadcast_in_dim3A_210 = vector.shape_cast %dot_general3A_201 : vector<8x128xf32> to vector<8x1x128xf32>
    %broadcast_in_dim3A_211 = vector.shape_cast %broadcast_in_dim3A_210 : vector<8x1x128xf32> to vector<8x1x128xf32>
    %broadcast_in_dim3A_212 = vector.broadcast %broadcast_in_dim3A_211 : vector<8x1x128xf32> to vector<8x128x128xf32>
    %reshape3A_213 = vector.shape_cast %broadcast_in_dim3A_212 : vector<8x128x128xf32> to vector<1024x128xf32>
    %mul3A_214 = arith.mulf %reshape3A_213, %dot_general3A_192 : vector<1024x128xf32>
    %add3A_215 = arith.addf %add3A_185, %mul3A_214 : vector<1024x128xf32>
    %mul3A_216 = arith.mulf %dot_general3A_199, %dot_general3A_199 : vector<8x128xf32>
    %add3A_217 = arith.addf %add3A_187, %mul3A_216 : vector<8x128xf32>
    %iota3A = tpu.iota {dimensions = array<i32: 1>} : vector<1x128xi32>
    %ge3A = arith.constant 1 : i32
    %ge3A_218 = vector.broadcast %ge3A : i32 to vector<1x128xi32>
    %ge3A_219 = arith.cmpi sge, %iota3A, %ge3A_218 : vector<1x128xi32>
    %le3A = arith.constant 63 : i32
    %le3A_220 = vector.broadcast %le3A : i32 to vector<1x128xi32>
    %le3A_221 = arith.cmpi sle, %iota3A, %le3A_220 : vector<1x128xi32>
    %and3A = arith.andi %ge3A_219, %le3A_221 : vector<1x128xi1>
    %mul3A_222 = arith.constant 0.142857149 : f32
    %mul3A_223 = vector.broadcast %mul3A_222 : f32 to vector<1024x128xf32>
    %mul3A_224 = arith.mulf %add3A_203, %mul3A_223 : vector<1024x128xf32>
    %slice3A = vector.extract_strided_slice %mul3A_224 {offsets = [0, 64], sizes = [1024, 64], strides = [1, 1]} : vector<1024x128xf32> to vector<1024x64xf32>
    %slice3A_225 = vector.extract_strided_slice %mul3A_224 {offsets = [0, 0], sizes = [1024, 64], strides = [1, 1]} : vector<1024x128xf32> to vector<1024x64xf32>
    %concatenate3A = tpu.concatenate %slice3A, %slice3A_225 in 1 : vector<1024x64xf32>, vector<1024x64xf32> -> vector<1024x128xf32>
    %jit3A = arith.constant 0.000000e+00 : f32
    %broadcast_in_dim3A_226 = vector.shape_cast %and3A : vector<1x128xi1> to vector<1x128xi1>
    %broadcast_in_dim3A_227 = vector.broadcast %broadcast_in_dim3A_226 : vector<1x128xi1> to vector<1024x128xi1>
    %broadcast_in_dim3A_228 = vector.broadcast %jit3A : f32 to vector<1024x128xf32>
    %select_n3A = arith.select %broadcast_in_dim3A_227, %concatenate3A, %broadcast_in_dim3A_228 : vector<1024x128xi1>, vector<1024x128xf32>
    %add3A_229 = arith.addf %mul3A_224, %select_n3A : vector<1024x128xf32>
    %mul3A_230 = arith.constant 0.142857149 : f32
    %mul3A_231 = vector.broadcast %mul3A_230 : f32 to vector<1024x128xf32>
    %mul3A_232 = arith.mulf %add3A_209, %mul3A_231 : vector<1024x128xf32>
    %slice3A_233 = vector.extract_strided_slice %mul3A_232 {offsets = [0, 64], sizes = [1024, 64], strides = [1, 1]} : vector<1024x128xf32> to vector<1024x64xf32>
    %slice3A_234 = vector.extract_strided_slice %mul3A_232 {offsets = [0, 0], sizes = [1024, 64], strides = [1, 1]} : vector<1024x128xf32> to vector<1024x64xf32>
    %concatenate3A_235 = tpu.concatenate %slice3A_233, %slice3A_234 in 1 : vector<1024x64xf32>, vector<1024x64xf32> -> vector<1024x128xf32>
    %jit3A_236 = arith.constant 0.000000e+00 : f32
    %broadcast_in_dim3A_237 = vector.shape_cast %and3A : vector<1x128xi1> to vector<1x128xi1>
    %broadcast_in_dim3A_238 = vector.broadcast %broadcast_in_dim3A_237 : vector<1x128xi1> to vector<1024x128xi1>
    %broadcast_in_dim3A_239 = vector.broadcast %jit3A_236 : f32 to vector<1024x128xf32>
    %select_n3A_240 = arith.select %broadcast_in_dim3A_238, %concatenate3A_235, %broadcast_in_dim3A_239 : vector<1024x128xi1>, vector<1024x128xf32>
    %add3A_241 = arith.addf %mul3A_232, %select_n3A_240 : vector<1024x128xf32>
    %mul3A_242 = arith.constant 0.142857149 : f32
    %mul3A_243 = vector.broadcast %mul3A_242 : f32 to vector<1024x128xf32>
    %mul3A_244 = arith.mulf %add3A_215, %mul3A_243 : vector<1024x128xf32>
    %slice3A_245 = vector.extract_strided_slice %mul3A_244 {offsets = [0, 64], sizes = [1024, 64], strides = [1, 1]} : vector<1024x128xf32> to vector<1024x64xf32>
    %slice3A_246 = vector.extract_strided_slice %mul3A_244 {offsets = [0, 0], sizes = [1024, 64], strides = [1, 1]} : vector<1024x128xf32> to vector<1024x64xf32>
    %concatenate3A_247 = tpu.concatenate %slice3A_245, %slice3A_246 in 1 : vector<1024x64xf32>, vector<1024x64xf32> -> vector<1024x128xf32>
    %jit3A_248 = arith.constant 0.000000e+00 : f32
    %broadcast_in_dim3A_249 = vector.shape_cast %and3A : vector<1x128xi1> to vector<1x128xi1>
    %broadcast_in_dim3A_250 = vector.broadcast %broadcast_in_dim3A_249 : vector<1x128xi1> to vector<1024x128xi1>
    %broadcast_in_dim3A_251 = vector.broadcast %jit3A_248 : f32 to vector<1024x128xf32>
    %select_n3A_252 = arith.select %broadcast_in_dim3A_250, %concatenate3A_247, %broadcast_in_dim3A_251 : vector<1024x128xi1>, vector<1024x128xf32>
    %add3A_253 = arith.addf %mul3A_244, %select_n3A_252 : vector<1024x128xf32>
    %mul3A_254 = arith.constant 0.142857149 : f32
    %mul3A_255 = vector.broadcast %mul3A_254 : f32 to vector<8x128xf32>
    %mul3A_256 = arith.mulf %add3A_217, %mul3A_255 : vector<8x128xf32>
    %slice3A_257 = vector.extract_strided_slice %mul3A_256 {offsets = [0, 64], sizes = [8, 64], strides = [1, 1]} : vector<8x128xf32> to vector<8x64xf32>
    %slice3A_258 = vector.extract_strided_slice %mul3A_256 {offsets = [0, 0], sizes = [8, 64], strides = [1, 1]} : vector<8x128xf32> to vector<8x64xf32>
    %concatenate3A_259 = tpu.concatenate %slice3A_257, %slice3A_258 in 1 : vector<8x64xf32>, vector<8x64xf32> -> vector<8x128xf32>
    %jit3A_260 = arith.constant 0.000000e+00 : f32
    %broadcast_in_dim3A_261 = vector.shape_cast %and3A : vector<1x128xi1> to vector<1x128xi1>
    %broadcast_in_dim3A_262 = vector.broadcast %broadcast_in_dim3A_261 : vector<1x128xi1> to vector<8x128xi1>
    %broadcast_in_dim3A_263 = vector.broadcast %jit3A_260 : f32 to vector<8x128xf32>
    %select_n3A_264 = arith.select %broadcast_in_dim3A_262, %concatenate3A_259, %broadcast_in_dim3A_263 : vector<8x128xi1>, vector<8x128xf32>
    %add3A_265 = arith.addf %mul3A_256, %select_n3A_264 : vector<8x128xf32>
    %broadcast_in_dim3A_266 = vector.shape_cast %add3A_265 : vector<8x128xf32> to vector<8x1x128xf32>
    %broadcast_in_dim3A_267 = vector.shape_cast %broadcast_in_dim3A_266 : vector<8x1x128xf32> to vector<8x1x128xf32>
    %broadcast_in_dim3A_268 = vector.broadcast %broadcast_in_dim3A_267 : vector<8x1x128xf32> to vector<8x128x128xf32>
    %reshape3A_269 = vector.shape_cast %broadcast_in_dim3A_268 : vector<8x128x128xf32> to vector<1024x128xf32>
    %mul3A_270 = arith.mulf %add3A_241, %add3A_241 : vector<1024x128xf32>
    %mul3A_271 = arith.mulf %add3A_253, %add3A_253 : vector<1024x128xf32>
    %add3A_272 = arith.addf %mul3A_270, %mul3A_271 : vector<1024x128xf32>
    %mul3A_273 = arith.mulf %reshape3A_269, %add3A_229 : vector<1024x128xf32>
    %add3A_274 = arith.constant 9.99999996E-13 : f32
    %add3A_275 = vector.broadcast %add3A_274 : f32 to vector<1024x128xf32>
    %add3A_276 = arith.addf %mul3A_273, %add3A_275 : vector<1024x128xf32>
    %div3A = arith.divf %add3A_272, %add3A_276 : vector<1024x128xf32>
    %le3A_277 = arith.constant 64 : i32
    %le3A_278 = vector.broadcast %le3A_277 : i32 to vector<1x128xi32>
    %le3A_279 = arith.cmpi sle, %iota3A, %le3A_278 : vector<1x128xi32>
    %jit3A_280 = arith.constant 0.000000e+00 : f32
    %broadcast_in_dim3A_281 = vector.shape_cast %le3A_279 : vector<1x128xi1> to vector<1x128xi1>
    %broadcast_in_dim3A_282 = vector.broadcast %broadcast_in_dim3A_281 : vector<1x128xi1> to vector<1024x128xi1>
    %broadcast_in_dim3A_283 = vector.broadcast %jit3A_280 : f32 to vector<1024x128xf32>
    %select_n3A_284 = arith.select %broadcast_in_dim3A_282, %div3A, %broadcast_in_dim3A_283 : vector<1024x128xi1>, vector<1024x128xf32>
    %reduce_sum3A = arith.constant dense<0.000000e+00> : vector<1024xf32>
    %reduce_sum3A_285 = vector.multi_reduction <add>, %select_n3A_284, %reduce_sum3A [1] : vector<1024x128xf32> to vector<1024xf32>
    %mul3A_286 = arith.constant 0.0153846154 : f32
    %mul3A_287 = vector.broadcast %mul3A_286 : f32 to vector<1024xf32>
    %mul3A_288 = arith.mulf %reduce_sum3A_285, %mul3A_287 : vector<1024xf32>
    %reshape3A_289 = vector.shape_cast %mul3A_288 : vector<1024xf32> to vector<8x128xf32>
    %get3A_290 = arith.constant 0 : index
    %get3A_291 = arith.constant 0 : index
    %get3A_292 = vector.load %arg2[%get3A_290, %get3A_291] : memref<8x128xi32, #tpu.memory_space<vmem>>, vector<8x128xi32>
    %reduce_max3A = arith.constant dense<0xFF800000> : vector<8xf32>
    %reduce_max3A_293 = vector.multi_reduction <maximumf>, %reshape3A_289, %reduce_max3A [1] : vector<8x128xf32> to vector<8xf32>
    %broadcast_in_dim3A_294 = vector.shape_cast %reduce_max3A_293 : vector<8xf32> to vector<8x1xf32>
    %eq3A = vector.broadcast %broadcast_in_dim3A_294 : vector<8x1xf32> to vector<8x128xf32>
    %eq3A_295 = arith.cmpf oeq, %reshape3A_289, %eq3A : vector<8x128xf32>
    %jit3A_296 = arith.constant 1073741824 : i32
    %broadcast_in_dim3A_297 = vector.broadcast %jit3A_296 : i32 to vector<8x128xi32>
    %select_n3A_298 = arith.select %eq3A_295, %get3A_292, %broadcast_in_dim3A_297 : vector<8x128xi1>, vector<8x128xi32>
    %reduce_min3A = arith.constant dense<2147483647> : vector<8xi32>
    %reduce_min3A_299 = vector.multi_reduction <minsi>, %select_n3A_298, %reduce_min3A [1] : vector<8x128xi32> to vector<8xi32>
    %broadcast_in_dim3A_300 = vector.shape_cast %reduce_min3A_299 : vector<8xi32> to vector<8x1xi32>
    %eq3A_301 = vector.broadcast %broadcast_in_dim3A_300 : vector<8x1xi32> to vector<8x128xi32>
    %eq3A_302 = arith.cmpi eq, %get3A_292, %eq3A_301 : vector<8x128xi32>
    %jit3A_303 = arith.constant -1.000000e+00 : f32
    %broadcast_in_dim3A_304 = vector.broadcast %jit3A_303 : f32 to vector<8x128xf32>
    %select_n3A_305 = arith.select %eq3A_302, %broadcast_in_dim3A_304, %reshape3A_289 : vector<8x128xi1>, vector<8x128xf32>
    %reduce_max3A_306 = arith.constant dense<0xFF800000> : vector<8xf32>
    %reduce_max3A_307 = vector.multi_reduction <maximumf>, %select_n3A_305, %reduce_max3A_306 [1] : vector<8x128xf32> to vector<8xf32>
    %broadcast_in_dim3A_308 = vector.shape_cast %reduce_max3A_307 : vector<8xf32> to vector<8x1xf32>
    %eq3A_309 = vector.broadcast %broadcast_in_dim3A_308 : vector<8x1xf32> to vector<8x128xf32>
    %eq3A_310 = arith.cmpf oeq, %select_n3A_305, %eq3A_309 : vector<8x128xf32>
    %jit3A_311 = arith.constant 1073741824 : i32
    %broadcast_in_dim3A_312 = vector.broadcast %jit3A_311 : i32 to vector<8x128xi32>
    %select_n3A_313 = arith.select %eq3A_310, %get3A_292, %broadcast_in_dim3A_312 : vector<8x128xi1>, vector<8x128xi32>
    %reduce_min3A_314 = arith.constant dense<2147483647> : vector<8xi32>
    %reduce_min3A_315 = vector.multi_reduction <minsi>, %select_n3A_313, %reduce_min3A_314 [1] : vector<8x128xi32> to vector<8xi32>
    %broadcast_in_dim3A_316 = vector.shape_cast %reduce_min3A_315 : vector<8xi32> to vector<8x1xi32>
    %eq3A_317 = vector.broadcast %broadcast_in_dim3A_316 : vector<8x1xi32> to vector<8x128xi32>
    %eq3A_318 = arith.cmpi eq, %get3A_292, %eq3A_317 : vector<8x128xi32>
    %jit3A_319 = arith.constant -1.000000e+00 : f32
    %broadcast_in_dim3A_320 = vector.broadcast %jit3A_319 : f32 to vector<8x128xf32>
    %select_n3A_321 = arith.select %eq3A_318, %broadcast_in_dim3A_320, %select_n3A_305 : vector<8x128xi1>, vector<8x128xf32>
    %reduce_max3A_322 = arith.constant dense<0xFF800000> : vector<8xf32>
    %reduce_max3A_323 = vector.multi_reduction <maximumf>, %select_n3A_321, %reduce_max3A_322 [1] : vector<8x128xf32> to vector<8xf32>
    %broadcast_in_dim3A_324 = vector.shape_cast %reduce_max3A_323 : vector<8xf32> to vector<8x1xf32>
    %eq3A_325 = vector.broadcast %broadcast_in_dim3A_324 : vector<8x1xf32> to vector<8x128xf32>
    %eq3A_326 = arith.cmpf oeq, %select_n3A_321, %eq3A_325 : vector<8x128xf32>
    %jit3A_327 = arith.constant 1073741824 : i32
    %broadcast_in_dim3A_328 = vector.broadcast %jit3A_327 : i32 to vector<8x128xi32>
    %select_n3A_329 = arith.select %eq3A_326, %get3A_292, %broadcast_in_dim3A_328 : vector<8x128xi1>, vector<8x128xi32>
    %reduce_min3A_330 = arith.constant dense<2147483647> : vector<8xi32>
    %reduce_min3A_331 = vector.multi_reduction <minsi>, %select_n3A_329, %reduce_min3A_330 [1] : vector<8x128xi32> to vector<8xi32>
    %broadcast_in_dim3A_332 = vector.shape_cast %reduce_min3A_331 : vector<8xi32> to vector<8x1xi32>
    %eq3A_333 = vector.broadcast %broadcast_in_dim3A_332 : vector<8x1xi32> to vector<8x128xi32>
    %eq3A_334 = arith.cmpi eq, %get3A_292, %eq3A_333 : vector<8x128xi32>
    %jit3A_335 = arith.constant -1.000000e+00 : f32
    %broadcast_in_dim3A_336 = vector.broadcast %jit3A_335 : f32 to vector<8x128xf32>
    %select_n3A_337 = arith.select %eq3A_334, %broadcast_in_dim3A_336, %select_n3A_321 : vector<8x128xi1>, vector<8x128xf32>
    %reduce_max3A_338 = arith.constant dense<0xFF800000> : vector<8xf32>
    %reduce_max3A_339 = vector.multi_reduction <maximumf>, %select_n3A_337, %reduce_max3A_338 [1] : vector<8x128xf32> to vector<8xf32>
    %broadcast_in_dim3A_340 = vector.shape_cast %reduce_max3A_339 : vector<8xf32> to vector<8x1xf32>
    %eq3A_341 = vector.broadcast %broadcast_in_dim3A_340 : vector<8x1xf32> to vector<8x128xf32>
    %eq3A_342 = arith.cmpf oeq, %select_n3A_337, %eq3A_341 : vector<8x128xf32>
    %jit3A_343 = arith.constant 1073741824 : i32
    %broadcast_in_dim3A_344 = vector.broadcast %jit3A_343 : i32 to vector<8x128xi32>
    %select_n3A_345 = arith.select %eq3A_342, %get3A_292, %broadcast_in_dim3A_344 : vector<8x128xi1>, vector<8x128xi32>
    %reduce_min3A_346 = arith.constant dense<2147483647> : vector<8xi32>
    %reduce_min3A_347 = vector.multi_reduction <minsi>, %select_n3A_345, %reduce_min3A_346 [1] : vector<8x128xi32> to vector<8xi32>
    %broadcast_in_dim3A_348 = vector.shape_cast %reduce_min3A_347 : vector<8xi32> to vector<8x1xi32>
    %eq3A_349 = vector.broadcast %broadcast_in_dim3A_348 : vector<8x1xi32> to vector<8x128xi32>
    %eq3A_350 = arith.cmpi eq, %get3A_292, %eq3A_349 : vector<8x128xi32>
    %jit3A_351 = arith.constant -1.000000e+00 : f32
    %broadcast_in_dim3A_352 = vector.broadcast %jit3A_351 : f32 to vector<8x128xf32>
    %select_n3A_353 = arith.select %eq3A_350, %broadcast_in_dim3A_352, %select_n3A_337 : vector<8x128xi1>, vector<8x128xf32>
    %reduce_max3A_354 = arith.constant dense<0xFF800000> : vector<8xf32>
    %reduce_max3A_355 = vector.multi_reduction <maximumf>, %select_n3A_353, %reduce_max3A_354 [1] : vector<8x128xf32> to vector<8xf32>
    %broadcast_in_dim3A_356 = vector.shape_cast %reduce_max3A_355 : vector<8xf32> to vector<8x1xf32>
    %eq3A_357 = vector.broadcast %broadcast_in_dim3A_356 : vector<8x1xf32> to vector<8x128xf32>
    %eq3A_358 = arith.cmpf oeq, %select_n3A_353, %eq3A_357 : vector<8x128xf32>
    %jit3A_359 = arith.constant 1073741824 : i32
    %broadcast_in_dim3A_360 = vector.broadcast %jit3A_359 : i32 to vector<8x128xi32>
    %select_n3A_361 = arith.select %eq3A_358, %get3A_292, %broadcast_in_dim3A_360 : vector<8x128xi1>, vector<8x128xi32>
    %reduce_min3A_362 = arith.constant dense<2147483647> : vector<8xi32>
    %reduce_min3A_363 = vector.multi_reduction <minsi>, %select_n3A_361, %reduce_min3A_362 [1] : vector<8x128xi32> to vector<8xi32>
    %broadcast_in_dim3A_364 = vector.shape_cast %reduce_min3A_363 : vector<8xi32> to vector<8x1xi32>
    %eq3A_365 = vector.broadcast %broadcast_in_dim3A_364 : vector<8x1xi32> to vector<8x128xi32>
    %eq3A_366 = arith.cmpi eq, %get3A_292, %eq3A_365 : vector<8x128xi32>
    %jit3A_367 = arith.constant -1.000000e+00 : f32
    %broadcast_in_dim3A_368 = vector.broadcast %jit3A_367 : f32 to vector<8x128xf32>
    %select_n3A_369 = arith.select %eq3A_366, %broadcast_in_dim3A_368, %select_n3A_353 : vector<8x128xi1>, vector<8x128xf32>
    %reduce_max3A_370 = arith.constant dense<0xFF800000> : vector<8xf32>
    %reduce_max3A_371 = vector.multi_reduction <maximumf>, %select_n3A_369, %reduce_max3A_370 [1] : vector<8x128xf32> to vector<8xf32>
    %broadcast_in_dim3A_372 = vector.shape_cast %reduce_max3A_371 : vector<8xf32> to vector<8x1xf32>
    %eq3A_373 = vector.broadcast %broadcast_in_dim3A_372 : vector<8x1xf32> to vector<8x128xf32>
    %eq3A_374 = arith.cmpf oeq, %select_n3A_369, %eq3A_373 : vector<8x128xf32>
    %jit3A_375 = arith.constant 1073741824 : i32
    %broadcast_in_dim3A_376 = vector.broadcast %jit3A_375 : i32 to vector<8x128xi32>
    %select_n3A_377 = arith.select %eq3A_374, %get3A_292, %broadcast_in_dim3A_376 : vector<8x128xi1>, vector<8x128xi32>
    %reduce_min3A_378 = arith.constant dense<2147483647> : vector<8xi32>
    %reduce_min3A_379 = vector.multi_reduction <minsi>, %select_n3A_377, %reduce_min3A_378 [1] : vector<8x128xi32> to vector<8xi32>
    %broadcast_in_dim3A_380 = vector.shape_cast %reduce_min3A_379 : vector<8xi32> to vector<8x1xi32>
    %eq3A_381 = vector.broadcast %broadcast_in_dim3A_380 : vector<8x1xi32> to vector<8x128xi32>
    %eq3A_382 = arith.cmpi eq, %get3A_292, %eq3A_381 : vector<8x128xi32>
    %jit3A_383 = arith.constant -1.000000e+00 : f32
    %broadcast_in_dim3A_384 = vector.broadcast %jit3A_383 : f32 to vector<8x128xf32>
    %select_n3A_385 = arith.select %eq3A_382, %broadcast_in_dim3A_384, %select_n3A_369 : vector<8x128xi1>, vector<8x128xf32>
    %reduce_max3A_386 = arith.constant dense<0xFF800000> : vector<8xf32>
    %reduce_max3A_387 = vector.multi_reduction <maximumf>, %select_n3A_385, %reduce_max3A_386 [1] : vector<8x128xf32> to vector<8xf32>
    %broadcast_in_dim3A_388 = vector.shape_cast %reduce_max3A_387 : vector<8xf32> to vector<8x1xf32>
    %eq3A_389 = vector.broadcast %broadcast_in_dim3A_388 : vector<8x1xf32> to vector<8x128xf32>
    %eq3A_390 = arith.cmpf oeq, %select_n3A_385, %eq3A_389 : vector<8x128xf32>
    %jit3A_391 = arith.constant 1073741824 : i32
    %broadcast_in_dim3A_392 = vector.broadcast %jit3A_391 : i32 to vector<8x128xi32>
    %select_n3A_393 = arith.select %eq3A_390, %get3A_292, %broadcast_in_dim3A_392 : vector<8x128xi1>, vector<8x128xi32>
    %reduce_min3A_394 = arith.constant dense<2147483647> : vector<8xi32>
    %reduce_min3A_395 = vector.multi_reduction <minsi>, %select_n3A_393, %reduce_min3A_394 [1] : vector<8x128xi32> to vector<8xi32>
    %broadcast_in_dim3A_396 = vector.shape_cast %reduce_min3A_395 : vector<8xi32> to vector<8x1xi32>
    %eq3A_397 = vector.broadcast %broadcast_in_dim3A_396 : vector<8x1xi32> to vector<8x128xi32>
    %eq3A_398 = arith.cmpi eq, %get3A_292, %eq3A_397 : vector<8x128xi32>
    %jit3A_399 = arith.constant -1.000000e+00 : f32
    %broadcast_in_dim3A_400 = vector.broadcast %jit3A_399 : f32 to vector<8x128xf32>
    %select_n3A_401 = arith.select %eq3A_398, %broadcast_in_dim3A_400, %select_n3A_385 : vector<8x128xi1>, vector<8x128xf32>
    %reduce_max3A_402 = arith.constant dense<0xFF800000> : vector<8xf32>
    %reduce_max3A_403 = vector.multi_reduction <maximumf>, %select_n3A_401, %reduce_max3A_402 [1] : vector<8x128xf32> to vector<8xf32>
    %broadcast_in_dim3A_404 = vector.shape_cast %reduce_max3A_403 : vector<8xf32> to vector<8x1xf32>
    %eq3A_405 = vector.broadcast %broadcast_in_dim3A_404 : vector<8x1xf32> to vector<8x128xf32>
    %eq3A_406 = arith.cmpf oeq, %select_n3A_401, %eq3A_405 : vector<8x128xf32>
    %jit3A_407 = arith.constant 1073741824 : i32
    %broadcast_in_dim3A_408 = vector.broadcast %jit3A_407 : i32 to vector<8x128xi32>
    %select_n3A_409 = arith.select %eq3A_406, %get3A_292, %broadcast_in_dim3A_408 : vector<8x128xi1>, vector<8x128xi32>
    %reduce_min3A_410 = arith.constant dense<2147483647> : vector<8xi32>
    %reduce_min3A_411 = vector.multi_reduction <minsi>, %select_n3A_409, %reduce_min3A_410 [1] : vector<8x128xi32> to vector<8xi32>
    %broadcast_in_dim3A_412 = vector.shape_cast %reduce_min3A_411 : vector<8xi32> to vector<8x1xi32>
    %eq3A_413 = vector.broadcast %broadcast_in_dim3A_412 : vector<8x1xi32> to vector<8x128xi32>
    %eq3A_414 = arith.cmpi eq, %get3A_292, %eq3A_413 : vector<8x128xi32>
    %jit3A_415 = arith.constant -1.000000e+00 : f32
    %broadcast_in_dim3A_416 = vector.broadcast %jit3A_415 : f32 to vector<8x128xf32>
    %select_n3A_417 = arith.select %eq3A_414, %broadcast_in_dim3A_416, %select_n3A_401 : vector<8x128xi1>, vector<8x128xf32>
    %reduce_max3A_418 = arith.constant dense<0xFF800000> : vector<8xf32>
    %reduce_max3A_419 = vector.multi_reduction <maximumf>, %select_n3A_417, %reduce_max3A_418 [1] : vector<8x128xf32> to vector<8xf32>
    %broadcast_in_dim3A_420 = vector.shape_cast %reduce_max3A_419 : vector<8xf32> to vector<8x1xf32>
    %eq3A_421 = vector.broadcast %broadcast_in_dim3A_420 : vector<8x1xf32> to vector<8x128xf32>
    %eq3A_422 = arith.cmpf oeq, %select_n3A_417, %eq3A_421 : vector<8x128xf32>
    %jit3A_423 = arith.constant 1073741824 : i32
    %broadcast_in_dim3A_424 = vector.broadcast %jit3A_423 : i32 to vector<8x128xi32>
    %select_n3A_425 = arith.select %eq3A_422, %get3A_292, %broadcast_in_dim3A_424 : vector<8x128xi1>, vector<8x128xi32>
    %reduce_min3A_426 = arith.constant dense<2147483647> : vector<8xi32>
    %reduce_min3A_427 = vector.multi_reduction <minsi>, %select_n3A_425, %reduce_min3A_426 [1] : vector<8x128xi32> to vector<8xi32>
    %broadcast_in_dim3A_428 = vector.shape_cast %reduce_min3A_427 : vector<8xi32> to vector<8x1xi32>
    %eq3A_429 = vector.broadcast %broadcast_in_dim3A_428 : vector<8x1xi32> to vector<8x128xi32>
    %eq3A_430 = arith.cmpi eq, %get3A_292, %eq3A_429 : vector<8x128xi32>
    %jit3A_431 = arith.constant -1.000000e+00 : f32
    %broadcast_in_dim3A_432 = vector.broadcast %jit3A_431 : f32 to vector<8x128xf32>
    %select_n3A_433 = arith.select %eq3A_430, %broadcast_in_dim3A_432, %select_n3A_417 : vector<8x128xi1>, vector<8x128xf32>
    %reduce_max3A_434 = arith.constant dense<0xFF800000> : vector<8xf32>
    %reduce_max3A_435 = vector.multi_reduction <maximumf>, %select_n3A_433, %reduce_max3A_434 [1] : vector<8x128xf32> to vector<8xf32>
    %broadcast_in_dim3A_436 = vector.shape_cast %reduce_max3A_435 : vector<8xf32> to vector<8x1xf32>
    %eq3A_437 = vector.broadcast %broadcast_in_dim3A_436 : vector<8x1xf32> to vector<8x128xf32>
    %eq3A_438 = arith.cmpf oeq, %select_n3A_433, %eq3A_437 : vector<8x128xf32>
    %jit3A_439 = arith.constant 1073741824 : i32
    %broadcast_in_dim3A_440 = vector.broadcast %jit3A_439 : i32 to vector<8x128xi32>
    %select_n3A_441 = arith.select %eq3A_438, %get3A_292, %broadcast_in_dim3A_440 : vector<8x128xi1>, vector<8x128xi32>
    %reduce_min3A_442 = arith.constant dense<2147483647> : vector<8xi32>
    %reduce_min3A_443 = vector.multi_reduction <minsi>, %select_n3A_441, %reduce_min3A_442 [1] : vector<8x128xi32> to vector<8xi32>
    %broadcast_in_dim3A_444 = vector.shape_cast %reduce_min3A_443 : vector<8xi32> to vector<8x1xi32>
    %eq3A_445 = vector.broadcast %broadcast_in_dim3A_444 : vector<8x1xi32> to vector<8x128xi32>
    %eq3A_446 = arith.cmpi eq, %get3A_292, %eq3A_445 : vector<8x128xi32>
    %jit3A_447 = arith.constant -1.000000e+00 : f32
    %broadcast_in_dim3A_448 = vector.broadcast %jit3A_447 : f32 to vector<8x128xf32>
    %select_n3A_449 = arith.select %eq3A_446, %broadcast_in_dim3A_448, %select_n3A_433 : vector<8x128xi1>, vector<8x128xf32>
    %reduce_max3A_450 = arith.constant dense<0xFF800000> : vector<8xf32>
    %reduce_max3A_451 = vector.multi_reduction <maximumf>, %select_n3A_449, %reduce_max3A_450 [1] : vector<8x128xf32> to vector<8xf32>
    %broadcast_in_dim3A_452 = vector.shape_cast %reduce_max3A_451 : vector<8xf32> to vector<8x1xf32>
    %eq3A_453 = vector.broadcast %broadcast_in_dim3A_452 : vector<8x1xf32> to vector<8x128xf32>
    %eq3A_454 = arith.cmpf oeq, %select_n3A_449, %eq3A_453 : vector<8x128xf32>
    %jit3A_455 = arith.constant 1073741824 : i32
    %broadcast_in_dim3A_456 = vector.broadcast %jit3A_455 : i32 to vector<8x128xi32>
    %select_n3A_457 = arith.select %eq3A_454, %get3A_292, %broadcast_in_dim3A_456 : vector<8x128xi1>, vector<8x128xi32>
    %reduce_min3A_458 = arith.constant dense<2147483647> : vector<8xi32>
    %reduce_min3A_459 = vector.multi_reduction <minsi>, %select_n3A_457, %reduce_min3A_458 [1] : vector<8x128xi32> to vector<8xi32>
    %broadcast_in_dim3A_460 = vector.shape_cast %reduce_min3A_459 : vector<8xi32> to vector<8x1xi32>
    %eq3A_461 = vector.broadcast %broadcast_in_dim3A_460 : vector<8x1xi32> to vector<8x128xi32>
    %eq3A_462 = arith.cmpi eq, %get3A_292, %eq3A_461 : vector<8x128xi32>
    %jit3A_463 = arith.constant -1.000000e+00 : f32
    %broadcast_in_dim3A_464 = vector.broadcast %jit3A_463 : f32 to vector<8x128xf32>
    %select_n3A_465 = arith.select %eq3A_462, %broadcast_in_dim3A_464, %select_n3A_449 : vector<8x128xi1>, vector<8x128xf32>
    %reduce_max3A_466 = arith.constant dense<0xFF800000> : vector<8xf32>
    %reduce_max3A_467 = vector.multi_reduction <maximumf>, %select_n3A_465, %reduce_max3A_466 [1] : vector<8x128xf32> to vector<8xf32>
    %broadcast_in_dim3A_468 = vector.shape_cast %reduce_max3A_467 : vector<8xf32> to vector<8x1xf32>
    %eq3A_469 = vector.broadcast %broadcast_in_dim3A_468 : vector<8x1xf32> to vector<8x128xf32>
    %eq3A_470 = arith.cmpf oeq, %select_n3A_465, %eq3A_469 : vector<8x128xf32>
    %jit3A_471 = arith.constant 1073741824 : i32
    %broadcast_in_dim3A_472 = vector.broadcast %jit3A_471 : i32 to vector<8x128xi32>
    %select_n3A_473 = arith.select %eq3A_470, %get3A_292, %broadcast_in_dim3A_472 : vector<8x128xi1>, vector<8x128xi32>
    %reduce_min3A_474 = arith.constant dense<2147483647> : vector<8xi32>
    %reduce_min3A_475 = vector.multi_reduction <minsi>, %select_n3A_473, %reduce_min3A_474 [1] : vector<8x128xi32> to vector<8xi32>
    %broadcast_in_dim3A_476 = vector.shape_cast %reduce_min3A_475 : vector<8xi32> to vector<8x1xi32>
    %eq3A_477 = vector.broadcast %broadcast_in_dim3A_476 : vector<8x1xi32> to vector<8x128xi32>
    %eq3A_478 = arith.cmpi eq, %get3A_292, %eq3A_477 : vector<8x128xi32>
    %jit3A_479 = arith.constant -1.000000e+00 : f32
    %broadcast_in_dim3A_480 = vector.broadcast %jit3A_479 : f32 to vector<8x128xf32>
    %select_n3A_481 = arith.select %eq3A_478, %broadcast_in_dim3A_480, %select_n3A_465 : vector<8x128xi1>, vector<8x128xf32>
    %reduce_max3A_482 = arith.constant dense<0xFF800000> : vector<8xf32>
    %reduce_max3A_483 = vector.multi_reduction <maximumf>, %select_n3A_481, %reduce_max3A_482 [1] : vector<8x128xf32> to vector<8xf32>
    %broadcast_in_dim3A_484 = vector.shape_cast %reduce_max3A_483 : vector<8xf32> to vector<8x1xf32>
    %eq3A_485 = vector.broadcast %broadcast_in_dim3A_484 : vector<8x1xf32> to vector<8x128xf32>
    %eq3A_486 = arith.cmpf oeq, %select_n3A_481, %eq3A_485 : vector<8x128xf32>
    %jit3A_487 = arith.constant 1073741824 : i32
    %broadcast_in_dim3A_488 = vector.broadcast %jit3A_487 : i32 to vector<8x128xi32>
    %select_n3A_489 = arith.select %eq3A_486, %get3A_292, %broadcast_in_dim3A_488 : vector<8x128xi1>, vector<8x128xi32>
    %reduce_min3A_490 = arith.constant dense<2147483647> : vector<8xi32>
    %reduce_min3A_491 = vector.multi_reduction <minsi>, %select_n3A_489, %reduce_min3A_490 [1] : vector<8x128xi32> to vector<8xi32>
    %broadcast_in_dim3A_492 = vector.shape_cast %reduce_min3A_491 : vector<8xi32> to vector<8x1xi32>
    %eq3A_493 = vector.broadcast %broadcast_in_dim3A_492 : vector<8x1xi32> to vector<8x128xi32>
    %eq3A_494 = arith.cmpi eq, %get3A_292, %eq3A_493 : vector<8x128xi32>
    %jit3A_495 = arith.constant -1.000000e+00 : f32
    %broadcast_in_dim3A_496 = vector.broadcast %jit3A_495 : f32 to vector<8x128xf32>
    %select_n3A_497 = arith.select %eq3A_494, %broadcast_in_dim3A_496, %select_n3A_481 : vector<8x128xi1>, vector<8x128xf32>
    %reduce_max3A_498 = arith.constant dense<0xFF800000> : vector<8xf32>
    %reduce_max3A_499 = vector.multi_reduction <maximumf>, %select_n3A_497, %reduce_max3A_498 [1] : vector<8x128xf32> to vector<8xf32>
    %broadcast_in_dim3A_500 = vector.shape_cast %reduce_max3A_499 : vector<8xf32> to vector<8x1xf32>
    %eq3A_501 = vector.broadcast %broadcast_in_dim3A_500 : vector<8x1xf32> to vector<8x128xf32>
    %eq3A_502 = arith.cmpf oeq, %select_n3A_497, %eq3A_501 : vector<8x128xf32>
    %jit3A_503 = arith.constant 1073741824 : i32
    %broadcast_in_dim3A_504 = vector.broadcast %jit3A_503 : i32 to vector<8x128xi32>
    %select_n3A_505 = arith.select %eq3A_502, %get3A_292, %broadcast_in_dim3A_504 : vector<8x128xi1>, vector<8x128xi32>
    %reduce_min3A_506 = arith.constant dense<2147483647> : vector<8xi32>
    %reduce_min3A_507 = vector.multi_reduction <minsi>, %select_n3A_505, %reduce_min3A_506 [1] : vector<8x128xi32> to vector<8xi32>
    %broadcast_in_dim3A_508 = vector.shape_cast %reduce_min3A_507 : vector<8xi32> to vector<8x1xi32>
    %eq3A_509 = vector.broadcast %broadcast_in_dim3A_508 : vector<8x1xi32> to vector<8x128xi32>
    %eq3A_510 = arith.cmpi eq, %get3A_292, %eq3A_509 : vector<8x128xi32>
    %jit3A_511 = arith.constant -1.000000e+00 : f32
    %broadcast_in_dim3A_512 = vector.broadcast %jit3A_511 : f32 to vector<8x128xf32>
    %select_n3A_513 = arith.select %eq3A_510, %broadcast_in_dim3A_512, %select_n3A_497 : vector<8x128xi1>, vector<8x128xf32>
    %reduce_max3A_514 = arith.constant dense<0xFF800000> : vector<8xf32>
    %reduce_max3A_515 = vector.multi_reduction <maximumf>, %select_n3A_513, %reduce_max3A_514 [1] : vector<8x128xf32> to vector<8xf32>
    %broadcast_in_dim3A_516 = vector.shape_cast %reduce_max3A_515 : vector<8xf32> to vector<8x1xf32>
    %eq3A_517 = vector.broadcast %broadcast_in_dim3A_516 : vector<8x1xf32> to vector<8x128xf32>
    %eq3A_518 = arith.cmpf oeq, %select_n3A_513, %eq3A_517 : vector<8x128xf32>
    %jit3A_519 = arith.constant 1073741824 : i32
    %broadcast_in_dim3A_520 = vector.broadcast %jit3A_519 : i32 to vector<8x128xi32>
    %select_n3A_521 = arith.select %eq3A_518, %get3A_292, %broadcast_in_dim3A_520 : vector<8x128xi1>, vector<8x128xi32>
    %reduce_min3A_522 = arith.constant dense<2147483647> : vector<8xi32>
    %reduce_min3A_523 = vector.multi_reduction <minsi>, %select_n3A_521, %reduce_min3A_522 [1] : vector<8x128xi32> to vector<8xi32>
    %broadcast_in_dim3A_524 = vector.shape_cast %reduce_min3A_523 : vector<8xi32> to vector<8x1xi32>
    %eq3A_525 = vector.broadcast %broadcast_in_dim3A_524 : vector<8x1xi32> to vector<8x128xi32>
    %eq3A_526 = arith.cmpi eq, %get3A_292, %eq3A_525 : vector<8x128xi32>
    %jit3A_527 = arith.constant -1.000000e+00 : f32
    %broadcast_in_dim3A_528 = vector.broadcast %jit3A_527 : f32 to vector<8x128xf32>
    %select_n3A_529 = arith.select %eq3A_526, %broadcast_in_dim3A_528, %select_n3A_513 : vector<8x128xi1>, vector<8x128xf32>
    %reduce_max3A_530 = arith.constant dense<0xFF800000> : vector<8xf32>
    %reduce_max3A_531 = vector.multi_reduction <maximumf>, %select_n3A_529, %reduce_max3A_530 [1] : vector<8x128xf32> to vector<8xf32>
    %broadcast_in_dim3A_532 = vector.shape_cast %reduce_max3A_531 : vector<8xf32> to vector<8x1xf32>
    %eq3A_533 = vector.broadcast %broadcast_in_dim3A_532 : vector<8x1xf32> to vector<8x128xf32>
    %eq3A_534 = arith.cmpf oeq, %select_n3A_529, %eq3A_533 : vector<8x128xf32>
    %jit3A_535 = arith.constant 1073741824 : i32
    %broadcast_in_dim3A_536 = vector.broadcast %jit3A_535 : i32 to vector<8x128xi32>
    %select_n3A_537 = arith.select %eq3A_534, %get3A_292, %broadcast_in_dim3A_536 : vector<8x128xi1>, vector<8x128xi32>
    %reduce_min3A_538 = arith.constant dense<2147483647> : vector<8xi32>
    %reduce_min3A_539 = vector.multi_reduction <minsi>, %select_n3A_537, %reduce_min3A_538 [1] : vector<8x128xi32> to vector<8xi32>
    %broadcast_in_dim3A_540 = vector.shape_cast %reduce_min3A_539 : vector<8xi32> to vector<8x1xi32>
    %eq3A_541 = vector.broadcast %broadcast_in_dim3A_540 : vector<8x1xi32> to vector<8x128xi32>
    %eq3A_542 = arith.cmpi eq, %get3A_292, %eq3A_541 : vector<8x128xi32>
    %jit3A_543 = arith.constant -1.000000e+00 : f32
    %broadcast_in_dim3A_544 = vector.broadcast %jit3A_543 : f32 to vector<8x128xf32>
    %select_n3A_545 = arith.select %eq3A_542, %broadcast_in_dim3A_544, %select_n3A_529 : vector<8x128xi1>, vector<8x128xf32>
    %reduce_max3A_546 = arith.constant dense<0xFF800000> : vector<8xf32>
    %reduce_max3A_547 = vector.multi_reduction <maximumf>, %select_n3A_545, %reduce_max3A_546 [1] : vector<8x128xf32> to vector<8xf32>
    %broadcast_in_dim3A_548 = vector.shape_cast %reduce_max3A_547 : vector<8xf32> to vector<8x1xf32>
    %eq3A_549 = vector.broadcast %broadcast_in_dim3A_548 : vector<8x1xf32> to vector<8x128xf32>
    %eq3A_550 = arith.cmpf oeq, %select_n3A_545, %eq3A_549 : vector<8x128xf32>
    %jit3A_551 = arith.constant 1073741824 : i32
    %broadcast_in_dim3A_552 = vector.broadcast %jit3A_551 : i32 to vector<8x128xi32>
    %select_n3A_553 = arith.select %eq3A_550, %get3A_292, %broadcast_in_dim3A_552 : vector<8x128xi1>, vector<8x128xi32>
    %reduce_min3A_554 = arith.constant dense<2147483647> : vector<8xi32>
    %reduce_min3A_555 = vector.multi_reduction <minsi>, %select_n3A_553, %reduce_min3A_554 [1] : vector<8x128xi32> to vector<8xi32>
    %broadcast_in_dim3A_556 = vector.shape_cast %reduce_min3A_555 : vector<8xi32> to vector<8x1xi32>
    %eq3A_557 = vector.broadcast %broadcast_in_dim3A_556 : vector<8x1xi32> to vector<8x128xi32>
    %eq3A_558 = arith.cmpi eq, %get3A_292, %eq3A_557 : vector<8x128xi32>
    %jit3A_559 = arith.constant -1.000000e+00 : f32
    %broadcast_in_dim3A_560 = vector.broadcast %jit3A_559 : f32 to vector<8x128xf32>
    %select_n3A_561 = arith.select %eq3A_558, %broadcast_in_dim3A_560, %select_n3A_545 : vector<8x128xi1>, vector<8x128xf32>
    %reduce_max3A_562 = arith.constant dense<0xFF800000> : vector<8xf32>
    %reduce_max3A_563 = vector.multi_reduction <maximumf>, %select_n3A_561, %reduce_max3A_562 [1] : vector<8x128xf32> to vector<8xf32>
    %broadcast_in_dim3A_564 = vector.shape_cast %reduce_max3A_563 : vector<8xf32> to vector<8x1xf32>
    %eq3A_565 = vector.broadcast %broadcast_in_dim3A_564 : vector<8x1xf32> to vector<8x128xf32>
    %eq3A_566 = arith.cmpf oeq, %select_n3A_561, %eq3A_565 : vector<8x128xf32>
    %jit3A_567 = arith.constant 1073741824 : i32
    %broadcast_in_dim3A_568 = vector.broadcast %jit3A_567 : i32 to vector<8x128xi32>
    %select_n3A_569 = arith.select %eq3A_566, %get3A_292, %broadcast_in_dim3A_568 : vector<8x128xi1>, vector<8x128xi32>
    %reduce_min3A_570 = arith.constant dense<2147483647> : vector<8xi32>
    %reduce_min3A_571 = vector.multi_reduction <minsi>, %select_n3A_569, %reduce_min3A_570 [1] : vector<8x128xi32> to vector<8xi32>
    %broadcast_in_dim3A_572 = vector.shape_cast %reduce_min3A_571 : vector<8xi32> to vector<8x1xi32>
    %eq3A_573 = vector.broadcast %broadcast_in_dim3A_572 : vector<8x1xi32> to vector<8x128xi32>
    %eq3A_574 = arith.cmpi eq, %get3A_292, %eq3A_573 : vector<8x128xi32>
    %jit3A_575 = arith.constant -1.000000e+00 : f32
    %broadcast_in_dim3A_576 = vector.broadcast %jit3A_575 : f32 to vector<8x128xf32>
    %select_n3A_577 = arith.select %eq3A_574, %broadcast_in_dim3A_576, %select_n3A_561 : vector<8x128xi1>, vector<8x128xf32>
    %reduce_max3A_578 = arith.constant dense<0xFF800000> : vector<8xf32>
    %reduce_max3A_579 = vector.multi_reduction <maximumf>, %select_n3A_577, %reduce_max3A_578 [1] : vector<8x128xf32> to vector<8xf32>
    %broadcast_in_dim3A_580 = vector.shape_cast %reduce_max3A_579 : vector<8xf32> to vector<8x1xf32>
    %eq3A_581 = vector.broadcast %broadcast_in_dim3A_580 : vector<8x1xf32> to vector<8x128xf32>
    %eq3A_582 = arith.cmpf oeq, %select_n3A_577, %eq3A_581 : vector<8x128xf32>
    %jit3A_583 = arith.constant 1073741824 : i32
    %broadcast_in_dim3A_584 = vector.broadcast %jit3A_583 : i32 to vector<8x128xi32>
    %select_n3A_585 = arith.select %eq3A_582, %get3A_292, %broadcast_in_dim3A_584 : vector<8x128xi1>, vector<8x128xi32>
    %reduce_min3A_586 = arith.constant dense<2147483647> : vector<8xi32>
    %reduce_min3A_587 = vector.multi_reduction <minsi>, %select_n3A_585, %reduce_min3A_586 [1] : vector<8x128xi32> to vector<8xi32>
    %broadcast_in_dim3A_588 = vector.shape_cast %reduce_min3A_587 : vector<8xi32> to vector<8x1xi32>
    %eq3A_589 = vector.broadcast %broadcast_in_dim3A_588 : vector<8x1xi32> to vector<8x128xi32>
    %eq3A_590 = arith.cmpi eq, %get3A_292, %eq3A_589 : vector<8x128xi32>
    %jit3A_591 = arith.constant -1.000000e+00 : f32
    %broadcast_in_dim3A_592 = vector.broadcast %jit3A_591 : f32 to vector<8x128xf32>
    %select_n3A_593 = arith.select %eq3A_590, %broadcast_in_dim3A_592, %select_n3A_577 : vector<8x128xi1>, vector<8x128xf32>
    %reduce_max3A_594 = arith.constant dense<0xFF800000> : vector<8xf32>
    %reduce_max3A_595 = vector.multi_reduction <maximumf>, %select_n3A_593, %reduce_max3A_594 [1] : vector<8x128xf32> to vector<8xf32>
    %broadcast_in_dim3A_596 = vector.shape_cast %reduce_max3A_595 : vector<8xf32> to vector<8x1xf32>
    %eq3A_597 = vector.broadcast %broadcast_in_dim3A_596 : vector<8x1xf32> to vector<8x128xf32>
    %eq3A_598 = arith.cmpf oeq, %select_n3A_593, %eq3A_597 : vector<8x128xf32>
    %jit3A_599 = arith.constant 1073741824 : i32
    %broadcast_in_dim3A_600 = vector.broadcast %jit3A_599 : i32 to vector<8x128xi32>
    %select_n3A_601 = arith.select %eq3A_598, %get3A_292, %broadcast_in_dim3A_600 : vector<8x128xi1>, vector<8x128xi32>
    %reduce_min3A_602 = arith.constant dense<2147483647> : vector<8xi32>
    %reduce_min3A_603 = vector.multi_reduction <minsi>, %select_n3A_601, %reduce_min3A_602 [1] : vector<8x128xi32> to vector<8xi32>
    %broadcast_in_dim3A_604 = vector.shape_cast %reduce_min3A_603 : vector<8xi32> to vector<8x1xi32>
    %eq3A_605 = vector.broadcast %broadcast_in_dim3A_604 : vector<8x1xi32> to vector<8x128xi32>
    %eq3A_606 = arith.cmpi eq, %get3A_292, %eq3A_605 : vector<8x128xi32>
    %jit3A_607 = arith.constant -1.000000e+00 : f32
    %broadcast_in_dim3A_608 = vector.broadcast %jit3A_607 : f32 to vector<8x128xf32>
    %select_n3A_609 = arith.select %eq3A_606, %broadcast_in_dim3A_608, %select_n3A_593 : vector<8x128xi1>, vector<8x128xf32>
    %reduce_max3A_610 = arith.constant dense<0xFF800000> : vector<8xf32>
    %reduce_max3A_611 = vector.multi_reduction <maximumf>, %select_n3A_609, %reduce_max3A_610 [1] : vector<8x128xf32> to vector<8xf32>
    %broadcast_in_dim3A_612 = vector.shape_cast %reduce_max3A_611 : vector<8xf32> to vector<8x1xf32>
    %eq3A_613 = vector.broadcast %broadcast_in_dim3A_612 : vector<8x1xf32> to vector<8x128xf32>
    %eq3A_614 = arith.cmpf oeq, %select_n3A_609, %eq3A_613 : vector<8x128xf32>
    %jit3A_615 = arith.constant 1073741824 : i32
    %broadcast_in_dim3A_616 = vector.broadcast %jit3A_615 : i32 to vector<8x128xi32>
    %select_n3A_617 = arith.select %eq3A_614, %get3A_292, %broadcast_in_dim3A_616 : vector<8x128xi1>, vector<8x128xi32>
    %reduce_min3A_618 = arith.constant dense<2147483647> : vector<8xi32>
    %reduce_min3A_619 = vector.multi_reduction <minsi>, %select_n3A_617, %reduce_min3A_618 [1] : vector<8x128xi32> to vector<8xi32>
    %broadcast_in_dim3A_620 = vector.shape_cast %reduce_min3A_619 : vector<8xi32> to vector<8x1xi32>
    %eq3A_621 = vector.broadcast %broadcast_in_dim3A_620 : vector<8x1xi32> to vector<8x128xi32>
    %eq3A_622 = arith.cmpi eq, %get3A_292, %eq3A_621 : vector<8x128xi32>
    %jit3A_623 = arith.constant -1.000000e+00 : f32
    %broadcast_in_dim3A_624 = vector.broadcast %jit3A_623 : f32 to vector<8x128xf32>
    %select_n3A_625 = arith.select %eq3A_622, %broadcast_in_dim3A_624, %select_n3A_609 : vector<8x128xi1>, vector<8x128xf32>
    %reduce_max3A_626 = arith.constant dense<0xFF800000> : vector<8xf32>
    %reduce_max3A_627 = vector.multi_reduction <maximumf>, %select_n3A_625, %reduce_max3A_626 [1] : vector<8x128xf32> to vector<8xf32>
    %broadcast_in_dim3A_628 = vector.shape_cast %reduce_max3A_627 : vector<8xf32> to vector<8x1xf32>
    %eq3A_629 = vector.broadcast %broadcast_in_dim3A_628 : vector<8x1xf32> to vector<8x128xf32>
    %eq3A_630 = arith.cmpf oeq, %select_n3A_625, %eq3A_629 : vector<8x128xf32>
    %jit3A_631 = arith.constant 1073741824 : i32
    %broadcast_in_dim3A_632 = vector.broadcast %jit3A_631 : i32 to vector<8x128xi32>
    %select_n3A_633 = arith.select %eq3A_630, %get3A_292, %broadcast_in_dim3A_632 : vector<8x128xi1>, vector<8x128xi32>
    %reduce_min3A_634 = arith.constant dense<2147483647> : vector<8xi32>
    %reduce_min3A_635 = vector.multi_reduction <minsi>, %select_n3A_633, %reduce_min3A_634 [1] : vector<8x128xi32> to vector<8xi32>
    %broadcast_in_dim3A_636 = vector.shape_cast %reduce_min3A_635 : vector<8xi32> to vector<8x1xi32>
    %eq3A_637 = vector.broadcast %broadcast_in_dim3A_636 : vector<8x1xi32> to vector<8x128xi32>
    %eq3A_638 = arith.cmpi eq, %get3A_292, %eq3A_637 : vector<8x128xi32>
    %jit3A_639 = arith.constant -1.000000e+00 : f32
    %broadcast_in_dim3A_640 = vector.broadcast %jit3A_639 : f32 to vector<8x128xf32>
    %select_n3A_641 = arith.select %eq3A_638, %broadcast_in_dim3A_640, %select_n3A_625 : vector<8x128xi1>, vector<8x128xf32>
    %reduce_max3A_642 = arith.constant dense<0xFF800000> : vector<8xf32>
    %reduce_max3A_643 = vector.multi_reduction <maximumf>, %select_n3A_641, %reduce_max3A_642 [1] : vector<8x128xf32> to vector<8xf32>
    %broadcast_in_dim3A_644 = vector.shape_cast %reduce_max3A_643 : vector<8xf32> to vector<8x1xf32>
    %eq3A_645 = vector.broadcast %broadcast_in_dim3A_644 : vector<8x1xf32> to vector<8x128xf32>
    %eq3A_646 = arith.cmpf oeq, %select_n3A_641, %eq3A_645 : vector<8x128xf32>
    %jit3A_647 = arith.constant 1073741824 : i32
    %broadcast_in_dim3A_648 = vector.broadcast %jit3A_647 : i32 to vector<8x128xi32>
    %select_n3A_649 = arith.select %eq3A_646, %get3A_292, %broadcast_in_dim3A_648 : vector<8x128xi1>, vector<8x128xi32>
    %reduce_min3A_650 = arith.constant dense<2147483647> : vector<8xi32>
    %reduce_min3A_651 = vector.multi_reduction <minsi>, %select_n3A_649, %reduce_min3A_650 [1] : vector<8x128xi32> to vector<8xi32>
    %broadcast_in_dim3A_652 = vector.shape_cast %reduce_min3A_651 : vector<8xi32> to vector<8x1xi32>
    %eq3A_653 = vector.broadcast %broadcast_in_dim3A_652 : vector<8x1xi32> to vector<8x128xi32>
    %eq3A_654 = arith.cmpi eq, %get3A_292, %eq3A_653 : vector<8x128xi32>
    %jit3A_655 = arith.constant -1.000000e+00 : f32
    %broadcast_in_dim3A_656 = vector.broadcast %jit3A_655 : f32 to vector<8x128xf32>
    %select_n3A_657 = arith.select %eq3A_654, %broadcast_in_dim3A_656, %select_n3A_641 : vector<8x128xi1>, vector<8x128xf32>
    %reduce_max3A_658 = arith.constant dense<0xFF800000> : vector<8xf32>
    %reduce_max3A_659 = vector.multi_reduction <maximumf>, %select_n3A_657, %reduce_max3A_658 [1] : vector<8x128xf32> to vector<8xf32>
    %broadcast_in_dim3A_660 = vector.shape_cast %reduce_max3A_659 : vector<8xf32> to vector<8x1xf32>
    %eq3A_661 = vector.broadcast %broadcast_in_dim3A_660 : vector<8x1xf32> to vector<8x128xf32>
    %eq3A_662 = arith.cmpf oeq, %select_n3A_657, %eq3A_661 : vector<8x128xf32>
    %jit3A_663 = arith.constant 1073741824 : i32
    %broadcast_in_dim3A_664 = vector.broadcast %jit3A_663 : i32 to vector<8x128xi32>
    %select_n3A_665 = arith.select %eq3A_662, %get3A_292, %broadcast_in_dim3A_664 : vector<8x128xi1>, vector<8x128xi32>
    %reduce_min3A_666 = arith.constant dense<2147483647> : vector<8xi32>
    %reduce_min3A_667 = vector.multi_reduction <minsi>, %select_n3A_665, %reduce_min3A_666 [1] : vector<8x128xi32> to vector<8xi32>
    %broadcast_in_dim3A_668 = vector.shape_cast %reduce_min3A_667 : vector<8xi32> to vector<8x1xi32>
    %eq3A_669 = vector.broadcast %broadcast_in_dim3A_668 : vector<8x1xi32> to vector<8x128xi32>
    %eq3A_670 = arith.cmpi eq, %get3A_292, %eq3A_669 : vector<8x128xi32>
    %jit3A_671 = arith.constant -1.000000e+00 : f32
    %broadcast_in_dim3A_672 = vector.broadcast %jit3A_671 : f32 to vector<8x128xf32>
    %select_n3A_673 = arith.select %eq3A_670, %broadcast_in_dim3A_672, %select_n3A_657 : vector<8x128xi1>, vector<8x128xf32>
    %reduce_max3A_674 = arith.constant dense<0xFF800000> : vector<8xf32>
    %reduce_max3A_675 = vector.multi_reduction <maximumf>, %select_n3A_673, %reduce_max3A_674 [1] : vector<8x128xf32> to vector<8xf32>
    %broadcast_in_dim3A_676 = vector.shape_cast %reduce_max3A_675 : vector<8xf32> to vector<8x1xf32>
    %eq3A_677 = vector.broadcast %broadcast_in_dim3A_676 : vector<8x1xf32> to vector<8x128xf32>
    %eq3A_678 = arith.cmpf oeq, %select_n3A_673, %eq3A_677 : vector<8x128xf32>
    %jit3A_679 = arith.constant 1073741824 : i32
    %broadcast_in_dim3A_680 = vector.broadcast %jit3A_679 : i32 to vector<8x128xi32>
    %select_n3A_681 = arith.select %eq3A_678, %get3A_292, %broadcast_in_dim3A_680 : vector<8x128xi1>, vector<8x128xi32>
    %reduce_min3A_682 = arith.constant dense<2147483647> : vector<8xi32>
    %reduce_min3A_683 = vector.multi_reduction <minsi>, %select_n3A_681, %reduce_min3A_682 [1] : vector<8x128xi32> to vector<8xi32>
    %broadcast_in_dim3A_684 = vector.shape_cast %reduce_min3A_683 : vector<8xi32> to vector<8x1xi32>
    %eq3A_685 = vector.broadcast %broadcast_in_dim3A_684 : vector<8x1xi32> to vector<8x128xi32>
    %eq3A_686 = arith.cmpi eq, %get3A_292, %eq3A_685 : vector<8x128xi32>
    %jit3A_687 = arith.constant -1.000000e+00 : f32
    %broadcast_in_dim3A_688 = vector.broadcast %jit3A_687 : f32 to vector<8x128xf32>
    %select_n3A_689 = arith.select %eq3A_686, %broadcast_in_dim3A_688, %select_n3A_673 : vector<8x128xi1>, vector<8x128xf32>
    %reduce_max3A_690 = arith.constant dense<0xFF800000> : vector<8xf32>
    %reduce_max3A_691 = vector.multi_reduction <maximumf>, %select_n3A_689, %reduce_max3A_690 [1] : vector<8x128xf32> to vector<8xf32>
    %broadcast_in_dim3A_692 = vector.shape_cast %reduce_max3A_691 : vector<8xf32> to vector<8x1xf32>
    %eq3A_693 = vector.broadcast %broadcast_in_dim3A_692 : vector<8x1xf32> to vector<8x128xf32>
    %eq3A_694 = arith.cmpf oeq, %select_n3A_689, %eq3A_693 : vector<8x128xf32>
    %jit3A_695 = arith.constant 1073741824 : i32
    %broadcast_in_dim3A_696 = vector.broadcast %jit3A_695 : i32 to vector<8x128xi32>
    %select_n3A_697 = arith.select %eq3A_694, %get3A_292, %broadcast_in_dim3A_696 : vector<8x128xi1>, vector<8x128xi32>
    %reduce_min3A_698 = arith.constant dense<2147483647> : vector<8xi32>
    %reduce_min3A_699 = vector.multi_reduction <minsi>, %select_n3A_697, %reduce_min3A_698 [1] : vector<8x128xi32> to vector<8xi32>
    %broadcast_in_dim3A_700 = vector.shape_cast %reduce_min3A_699 : vector<8xi32> to vector<8x1xi32>
    %eq3A_701 = vector.broadcast %broadcast_in_dim3A_700 : vector<8x1xi32> to vector<8x128xi32>
    %eq3A_702 = arith.cmpi eq, %get3A_292, %eq3A_701 : vector<8x128xi32>
    %jit3A_703 = arith.constant -1.000000e+00 : f32
    %broadcast_in_dim3A_704 = vector.broadcast %jit3A_703 : f32 to vector<8x128xf32>
    %select_n3A_705 = arith.select %eq3A_702, %broadcast_in_dim3A_704, %select_n3A_689 : vector<8x128xi1>, vector<8x128xf32>
    %reduce_max3A_706 = arith.constant dense<0xFF800000> : vector<8xf32>
    %reduce_max3A_707 = vector.multi_reduction <maximumf>, %select_n3A_705, %reduce_max3A_706 [1] : vector<8x128xf32> to vector<8xf32>
    %broadcast_in_dim3A_708 = vector.shape_cast %reduce_max3A_707 : vector<8xf32> to vector<8x1xf32>
    %eq3A_709 = vector.broadcast %broadcast_in_dim3A_708 : vector<8x1xf32> to vector<8x128xf32>
    %eq3A_710 = arith.cmpf oeq, %select_n3A_705, %eq3A_709 : vector<8x128xf32>
    %jit3A_711 = arith.constant 1073741824 : i32
    %broadcast_in_dim3A_712 = vector.broadcast %jit3A_711 : i32 to vector<8x128xi32>
    %select_n3A_713 = arith.select %eq3A_710, %get3A_292, %broadcast_in_dim3A_712 : vector<8x128xi1>, vector<8x128xi32>
    %reduce_min3A_714 = arith.constant dense<2147483647> : vector<8xi32>
    %reduce_min3A_715 = vector.multi_reduction <minsi>, %select_n3A_713, %reduce_min3A_714 [1] : vector<8x128xi32> to vector<8xi32>
    %broadcast_in_dim3A_716 = vector.shape_cast %reduce_min3A_715 : vector<8xi32> to vector<8x1xi32>
    %eq3A_717 = vector.broadcast %broadcast_in_dim3A_716 : vector<8x1xi32> to vector<8x128xi32>
    %eq3A_718 = arith.cmpi eq, %get3A_292, %eq3A_717 : vector<8x128xi32>
    %jit3A_719 = arith.constant -1.000000e+00 : f32
    %broadcast_in_dim3A_720 = vector.broadcast %jit3A_719 : f32 to vector<8x128xf32>
    %select_n3A_721 = arith.select %eq3A_718, %broadcast_in_dim3A_720, %select_n3A_705 : vector<8x128xi1>, vector<8x128xf32>
    %reduce_max3A_722 = arith.constant dense<0xFF800000> : vector<8xf32>
    %reduce_max3A_723 = vector.multi_reduction <maximumf>, %select_n3A_721, %reduce_max3A_722 [1] : vector<8x128xf32> to vector<8xf32>
    %broadcast_in_dim3A_724 = vector.shape_cast %reduce_max3A_723 : vector<8xf32> to vector<8x1xf32>
    %eq3A_725 = vector.broadcast %broadcast_in_dim3A_724 : vector<8x1xf32> to vector<8x128xf32>
    %eq3A_726 = arith.cmpf oeq, %select_n3A_721, %eq3A_725 : vector<8x128xf32>
    %jit3A_727 = arith.constant 1073741824 : i32
    %broadcast_in_dim3A_728 = vector.broadcast %jit3A_727 : i32 to vector<8x128xi32>
    %select_n3A_729 = arith.select %eq3A_726, %get3A_292, %broadcast_in_dim3A_728 : vector<8x128xi1>, vector<8x128xi32>
    %reduce_min3A_730 = arith.constant dense<2147483647> : vector<8xi32>
    %reduce_min3A_731 = vector.multi_reduction <minsi>, %select_n3A_729, %reduce_min3A_730 [1] : vector<8x128xi32> to vector<8xi32>
    %broadcast_in_dim3A_732 = vector.shape_cast %reduce_min3A_731 : vector<8xi32> to vector<8x1xi32>
    %eq3A_733 = vector.broadcast %broadcast_in_dim3A_732 : vector<8x1xi32> to vector<8x128xi32>
    %eq3A_734 = arith.cmpi eq, %get3A_292, %eq3A_733 : vector<8x128xi32>
    %jit3A_735 = arith.constant -1.000000e+00 : f32
    %broadcast_in_dim3A_736 = vector.broadcast %jit3A_735 : f32 to vector<8x128xf32>
    %select_n3A_737 = arith.select %eq3A_734, %broadcast_in_dim3A_736, %select_n3A_721 : vector<8x128xi1>, vector<8x128xf32>
    %reduce_max3A_738 = arith.constant dense<0xFF800000> : vector<8xf32>
    %reduce_max3A_739 = vector.multi_reduction <maximumf>, %select_n3A_737, %reduce_max3A_738 [1] : vector<8x128xf32> to vector<8xf32>
    %broadcast_in_dim3A_740 = vector.shape_cast %reduce_max3A_739 : vector<8xf32> to vector<8x1xf32>
    %eq3A_741 = vector.broadcast %broadcast_in_dim3A_740 : vector<8x1xf32> to vector<8x128xf32>
    %eq3A_742 = arith.cmpf oeq, %select_n3A_737, %eq3A_741 : vector<8x128xf32>
    %jit3A_743 = arith.constant 1073741824 : i32
    %broadcast_in_dim3A_744 = vector.broadcast %jit3A_743 : i32 to vector<8x128xi32>
    %select_n3A_745 = arith.select %eq3A_742, %get3A_292, %broadcast_in_dim3A_744 : vector<8x128xi1>, vector<8x128xi32>
    %reduce_min3A_746 = arith.constant dense<2147483647> : vector<8xi32>
    %reduce_min3A_747 = vector.multi_reduction <minsi>, %select_n3A_745, %reduce_min3A_746 [1] : vector<8x128xi32> to vector<8xi32>
    %broadcast_in_dim3A_748 = vector.shape_cast %reduce_min3A_747 : vector<8xi32> to vector<8x1xi32>
    %eq3A_749 = vector.broadcast %broadcast_in_dim3A_748 : vector<8x1xi32> to vector<8x128xi32>
    %eq3A_750 = arith.cmpi eq, %get3A_292, %eq3A_749 : vector<8x128xi32>
    %jit3A_751 = arith.constant -1.000000e+00 : f32
    %broadcast_in_dim3A_752 = vector.broadcast %jit3A_751 : f32 to vector<8x128xf32>
    %select_n3A_753 = arith.select %eq3A_750, %broadcast_in_dim3A_752, %select_n3A_737 : vector<8x128xi1>, vector<8x128xf32>
    %reduce_max3A_754 = arith.constant dense<0xFF800000> : vector<8xf32>
    %reduce_max3A_755 = vector.multi_reduction <maximumf>, %select_n3A_753, %reduce_max3A_754 [1] : vector<8x128xf32> to vector<8xf32>
    %broadcast_in_dim3A_756 = vector.shape_cast %reduce_max3A_755 : vector<8xf32> to vector<8x1xf32>
    %eq3A_757 = vector.broadcast %broadcast_in_dim3A_756 : vector<8x1xf32> to vector<8x128xf32>
    %eq3A_758 = arith.cmpf oeq, %select_n3A_753, %eq3A_757 : vector<8x128xf32>
    %jit3A_759 = arith.constant 1073741824 : i32
    %broadcast_in_dim3A_760 = vector.broadcast %jit3A_759 : i32 to vector<8x128xi32>
    %select_n3A_761 = arith.select %eq3A_758, %get3A_292, %broadcast_in_dim3A_760 : vector<8x128xi1>, vector<8x128xi32>
    %reduce_min3A_762 = arith.constant dense<2147483647> : vector<8xi32>
    %reduce_min3A_763 = vector.multi_reduction <minsi>, %select_n3A_761, %reduce_min3A_762 [1] : vector<8x128xi32> to vector<8xi32>
    %broadcast_in_dim3A_764 = vector.shape_cast %reduce_min3A_763 : vector<8xi32> to vector<8x1xi32>
    %eq3A_765 = vector.broadcast %broadcast_in_dim3A_764 : vector<8x1xi32> to vector<8x128xi32>
    %eq3A_766 = arith.cmpi eq, %get3A_292, %eq3A_765 : vector<8x128xi32>
    %jit3A_767 = arith.constant -1.000000e+00 : f32
    %broadcast_in_dim3A_768 = vector.broadcast %jit3A_767 : f32 to vector<8x128xf32>
    %select_n3A_769 = arith.select %eq3A_766, %broadcast_in_dim3A_768, %select_n3A_753 : vector<8x128xi1>, vector<8x128xf32>
    %reduce_max3A_770 = arith.constant dense<0xFF800000> : vector<8xf32>
    %reduce_max3A_771 = vector.multi_reduction <maximumf>, %select_n3A_769, %reduce_max3A_770 [1] : vector<8x128xf32> to vector<8xf32>
    %broadcast_in_dim3A_772 = vector.shape_cast %reduce_max3A_771 : vector<8xf32> to vector<8x1xf32>
    %eq3A_773 = vector.broadcast %broadcast_in_dim3A_772 : vector<8x1xf32> to vector<8x128xf32>
    %eq3A_774 = arith.cmpf oeq, %select_n3A_769, %eq3A_773 : vector<8x128xf32>
    %jit3A_775 = arith.constant 1073741824 : i32
    %broadcast_in_dim3A_776 = vector.broadcast %jit3A_775 : i32 to vector<8x128xi32>
    %select_n3A_777 = arith.select %eq3A_774, %get3A_292, %broadcast_in_dim3A_776 : vector<8x128xi1>, vector<8x128xi32>
    %reduce_min3A_778 = arith.constant dense<2147483647> : vector<8xi32>
    %reduce_min3A_779 = vector.multi_reduction <minsi>, %select_n3A_777, %reduce_min3A_778 [1] : vector<8x128xi32> to vector<8xi32>
    %broadcast_in_dim3A_780 = vector.shape_cast %reduce_min3A_779 : vector<8xi32> to vector<8x1xi32>
    %eq3A_781 = vector.broadcast %broadcast_in_dim3A_780 : vector<8x1xi32> to vector<8x128xi32>
    %eq3A_782 = arith.cmpi eq, %get3A_292, %eq3A_781 : vector<8x128xi32>
    %jit3A_783 = arith.constant -1.000000e+00 : f32
    %broadcast_in_dim3A_784 = vector.broadcast %jit3A_783 : f32 to vector<8x128xf32>
    %select_n3A_785 = arith.select %eq3A_782, %broadcast_in_dim3A_784, %select_n3A_769 : vector<8x128xi1>, vector<8x128xf32>
    %reduce_max3A_786 = arith.constant dense<0xFF800000> : vector<8xf32>
    %reduce_max3A_787 = vector.multi_reduction <maximumf>, %select_n3A_785, %reduce_max3A_786 [1] : vector<8x128xf32> to vector<8xf32>
    %broadcast_in_dim3A_788 = vector.shape_cast %reduce_max3A_787 : vector<8xf32> to vector<8x1xf32>
    %eq3A_789 = vector.broadcast %broadcast_in_dim3A_788 : vector<8x1xf32> to vector<8x128xf32>
    %eq3A_790 = arith.cmpf oeq, %select_n3A_785, %eq3A_789 : vector<8x128xf32>
    %jit3A_791 = arith.constant 1073741824 : i32
    %broadcast_in_dim3A_792 = vector.broadcast %jit3A_791 : i32 to vector<8x128xi32>
    %select_n3A_793 = arith.select %eq3A_790, %get3A_292, %broadcast_in_dim3A_792 : vector<8x128xi1>, vector<8x128xi32>
    %reduce_min3A_794 = arith.constant dense<2147483647> : vector<8xi32>
    %reduce_min3A_795 = vector.multi_reduction <minsi>, %select_n3A_793, %reduce_min3A_794 [1] : vector<8x128xi32> to vector<8xi32>
    %broadcast_in_dim3A_796 = vector.shape_cast %reduce_min3A_795 : vector<8xi32> to vector<8x1xi32>
    %eq3A_797 = vector.broadcast %broadcast_in_dim3A_796 : vector<8x1xi32> to vector<8x128xi32>
    %eq3A_798 = arith.cmpi eq, %get3A_292, %eq3A_797 : vector<8x128xi32>
    %jit3A_799 = arith.constant -1.000000e+00 : f32
    %broadcast_in_dim3A_800 = vector.broadcast %jit3A_799 : f32 to vector<8x128xf32>
    %select_n3A_801 = arith.select %eq3A_798, %broadcast_in_dim3A_800, %select_n3A_785 : vector<8x128xi1>, vector<8x128xf32>
    %reduce_max3A_802 = arith.constant dense<0xFF800000> : vector<8xf32>
    %reduce_max3A_803 = vector.multi_reduction <maximumf>, %select_n3A_801, %reduce_max3A_802 [1] : vector<8x128xf32> to vector<8xf32>
    %broadcast_in_dim3A_804 = vector.shape_cast %reduce_max3A_803 : vector<8xf32> to vector<8x1xf32>
    %eq3A_805 = vector.broadcast %broadcast_in_dim3A_804 : vector<8x1xf32> to vector<8x128xf32>
    %eq3A_806 = arith.cmpf oeq, %select_n3A_801, %eq3A_805 : vector<8x128xf32>
    %jit3A_807 = arith.constant 1073741824 : i32
    %broadcast_in_dim3A_808 = vector.broadcast %jit3A_807 : i32 to vector<8x128xi32>
    %select_n3A_809 = arith.select %eq3A_806, %get3A_292, %broadcast_in_dim3A_808 : vector<8x128xi1>, vector<8x128xi32>
    %reduce_min3A_810 = arith.constant dense<2147483647> : vector<8xi32>
    %reduce_min3A_811 = vector.multi_reduction <minsi>, %select_n3A_809, %reduce_min3A_810 [1] : vector<8x128xi32> to vector<8xi32>
    %broadcast_in_dim3A_812 = vector.shape_cast %reduce_min3A_811 : vector<8xi32> to vector<8x1xi32>
    %eq3A_813 = vector.broadcast %broadcast_in_dim3A_812 : vector<8x1xi32> to vector<8x128xi32>
    %eq3A_814 = arith.cmpi eq, %get3A_292, %eq3A_813 : vector<8x128xi32>
    %jit3A_815 = arith.constant -1.000000e+00 : f32
    %broadcast_in_dim3A_816 = vector.broadcast %jit3A_815 : f32 to vector<8x128xf32>
    %select_n3A_817 = arith.select %eq3A_814, %broadcast_in_dim3A_816, %select_n3A_801 : vector<8x128xi1>, vector<8x128xf32>
    %reduce_max3A_818 = arith.constant dense<0xFF800000> : vector<8xf32>
    %reduce_max3A_819 = vector.multi_reduction <maximumf>, %select_n3A_817, %reduce_max3A_818 [1] : vector<8x128xf32> to vector<8xf32>
    %broadcast_in_dim3A_820 = vector.shape_cast %reduce_max3A_819 : vector<8xf32> to vector<8x1xf32>
    %eq3A_821 = vector.broadcast %broadcast_in_dim3A_820 : vector<8x1xf32> to vector<8x128xf32>
    %eq3A_822 = arith.cmpf oeq, %select_n3A_817, %eq3A_821 : vector<8x128xf32>
    %jit3A_823 = arith.constant 1073741824 : i32
    %broadcast_in_dim3A_824 = vector.broadcast %jit3A_823 : i32 to vector<8x128xi32>
    %select_n3A_825 = arith.select %eq3A_822, %get3A_292, %broadcast_in_dim3A_824 : vector<8x128xi1>, vector<8x128xi32>
    %reduce_min3A_826 = arith.constant dense<2147483647> : vector<8xi32>
    %reduce_min3A_827 = vector.multi_reduction <minsi>, %select_n3A_825, %reduce_min3A_826 [1] : vector<8x128xi32> to vector<8xi32>
    %broadcast_in_dim3A_828 = vector.shape_cast %reduce_min3A_827 : vector<8xi32> to vector<8x1xi32>
    %eq3A_829 = vector.broadcast %broadcast_in_dim3A_828 : vector<8x1xi32> to vector<8x128xi32>
    %eq3A_830 = arith.cmpi eq, %get3A_292, %eq3A_829 : vector<8x128xi32>
    %jit3A_831 = arith.constant -1.000000e+00 : f32
    %broadcast_in_dim3A_832 = vector.broadcast %jit3A_831 : f32 to vector<8x128xf32>
    %select_n3A_833 = arith.select %eq3A_830, %broadcast_in_dim3A_832, %select_n3A_817 : vector<8x128xi1>, vector<8x128xf32>
    %reduce_max3A_834 = arith.constant dense<0xFF800000> : vector<8xf32>
    %reduce_max3A_835 = vector.multi_reduction <maximumf>, %select_n3A_833, %reduce_max3A_834 [1] : vector<8x128xf32> to vector<8xf32>
    %broadcast_in_dim3A_836 = vector.shape_cast %reduce_max3A_835 : vector<8xf32> to vector<8x1xf32>
    %eq3A_837 = vector.broadcast %broadcast_in_dim3A_836 : vector<8x1xf32> to vector<8x128xf32>
    %eq3A_838 = arith.cmpf oeq, %select_n3A_833, %eq3A_837 : vector<8x128xf32>
    %jit3A_839 = arith.constant 1073741824 : i32
    %broadcast_in_dim3A_840 = vector.broadcast %jit3A_839 : i32 to vector<8x128xi32>
    %select_n3A_841 = arith.select %eq3A_838, %get3A_292, %broadcast_in_dim3A_840 : vector<8x128xi1>, vector<8x128xi32>
    %reduce_min3A_842 = arith.constant dense<2147483647> : vector<8xi32>
    %reduce_min3A_843 = vector.multi_reduction <minsi>, %select_n3A_841, %reduce_min3A_842 [1] : vector<8x128xi32> to vector<8xi32>
    %broadcast_in_dim3A_844 = vector.shape_cast %reduce_min3A_843 : vector<8xi32> to vector<8x1xi32>
    %eq3A_845 = vector.broadcast %broadcast_in_dim3A_844 : vector<8x1xi32> to vector<8x128xi32>
    %eq3A_846 = arith.cmpi eq, %get3A_292, %eq3A_845 : vector<8x128xi32>
    %jit3A_847 = arith.constant -1.000000e+00 : f32
    %broadcast_in_dim3A_848 = vector.broadcast %jit3A_847 : f32 to vector<8x128xf32>
    %select_n3A_849 = arith.select %eq3A_846, %broadcast_in_dim3A_848, %select_n3A_833 : vector<8x128xi1>, vector<8x128xf32>
    %reduce_max3A_850 = arith.constant dense<0xFF800000> : vector<8xf32>
    %reduce_max3A_851 = vector.multi_reduction <maximumf>, %select_n3A_849, %reduce_max3A_850 [1] : vector<8x128xf32> to vector<8xf32>
    %broadcast_in_dim3A_852 = vector.shape_cast %reduce_max3A_851 : vector<8xf32> to vector<8x1xf32>
    %eq3A_853 = vector.broadcast %broadcast_in_dim3A_852 : vector<8x1xf32> to vector<8x128xf32>
    %eq3A_854 = arith.cmpf oeq, %select_n3A_849, %eq3A_853 : vector<8x128xf32>
    %jit3A_855 = arith.constant 1073741824 : i32
    %broadcast_in_dim3A_856 = vector.broadcast %jit3A_855 : i32 to vector<8x128xi32>
    %select_n3A_857 = arith.select %eq3A_854, %get3A_292, %broadcast_in_dim3A_856 : vector<8x128xi1>, vector<8x128xi32>
    %reduce_min3A_858 = arith.constant dense<2147483647> : vector<8xi32>
    %reduce_min3A_859 = vector.multi_reduction <minsi>, %select_n3A_857, %reduce_min3A_858 [1] : vector<8x128xi32> to vector<8xi32>
    %broadcast_in_dim3A_860 = vector.shape_cast %reduce_min3A_859 : vector<8xi32> to vector<8x1xi32>
    %eq3A_861 = vector.broadcast %broadcast_in_dim3A_860 : vector<8x1xi32> to vector<8x128xi32>
    %eq3A_862 = arith.cmpi eq, %get3A_292, %eq3A_861 : vector<8x128xi32>
    %jit3A_863 = arith.constant -1.000000e+00 : f32
    %broadcast_in_dim3A_864 = vector.broadcast %jit3A_863 : f32 to vector<8x128xf32>
    %select_n3A_865 = arith.select %eq3A_862, %broadcast_in_dim3A_864, %select_n3A_849 : vector<8x128xi1>, vector<8x128xf32>
    %reduce_max3A_866 = arith.constant dense<0xFF800000> : vector<8xf32>
    %reduce_max3A_867 = vector.multi_reduction <maximumf>, %select_n3A_865, %reduce_max3A_866 [1] : vector<8x128xf32> to vector<8xf32>
    %broadcast_in_dim3A_868 = vector.shape_cast %reduce_max3A_867 : vector<8xf32> to vector<8x1xf32>
    %eq3A_869 = vector.broadcast %broadcast_in_dim3A_868 : vector<8x1xf32> to vector<8x128xf32>
    %eq3A_870 = arith.cmpf oeq, %select_n3A_865, %eq3A_869 : vector<8x128xf32>
    %jit3A_871 = arith.constant 1073741824 : i32
    %broadcast_in_dim3A_872 = vector.broadcast %jit3A_871 : i32 to vector<8x128xi32>
    %select_n3A_873 = arith.select %eq3A_870, %get3A_292, %broadcast_in_dim3A_872 : vector<8x128xi1>, vector<8x128xi32>
    %reduce_min3A_874 = arith.constant dense<2147483647> : vector<8xi32>
    %reduce_min3A_875 = vector.multi_reduction <minsi>, %select_n3A_873, %reduce_min3A_874 [1] : vector<8x128xi32> to vector<8xi32>
    %broadcast_in_dim3A_876 = vector.shape_cast %reduce_min3A_875 : vector<8xi32> to vector<8x1xi32>
    %eq3A_877 = vector.broadcast %broadcast_in_dim3A_876 : vector<8x1xi32> to vector<8x128xi32>
    %eq3A_878 = arith.cmpi eq, %get3A_292, %eq3A_877 : vector<8x128xi32>
    %jit3A_879 = arith.constant -1.000000e+00 : f32
    %broadcast_in_dim3A_880 = vector.broadcast %jit3A_879 : f32 to vector<8x128xf32>
    %select_n3A_881 = arith.select %eq3A_878, %broadcast_in_dim3A_880, %select_n3A_865 : vector<8x128xi1>, vector<8x128xf32>
    %reduce_max3A_882 = arith.constant dense<0xFF800000> : vector<8xf32>
    %reduce_max3A_883 = vector.multi_reduction <maximumf>, %select_n3A_881, %reduce_max3A_882 [1] : vector<8x128xf32> to vector<8xf32>
    %broadcast_in_dim3A_884 = vector.shape_cast %reduce_max3A_883 : vector<8xf32> to vector<8x1xf32>
    %eq3A_885 = vector.broadcast %broadcast_in_dim3A_884 : vector<8x1xf32> to vector<8x128xf32>
    %eq3A_886 = arith.cmpf oeq, %select_n3A_881, %eq3A_885 : vector<8x128xf32>
    %jit3A_887 = arith.constant 1073741824 : i32
    %broadcast_in_dim3A_888 = vector.broadcast %jit3A_887 : i32 to vector<8x128xi32>
    %select_n3A_889 = arith.select %eq3A_886, %get3A_292, %broadcast_in_dim3A_888 : vector<8x128xi1>, vector<8x128xi32>
    %reduce_min3A_890 = arith.constant dense<2147483647> : vector<8xi32>
    %reduce_min3A_891 = vector.multi_reduction <minsi>, %select_n3A_889, %reduce_min3A_890 [1] : vector<8x128xi32> to vector<8xi32>
    %broadcast_in_dim3A_892 = vector.shape_cast %reduce_min3A_891 : vector<8xi32> to vector<8x1xi32>
    %eq3A_893 = vector.broadcast %broadcast_in_dim3A_892 : vector<8x1xi32> to vector<8x128xi32>
    %eq3A_894 = arith.cmpi eq, %get3A_292, %eq3A_893 : vector<8x128xi32>
    %jit3A_895 = arith.constant -1.000000e+00 : f32
    %broadcast_in_dim3A_896 = vector.broadcast %jit3A_895 : f32 to vector<8x128xf32>
    %select_n3A_897 = arith.select %eq3A_894, %broadcast_in_dim3A_896, %select_n3A_881 : vector<8x128xi1>, vector<8x128xf32>
    %reduce_max3A_898 = arith.constant dense<0xFF800000> : vector<8xf32>
    %reduce_max3A_899 = vector.multi_reduction <maximumf>, %select_n3A_897, %reduce_max3A_898 [1] : vector<8x128xf32> to vector<8xf32>
    %broadcast_in_dim3A_900 = vector.shape_cast %reduce_max3A_899 : vector<8xf32> to vector<8x1xf32>
    %eq3A_901 = vector.broadcast %broadcast_in_dim3A_900 : vector<8x1xf32> to vector<8x128xf32>
    %eq3A_902 = arith.cmpf oeq, %select_n3A_897, %eq3A_901 : vector<8x128xf32>
    %jit3A_903 = arith.constant 1073741824 : i32
    %broadcast_in_dim3A_904 = vector.broadcast %jit3A_903 : i32 to vector<8x128xi32>
    %select_n3A_905 = arith.select %eq3A_902, %get3A_292, %broadcast_in_dim3A_904 : vector<8x128xi1>, vector<8x128xi32>
    %reduce_min3A_906 = arith.constant dense<2147483647> : vector<8xi32>
    %reduce_min3A_907 = vector.multi_reduction <minsi>, %select_n3A_905, %reduce_min3A_906 [1] : vector<8x128xi32> to vector<8xi32>
    %broadcast_in_dim3A_908 = vector.shape_cast %reduce_min3A_907 : vector<8xi32> to vector<8x1xi32>
    %eq3A_909 = vector.broadcast %broadcast_in_dim3A_908 : vector<8x1xi32> to vector<8x128xi32>
    %eq3A_910 = arith.cmpi eq, %get3A_292, %eq3A_909 : vector<8x128xi32>
    %jit3A_911 = arith.constant -1.000000e+00 : f32
    %broadcast_in_dim3A_912 = vector.broadcast %jit3A_911 : f32 to vector<8x128xf32>
    %select_n3A_913 = arith.select %eq3A_910, %broadcast_in_dim3A_912, %select_n3A_897 : vector<8x128xi1>, vector<8x128xf32>
    %reduce_max3A_914 = arith.constant dense<0xFF800000> : vector<8xf32>
    %reduce_max3A_915 = vector.multi_reduction <maximumf>, %select_n3A_913, %reduce_max3A_914 [1] : vector<8x128xf32> to vector<8xf32>
    %broadcast_in_dim3A_916 = vector.shape_cast %reduce_max3A_915 : vector<8xf32> to vector<8x1xf32>
    %eq3A_917 = vector.broadcast %broadcast_in_dim3A_916 : vector<8x1xf32> to vector<8x128xf32>
    %eq3A_918 = arith.cmpf oeq, %select_n3A_913, %eq3A_917 : vector<8x128xf32>
    %jit3A_919 = arith.constant 1073741824 : i32
    %broadcast_in_dim3A_920 = vector.broadcast %jit3A_919 : i32 to vector<8x128xi32>
    %select_n3A_921 = arith.select %eq3A_918, %get3A_292, %broadcast_in_dim3A_920 : vector<8x128xi1>, vector<8x128xi32>
    %reduce_min3A_922 = arith.constant dense<2147483647> : vector<8xi32>
    %reduce_min3A_923 = vector.multi_reduction <minsi>, %select_n3A_921, %reduce_min3A_922 [1] : vector<8x128xi32> to vector<8xi32>
    %broadcast_in_dim3A_924 = vector.shape_cast %reduce_min3A_923 : vector<8xi32> to vector<8x1xi32>
    %eq3A_925 = vector.broadcast %broadcast_in_dim3A_924 : vector<8x1xi32> to vector<8x128xi32>
    %eq3A_926 = arith.cmpi eq, %get3A_292, %eq3A_925 : vector<8x128xi32>
    %jit3A_927 = arith.constant -1.000000e+00 : f32
    %broadcast_in_dim3A_928 = vector.broadcast %jit3A_927 : f32 to vector<8x128xf32>
    %select_n3A_929 = arith.select %eq3A_926, %broadcast_in_dim3A_928, %select_n3A_913 : vector<8x128xi1>, vector<8x128xf32>
    %reduce_max3A_930 = arith.constant dense<0xFF800000> : vector<8xf32>
    %reduce_max3A_931 = vector.multi_reduction <maximumf>, %select_n3A_929, %reduce_max3A_930 [1] : vector<8x128xf32> to vector<8xf32>
    %broadcast_in_dim3A_932 = vector.shape_cast %reduce_max3A_931 : vector<8xf32> to vector<8x1xf32>
    %eq3A_933 = vector.broadcast %broadcast_in_dim3A_932 : vector<8x1xf32> to vector<8x128xf32>
    %eq3A_934 = arith.cmpf oeq, %select_n3A_929, %eq3A_933 : vector<8x128xf32>
    %jit3A_935 = arith.constant 1073741824 : i32
    %broadcast_in_dim3A_936 = vector.broadcast %jit3A_935 : i32 to vector<8x128xi32>
    %select_n3A_937 = arith.select %eq3A_934, %get3A_292, %broadcast_in_dim3A_936 : vector<8x128xi1>, vector<8x128xi32>
    %reduce_min3A_938 = arith.constant dense<2147483647> : vector<8xi32>
    %reduce_min3A_939 = vector.multi_reduction <minsi>, %select_n3A_937, %reduce_min3A_938 [1] : vector<8x128xi32> to vector<8xi32>
    %broadcast_in_dim3A_940 = vector.shape_cast %reduce_min3A_939 : vector<8xi32> to vector<8x1xi32>
    %eq3A_941 = vector.broadcast %broadcast_in_dim3A_940 : vector<8x1xi32> to vector<8x128xi32>
    %eq3A_942 = arith.cmpi eq, %get3A_292, %eq3A_941 : vector<8x128xi32>
    %jit3A_943 = arith.constant -1.000000e+00 : f32
    %broadcast_in_dim3A_944 = vector.broadcast %jit3A_943 : f32 to vector<8x128xf32>
    %select_n3A_945 = arith.select %eq3A_942, %broadcast_in_dim3A_944, %select_n3A_929 : vector<8x128xi1>, vector<8x128xf32>
    %reduce_max3A_946 = arith.constant dense<0xFF800000> : vector<8xf32>
    %reduce_max3A_947 = vector.multi_reduction <maximumf>, %select_n3A_945, %reduce_max3A_946 [1] : vector<8x128xf32> to vector<8xf32>
    %broadcast_in_dim3A_948 = vector.shape_cast %reduce_max3A_947 : vector<8xf32> to vector<8x1xf32>
    %eq3A_949 = vector.broadcast %broadcast_in_dim3A_948 : vector<8x1xf32> to vector<8x128xf32>
    %eq3A_950 = arith.cmpf oeq, %select_n3A_945, %eq3A_949 : vector<8x128xf32>
    %jit3A_951 = arith.constant 1073741824 : i32
    %broadcast_in_dim3A_952 = vector.broadcast %jit3A_951 : i32 to vector<8x128xi32>
    %select_n3A_953 = arith.select %eq3A_950, %get3A_292, %broadcast_in_dim3A_952 : vector<8x128xi1>, vector<8x128xi32>
    %reduce_min3A_954 = arith.constant dense<2147483647> : vector<8xi32>
    %reduce_min3A_955 = vector.multi_reduction <minsi>, %select_n3A_953, %reduce_min3A_954 [1] : vector<8x128xi32> to vector<8xi32>
    %broadcast_in_dim3A_956 = vector.shape_cast %reduce_min3A_955 : vector<8xi32> to vector<8x1xi32>
    %eq3A_957 = vector.broadcast %broadcast_in_dim3A_956 : vector<8x1xi32> to vector<8x128xi32>
    %eq3A_958 = arith.cmpi eq, %get3A_292, %eq3A_957 : vector<8x128xi32>
    %jit3A_959 = arith.constant -1.000000e+00 : f32
    %broadcast_in_dim3A_960 = vector.broadcast %jit3A_959 : f32 to vector<8x128xf32>
    %select_n3A_961 = arith.select %eq3A_958, %broadcast_in_dim3A_960, %select_n3A_945 : vector<8x128xi1>, vector<8x128xf32>
    %reduce_max3A_962 = arith.constant dense<0xFF800000> : vector<8xf32>
    %reduce_max3A_963 = vector.multi_reduction <maximumf>, %select_n3A_961, %reduce_max3A_962 [1] : vector<8x128xf32> to vector<8xf32>
    %broadcast_in_dim3A_964 = vector.shape_cast %reduce_max3A_963 : vector<8xf32> to vector<8x1xf32>
    %eq3A_965 = vector.broadcast %broadcast_in_dim3A_964 : vector<8x1xf32> to vector<8x128xf32>
    %eq3A_966 = arith.cmpf oeq, %select_n3A_961, %eq3A_965 : vector<8x128xf32>
    %jit3A_967 = arith.constant 1073741824 : i32
    %broadcast_in_dim3A_968 = vector.broadcast %jit3A_967 : i32 to vector<8x128xi32>
    %select_n3A_969 = arith.select %eq3A_966, %get3A_292, %broadcast_in_dim3A_968 : vector<8x128xi1>, vector<8x128xi32>
    %reduce_min3A_970 = arith.constant dense<2147483647> : vector<8xi32>
    %reduce_min3A_971 = vector.multi_reduction <minsi>, %select_n3A_969, %reduce_min3A_970 [1] : vector<8x128xi32> to vector<8xi32>
    %broadcast_in_dim3A_972 = vector.shape_cast %reduce_min3A_971 : vector<8xi32> to vector<8x1xi32>
    %eq3A_973 = vector.broadcast %broadcast_in_dim3A_972 : vector<8x1xi32> to vector<8x128xi32>
    %eq3A_974 = arith.cmpi eq, %get3A_292, %eq3A_973 : vector<8x128xi32>
    %jit3A_975 = arith.constant -1.000000e+00 : f32
    %broadcast_in_dim3A_976 = vector.broadcast %jit3A_975 : f32 to vector<8x128xf32>
    %select_n3A_977 = arith.select %eq3A_974, %broadcast_in_dim3A_976, %select_n3A_961 : vector<8x128xi1>, vector<8x128xf32>
    %reduce_max3A_978 = arith.constant dense<0xFF800000> : vector<8xf32>
    %reduce_max3A_979 = vector.multi_reduction <maximumf>, %select_n3A_977, %reduce_max3A_978 [1] : vector<8x128xf32> to vector<8xf32>
    %broadcast_in_dim3A_980 = vector.shape_cast %reduce_max3A_979 : vector<8xf32> to vector<8x1xf32>
    %eq3A_981 = vector.broadcast %broadcast_in_dim3A_980 : vector<8x1xf32> to vector<8x128xf32>
    %eq3A_982 = arith.cmpf oeq, %select_n3A_977, %eq3A_981 : vector<8x128xf32>
    %jit3A_983 = arith.constant 1073741824 : i32
    %broadcast_in_dim3A_984 = vector.broadcast %jit3A_983 : i32 to vector<8x128xi32>
    %select_n3A_985 = arith.select %eq3A_982, %get3A_292, %broadcast_in_dim3A_984 : vector<8x128xi1>, vector<8x128xi32>
    %reduce_min3A_986 = arith.constant dense<2147483647> : vector<8xi32>
    %reduce_min3A_987 = vector.multi_reduction <minsi>, %select_n3A_985, %reduce_min3A_986 [1] : vector<8x128xi32> to vector<8xi32>
    %broadcast_in_dim3A_988 = vector.shape_cast %reduce_min3A_987 : vector<8xi32> to vector<8x1xi32>
    %eq3A_989 = vector.broadcast %broadcast_in_dim3A_988 : vector<8x1xi32> to vector<8x128xi32>
    %eq3A_990 = arith.cmpi eq, %get3A_292, %eq3A_989 : vector<8x128xi32>
    %jit3A_991 = arith.constant -1.000000e+00 : f32
    %broadcast_in_dim3A_992 = vector.broadcast %jit3A_991 : f32 to vector<8x128xf32>
    %select_n3A_993 = arith.select %eq3A_990, %broadcast_in_dim3A_992, %select_n3A_977 : vector<8x128xi1>, vector<8x128xf32>
    %reduce_max3A_994 = arith.constant dense<0xFF800000> : vector<8xf32>
    %reduce_max3A_995 = vector.multi_reduction <maximumf>, %select_n3A_993, %reduce_max3A_994 [1] : vector<8x128xf32> to vector<8xf32>
    %broadcast_in_dim3A_996 = vector.shape_cast %reduce_max3A_995 : vector<8xf32> to vector<8x1xf32>
    %eq3A_997 = vector.broadcast %broadcast_in_dim3A_996 : vector<8x1xf32> to vector<8x128xf32>
    %eq3A_998 = arith.cmpf oeq, %select_n3A_993, %eq3A_997 : vector<8x128xf32>
    %jit3A_999 = arith.constant 1073741824 : i32
    %broadcast_in_dim3A_1000 = vector.broadcast %jit3A_999 : i32 to vector<8x128xi32>
    %select_n3A_1001 = arith.select %eq3A_998, %get3A_292, %broadcast_in_dim3A_1000 : vector<8x128xi1>, vector<8x128xi32>
    %reduce_min3A_1002 = arith.constant dense<2147483647> : vector<8xi32>
    %reduce_min3A_1003 = vector.multi_reduction <minsi>, %select_n3A_1001, %reduce_min3A_1002 [1] : vector<8x128xi32> to vector<8xi32>
    %broadcast_in_dim3A_1004 = vector.shape_cast %reduce_min3A_1003 : vector<8xi32> to vector<8x1xi32>
    %eq3A_1005 = vector.broadcast %broadcast_in_dim3A_1004 : vector<8x1xi32> to vector<8x128xi32>
    %eq3A_1006 = arith.cmpi eq, %get3A_292, %eq3A_1005 : vector<8x128xi32>
    %jit3A_1007 = arith.constant -1.000000e+00 : f32
    %broadcast_in_dim3A_1008 = vector.broadcast %jit3A_1007 : f32 to vector<8x128xf32>
    %select_n3A_1009 = arith.select %eq3A_1006, %broadcast_in_dim3A_1008, %select_n3A_993 : vector<8x128xi1>, vector<8x128xf32>
    %reduce_max3A_1010 = arith.constant dense<0xFF800000> : vector<8xf32>
    %reduce_max3A_1011 = vector.multi_reduction <maximumf>, %select_n3A_1009, %reduce_max3A_1010 [1] : vector<8x128xf32> to vector<8xf32>
    %broadcast_in_dim3A_1012 = vector.shape_cast %reduce_max3A_1011 : vector<8xf32> to vector<8x1xf32>
    %eq3A_1013 = vector.broadcast %broadcast_in_dim3A_1012 : vector<8x1xf32> to vector<8x128xf32>
    %eq3A_1014 = arith.cmpf oeq, %select_n3A_1009, %eq3A_1013 : vector<8x128xf32>
    %jit3A_1015 = arith.constant 1073741824 : i32
    %broadcast_in_dim3A_1016 = vector.broadcast %jit3A_1015 : i32 to vector<8x128xi32>
    %select_n3A_1017 = arith.select %eq3A_1014, %get3A_292, %broadcast_in_dim3A_1016 : vector<8x128xi1>, vector<8x128xi32>
    %reduce_min3A_1018 = arith.constant dense<2147483647> : vector<8xi32>
    %reduce_min3A_1019 = vector.multi_reduction <minsi>, %select_n3A_1017, %reduce_min3A_1018 [1] : vector<8x128xi32> to vector<8xi32>
    %broadcast_in_dim3A_1020 = vector.shape_cast %reduce_min3A_1019 : vector<8xi32> to vector<8x1xi32>
    %eq3A_1021 = vector.broadcast %broadcast_in_dim3A_1020 : vector<8x1xi32> to vector<8x128xi32>
    %eq3A_1022 = arith.cmpi eq, %get3A_292, %eq3A_1021 : vector<8x128xi32>
    %jit3A_1023 = arith.constant -1.000000e+00 : f32
    %broadcast_in_dim3A_1024 = vector.broadcast %jit3A_1023 : f32 to vector<8x128xf32>
    %select_n3A_1025 = arith.select %eq3A_1022, %broadcast_in_dim3A_1024, %select_n3A_1009 : vector<8x128xi1>, vector<8x128xf32>
    %reduce_max3A_1026 = arith.constant dense<0xFF800000> : vector<8xf32>
    %reduce_max3A_1027 = vector.multi_reduction <maximumf>, %select_n3A_1025, %reduce_max3A_1026 [1] : vector<8x128xf32> to vector<8xf32>
    %broadcast_in_dim3A_1028 = vector.shape_cast %reduce_max3A_1027 : vector<8xf32> to vector<8x1xf32>
    %eq3A_1029 = vector.broadcast %broadcast_in_dim3A_1028 : vector<8x1xf32> to vector<8x128xf32>
    %eq3A_1030 = arith.cmpf oeq, %select_n3A_1025, %eq3A_1029 : vector<8x128xf32>
    %jit3A_1031 = arith.constant 1073741824 : i32
    %broadcast_in_dim3A_1032 = vector.broadcast %jit3A_1031 : i32 to vector<8x128xi32>
    %select_n3A_1033 = arith.select %eq3A_1030, %get3A_292, %broadcast_in_dim3A_1032 : vector<8x128xi1>, vector<8x128xi32>
    %reduce_min3A_1034 = arith.constant dense<2147483647> : vector<8xi32>
    %reduce_min3A_1035 = vector.multi_reduction <minsi>, %select_n3A_1033, %reduce_min3A_1034 [1] : vector<8x128xi32> to vector<8xi32>
    %broadcast_in_dim3A_1036 = vector.shape_cast %reduce_min3A_1035 : vector<8xi32> to vector<8x1xi32>
    %eq3A_1037 = vector.broadcast %broadcast_in_dim3A_1036 : vector<8x1xi32> to vector<8x128xi32>
    %eq3A_1038 = arith.cmpi eq, %get3A_292, %eq3A_1037 : vector<8x128xi32>
    %jit3A_1039 = arith.constant -1.000000e+00 : f32
    %broadcast_in_dim3A_1040 = vector.broadcast %jit3A_1039 : f32 to vector<8x128xf32>
    %select_n3A_1041 = arith.select %eq3A_1038, %broadcast_in_dim3A_1040, %select_n3A_1025 : vector<8x128xi1>, vector<8x128xf32>
    %reduce_max3A_1042 = arith.constant dense<0xFF800000> : vector<8xf32>
    %reduce_max3A_1043 = vector.multi_reduction <maximumf>, %select_n3A_1041, %reduce_max3A_1042 [1] : vector<8x128xf32> to vector<8xf32>
    %broadcast_in_dim3A_1044 = vector.shape_cast %reduce_max3A_1043 : vector<8xf32> to vector<8x1xf32>
    %eq3A_1045 = vector.broadcast %broadcast_in_dim3A_1044 : vector<8x1xf32> to vector<8x128xf32>
    %eq3A_1046 = arith.cmpf oeq, %select_n3A_1041, %eq3A_1045 : vector<8x128xf32>
    %jit3A_1047 = arith.constant 1073741824 : i32
    %broadcast_in_dim3A_1048 = vector.broadcast %jit3A_1047 : i32 to vector<8x128xi32>
    %select_n3A_1049 = arith.select %eq3A_1046, %get3A_292, %broadcast_in_dim3A_1048 : vector<8x128xi1>, vector<8x128xi32>
    %reduce_min3A_1050 = arith.constant dense<2147483647> : vector<8xi32>
    %reduce_min3A_1051 = vector.multi_reduction <minsi>, %select_n3A_1049, %reduce_min3A_1050 [1] : vector<8x128xi32> to vector<8xi32>
    %broadcast_in_dim3A_1052 = vector.shape_cast %reduce_min3A_1051 : vector<8xi32> to vector<8x1xi32>
    %eq3A_1053 = vector.broadcast %broadcast_in_dim3A_1052 : vector<8x1xi32> to vector<8x128xi32>
    %eq3A_1054 = arith.cmpi eq, %get3A_292, %eq3A_1053 : vector<8x128xi32>
    %jit3A_1055 = arith.constant -1.000000e+00 : f32
    %broadcast_in_dim3A_1056 = vector.broadcast %jit3A_1055 : f32 to vector<8x128xf32>
    %select_n3A_1057 = arith.select %eq3A_1054, %broadcast_in_dim3A_1056, %select_n3A_1041 : vector<8x128xi1>, vector<8x128xf32>
    %reduce_max3A_1058 = arith.constant dense<0xFF800000> : vector<8xf32>
    %reduce_max3A_1059 = vector.multi_reduction <maximumf>, %select_n3A_1057, %reduce_max3A_1058 [1] : vector<8x128xf32> to vector<8xf32>
    %broadcast_in_dim3A_1060 = vector.shape_cast %reduce_max3A_1059 : vector<8xf32> to vector<8x1xf32>
    %eq3A_1061 = vector.broadcast %broadcast_in_dim3A_1060 : vector<8x1xf32> to vector<8x128xf32>
    %eq3A_1062 = arith.cmpf oeq, %select_n3A_1057, %eq3A_1061 : vector<8x128xf32>
    %jit3A_1063 = arith.constant 1073741824 : i32
    %broadcast_in_dim3A_1064 = vector.broadcast %jit3A_1063 : i32 to vector<8x128xi32>
    %select_n3A_1065 = arith.select %eq3A_1062, %get3A_292, %broadcast_in_dim3A_1064 : vector<8x128xi1>, vector<8x128xi32>
    %reduce_min3A_1066 = arith.constant dense<2147483647> : vector<8xi32>
    %reduce_min3A_1067 = vector.multi_reduction <minsi>, %select_n3A_1065, %reduce_min3A_1066 [1] : vector<8x128xi32> to vector<8xi32>
    %broadcast_in_dim3A_1068 = vector.shape_cast %reduce_min3A_1067 : vector<8xi32> to vector<8x1xi32>
    %eq3A_1069 = vector.broadcast %broadcast_in_dim3A_1068 : vector<8x1xi32> to vector<8x128xi32>
    %eq3A_1070 = arith.cmpi eq, %get3A_292, %eq3A_1069 : vector<8x128xi32>
    %jit3A_1071 = arith.constant -1.000000e+00 : f32
    %broadcast_in_dim3A_1072 = vector.broadcast %jit3A_1071 : f32 to vector<8x128xf32>
    %select_n3A_1073 = arith.select %eq3A_1070, %broadcast_in_dim3A_1072, %select_n3A_1057 : vector<8x128xi1>, vector<8x128xf32>
    %reduce_max3A_1074 = arith.constant dense<0xFF800000> : vector<8xf32>
    %reduce_max3A_1075 = vector.multi_reduction <maximumf>, %select_n3A_1073, %reduce_max3A_1074 [1] : vector<8x128xf32> to vector<8xf32>
    %broadcast_in_dim3A_1076 = vector.shape_cast %reduce_max3A_1075 : vector<8xf32> to vector<8x1xf32>
    %eq3A_1077 = vector.broadcast %broadcast_in_dim3A_1076 : vector<8x1xf32> to vector<8x128xf32>
    %eq3A_1078 = arith.cmpf oeq, %select_n3A_1073, %eq3A_1077 : vector<8x128xf32>
    %jit3A_1079 = arith.constant 1073741824 : i32
    %broadcast_in_dim3A_1080 = vector.broadcast %jit3A_1079 : i32 to vector<8x128xi32>
    %select_n3A_1081 = arith.select %eq3A_1078, %get3A_292, %broadcast_in_dim3A_1080 : vector<8x128xi1>, vector<8x128xi32>
    %reduce_min3A_1082 = arith.constant dense<2147483647> : vector<8xi32>
    %reduce_min3A_1083 = vector.multi_reduction <minsi>, %select_n3A_1081, %reduce_min3A_1082 [1] : vector<8x128xi32> to vector<8xi32>
    %broadcast_in_dim3A_1084 = vector.shape_cast %reduce_min3A_1083 : vector<8xi32> to vector<8x1xi32>
    %eq3A_1085 = vector.broadcast %broadcast_in_dim3A_1084 : vector<8x1xi32> to vector<8x128xi32>
    %eq3A_1086 = arith.cmpi eq, %get3A_292, %eq3A_1085 : vector<8x128xi32>
    %jit3A_1087 = arith.constant -1.000000e+00 : f32
    %broadcast_in_dim3A_1088 = vector.broadcast %jit3A_1087 : f32 to vector<8x128xf32>
    %select_n3A_1089 = arith.select %eq3A_1086, %broadcast_in_dim3A_1088, %select_n3A_1073 : vector<8x128xi1>, vector<8x128xf32>
    %reduce_max3A_1090 = arith.constant dense<0xFF800000> : vector<8xf32>
    %reduce_max3A_1091 = vector.multi_reduction <maximumf>, %select_n3A_1089, %reduce_max3A_1090 [1] : vector<8x128xf32> to vector<8xf32>
    %broadcast_in_dim3A_1092 = vector.shape_cast %reduce_max3A_1091 : vector<8xf32> to vector<8x1xf32>
    %eq3A_1093 = vector.broadcast %broadcast_in_dim3A_1092 : vector<8x1xf32> to vector<8x128xf32>
    %eq3A_1094 = arith.cmpf oeq, %select_n3A_1089, %eq3A_1093 : vector<8x128xf32>
    %jit3A_1095 = arith.constant 1073741824 : i32
    %broadcast_in_dim3A_1096 = vector.broadcast %jit3A_1095 : i32 to vector<8x128xi32>
    %select_n3A_1097 = arith.select %eq3A_1094, %get3A_292, %broadcast_in_dim3A_1096 : vector<8x128xi1>, vector<8x128xi32>
    %reduce_min3A_1098 = arith.constant dense<2147483647> : vector<8xi32>
    %reduce_min3A_1099 = vector.multi_reduction <minsi>, %select_n3A_1097, %reduce_min3A_1098 [1] : vector<8x128xi32> to vector<8xi32>
    %broadcast_in_dim3A_1100 = vector.shape_cast %reduce_min3A_1099 : vector<8xi32> to vector<8x1xi32>
    %eq3A_1101 = vector.broadcast %broadcast_in_dim3A_1100 : vector<8x1xi32> to vector<8x128xi32>
    %eq3A_1102 = arith.cmpi eq, %get3A_292, %eq3A_1101 : vector<8x128xi32>
    %jit3A_1103 = arith.constant -1.000000e+00 : f32
    %broadcast_in_dim3A_1104 = vector.broadcast %jit3A_1103 : f32 to vector<8x128xf32>
    %select_n3A_1105 = arith.select %eq3A_1102, %broadcast_in_dim3A_1104, %select_n3A_1089 : vector<8x128xi1>, vector<8x128xf32>
    %reduce_max3A_1106 = arith.constant dense<0xFF800000> : vector<8xf32>
    %reduce_max3A_1107 = vector.multi_reduction <maximumf>, %select_n3A_1105, %reduce_max3A_1106 [1] : vector<8x128xf32> to vector<8xf32>
    %broadcast_in_dim3A_1108 = vector.shape_cast %reduce_max3A_1107 : vector<8xf32> to vector<8x1xf32>
    %eq3A_1109 = vector.broadcast %broadcast_in_dim3A_1108 : vector<8x1xf32> to vector<8x128xf32>
    %eq3A_1110 = arith.cmpf oeq, %select_n3A_1105, %eq3A_1109 : vector<8x128xf32>
    %jit3A_1111 = arith.constant 1073741824 : i32
    %broadcast_in_dim3A_1112 = vector.broadcast %jit3A_1111 : i32 to vector<8x128xi32>
    %select_n3A_1113 = arith.select %eq3A_1110, %get3A_292, %broadcast_in_dim3A_1112 : vector<8x128xi1>, vector<8x128xi32>
    %reduce_min3A_1114 = arith.constant dense<2147483647> : vector<8xi32>
    %reduce_min3A_1115 = vector.multi_reduction <minsi>, %select_n3A_1113, %reduce_min3A_1114 [1] : vector<8x128xi32> to vector<8xi32>
    %broadcast_in_dim3A_1116 = vector.shape_cast %reduce_min3A_1115 : vector<8xi32> to vector<8x1xi32>
    %eq3A_1117 = vector.broadcast %broadcast_in_dim3A_1116 : vector<8x1xi32> to vector<8x128xi32>
    %eq3A_1118 = arith.cmpi eq, %get3A_292, %eq3A_1117 : vector<8x128xi32>
    %jit3A_1119 = arith.constant -1.000000e+00 : f32
    %broadcast_in_dim3A_1120 = vector.broadcast %jit3A_1119 : f32 to vector<8x128xf32>
    %select_n3A_1121 = arith.select %eq3A_1118, %broadcast_in_dim3A_1120, %select_n3A_1105 : vector<8x128xi1>, vector<8x128xf32>
    %reduce_max3A_1122 = arith.constant dense<0xFF800000> : vector<8xf32>
    %reduce_max3A_1123 = vector.multi_reduction <maximumf>, %select_n3A_1121, %reduce_max3A_1122 [1] : vector<8x128xf32> to vector<8xf32>
    %broadcast_in_dim3A_1124 = vector.shape_cast %reduce_max3A_1123 : vector<8xf32> to vector<8x1xf32>
    %eq3A_1125 = vector.broadcast %broadcast_in_dim3A_1124 : vector<8x1xf32> to vector<8x128xf32>
    %eq3A_1126 = arith.cmpf oeq, %select_n3A_1121, %eq3A_1125 : vector<8x128xf32>
    %jit3A_1127 = arith.constant 1073741824 : i32
    %broadcast_in_dim3A_1128 = vector.broadcast %jit3A_1127 : i32 to vector<8x128xi32>
    %select_n3A_1129 = arith.select %eq3A_1126, %get3A_292, %broadcast_in_dim3A_1128 : vector<8x128xi1>, vector<8x128xi32>
    %reduce_min3A_1130 = arith.constant dense<2147483647> : vector<8xi32>
    %reduce_min3A_1131 = vector.multi_reduction <minsi>, %select_n3A_1129, %reduce_min3A_1130 [1] : vector<8x128xi32> to vector<8xi32>
    %broadcast_in_dim3A_1132 = vector.shape_cast %reduce_min3A_1131 : vector<8xi32> to vector<8x1xi32>
    %eq3A_1133 = vector.broadcast %broadcast_in_dim3A_1132 : vector<8x1xi32> to vector<8x128xi32>
    %eq3A_1134 = arith.cmpi eq, %get3A_292, %eq3A_1133 : vector<8x128xi32>
    %jit3A_1135 = arith.constant -1.000000e+00 : f32
    %broadcast_in_dim3A_1136 = vector.broadcast %jit3A_1135 : f32 to vector<8x128xf32>
    %select_n3A_1137 = arith.select %eq3A_1134, %broadcast_in_dim3A_1136, %select_n3A_1121 : vector<8x128xi1>, vector<8x128xf32>
    %reduce_max3A_1138 = arith.constant dense<0xFF800000> : vector<8xf32>
    %reduce_max3A_1139 = vector.multi_reduction <maximumf>, %select_n3A_1137, %reduce_max3A_1138 [1] : vector<8x128xf32> to vector<8xf32>
    %broadcast_in_dim3A_1140 = vector.shape_cast %reduce_max3A_1139 : vector<8xf32> to vector<8x1xf32>
    %eq3A_1141 = vector.broadcast %broadcast_in_dim3A_1140 : vector<8x1xf32> to vector<8x128xf32>
    %eq3A_1142 = arith.cmpf oeq, %select_n3A_1137, %eq3A_1141 : vector<8x128xf32>
    %jit3A_1143 = arith.constant 1073741824 : i32
    %broadcast_in_dim3A_1144 = vector.broadcast %jit3A_1143 : i32 to vector<8x128xi32>
    %select_n3A_1145 = arith.select %eq3A_1142, %get3A_292, %broadcast_in_dim3A_1144 : vector<8x128xi1>, vector<8x128xi32>
    %reduce_min3A_1146 = arith.constant dense<2147483647> : vector<8xi32>
    %reduce_min3A_1147 = vector.multi_reduction <minsi>, %select_n3A_1145, %reduce_min3A_1146 [1] : vector<8x128xi32> to vector<8xi32>
    %broadcast_in_dim3A_1148 = vector.shape_cast %reduce_min3A_1147 : vector<8xi32> to vector<8x1xi32>
    %eq3A_1149 = vector.broadcast %broadcast_in_dim3A_1148 : vector<8x1xi32> to vector<8x128xi32>
    %eq3A_1150 = arith.cmpi eq, %get3A_292, %eq3A_1149 : vector<8x128xi32>
    %jit3A_1151 = arith.constant -1.000000e+00 : f32
    %broadcast_in_dim3A_1152 = vector.broadcast %jit3A_1151 : f32 to vector<8x128xf32>
    %select_n3A_1153 = arith.select %eq3A_1150, %broadcast_in_dim3A_1152, %select_n3A_1137 : vector<8x128xi1>, vector<8x128xf32>
    %reduce_max3A_1154 = arith.constant dense<0xFF800000> : vector<8xf32>
    %reduce_max3A_1155 = vector.multi_reduction <maximumf>, %select_n3A_1153, %reduce_max3A_1154 [1] : vector<8x128xf32> to vector<8xf32>
    %broadcast_in_dim3A_1156 = vector.shape_cast %reduce_max3A_1155 : vector<8xf32> to vector<8x1xf32>
    %eq3A_1157 = vector.broadcast %broadcast_in_dim3A_1156 : vector<8x1xf32> to vector<8x128xf32>
    %eq3A_1158 = arith.cmpf oeq, %select_n3A_1153, %eq3A_1157 : vector<8x128xf32>
    %jit3A_1159 = arith.constant 1073741824 : i32
    %broadcast_in_dim3A_1160 = vector.broadcast %jit3A_1159 : i32 to vector<8x128xi32>
    %select_n3A_1161 = arith.select %eq3A_1158, %get3A_292, %broadcast_in_dim3A_1160 : vector<8x128xi1>, vector<8x128xi32>
    %reduce_min3A_1162 = arith.constant dense<2147483647> : vector<8xi32>
    %reduce_min3A_1163 = vector.multi_reduction <minsi>, %select_n3A_1161, %reduce_min3A_1162 [1] : vector<8x128xi32> to vector<8xi32>
    %broadcast_in_dim3A_1164 = vector.shape_cast %reduce_min3A_1163 : vector<8xi32> to vector<8x1xi32>
    %eq3A_1165 = vector.broadcast %broadcast_in_dim3A_1164 : vector<8x1xi32> to vector<8x128xi32>
    %eq3A_1166 = arith.cmpi eq, %get3A_292, %eq3A_1165 : vector<8x128xi32>
    %jit3A_1167 = arith.constant -1.000000e+00 : f32
    %broadcast_in_dim3A_1168 = vector.broadcast %jit3A_1167 : f32 to vector<8x128xf32>
    %select_n3A_1169 = arith.select %eq3A_1166, %broadcast_in_dim3A_1168, %select_n3A_1153 : vector<8x128xi1>, vector<8x128xf32>
    %reduce_max3A_1170 = arith.constant dense<0xFF800000> : vector<8xf32>
    %reduce_max3A_1171 = vector.multi_reduction <maximumf>, %select_n3A_1169, %reduce_max3A_1170 [1] : vector<8x128xf32> to vector<8xf32>
    %broadcast_in_dim3A_1172 = vector.shape_cast %reduce_max3A_1171 : vector<8xf32> to vector<8x1xf32>
    %eq3A_1173 = vector.broadcast %broadcast_in_dim3A_1172 : vector<8x1xf32> to vector<8x128xf32>
    %eq3A_1174 = arith.cmpf oeq, %select_n3A_1169, %eq3A_1173 : vector<8x128xf32>
    %jit3A_1175 = arith.constant 1073741824 : i32
    %broadcast_in_dim3A_1176 = vector.broadcast %jit3A_1175 : i32 to vector<8x128xi32>
    %select_n3A_1177 = arith.select %eq3A_1174, %get3A_292, %broadcast_in_dim3A_1176 : vector<8x128xi1>, vector<8x128xi32>
    %reduce_min3A_1178 = arith.constant dense<2147483647> : vector<8xi32>
    %reduce_min3A_1179 = vector.multi_reduction <minsi>, %select_n3A_1177, %reduce_min3A_1178 [1] : vector<8x128xi32> to vector<8xi32>
    %broadcast_in_dim3A_1180 = vector.shape_cast %reduce_min3A_1179 : vector<8xi32> to vector<8x1xi32>
    %eq3A_1181 = vector.broadcast %broadcast_in_dim3A_1180 : vector<8x1xi32> to vector<8x128xi32>
    %eq3A_1182 = arith.cmpi eq, %get3A_292, %eq3A_1181 : vector<8x128xi32>
    %jit3A_1183 = arith.constant -1.000000e+00 : f32
    %broadcast_in_dim3A_1184 = vector.broadcast %jit3A_1183 : f32 to vector<8x128xf32>
    %select_n3A_1185 = arith.select %eq3A_1182, %broadcast_in_dim3A_1184, %select_n3A_1169 : vector<8x128xi1>, vector<8x128xf32>
    %reduce_max3A_1186 = arith.constant dense<0xFF800000> : vector<8xf32>
    %reduce_max3A_1187 = vector.multi_reduction <maximumf>, %select_n3A_1185, %reduce_max3A_1186 [1] : vector<8x128xf32> to vector<8xf32>
    %broadcast_in_dim3A_1188 = vector.shape_cast %reduce_max3A_1187 : vector<8xf32> to vector<8x1xf32>
    %eq3A_1189 = vector.broadcast %broadcast_in_dim3A_1188 : vector<8x1xf32> to vector<8x128xf32>
    %eq3A_1190 = arith.cmpf oeq, %select_n3A_1185, %eq3A_1189 : vector<8x128xf32>
    %jit3A_1191 = arith.constant 1073741824 : i32
    %broadcast_in_dim3A_1192 = vector.broadcast %jit3A_1191 : i32 to vector<8x128xi32>
    %select_n3A_1193 = arith.select %eq3A_1190, %get3A_292, %broadcast_in_dim3A_1192 : vector<8x128xi1>, vector<8x128xi32>
    %reduce_min3A_1194 = arith.constant dense<2147483647> : vector<8xi32>
    %reduce_min3A_1195 = vector.multi_reduction <minsi>, %select_n3A_1193, %reduce_min3A_1194 [1] : vector<8x128xi32> to vector<8xi32>
    %broadcast_in_dim3A_1196 = vector.shape_cast %reduce_min3A_1195 : vector<8xi32> to vector<8x1xi32>
    %eq3A_1197 = vector.broadcast %broadcast_in_dim3A_1196 : vector<8x1xi32> to vector<8x128xi32>
    %eq3A_1198 = arith.cmpi eq, %get3A_292, %eq3A_1197 : vector<8x128xi32>
    %jit3A_1199 = arith.constant -1.000000e+00 : f32
    %broadcast_in_dim3A_1200 = vector.broadcast %jit3A_1199 : f32 to vector<8x128xf32>
    %select_n3A_1201 = arith.select %eq3A_1198, %broadcast_in_dim3A_1200, %select_n3A_1185 : vector<8x128xi1>, vector<8x128xf32>
    %reduce_max3A_1202 = arith.constant dense<0xFF800000> : vector<8xf32>
    %reduce_max3A_1203 = vector.multi_reduction <maximumf>, %select_n3A_1201, %reduce_max3A_1202 [1] : vector<8x128xf32> to vector<8xf32>
    %broadcast_in_dim3A_1204 = vector.shape_cast %reduce_max3A_1203 : vector<8xf32> to vector<8x1xf32>
    %eq3A_1205 = vector.broadcast %broadcast_in_dim3A_1204 : vector<8x1xf32> to vector<8x128xf32>
    %eq3A_1206 = arith.cmpf oeq, %select_n3A_1201, %eq3A_1205 : vector<8x128xf32>
    %jit3A_1207 = arith.constant 1073741824 : i32
    %broadcast_in_dim3A_1208 = vector.broadcast %jit3A_1207 : i32 to vector<8x128xi32>
    %select_n3A_1209 = arith.select %eq3A_1206, %get3A_292, %broadcast_in_dim3A_1208 : vector<8x128xi1>, vector<8x128xi32>
    %reduce_min3A_1210 = arith.constant dense<2147483647> : vector<8xi32>
    %reduce_min3A_1211 = vector.multi_reduction <minsi>, %select_n3A_1209, %reduce_min3A_1210 [1] : vector<8x128xi32> to vector<8xi32>
    %broadcast_in_dim3A_1212 = vector.shape_cast %reduce_min3A_1211 : vector<8xi32> to vector<8x1xi32>
    %eq3A_1213 = vector.broadcast %broadcast_in_dim3A_1212 : vector<8x1xi32> to vector<8x128xi32>
    %eq3A_1214 = arith.cmpi eq, %get3A_292, %eq3A_1213 : vector<8x128xi32>
    %jit3A_1215 = arith.constant -1.000000e+00 : f32
    %broadcast_in_dim3A_1216 = vector.broadcast %jit3A_1215 : f32 to vector<8x128xf32>
    %select_n3A_1217 = arith.select %eq3A_1214, %broadcast_in_dim3A_1216, %select_n3A_1201 : vector<8x128xi1>, vector<8x128xf32>
    %reduce_max3A_1218 = arith.constant dense<0xFF800000> : vector<8xf32>
    %reduce_max3A_1219 = vector.multi_reduction <maximumf>, %select_n3A_1217, %reduce_max3A_1218 [1] : vector<8x128xf32> to vector<8xf32>
    %broadcast_in_dim3A_1220 = vector.shape_cast %reduce_max3A_1219 : vector<8xf32> to vector<8x1xf32>
    %eq3A_1221 = vector.broadcast %broadcast_in_dim3A_1220 : vector<8x1xf32> to vector<8x128xf32>
    %eq3A_1222 = arith.cmpf oeq, %select_n3A_1217, %eq3A_1221 : vector<8x128xf32>
    %jit3A_1223 = arith.constant 1073741824 : i32
    %broadcast_in_dim3A_1224 = vector.broadcast %jit3A_1223 : i32 to vector<8x128xi32>
    %select_n3A_1225 = arith.select %eq3A_1222, %get3A_292, %broadcast_in_dim3A_1224 : vector<8x128xi1>, vector<8x128xi32>
    %reduce_min3A_1226 = arith.constant dense<2147483647> : vector<8xi32>
    %reduce_min3A_1227 = vector.multi_reduction <minsi>, %select_n3A_1225, %reduce_min3A_1226 [1] : vector<8x128xi32> to vector<8xi32>
    %broadcast_in_dim3A_1228 = vector.shape_cast %reduce_min3A_1227 : vector<8xi32> to vector<8x1xi32>
    %eq3A_1229 = vector.broadcast %broadcast_in_dim3A_1228 : vector<8x1xi32> to vector<8x128xi32>
    %eq3A_1230 = arith.cmpi eq, %get3A_292, %eq3A_1229 : vector<8x128xi32>
    %jit3A_1231 = arith.constant -1.000000e+00 : f32
    %broadcast_in_dim3A_1232 = vector.broadcast %jit3A_1231 : f32 to vector<8x128xf32>
    %select_n3A_1233 = arith.select %eq3A_1230, %broadcast_in_dim3A_1232, %select_n3A_1217 : vector<8x128xi1>, vector<8x128xf32>
    %reduce_max3A_1234 = arith.constant dense<0xFF800000> : vector<8xf32>
    %reduce_max3A_1235 = vector.multi_reduction <maximumf>, %select_n3A_1233, %reduce_max3A_1234 [1] : vector<8x128xf32> to vector<8xf32>
    %broadcast_in_dim3A_1236 = vector.shape_cast %reduce_max3A_1235 : vector<8xf32> to vector<8x1xf32>
    %eq3A_1237 = vector.broadcast %broadcast_in_dim3A_1236 : vector<8x1xf32> to vector<8x128xf32>
    %eq3A_1238 = arith.cmpf oeq, %select_n3A_1233, %eq3A_1237 : vector<8x128xf32>
    %jit3A_1239 = arith.constant 1073741824 : i32
    %broadcast_in_dim3A_1240 = vector.broadcast %jit3A_1239 : i32 to vector<8x128xi32>
    %select_n3A_1241 = arith.select %eq3A_1238, %get3A_292, %broadcast_in_dim3A_1240 : vector<8x128xi1>, vector<8x128xi32>
    %reduce_min3A_1242 = arith.constant dense<2147483647> : vector<8xi32>
    %reduce_min3A_1243 = vector.multi_reduction <minsi>, %select_n3A_1241, %reduce_min3A_1242 [1] : vector<8x128xi32> to vector<8xi32>
    %broadcast_in_dim3A_1244 = vector.shape_cast %reduce_min3A_1243 : vector<8xi32> to vector<8x1xi32>
    %eq3A_1245 = vector.broadcast %broadcast_in_dim3A_1244 : vector<8x1xi32> to vector<8x128xi32>
    %eq3A_1246 = arith.cmpi eq, %get3A_292, %eq3A_1245 : vector<8x128xi32>
    %jit3A_1247 = arith.constant -1.000000e+00 : f32
    %broadcast_in_dim3A_1248 = vector.broadcast %jit3A_1247 : f32 to vector<8x128xf32>
    %select_n3A_1249 = arith.select %eq3A_1246, %broadcast_in_dim3A_1248, %select_n3A_1233 : vector<8x128xi1>, vector<8x128xf32>
    %reduce_max3A_1250 = arith.constant dense<0xFF800000> : vector<8xf32>
    %reduce_max3A_1251 = vector.multi_reduction <maximumf>, %select_n3A_1249, %reduce_max3A_1250 [1] : vector<8x128xf32> to vector<8xf32>
    %broadcast_in_dim3A_1252 = vector.shape_cast %reduce_max3A_1251 : vector<8xf32> to vector<8x1xf32>
    %eq3A_1253 = vector.broadcast %broadcast_in_dim3A_1252 : vector<8x1xf32> to vector<8x128xf32>
    %eq3A_1254 = arith.cmpf oeq, %select_n3A_1249, %eq3A_1253 : vector<8x128xf32>
    %jit3A_1255 = arith.constant 1073741824 : i32
    %broadcast_in_dim3A_1256 = vector.broadcast %jit3A_1255 : i32 to vector<8x128xi32>
    %select_n3A_1257 = arith.select %eq3A_1254, %get3A_292, %broadcast_in_dim3A_1256 : vector<8x128xi1>, vector<8x128xi32>
    %reduce_min3A_1258 = arith.constant dense<2147483647> : vector<8xi32>
    %reduce_min3A_1259 = vector.multi_reduction <minsi>, %select_n3A_1257, %reduce_min3A_1258 [1] : vector<8x128xi32> to vector<8xi32>
    %broadcast_in_dim3A_1260 = vector.shape_cast %reduce_min3A_1259 : vector<8xi32> to vector<8x1xi32>
    %eq3A_1261 = vector.broadcast %broadcast_in_dim3A_1260 : vector<8x1xi32> to vector<8x128xi32>
    %eq3A_1262 = arith.cmpi eq, %get3A_292, %eq3A_1261 : vector<8x128xi32>
    %jit3A_1263 = arith.constant -1.000000e+00 : f32
    %broadcast_in_dim3A_1264 = vector.broadcast %jit3A_1263 : f32 to vector<8x128xf32>
    %select_n3A_1265 = arith.select %eq3A_1262, %broadcast_in_dim3A_1264, %select_n3A_1249 : vector<8x128xi1>, vector<8x128xf32>
    %reduce_max3A_1266 = arith.constant dense<0xFF800000> : vector<8xf32>
    %reduce_max3A_1267 = vector.multi_reduction <maximumf>, %select_n3A_1265, %reduce_max3A_1266 [1] : vector<8x128xf32> to vector<8xf32>
    %broadcast_in_dim3A_1268 = vector.shape_cast %reduce_max3A_1267 : vector<8xf32> to vector<8x1xf32>
    %eq3A_1269 = vector.broadcast %broadcast_in_dim3A_1268 : vector<8x1xf32> to vector<8x128xf32>
    %eq3A_1270 = arith.cmpf oeq, %select_n3A_1265, %eq3A_1269 : vector<8x128xf32>
    %jit3A_1271 = arith.constant 1073741824 : i32
    %broadcast_in_dim3A_1272 = vector.broadcast %jit3A_1271 : i32 to vector<8x128xi32>
    %select_n3A_1273 = arith.select %eq3A_1270, %get3A_292, %broadcast_in_dim3A_1272 : vector<8x128xi1>, vector<8x128xi32>
    %reduce_min3A_1274 = arith.constant dense<2147483647> : vector<8xi32>
    %reduce_min3A_1275 = vector.multi_reduction <minsi>, %select_n3A_1273, %reduce_min3A_1274 [1] : vector<8x128xi32> to vector<8xi32>
    %broadcast_in_dim3A_1276 = vector.shape_cast %reduce_min3A_1275 : vector<8xi32> to vector<8x1xi32>
    %eq3A_1277 = vector.broadcast %broadcast_in_dim3A_1276 : vector<8x1xi32> to vector<8x128xi32>
    %eq3A_1278 = arith.cmpi eq, %get3A_292, %eq3A_1277 : vector<8x128xi32>
    %jit3A_1279 = arith.constant -1.000000e+00 : f32
    %broadcast_in_dim3A_1280 = vector.broadcast %jit3A_1279 : f32 to vector<8x128xf32>
    %select_n3A_1281 = arith.select %eq3A_1278, %broadcast_in_dim3A_1280, %select_n3A_1265 : vector<8x128xi1>, vector<8x128xf32>
    %reduce_max3A_1282 = arith.constant dense<0xFF800000> : vector<8xf32>
    %reduce_max3A_1283 = vector.multi_reduction <maximumf>, %select_n3A_1281, %reduce_max3A_1282 [1] : vector<8x128xf32> to vector<8xf32>
    %broadcast_in_dim3A_1284 = vector.shape_cast %reduce_max3A_1283 : vector<8xf32> to vector<8x1xf32>
    %eq3A_1285 = vector.broadcast %broadcast_in_dim3A_1284 : vector<8x1xf32> to vector<8x128xf32>
    %eq3A_1286 = arith.cmpf oeq, %select_n3A_1281, %eq3A_1285 : vector<8x128xf32>
    %jit3A_1287 = arith.constant 1073741824 : i32
    %broadcast_in_dim3A_1288 = vector.broadcast %jit3A_1287 : i32 to vector<8x128xi32>
    %select_n3A_1289 = arith.select %eq3A_1286, %get3A_292, %broadcast_in_dim3A_1288 : vector<8x128xi1>, vector<8x128xi32>
    %reduce_min3A_1290 = arith.constant dense<2147483647> : vector<8xi32>
    %reduce_min3A_1291 = vector.multi_reduction <minsi>, %select_n3A_1289, %reduce_min3A_1290 [1] : vector<8x128xi32> to vector<8xi32>
    %broadcast_in_dim3A_1292 = vector.shape_cast %reduce_min3A_1291 : vector<8xi32> to vector<8x1xi32>
    %eq3A_1293 = vector.broadcast %broadcast_in_dim3A_1292 : vector<8x1xi32> to vector<8x128xi32>
    %eq3A_1294 = arith.cmpi eq, %get3A_292, %eq3A_1293 : vector<8x128xi32>
    %jit3A_1295 = arith.constant -1.000000e+00 : f32
    %broadcast_in_dim3A_1296 = vector.broadcast %jit3A_1295 : f32 to vector<8x128xf32>
    %select_n3A_1297 = arith.select %eq3A_1294, %broadcast_in_dim3A_1296, %select_n3A_1281 : vector<8x128xi1>, vector<8x128xf32>
    %reduce_max3A_1298 = arith.constant dense<0xFF800000> : vector<8xf32>
    %reduce_max3A_1299 = vector.multi_reduction <maximumf>, %select_n3A_1297, %reduce_max3A_1298 [1] : vector<8x128xf32> to vector<8xf32>
    %broadcast_in_dim3A_1300 = vector.shape_cast %reduce_max3A_1299 : vector<8xf32> to vector<8x1xf32>
    %eq3A_1301 = vector.broadcast %broadcast_in_dim3A_1300 : vector<8x1xf32> to vector<8x128xf32>
    %eq3A_1302 = arith.cmpf oeq, %select_n3A_1297, %eq3A_1301 : vector<8x128xf32>
    %jit3A_1303 = arith.constant 1073741824 : i32
    %broadcast_in_dim3A_1304 = vector.broadcast %jit3A_1303 : i32 to vector<8x128xi32>
    %select_n3A_1305 = arith.select %eq3A_1302, %get3A_292, %broadcast_in_dim3A_1304 : vector<8x128xi1>, vector<8x128xi32>
    %reduce_min3A_1306 = arith.constant dense<2147483647> : vector<8xi32>
    %reduce_min3A_1307 = vector.multi_reduction <minsi>, %select_n3A_1305, %reduce_min3A_1306 [1] : vector<8x128xi32> to vector<8xi32>
    %broadcast_in_dim3A_1308 = vector.shape_cast %reduce_min3A_1307 : vector<8xi32> to vector<8x1xi32>
    %concatenate3A_1309 = tpu.concatenate %broadcast_in_dim3A_300, %broadcast_in_dim3A_316, %broadcast_in_dim3A_332, %broadcast_in_dim3A_348, %broadcast_in_dim3A_364, %broadcast_in_dim3A_380, %broadcast_in_dim3A_396, %broadcast_in_dim3A_412, %broadcast_in_dim3A_428, %broadcast_in_dim3A_444, %broadcast_in_dim3A_460, %broadcast_in_dim3A_476, %broadcast_in_dim3A_492, %broadcast_in_dim3A_508, %broadcast_in_dim3A_524, %broadcast_in_dim3A_540, %broadcast_in_dim3A_556, %broadcast_in_dim3A_572, %broadcast_in_dim3A_588, %broadcast_in_dim3A_604, %broadcast_in_dim3A_620, %broadcast_in_dim3A_636, %broadcast_in_dim3A_652, %broadcast_in_dim3A_668, %broadcast_in_dim3A_684, %broadcast_in_dim3A_700, %broadcast_in_dim3A_716, %broadcast_in_dim3A_732, %broadcast_in_dim3A_748, %broadcast_in_dim3A_764, %broadcast_in_dim3A_780, %broadcast_in_dim3A_796, %broadcast_in_dim3A_812, %broadcast_in_dim3A_828, %broadcast_in_dim3A_844, %broadcast_in_dim3A_860, %broadcast_in_dim3A_876, %broadcast_in_dim3A_892, %broadcast_in_dim3A_908, %broadcast_in_dim3A_924, %broadcast_in_dim3A_940, %broadcast_in_dim3A_956, %broadcast_in_dim3A_972, %broadcast_in_dim3A_988, %broadcast_in_dim3A_1004, %broadcast_in_dim3A_1020, %broadcast_in_dim3A_1036, %broadcast_in_dim3A_1052, %broadcast_in_dim3A_1068, %broadcast_in_dim3A_1084, %broadcast_in_dim3A_1100, %broadcast_in_dim3A_1116, %broadcast_in_dim3A_1132, %broadcast_in_dim3A_1148, %broadcast_in_dim3A_1164, %broadcast_in_dim3A_1180, %broadcast_in_dim3A_1196, %broadcast_in_dim3A_1212, %broadcast_in_dim3A_1228, %broadcast_in_dim3A_1244, %broadcast_in_dim3A_1260, %broadcast_in_dim3A_1276, %broadcast_in_dim3A_1292, %broadcast_in_dim3A_1308 in 1 : vector<8x1xi32>, vector<8x1xi32>, vector<8x1xi32>, vector<8x1xi32>, vector<8x1xi32>, vector<8x1xi32>, vector<8x1xi32>, vector<8x1xi32>, vector<8x1xi32>, vector<8x1xi32>, vector<8x1xi32>, vector<8x1xi32>, vector<8x1xi32>, vector<8x1xi32>, vector<8x1xi32>, vector<8x1xi32>, vector<8x1xi32>, vector<8x1xi32>, vector<8x1xi32>, vector<8x1xi32>, vector<8x1xi32>, vector<8x1xi32>, vector<8x1xi32>, vector<8x1xi32>, vector<8x1xi32>, vector<8x1xi32>, vector<8x1xi32>, vector<8x1xi32>, vector<8x1xi32>, vector<8x1xi32>, vector<8x1xi32>, vector<8x1xi32>, vector<8x1xi32>, vector<8x1xi32>, vector<8x1xi32>, vector<8x1xi32>, vector<8x1xi32>, vector<8x1xi32>, vector<8x1xi32>, vector<8x1xi32>, vector<8x1xi32>, vector<8x1xi32>, vector<8x1xi32>, vector<8x1xi32>, vector<8x1xi32>, vector<8x1xi32>, vector<8x1xi32>, vector<8x1xi32>, vector<8x1xi32>, vector<8x1xi32>, vector<8x1xi32>, vector<8x1xi32>, vector<8x1xi32>, vector<8x1xi32>, vector<8x1xi32>, vector<8x1xi32>, vector<8x1xi32>, vector<8x1xi32>, vector<8x1xi32>, vector<8x1xi32>, vector<8x1xi32>, vector<8x1xi32>, vector<8x1xi32>, vector<8x1xi32> -> vector<8x64xi32>
    %swap3A = arith.constant 0 : index
    %swap3A_1310 = arith.constant 0 : index
    %swap3A_1311 = vector.load %arg5[%swap3A, %swap3A_1310] : memref<8x64xi32, #tpu.memory_space<vmem>>, vector<8x64xi32>
    tpu.vector_store %arg5[%swap3A, %swap3A_1310], %concatenate3A_1309 {strides = array<i32>} : memref<8x64xi32, #tpu.memory_space<vmem>>, vector<8x64xi32>,
    return
  }
}

</mosaic_0001>

<sc_bundles>
// kernel: kernel.10.cloned.1.call-start
scs
__scs_entry_jumppad:
0x0: {  	(pc) =	sbr.rel $0x88, $3  }
0x1: {  	(tag) =	ssettag $0x0;
	lr =	simm.s32 $0x1  }
0x2: {  	[smem:$0x3F9F] =	sst lr;
	_ =	strace $0xD0000000  }
0x3: {  	_ = 	snop  }
0x4: {  	_ = 	snop  }
0x5: {  	_ = 	snop  }
0x6: {  	_ = 	snop  }
0x7: {  	_ = 	snop  }
__scs_overlays_trampoline_lowered:
0x8: {  	[smem:$0x3FAE] =	sst s0  }
0x9: {  	[smem:$0x3FAF] =	sst s1  }
0xa: {  	[smem:$0x3FB0] =	sst s2  }
0xb: {  	[smem:$0x3FB1] =	sst s3  }
0xc: {  	[smem:$0x3FB2] =	sst s4  }
0xd: {  	[smem:$0x3FB3] =	sst s5  }
0xe: {  	[smem:$0x3FB4] =	sst s6  }
0xf: {  	[smem:$0x3FB5] =	sst s7  }
0x10: {  	[smem:$0x3FB6] =	sst s8  }
0x11: {  	[smem:$0x3FB7] =	sst s9;
	s0 =	simm.s32 @!p0 $0x0  }
0x12: {  	s1 =	sld [smem:$0x3F9D];
	s0 =	simm.s32 @p0 $0x1  }
0x13: {  	[smem:$0x3FB8] =	sst s0;
	s0 =	simm.s32 @!p1 $0x0  }
0x14: {  	s2 =	sld [smem:$0x3F9C];
	s0 =	simm.s32 @p1 $0x1  }
0x15: {  	[smem:$0x3FB9] =	sst s0;
	s0 =	simm.s32 @!p2 $0x0  }
0x16: {  	s3 =	sld [smem:$0x3FDB];
	s0 =	simm.s32 @p2 $0x1  }
0x17: {  	s4 =	simm.s32 $0x1BF5;
	[smem:$0x3FBB] =	sst s0  }
0x18: {  	s0 =	sld [smem:$0x3F9E];
	_ =	swait.ge [sflag:s4], $0x0  }
0x19: {  	s7 =	sld [smem:$0x3F9F]  }
0x1a: {  	s8 =	sadd.s32 $0xFFFFE003, lr  }
0x1b: {  	s9 =	sadd.s32 $0xFFFFFEF7, lr;
	s5 =	simm.s32 $0xFFFFFFFF;
	p2 =	slt.u32 s8, $0xFFFFF086  }
0x1c: {  	p1 =	slt.u32 s9, $0xF7A;
	s5 =	simm.s32 @!p2 $0x0  }
0x1d: {  	s5 =	simm.s32 @p1 $0x1;
	p0 =	seq.s32 s7, s2  }
0x1e: {  	s7 =	smul.u32 @!p0 $0xF7A, s2;
	p2 =	seq.s32 @!p0 s5, $0x0  }
0x1f: {  	s9 =	smul.u32 $0xF7A, s1;
	s8 =	simm.s32 @!p0 $0x1BF5;
	p2 =	por !p2, p0  }
0x20: {  	[sflag:s8] =	ssyncset.s32 @!p0 $0xFFFFF086;
	s6 =	sadd.s32 @!p0 s3, s7;
	s7 =	simm.s32 @!p0 $0x108  }
0x21: {  	s3 =	sadd.s32 s3, s9;
	s6 =	sadd.s32 @!p0 $0x88, s6;
	s7 =	simm.s32 @p2 $0x1082  }
0x22: {  	[simem:s7], [sflag:s8] =	dma.local @!p0 [hbm:s6], $0xF7A  }
0x23: {  	s9 =	sor.u32 $0xD0000000, s2;
	s6 =	simm.s32 $0x108;
	_ =	swait.ge @!p0 [sflag:s8], $0x0  }
0x24: {  	s3 =	sadd.s32 $0x88, s3;
	s6 =	simm.s32 @!p1 $0x1082;
	[sflag:s4] =	ssyncset.s32 $0xFFFFF086  }
0x25: {  	[simem:s6], [sflag:s4] =	dma.local [hbm:s3], $0xF7A  }
0x26: {  	[smem:$0x3F9F] =	sst s1;
	(tag) =	ssettag s2;
	_ =	strace s9  }
0x27: {  	s1 =	sld [smem:$0x3FAF]  }
0x28: {  	s2 =	sld [smem:$0x3FB0]  }
0x29: {  	s4 =	sld [smem:$0x3FB2]  }
0x2a: {  	p0 =	seq.s32 s5, $0x0;
	s5 =	sld [smem:$0x3FB3]  }
0x2b: {  	s6 =	sld [smem:$0x3FB4]  }
0x2c: {  	s7 =	sld [smem:$0x3FB5]  }
0x2d: {  	s3 =	simm.s32 $0x108;
	s8 =	sld [smem:$0x3FB6]  }
0x2e: {  	s3 =	simm.s32 @!p0 $0x1082;
	s9 =	sld [smem:$0x3FB7]  }
0x2f: {  	lr =	sadd.s32 s0, s3;
	s0 =	sld [smem:$0x3FAE]  }
0x30: {  	s3 =	sld [smem:$0x3FB1]  }
0x31: {  	[smem:$0x3FBA] =	sst s10  }
0x32: {  	s10 =	sld [smem:$0x3FB8];
	_ =	sdelay $0x3  }
0x33: {  	p0 =	seq.s32 s10, $0x1;
	s10 =	sld [smem:$0x3FBA];
	_ =	sdelay $0x3  }
0x34: {  	[smem:$0x3FBA] =	sst s10  }
0x35: {  	s10 =	sld [smem:$0x3FB9];
	_ =	sdelay $0x3  }
0x36: {  	p1 =	seq.s32 s10, $0x1;
	s10 =	sld [smem:$0x3FBA];
	_ =	sdelay $0x3  }
0x37: {  	[smem:$0x3FBA] =	sst s10  }
0x38: {  	s10 =	sld [smem:$0x3FBB]  }
0x39: {  	_ = 	snop;
	(pc) =	sbr.ind lr, $3  }
0x3a: {  	_ = 	snop  }
0x3b: {  	_ = 	snop  }
0x3c: {  	p2 =	seq.s32 s10, $0x1;
	s10 =	sld [smem:$0x3FBA]  }
0x3d: {  	_ =	shalt  }
0x3e: {  	_ =	shalt  }
0x3f: {  	_ =	shalt  }
0x40: {  	_ =	shalt  }
0x41: {  	_ =	shalt  }
0x42: {  	_ =	shalt  }
0x43: {  	_ =	shalt  }
0x44: {  	_ =	shalt  }
0x45: {  	_ =	shalt  }
0x46: {  	_ =	shalt  }
0x47: {  	_ =	shalt  }
0x48: {  	_ =	shalt  }
0x49: {  	_ =	shalt  }
0x4a: {  	_ =	shalt  }
0x4b: {  	_ =	shalt  }
0x4c: {  	_ =	shalt  }
0x4d: {  	_ =	shalt  }
0x4e: {  	_ =	shalt  }
0x4f: {  	_ =	shalt  }
0x50: {  	_ =	shalt  }
0x51: {  	_ =	shalt  }
0x52: {  	_ =	shalt  }
0x53: {  	_ =	shalt  }
0x54: {  	_ =	shalt  }
0x55: {  	_ =	shalt  }
0x56: {  	_ =	shalt  }
0x57: {  	_ =	shalt  }
0x58: {  	_ =	shalt  }
0x59: {  	_ =	shalt  }
0x5a: {  	_ =	shalt  }
0x5b: {  	_ =	shalt  }
0x5c: {  	_ =	shalt  }
0x5d: {  	_ =	shalt  }
0x5e: {  	_ =	shalt  }
0x5f: {  	_ =	shalt  }
0x60: {  	_ =	shalt  }
0x61: {  	_ =	shalt  }
0x62: {  	_ =	shalt  }
0x63: {  	_ =	shalt  }
0x64: {  	_ =	shalt  }
0x65: {  	_ =	shalt  }
0x66: {  	_ =	shalt  }
0x67: {  	_ =	shalt  }
0x68: {  	_ =	shalt  }
0x69: {  	_ =	shalt  }
0x6a: {  	_ =	shalt  }
0x6b: {  	_ =	shalt  }
0x6c: {  	_ =	shalt  }
0x6d: {  	_ =	shalt  }
0x6e: {  	_ =	shalt  }
0x6f: {  	_ =	shalt  }
0x70: {  	_ =	shalt  }
0x71: {  	_ =	shalt  }
0x72: {  	_ =	shalt  }
0x73: {  	_ =	shalt  }
0x74: {  	_ =	shalt  }
0x75: {  	_ =	shalt  }
0x76: {  	_ =	shalt  }
0x77: {  	_ =	shalt  }
0x78: {  	_ =	shalt  }
0x79: {  	_ =	shalt  }
0x7a: {  	_ =	shalt  }
0x7b: {  	_ =	shalt  }
0x7c: {  	_ =	shalt  }
0x7d: {  	_ =	shalt  }
0x7e: {  	_ =	shalt  }
0x7f: {  	_ =	shalt  }
0x80: {  	_ =	shalt  }
0x81: {  	_ =	shalt  }
0x82: {  	_ =	shalt  }
0x83: {  	_ =	shalt  }
0x84: {  	_ =	shalt  }
0x85: {  	_ =	shalt  }
0x86: {  	_ =	shalt  }
0x87: {  	_ =	shalt  }
.Lfunc_end0:
.L_simem_size_0:
called_computation.1_lowered:
.L_overlay_start_0:
0x88: {  	s2 =	sld [smem:$0x3FD9]  }
0x89: {  	s3 =	sld [smem:$0x3FFE];
	_ =	sdelay $0x1  }
0x8a: {  	s1 =	srdreg.scid  }
0x8b: {  	s0 =	sand.u32 $0x1, s1  }
0x8c: {  	s17 =	sshll.u32 s0, $0xA;
	s2 =	sadd.s32 s3, s2  }
0x8d: {  	s2 =	sadd.s32 s2, s17  }
0x8e: {  	[smem:$0x3FC6] =	sst s2  }
0x8f: {  	_ = 	snop  }
0x90: {  	s2 =	sld [smem:$0x3FC8]  }
0x91: {  	s18 =	sld [smem:$0x3FD0];
	(tm) =	ssettm $0x1  }
0x92: {  	s4 =	sld [smem:$0x3FFB];
	_ =	sdelay $0x3  }
0x93: {  	_ =	strace s4  }
0x94: {  	s4 =	sld [smem:$0x3FFC];
	_ =	sdelay $0x3  }
0x95: {  	_ =	strace s4  }
0x96: {  	s4 =	sld [smem:$0x3FFD];
	_ =	sdelay $0x3  }
0x97: {  	_ =	strace s4  }
0x98: {  	_ =	strace $0x8FFFFFFF  }
0x99: {  	s19 =	sld [smem:$0x3FDB];
	_ =	sdelay $0x1  }
0x9a: {  	s5 =	simm.s32 $_scs_section_size  }
0x9b: {  	s6 =	simm.s32 $_size__tile_overlayer_lowered;
	s7 =	simm.s32 $_tile_overlayer_lowered  }
0x9c: {  	s22 =	simm.s32 $0x1BFF;
	s21 =	sshll.u32 s7, $0x1;
	s4 =	sadd.s32 s5, s19  }
0x9d: {  	s8 =	simm.s32 $0x0;
	s20 =	sshll.u32 s6, $0x1;
	s6 =	sadd.s32 s21, s4  }
0x9e: {  	[timem:s8], [sflag:s22] =	dma.local [hbm:s6], s20  }
0x9f: {  	_ =	swait.ge [sflag:s22], s20  }
0xa0: {  	s5 =	ssub.s32 $0x0, s20;
	[sflag:s22] =	ssyncset.done $0x0  }
0xa1: {  	[sflag:s22] =	ssyncadd.s32 s5;
	_ =	sdelay $0x1  }
0xa2: {  	s23 =	simm.s32 $0x1B8B  }
0xa3: {  	_ =	swait.ge [sflag:s23], $0x1  }
0xa4: {  	[sflag:s23] =	ssyncset.done $0x0  }
0xa5: {  	s25 =	simm.s32 $0x1B8E;
	s24 =	sld [smem:$0x3FFE];
	[sflag:s23] =	ssyncadd.s32 $0xFFFFFFFF  }
0xa6: {  	s26 =	simm.s32 $execute0_lowered;
	[smem:$0x3FD2] =	sst s25  }
0xa7: {  	s6 =	sshll.u32 s26, $0x1;
	_ =	strace $0x80000049;
	[dreg:$0x1] =	wrdreg $0xFFFFFFFF  }
0xa8: {  	s28 =	simm.s32 $_size_execute0_lowered;
	s4 =	sadd.s32 s4, s6;
	[dreg:$0x0] =	wrdreg $0x0  }
0xa9: {  	s6 =	sshll.u32 s28, $0x1;
	[dreg:$0x2] =	wrdreg s4  }
0xaa: {  	[dreg:$0x3] =	wrdreg s6  }
0xab: {  	[dreg:$0x4] =	wrdreg $0xC0  }
0xac: {  	_ =	task [dreg:s8], $0x5FFFF  }
0xad: {  	[dreg:$0x1] =	wrdreg $0xFFFFFFFF  }
0xae: {  	[dreg:$0x0] =	wrdreg $0x60  }
0xaf: {  	[dreg:$0x2] =	wrdreg s2  }
0xb0: {  	[dreg:$0x3] =	wrdreg s24  }
0xb1: {  	[dreg:$0x4] =	wrdreg s18  }
0xb2: {  	[dreg:$0x5] =	wrdreg $0x9  }
0xb3: {  	_ =	task.clear_ibuf [dreg:s8], $0x6FFFF;
	_ =	strace $0x90000049  }
0xb4: {  	s29 =	simm.s32 $0x9;
	_ =	strace $0x8000004B  }
0xb5: {  	_ =	swait.ge [sflag:s29], $0x1  }
0xb6: {  	[sflag:s29] =	ssyncadd.s32 $0xFFFFFFFF  }
0xb7: {  	_ =	strace $0x9000004B  }
0xb8: {  	_ =	sfence  }
0xb9: {  	s30 =	sld [smem:$0x0];
	_ =	sdelay $0x2  }
0xba: {  	s31 =	sshll.u32 s1, $0xD;
	s1 =	sshrl.u32 s1, $0x2  }
0xbb: {  	s3 =	sand.u32 $0x4000, s31;
	s1 =	sadd.s32 s1, s30  }
0xbc: {  	s0 =	sor.u32 s3, s0;
	s1 =	sshll.u32 s1, $0x11  }
0xbd: {  	s0 =	sor.u32 s1, s0  }
0xbe: {  	s0 =	sadd.s32 $0x8F2B, s0  }
0xbf: {  	[sflag:s0] =	ssyncadd.remote.s32 $0x1  }
0xc0: {  	_ =	sfence.sel $0xFFFF  }
0xc1: {  	[dreg:$0x0] =	wrdreg $0xFFFFFFFF;
	(pc) =	sbr.abs _section_cstart, $3  }
0xc2: {  	[dreg:$0x1] =	wrdreg $0xFFFFFFFF  }
0xc3: {  	_ =	task.clear_ibuf [dreg:s8], $0x2FFFF;
	_ =	strace $0x9FFFFFFF  }
0xc4: {  	(tm) =	ssettm $0x7FFFFFFF  }
0xc5: {  	_ =	shalt  }
tec
execute0_lowered:
.L_overlay_start_1:
0x0: {  	(tag) =	ssettag $0x1  }
0x1: {  	s1 =	rddreg [dreg:$0x0]  }
0x2: {  	s4 =	rddreg [dreg:$0x1]  }
0x3: {  	s8 =	rddreg [dreg:$0x2]  }
0x4: {  	s0 =	rddreg [dreg:$0x3];
	s5 =	srdreg.scid  }
0x5: {  	s3 =	simm.s32 $0x0;
	s2 =	stileid.u32;
	s13 =	simm.s32 $0x80  }
0x6: {  	s14 =	simm.s32 $0x1100;
	s15 =	simm.s32 $0x1900;
	s16 =	simm.s32 $0x1  }
0x7: {  	s17 =	simm.s32 $0x2;
	s18 =	simm.s32 $0x3;
	s19 =	simm.s32 $0x4  }
0x8: {  	s5 =	sand.u32 $0x1, s5;
	[smem:$0x7FF] =	sst s3;
	s6 =	sshll.u32 s2, $0x5  }
0x9: {  	s29 =	sadd.s32 $0x1600, s4;
	s7 =	sshll.u32 s5, $0x4;
	s5 =	ssub.s32 $0x2, s5  }
0xa: {  	_ =	strace $0x8000004A;
	s6 =	sor.u32 s7, s6;
	s30 =	sshrl.u32 s5, $0x1  }
0xb: {  	s9 =	sshrl.u32 s6, $0x3;
	s10 =	ssub.s32 s5, s30;
	s31 =	sor.u32 $0x8, s6  }
0xc: {  	s5 =	sadd.s32 $0x100, s1;
	s12 =	sshll.u32 s6, $0x6;
	s4 =	sadd.s32 s29, s9  }
0xd: {  	v0 =	vlaneseq.u32;
	s11 =	sshrl.u32 s31, $0x3;
	s7 =	sadd.s32 s8, s12;
	s9 =	sshll.u32 s31, $0x6  }
0xe: {  	v1 =	vshrl.u32 v0, $0x3;
	s12 =	simm.s32 $0x900;
	s6 =	sadd.s32 s29, s11;
	s8 =	sadd.s32 s8, s9  }
0xf: {  	vm0 =	vmmov $0xffff;
	v0 =	vand.u32 $0x7, v0;
	v1 =	vmul.u32 $0x8, v1;
	s9 =	smax.u32 s10, $0x1;
	s10 =	simm.s32 $0x5;
	s11 =	simm.s32 $0x100  }
.LBB2_1:
0x10: {  	[tilespmem:s3], [sflag:$0x5] =	stream.linear.gather [hbm4b:s4+s3], $0x8, $0x38;
	[tilespmem:$0x2100] =	vst v63  }
0x11: {  	_ =	swait.ge [sflag:s10], $0x8  }
0x12: {  	[sflag:s10] =	ssyncset.done $0x0  }
0x13: {  	[sflag:s10] =	ssyncadd.s32 $0xFFFFFFF8  }
0x14: {  	v2 =	vld.msk [tilespmem:$0x0], $0xff;
	_ =	sdelay $0x4  }
0x15: {  	v3 =	vshll.u32 v2, $0x2  }
0x16: {  	v2 =	vand.u32 $0x7, v2;
	v3 =	vand.u32 $0xFFFFFFE0, v3  }
0x17: {  	v2 =	vor.u32 v2, v3  }
0x18: {  	v2 =	vperm.xlane v2, v0;
	_ =	sdelay $0x1  }
0x19: {  	v2 =	vadd.s32 v1, v2;
	_ =	sdelay $0x4  }
0x1a: {  	[tilespmem:s11], [sflag:$0x1] =	stream.indirect_vreg.gather [hbm4b:s1+s3], $0x80, v2, vm0, $0xb8;
	[tilespmem:$0x2100] =	vst v63  }
0x1b: {  	_ = 	snop  }
0x1c: {  	[tilespmem:s12], [sflag:$0x1] =	stream.indirect_vreg.gather [hbm4b:s5+s3], $0x80, v2, vm0, $0xb8;
	[tilespmem:$0x2100] =	vst v63  }
0x1d: {  	_ = 	snop  }
0x1e: {  	[tilespmem:s13], [sflag:$0x5] =	stream.linear.gather [hbm4b:s6+s3], $0x8, $0x38;
	[tilespmem:$0x2100] =	vst v63  }
0x1f: {  	_ =	swait.ge [sflag:s10], $0x8  }
0x20: {  	[sflag:s10] =	ssyncset.done $0x0  }
0x21: {  	[sflag:s10] =	ssyncadd.s32 $0xFFFFFFF8  }
0x22: {  	v2 =	vld.msk [tilespmem:$0x80], $0xff;
	_ =	sdelay $0x4  }
0x23: {  	v3 =	vshll.u32 v2, $0x2  }
0x24: {  	v2 =	vand.u32 $0x7, v2;
	v3 =	vand.u32 $0xFFFFFFE0, v3  }
0x25: {  	v2 =	vor.u32 v2, v3  }
0x26: {  	v2 =	vperm.xlane v2, v0;
	_ =	sdelay $0x1  }
0x27: {  	v2 =	vadd.s32 v1, v2;
	_ =	sdelay $0x4  }
0x28: {  	[tilespmem:s14], [sflag:$0x2] =	stream.indirect_vreg.gather [hbm4b:s1+s3], $0x80, v2, vm0, $0xb8;
	[tilespmem:$0x2100] =	vst v63  }
0x29: {  	_ = 	snop  }
0x2a: {  	[tilespmem:s15], [sflag:$0x2] =	stream.indirect_vreg.gather [hbm4b:s5+s3], $0x80, v2, vm0, $0xb8;
	[tilespmem:$0x2100] =	vst v63  }
0x2b: {  	_ =	swait.ge [sflag:s16], $0x1000  }
0x2c: {  	[sflag:s16] =	ssyncset.done $0x0  }
0x2d: {  	[sflag:s16] =	ssyncadd.s32 $0xFFFFF000  }
0x2e: {  	[hbm4b:s7+s3] =	stream.linear.scatter [tilespmem:s11], [sflag:$0x3], $0x1000, $0x38;
	[tilespmem:$0x2100] =	vst v63  }
0x2f: {  	_ =	swait.ge [sflag:s17], $0x1000  }
0x30: {  	[sflag:s17] =	ssyncset.done $0x0  }
0x31: {  	[sflag:s17] =	ssyncadd.s32 $0xFFFFF000  }
0x32: {  	[hbm4b:s8+s3] =	stream.linear.scatter [tilespmem:s14], [sflag:$0x4], $0x1000, $0x38;
	[tilespmem:$0x2100] =	vst v63  }
0x33: {  	p0 =	sne.s32 s9, $0x1;
	_ =	swait.ge [sflag:s18], $0x1000  }
.Ltmp0:
0x34: {  	[sflag:s18] =	ssyncset.done $0x0;
	(pc) =	sbr.rel @p0 .LBB2_1-.Ltmp0, $4  }
0x35: {  	[sflag:s18] =	ssyncadd.s32 $0xFFFFF000  }
0x36: {  	_ =	swait.ge [sflag:s19], $0x1000  }
0x37: {  	[sflag:s19] =	ssyncset.done $0x0  }
0x38: {  	s9 =	sadd.s32 $0xFFFFFFFF, s9;
	[sflag:s19] =	ssyncadd.s32 $0xFFFFF000  }
0x39: {  	_ =	sfence.sel $0x180000  }
0x3a: {  	[bflag:$0x0] =	sbarrier.arrive $0xFFFF  }
0x3b: {  	p0 =	sne.s32 s2, $0x0;
	_ =	strace $0x9000004A  }
0x3c: {  	s0 =	sadd.s32 @!p0 $0x100000, s0;
	[bflag:$0x2] =	sbarrier.arrive $0xFFFF  }
0x3d: {  	[sflag:s0] =	ssyncadd.tile.s32 @!p0 $0x1;
	_ =	shalt  }
.Lfunc_end2:
_tile_overlayer_lowered:
.L_overlay_start_2:
0x3e: {  	(tag) =	ssettag $0x2  }
0x3f: {  	s0 =	rddreg [dreg:$0x0];
	s2 =	stileid.u32  }
0x40: {  	s1 =	rddreg [dreg:$0x1];
	p0 =	sne.s32 s2, $0x0  }
0x41: {  	s3 =	rddreg [dreg:$0x2];
	[bflag:$0x3] =	sbarrier.arrive $0xFFFF;
	s2 =	simm.s32 @!p0 $0x1C05  }
0x42: {  	[timem:s3], [sflag:s2] =	dma.local @!p0 [hbm:s0], s1  }
0x43: {  	s0 =	simm.s32 @!p0 $0x5  }
0x44: {  	_ =	swait.ge @!p0 [sflag:s0], s1  }
0x45: {  	s1 =	ssub.s32 @!p0 $0x0, s1;
	[sflag:s0] =	ssyncset.done @!p0 $0x0  }
0x46: {  	[sflag:s0] =	ssyncadd.s32 @!p0 s1  }
0x47: {  	[bflag:$0x3] =	sbarrier.arrive $0xFFFF  }
0x48: {  	_ =	shalt  }

// kernel: kernel.7.cloned.1.call-start
scs
__scs_entry_jumppad:
0x0: {  	(pc) =	sbr.rel $0x88, $3  }
0x1: {  	(tag) =	ssettag $0x0;
	lr =	simm.s32 $0x1  }
0x2: {  	[smem:$0x3F9F] =	sst lr;
	_ =	strace $0xD0000000  }
0x3: {  	_ = 	snop  }
0x4: {  	_ = 	snop  }
0x5: {  	_ = 	snop  }
0x6: {  	_ = 	snop  }
0x7: {  	_ = 	snop  }
__scs_overlays_trampoline_lowered:
0x8: {  	[smem:$0x3FAE] =	sst s0  }
0x9: {  	[smem:$0x3FAF] =	sst s1  }
0xa: {  	[smem:$0x3FB0] =	sst s2  }
0xb: {  	[smem:$0x3FB1] =	sst s3  }
0xc: {  	[smem:$0x3FB2] =	sst s4  }
0xd: {  	[smem:$0x3FB3] =	sst s5  }
0xe: {  	[smem:$0x3FB4] =	sst s6  }
0xf: {  	[smem:$0x3FB5] =	sst s7  }
0x10: {  	[smem:$0x3FB6] =	sst s8  }
0x11: {  	[smem:$0x3FB7] =	sst s9;
	s0 =	simm.s32 @!p0 $0x0  }
0x12: {  	s1 =	sld [smem:$0x3F9D];
	s0 =	simm.s32 @p0 $0x1  }
0x13: {  	[smem:$0x3FB8] =	sst s0;
	s0 =	simm.s32 @!p1 $0x0  }
0x14: {  	s2 =	sld [smem:$0x3F9C];
	s0 =	simm.s32 @p1 $0x1  }
0x15: {  	[smem:$0x3FB9] =	sst s0;
	s0 =	simm.s32 @!p2 $0x0  }
0x16: {  	s3 =	sld [smem:$0x3FDB];
	s0 =	simm.s32 @p2 $0x1  }
0x17: {  	s4 =	simm.s32 $0x1BF5;
	[smem:$0x3FBB] =	sst s0  }
0x18: {  	s0 =	sld [smem:$0x3F9E];
	_ =	swait.ge [sflag:s4], $0x0  }
0x19: {  	s7 =	sld [smem:$0x3F9F]  }
0x1a: {  	s8 =	sadd.s32 $0xFFFFE003, lr  }
0x1b: {  	s9 =	sadd.s32 $0xFFFFFEF7, lr;
	s5 =	simm.s32 $0xFFFFFFFF;
	p2 =	slt.u32 s8, $0xFFFFF086  }
0x1c: {  	p1 =	slt.u32 s9, $0xF7A;
	s5 =	simm.s32 @!p2 $0x0  }
0x1d: {  	s5 =	simm.s32 @p1 $0x1;
	p0 =	seq.s32 s7, s2  }
0x1e: {  	s7 =	smul.u32 @!p0 $0xF7A, s2;
	p2 =	seq.s32 @!p0 s5, $0x0  }
0x1f: {  	s9 =	smul.u32 $0xF7A, s1;
	s8 =	simm.s32 @!p0 $0x1BF5;
	p2 =	por !p2, p0  }
0x20: {  	[sflag:s8] =	ssyncset.s32 @!p0 $0xFFFFF086;
	s6 =	sadd.s32 @!p0 s3, s7;
	s7 =	simm.s32 @!p0 $0x108  }
0x21: {  	s3 =	sadd.s32 s3, s9;
	s6 =	sadd.s32 @!p0 $0x88, s6;
	s7 =	simm.s32 @p2 $0x1082  }
0x22: {  	[simem:s7], [sflag:s8] =	dma.local @!p0 [hbm:s6], $0xF7A  }
0x23: {  	s9 =	sor.u32 $0xD0000000, s2;
	s6 =	simm.s32 $0x108;
	_ =	swait.ge @!p0 [sflag:s8], $0x0  }
0x24: {  	s3 =	sadd.s32 $0x88, s3;
	s6 =	simm.s32 @!p1 $0x1082;
	[sflag:s4] =	ssyncset.s32 $0xFFFFF086  }
0x25: {  	[simem:s6], [sflag:s4] =	dma.local [hbm:s3], $0xF7A  }
0x26: {  	[smem:$0x3F9F] =	sst s1;
	(tag) =	ssettag s2;
	_ =	strace s9  }
0x27: {  	s1 =	sld [smem:$0x3FAF]  }
0x28: {  	s2 =	sld [smem:$0x3FB0]  }
0x29: {  	s4 =	sld [smem:$0x3FB2]  }
0x2a: {  	p0 =	seq.s32 s5, $0x0;
	s5 =	sld [smem:$0x3FB3]  }
0x2b: {  	s6 =	sld [smem:$0x3FB4]  }
0x2c: {  	s7 =	sld [smem:$0x3FB5]  }
0x2d: {  	s3 =	simm.s32 $0x108;
	s8 =	sld [smem:$0x3FB6]  }
0x2e: {  	s3 =	simm.s32 @!p0 $0x1082;
	s9 =	sld [smem:$0x3FB7]  }
0x2f: {  	lr =	sadd.s32 s0, s3;
	s0 =	sld [smem:$0x3FAE]  }
0x30: {  	s3 =	sld [smem:$0x3FB1]  }
0x31: {  	[smem:$0x3FBA] =	sst s10  }
0x32: {  	s10 =	sld [smem:$0x3FB8];
	_ =	sdelay $0x3  }
0x33: {  	p0 =	seq.s32 s10, $0x1;
	s10 =	sld [smem:$0x3FBA];
	_ =	sdelay $0x3  }
0x34: {  	[smem:$0x3FBA] =	sst s10  }
0x35: {  	s10 =	sld [smem:$0x3FB9];
	_ =	sdelay $0x3  }
0x36: {  	p1 =	seq.s32 s10, $0x1;
	s10 =	sld [smem:$0x3FBA];
	_ =	sdelay $0x3  }
0x37: {  	[smem:$0x3FBA] =	sst s10  }
0x38: {  	s10 =	sld [smem:$0x3FBB]  }
0x39: {  	_ = 	snop;
	(pc) =	sbr.ind lr, $3  }
0x3a: {  	_ = 	snop  }
0x3b: {  	_ = 	snop  }
0x3c: {  	p2 =	seq.s32 s10, $0x1;
	s10 =	sld [smem:$0x3FBA]  }
0x3d: {  	_ =	shalt  }
0x3e: {  	_ =	shalt  }
0x3f: {  	_ =	shalt  }
0x40: {  	_ =	shalt  }
0x41: {  	_ =	shalt  }
0x42: {  	_ =	shalt  }
0x43: {  	_ =	shalt  }
0x44: {  	_ =	shalt  }
0x45: {  	_ =	shalt  }
0x46: {  	_ =	shalt  }
0x47: {  	_ =	shalt  }
0x48: {  	_ =	shalt  }
0x49: {  	_ =	shalt  }
0x4a: {  	_ =	shalt  }
0x4b: {  	_ =	shalt  }
0x4c: {  	_ =	shalt  }
0x4d: {  	_ =	shalt  }
0x4e: {  	_ =	shalt  }
0x4f: {  	_ =	shalt  }
0x50: {  	_ =	shalt  }
0x51: {  	_ =	shalt  }
0x52: {  	_ =	shalt  }
0x53: {  	_ =	shalt  }
0x54: {  	_ =	shalt  }
0x55: {  	_ =	shalt  }
0x56: {  	_ =	shalt  }
0x57: {  	_ =	shalt  }
0x58: {  	_ =	shalt  }
0x59: {  	_ =	shalt  }
0x5a: {  	_ =	shalt  }
0x5b: {  	_ =	shalt  }
0x5c: {  	_ =	shalt  }
0x5d: {  	_ =	shalt  }
0x5e: {  	_ =	shalt  }
0x5f: {  	_ =	shalt  }
0x60: {  	_ =	shalt  }
0x61: {  	_ =	shalt  }
0x62: {  	_ =	shalt  }
0x63: {  	_ =	shalt  }
0x64: {  	_ =	shalt  }
0x65: {  	_ =	shalt  }
0x66: {  	_ =	shalt  }
0x67: {  	_ =	shalt  }
0x68: {  	_ =	shalt  }
0x69: {  	_ =	shalt  }
0x6a: {  	_ =	shalt  }
0x6b: {  	_ =	shalt  }
0x6c: {  	_ =	shalt  }
0x6d: {  	_ =	shalt  }
0x6e: {  	_ =	shalt  }
0x6f: {  	_ =	shalt  }
0x70: {  	_ =	shalt  }
0x71: {  	_ =	shalt  }
0x72: {  	_ =	shalt  }
0x73: {  	_ =	shalt  }
0x74: {  	_ =	shalt  }
0x75: {  	_ =	shalt  }
0x76: {  	_ =	shalt  }
0x77: {  	_ =	shalt  }
0x78: {  	_ =	shalt  }
0x79: {  	_ =	shalt  }
0x7a: {  	_ =	shalt  }
0x7b: {  	_ =	shalt  }
0x7c: {  	_ =	shalt  }
0x7d: {  	_ =	shalt  }
0x7e: {  	_ =	shalt  }
0x7f: {  	_ =	shalt  }
0x80: {  	_ =	shalt  }
0x81: {  	_ =	shalt  }
0x82: {  	_ =	shalt  }
0x83: {  	_ =	shalt  }
0x84: {  	_ =	shalt  }
0x85: {  	_ =	shalt  }
0x86: {  	_ =	shalt  }
0x87: {  	_ =	shalt  }
.Lfunc_end0:
.L_simem_size_0:
called_computation_lowered:
.L_overlay_start_0:
0x88: {  	s2 =	sld [smem:$0x3FD9]  }
0x89: {  	s3 =	sld [smem:$0x3FFE];
	_ =	sdelay $0x1  }
0x8a: {  	s1 =	srdreg.scid  }
0x8b: {  	s0 =	sand.u32 $0x1, s1  }
0x8c: {  	s17 =	sshll.u32 s0, $0xA;
	s2 =	sadd.s32 s3, s2  }
0x8d: {  	s2 =	sadd.s32 s2, s17  }
0x8e: {  	[smem:$0x3FC6] =	sst s2  }
0x8f: {  	_ = 	snop  }
0x90: {  	s2 =	sld [smem:$0x3FC8]  }
0x91: {  	s18 =	sld [smem:$0x3FD0];
	(tm) =	ssettm $0x1  }
0x92: {  	s4 =	sld [smem:$0x3FFB];
	_ =	sdelay $0x3  }
0x93: {  	_ =	strace s4  }
0x94: {  	s4 =	sld [smem:$0x3FFC];
	_ =	sdelay $0x3  }
0x95: {  	_ =	strace s4  }
0x96: {  	s4 =	sld [smem:$0x3FFD];
	_ =	sdelay $0x3  }
0x97: {  	_ =	strace s4  }
0x98: {  	_ =	strace $0x8FFFFFFF  }
0x99: {  	s19 =	sld [smem:$0x3FDB];
	_ =	sdelay $0x1  }
0x9a: {  	s5 =	simm.s32 $_scs_section_size  }
0x9b: {  	s6 =	simm.s32 $_size__tile_overlayer_lowered;
	s7 =	simm.s32 $_tile_overlayer_lowered  }
0x9c: {  	s22 =	simm.s32 $0x1BFF;
	s21 =	sshll.u32 s7, $0x1;
	s4 =	sadd.s32 s5, s19  }
0x9d: {  	s8 =	simm.s32 $0x0;
	s20 =	sshll.u32 s6, $0x1;
	s6 =	sadd.s32 s21, s4  }
0x9e: {  	[timem:s8], [sflag:s22] =	dma.local [hbm:s6], s20  }
0x9f: {  	_ =	swait.ge [sflag:s22], s20  }
0xa0: {  	s5 =	ssub.s32 $0x0, s20;
	[sflag:s22] =	ssyncset.done $0x0  }
0xa1: {  	[sflag:s22] =	ssyncadd.s32 s5;
	_ =	sdelay $0x1  }
0xa2: {  	s23 =	simm.s32 $0x1B8B  }
0xa3: {  	_ =	swait.ge [sflag:s23], $0x1  }
0xa4: {  	[sflag:s23] =	ssyncset.done $0x0  }
0xa5: {  	s25 =	simm.s32 $0x1B8E;
	s24 =	sld [smem:$0x3FFE];
	[sflag:s23] =	ssyncadd.s32 $0xFFFFFFFF  }
0xa6: {  	s26 =	simm.s32 $execute0_lowered;
	[smem:$0x3FD2] =	sst s25  }
0xa7: {  	s6 =	sshll.u32 s26, $0x1;
	_ =	strace $0x80000046;
	[dreg:$0x1] =	wrdreg $0xFFFFFFFF  }
0xa8: {  	s28 =	simm.s32 $_size_execute0_lowered;
	s4 =	sadd.s32 s4, s6;
	[dreg:$0x0] =	wrdreg $0x0  }
0xa9: {  	s6 =	sshll.u32 s28, $0x1;
	[dreg:$0x2] =	wrdreg s4  }
0xaa: {  	[dreg:$0x3] =	wrdreg s6  }
0xab: {  	[dreg:$0x4] =	wrdreg $0xC0  }
0xac: {  	_ =	task [dreg:s8], $0x5FFFF  }
0xad: {  	[dreg:$0x1] =	wrdreg $0xFFFFFFFF  }
0xae: {  	[dreg:$0x0] =	wrdreg $0x60  }
0xaf: {  	[dreg:$0x2] =	wrdreg s2  }
0xb0: {  	[dreg:$0x3] =	wrdreg s18  }
0xb1: {  	[dreg:$0x4] =	wrdreg s24  }
0xb2: {  	[dreg:$0x5] =	wrdreg $0x9  }
0xb3: {  	_ =	task.clear_ibuf [dreg:s8], $0x6FFFF;
	_ =	strace $0x90000046  }
0xb4: {  	s29 =	simm.s32 $0x9;
	_ =	strace $0x80000048  }
0xb5: {  	_ =	swait.ge [sflag:s29], $0x1  }
0xb6: {  	[sflag:s29] =	ssyncadd.s32 $0xFFFFFFFF  }
0xb7: {  	_ =	strace $0x90000048  }
0xb8: {  	_ =	sfence  }
0xb9: {  	s30 =	sld [smem:$0x0];
	_ =	sdelay $0x2  }
0xba: {  	s31 =	sshll.u32 s1, $0xD;
	s1 =	sshrl.u32 s1, $0x2  }
0xbb: {  	s3 =	sand.u32 $0x4000, s31;
	s1 =	sadd.s32 s1, s30  }
0xbc: {  	s0 =	sor.u32 s3, s0;
	s1 =	sshll.u32 s1, $0x11  }
0xbd: {  	s0 =	sor.u32 s1, s0  }
0xbe: {  	s0 =	sadd.s32 $0x8F2B, s0  }
0xbf: {  	[sflag:s0] =	ssyncadd.remote.s32 $0x1  }
0xc0: {  	_ =	sfence.sel $0xFFFF  }
0xc1: {  	[dreg:$0x0] =	wrdreg $0xFFFFFFFF;
	(pc) =	sbr.abs _section_cstart, $3  }
0xc2: {  	[dreg:$0x1] =	wrdreg $0xFFFFFFFF  }
0xc3: {  	_ =	task.clear_ibuf [dreg:s8], $0x2FFFF;
	_ =	strace $0x9FFFFFFF  }
0xc4: {  	(tm) =	ssettm $0x7FFFFFFF  }
0xc5: {  	_ =	shalt  }
tec
execute0_lowered:
.L_overlay_start_1:
0x0: {  	(tag) =	ssettag $0x1  }
0x1: {  	s1 =	rddreg [dreg:$0x0]  }
0x2: {  	s6 =	rddreg [dreg:$0x1]  }
0x3: {  	s4 =	rddreg [dreg:$0x2]  }
0x4: {  	s0 =	rddreg [dreg:$0x3];
	s3 =	simm.s32 $0x0;
	s5 =	srdreg.scid  }
0x5: {  	s2 =	stileid.u32;
	s13 =	simm.s32 $0x1100;
	s14 =	simm.s32 $0x1900  }
0x6: {  	s15 =	simm.s32 $0x80;
	s16 =	simm.s32 $0x2100;
	s17 =	simm.s32 $0x2900  }
0x7: {  	s18 =	simm.s32 $0x3100;
	s19 =	simm.s32 $0x3900;
	s20 =	simm.s32 $0x1  }
0x8: {  	s21 =	simm.s32 $0x2;
	s22 =	simm.s32 $0x3;
	s23 =	simm.s32 $0x4  }
0x9: {  	[smem:$0x7FF] =	sst s3;
	s5 =	sand.u32 $0x1, s5;
	s8 =	sshll.u32 s2, $0x6  }
0xa: {  	s10 =	sadd.s32 $0x1600, s4;
	s7 =	ssub.s32 $0x2, s5;
	s5 =	sshll.u32 s5, $0x5  }
0xb: {  	_ =	strace $0x80000047;
	s9 =	sshrl.u32 s7, $0x1;
	s8 =	sor.u32 s5, s8  }
0xc: {  	s5 =	sadd.s32 $0x100, s1;
	s9 =	ssub.s32 s7, s9;
	s30 =	sshrl.u32 s8, $0x3  }
0xd: {  	s31 =	sor.u32 $0x10, s8;
	s8 =	sshll.u32 s8, $0x6;
	s4 =	sadd.s32 s6, s30  }
0xe: {  	v2 =	vlaneseq.u32;
	s11 =	sshrl.u32 s31, $0x3;
	s12 =	sshll.u32 s31, $0x6;
	s7 =	sadd.s32 s10, s8  }
0xf: {  	vm0 =	vmmov $0xffff;
	v1 =	vshrl.u32 v2, $0x3;
	s9 =	smax.u32 s9, $0x1;
	s6 =	sadd.s32 s6, s11;
	s8 =	sadd.s32 s10, s12  }
0x10: {  	v0 =	vand.u32 $0x7, v2;
	v2 =	vor.u32 $0x8, v2;
	v1 =	vmul.u32 $0x8, v1;
	s10 =	simm.s32 $0x5;
	s11 =	simm.s32 $0x100;
	s12 =	simm.s32 $0x900  }
.LBB2_1:
0x11: {  	[tilespmem:s3], [sflag:$0x5] =	stream.linear.gather [hbm4b:s4+s3], $0x10, $0x38;
	[tilespmem:$0x4100] =	vst v63  }
0x12: {  	_ =	swait.ge [sflag:s10], $0x10  }
0x13: {  	[sflag:s10] =	ssyncset.done $0x0  }
0x14: {  	[sflag:s10] =	ssyncadd.s32 $0xFFFFFFF0  }
0x15: {  	v3 =	vld [tilespmem:$0x0];
	_ =	sdelay $0x4  }
0x16: {  	v4 =	vshll.u32 v3, $0x2  }
0x17: {  	v3 =	vand.u32 $0x7, v3;
	v4 =	vand.u32 $0xFFFFFFE0, v4  }
0x18: {  	v3 =	vor.u32 v3, v4  }
0x19: {  	v4 =	vperm.xlane v3, v0;
	_ =	sdelay $0x1  }
0x1a: {  	v4 =	vadd.s32 v1, v4;
	_ =	sdelay $0x1  }
0x1b: {  	v3 =	vperm.xlane v3, v2;
	_ =	sdelay $0x1  }
0x1c: {  	v3 =	vadd.s32 v1, v3  }
0x1d: {  	[tilespmem:s11], [sflag:$0x1] =	stream.indirect_vreg.gather [hbm4b:s1+s3], $0x80, v4, vm0, $0xb8;
	[tilespmem:$0x4100] =	vst v63  }
0x1e: {  	_ = 	snop  }
0x1f: {  	[tilespmem:s12], [sflag:$0x1] =	stream.indirect_vreg.gather [hbm4b:s5+s3], $0x80, v4, vm0, $0xb8;
	[tilespmem:$0x4100] =	vst v63  }
0x20: {  	_ = 	snop  }
0x21: {  	[tilespmem:s13], [sflag:$0x1] =	stream.indirect_vreg.gather [hbm4b:s1+s3], $0x80, v3, vm0, $0xb8;
	[tilespmem:$0x4100] =	vst v63  }
0x22: {  	_ = 	snop  }
0x23: {  	[tilespmem:s14], [sflag:$0x1] =	stream.indirect_vreg.gather [hbm4b:s5+s3], $0x80, v3, vm0, $0xb8;
	[tilespmem:$0x4100] =	vst v63  }
0x24: {  	_ = 	snop  }
0x25: {  	[tilespmem:s15], [sflag:$0x5] =	stream.linear.gather [hbm4b:s6+s3], $0x10, $0x38;
	[tilespmem:$0x4100] =	vst v63  }
0x26: {  	_ =	swait.ge [sflag:s10], $0x10  }
0x27: {  	[sflag:s10] =	ssyncset.done $0x0  }
0x28: {  	[sflag:s10] =	ssyncadd.s32 $0xFFFFFFF0  }
0x29: {  	v3 =	vld [tilespmem:$0x80];
	_ =	sdelay $0x4  }
0x2a: {  	v63 =	vshll.u32 v3, $0x2  }
0x2b: {  	v3 =	vand.u32 $0x7, v3;
	v4 =	vand.u32 $0xFFFFFFE0, v63  }
0x2c: {  	v3 =	vor.u32 v3, v4  }
0x2d: {  	v4 =	vperm.xlane v3, v0;
	_ =	sdelay $0x1  }
0x2e: {  	v4 =	vadd.s32 v1, v4;
	_ =	sdelay $0x1  }
0x2f: {  	v3 =	vperm.xlane v3, v2;
	_ =	sdelay $0x1  }
0x30: {  	v3 =	vadd.s32 v1, v3  }
0x31: {  	[tilespmem:s16], [sflag:$0x2] =	stream.indirect_vreg.gather [hbm4b:s1+s3], $0x80, v4, vm0, $0xb8;
	[tilespmem:$0x4100] =	vst v63  }
0x32: {  	_ = 	snop  }
0x33: {  	[tilespmem:s17], [sflag:$0x2] =	stream.indirect_vreg.gather [hbm4b:s5+s3], $0x80, v4, vm0, $0xb8;
	[tilespmem:$0x4100] =	vst v63  }
0x34: {  	_ = 	snop  }
0x35: {  	[tilespmem:s18], [sflag:$0x2] =	stream.indirect_vreg.gather [hbm4b:s1+s3], $0x80, v3, vm0, $0xb8;
	[tilespmem:$0x4100] =	vst v63  }
0x36: {  	_ = 	snop  }
0x37: {  	[tilespmem:s19], [sflag:$0x2] =	stream.indirect_vreg.gather [hbm4b:s5+s3], $0x80, v3, vm0, $0xb8;
	[tilespmem:$0x4100] =	vst v63  }
0x38: {  	_ =	swait.ge [sflag:s20], $0x2000  }
0x39: {  	[sflag:s20] =	ssyncset.done $0x0  }
0x3a: {  	[sflag:s20] =	ssyncadd.s32 $0xFFFFE000  }
0x3b: {  	[hbm4b:s7+s3] =	stream.linear.scatter [tilespmem:s11], [sflag:$0x3], $0x2000, $0x38;
	[tilespmem:$0x4100] =	vst v63  }
0x3c: {  	_ =	swait.ge [sflag:s21], $0x2000  }
0x3d: {  	[sflag:s21] =	ssyncset.done $0x0  }
0x3e: {  	[sflag:s21] =	ssyncadd.s32 $0xFFFFE000  }
0x3f: {  	[hbm4b:s8+s3] =	stream.linear.scatter [tilespmem:s16], [sflag:$0x4], $0x2000, $0x38;
	[tilespmem:$0x4100] =	vst v63  }
0x40: {  	p0 =	sne.s32 s9, $0x1;
	_ =	swait.ge [sflag:s22], $0x2000  }
.Ltmp0:
0x41: {  	[sflag:s22] =	ssyncset.done $0x0;
	(pc) =	sbr.rel @p0 .LBB2_1-.Ltmp0, $4  }
0x42: {  	[sflag:s22] =	ssyncadd.s32 $0xFFFFE000  }
0x43: {  	_ =	swait.ge [sflag:s23], $0x2000  }
0x44: {  	[sflag:s23] =	ssyncset.done $0x0  }
0x45: {  	s9 =	sadd.s32 $0xFFFFFFFF, s9;
	[sflag:s23] =	ssyncadd.s32 $0xFFFFE000  }
0x46: {  	_ =	sfence.sel $0x180000  }
0x47: {  	[bflag:$0x0] =	sbarrier.arrive $0xFFFF  }
0x48: {  	p0 =	sne.s32 s2, $0x0;
	_ =	strace $0x90000047  }
0x49: {  	s0 =	sadd.s32 @!p0 $0x100000, s0;
	[bflag:$0x2] =	sbarrier.arrive $0xFFFF  }
0x4a: {  	[sflag:s0] =	ssyncadd.tile.s32 @!p0 $0x1;
	_ =	shalt  }
.Lfunc_end2:
_tile_overlayer_lowered:
.L_overlay_start_2:
0x4b: {  	(tag) =	ssettag $0x2  }
0x4c: {  	s0 =	rddreg [dreg:$0x0];
	s2 =	stileid.u32  }
0x4d: {  	s1 =	rddreg [dreg:$0x1];
	p0 =	sne.s32 s2, $0x0  }
0x4e: {  	s3 =	rddreg [dreg:$0x2];
	[bflag:$0x3] =	sbarrier.arrive $0xFFFF;
	s2 =	simm.s32 @!p0 $0x1C05  }
0x4f: {  	[timem:s3], [sflag:s2] =	dma.local @!p0 [hbm:s0], s1  }
0x50: {  	s0 =	simm.s32 @!p0 $0x5  }
0x51: {  	_ =	swait.ge @!p0 [sflag:s0], s1  }
0x52: {  	s1 =	ssub.s32 @!p0 $0x0, s1;
	[sflag:s0] =	ssyncset.done @!p0 $0x0  }
0x53: {  	[sflag:s0] =	ssyncadd.s32 @!p0 s1  }
0x54: {  	[bflag:$0x3] =	sbarrier.arrive $0xFFFF  }
0x55: {  	_ =	shalt  }

</sc_bundles>
